<compile_context>
chip_gen: v7x
topology: tpu7x:2x2x1
jax: 0.10.2.dev20260603
libtpu: 0.0.44.dev20260713+nightly
codegen_flags: <defaults>
</compile_context>

<pallas_src>
import functools

import jax
import jax.numpy as jnp
from jax import lax
from jax.experimental import pallas as pl
from jax.experimental.pallas import tpu as pltpu
from jax.experimental.pallas import tpu_sc as plsc

_NBUF = 4


def _build_gather(B, H, V, D, rows_per_w, R, num_cores):
    mesh = plsc.VectorSubcoreMesh(core_axis_name="c", subcore_axis_name="s")
    n_chunks = rows_per_w // R
    n_groups = n_chunks // _NBUF

    @functools.partial(
        pl.kernel,
        mesh=mesh,
        out_type=jax.ShapeDtypeStruct((B, H, D), jnp.float32),
        scratch_types=[
            [pltpu.VMEM((R, H), jnp.int32)] * _NBUF,
            pltpu.VMEM((_NBUF, R, H, D), jnp.float32),
            [pltpu.SemaphoreType.DMA] * _NBUF,
            [pltpu.SemaphoreType.DMA] * _NBUF,
        ],
        compiler_params=pltpu.CompilerParams(use_tc_tiling_on_sc=False),
    )
    def gather_kernel(x_hbm, table_hbm, out_hbm, idx_bufs, rows_v, gsems, osems):
        wid = lax.axis_index("s") * num_cores + lax.axis_index("c")
        base = wid * rows_per_w

        def start_gather(i, b):
            pltpu.sync_copy(x_hbm.at[pl.ds(base + i * R, R), :], idx_bufs[b])
            for r in range(R):
                pltpu.async_copy(
                    table_hbm.at[idx_bufs[b].at[r]], rows_v.at[b, r], gsems[b]
                )

        def wait_gather(b):
            for r in range(R):
                pltpu.make_async_copy(
                    table_hbm.at[idx_bufs[b].at[r]], rows_v.at[b, r], gsems[b]
                ).wait()

        for b in range(_NBUF):
            start_gather(b, b)

        def group_body(g, _):
            for b in range(_NBUF):
                i = g * _NBUF + b
                wait_gather(b)
                out_copy = pltpu.async_copy(
                    rows_v.at[b], out_hbm.at[pl.ds(base + i * R, R), :, :], osems[b]
                )
                out_copy.wait()

                @pl.when(g < n_groups - 1)
                def _():
                    start_gather(i + _NBUF, b)

            return _

        lax.fori_loop(0, n_groups, group_body, None)

    return gather_kernel


def kernel(x, weight):
    B, H = x.shape
    V, D = weight.shape

    info = plsc.get_sparse_core_info()
    NW = info.num_cores * info.num_subcores
    rows_per_w = B // NW
    R = 16

    gather = _build_gather(B, H, V, D, rows_per_w, R, info.num_cores)
    return gather(x.astype(jnp.int32), weight)

# --- scband reference (transcript-rebuilt; emitter-appended) ---
"""Pipeline reference for scband-embedding-82179904242011 (READ-ONLY COPY).

The authoritative reference and input builder live on the scoring server;
editing this copy changes nothing except your own understanding.
"""

import jax, jax.numpy as jnp
import numpy as np

NUM_EMBED = 1000000
EMBED_DIM = 32
BATCH = 16384
HIST = 50

def setup_inputs(seed: int = 0) -> dict:
    key = jax.random.key(seed)
    k_idx, k_w = jax.random.split(key)
    x = jax.random.randint(k_idx, (BATCH, HIST), 0, NUM_EMBED, dtype=jnp.int64 if jax.config.jax_enable_x64 else jnp.int32)
    # Learned embedding table, N(0, 1) since scaled=False
    weight = jax.random.normal(k_w, (NUM_EMBED, EMBED_DIM), dtype=jnp.float32)
    return {"x": x, "weight": weight}

def reference(x, weight):
    # F.embedding(x, weight, padding_idx=None) == table gather
    return jnp.take(weight, x, axis=0)

if __name__ == "__main__":
    import jax
    _d = setup_inputs()
    print(jax.jit(kernel)(*tuple(_d.values())))

</pallas_src>

<mosaic_0001>
#map = affine_map<(d0, d1) -> (0, 0)>
#map1 = affine_map<(d0, d1) -> (0, 0, 0)>
module attributes {stable_mosaic.version = 14 : i64} {
  func.func @gather_kernel(%arg0: i32, %arg1: i32, %arg2: memref<16384x50xi32, #tpu.memory_space<hbm>>, %arg3: memref<1000000x32xf32, #tpu.memory_space<hbm>>, %arg4: memref<16384x50x32xf32, #tpu.memory_space<hbm>>, %arg5: memref<16x50xi32, #tpu.memory_space<vmem>>, %arg6: memref<16x50xi32, #tpu.memory_space<vmem>>, %arg7: memref<16x50xi32, #tpu.memory_space<vmem>>, %arg8: memref<16x50xi32, #tpu.memory_space<vmem>>, %arg9: memref<4x16x50x32xf32, #tpu.memory_space<vmem>>, %arg10: memref<!tpu.dma_semaphore, #tpu.memory_space<semaphore_mem>>, %arg11: memref<!tpu.dma_semaphore, #tpu.memory_space<semaphore_mem>>, %arg12: memref<!tpu.dma_semaphore, #tpu.memory_space<semaphore_mem>>, %arg13: memref<!tpu.dma_semaphore, #tpu.memory_space<semaphore_mem>>, %arg14: memref<!tpu.dma_semaphore, #tpu.memory_space<semaphore_mem>>, %arg15: memref<!tpu.dma_semaphore, #tpu.memory_space<semaphore_mem>>, %arg16: memref<!tpu.dma_semaphore, #tpu.memory_space<semaphore_mem>>, %arg17: memref<!tpu.dma_semaphore, #tpu.memory_space<semaphore_mem>>) attributes {dimension_semantics = [#tpu.dimension_semantics<core_parallel>, #tpu.dimension_semantics<subcore_parallel>], iteration_bounds = array<i64: 2, 16>, scalar_prefetch = 0 : i64, scratch_operands = 13 : i64, tpu.core_type = #tpu.core_type<sc_vector_subcore>, window_params = [{transform_indices = #map}, {transform_indices = #map}, {transform_indices = #map1}]} {
    %mul3A = arith.constant 2 : i32
    %mul3A_0 = arith.muli %arg1, %mul3A : i32
    %add3A = arith.addi %mul3A_0, %arg0 : i32
    %mul3A_1 = arith.constant 512 : i32
    %mul3A_2 = arith.muli %add3A, %mul3A_1 : i32
    %add3A_3 = arith.constant 0 : i32
    %add3A_4 = arith.addi %mul3A_2, %add3A_3 : i32
    "tpu.region"() ({
      %run_scoped3A = tpu.sem_alloc : memref<!tpu.dma_semaphore, #tpu.memory_space<semaphore_mem>>
      %dma_start3A_846 = arith.constant 0 : i32
      %dma_start3A_847 = tpu.memref_slice %arg2[%add3A_4, %dma_start3A_846] : memref<16384x50xi32, #tpu.memory_space<hbm>> -> memref<16x50xi32, #tpu.memory_space<hbm>>
      %dma_start3A_848 = arith.constant 0 : i32
      %dma_start3A_849 = tpu.memref_slice %arg2[%add3A_4, %dma_start3A_848] : memref<16384x50xi32, #tpu.memory_space<hbm>> -> memref<16x50xi32, #tpu.memory_space<hbm>>
      tpu.enqueue_dma source(%dma_start3A_849 : memref<16x50xi32, #tpu.memory_space<hbm>>) target(%arg5 : memref<16x50xi32, #tpu.memory_space<vmem>>) target_semaphore(%run_scoped3A : memref<!tpu.dma_semaphore, #tpu.memory_space<semaphore_mem>>)
      %dma_wait3A = arith.constant 0 : i32
      %dma_wait3A_850 = tpu.memref_slice %arg2[%add3A_4, %dma_wait3A] : memref<16384x50xi32, #tpu.memory_space<hbm>> -> memref<16x50xi32, #tpu.memory_space<hbm>>
      %dma_wait3A_851 = arith.constant 0 : i32
      %dma_wait3A_852 = tpu.memref_slice %arg2[%add3A_4, %dma_wait3A_851] : memref<16384x50xi32, #tpu.memory_space<hbm>> -> memref<16x50xi32, #tpu.memory_space<hbm>>
      tpu.wait_dma2 semaphore(%run_scoped3A : memref<!tpu.dma_semaphore, #tpu.memory_space<semaphore_mem>>) src(%dma_wait3A_852 : memref<16x50xi32, #tpu.memory_space<hbm>>) dst(%arg5 : memref<16x50xi32, #tpu.memory_space<vmem>>)
      tpu.yield
    }) : () -> ()
    %dma_start3A = arith.constant 0 : i32
    %dma_start3A_5 = arith.constant 0 : i32
    %dma_start3A_6 = arith.constant 0 : i32
    %dma_start3A_7 = arith.constant 0 : i32
    %dma_start3A_8 = arith.constant 0 : i32
    %dma_start3A_9 = tpu.memref_slice %arg9[%dma_start3A_5, %dma_start3A_6, %dma_start3A_7, %dma_start3A_8] : memref<4x16x50x32xf32, #tpu.memory_space<vmem>> -> memref<1x1x50x32xf32, #tpu.memory_space<vmem>>
    %dma_start3A_10 = tpu.memref_squeeze %dma_start3A_9 : memref<1x1x50x32xf32, #tpu.memory_space<vmem>> -> memref<50x32xf32, #tpu.memory_space<vmem>>
    %dma_start3A_11 = arith.constant 0 : i32
    %dma_start3A_12 = tpu.memref_slice %arg5[%dma_start3A, %dma_start3A_11] : memref<16x50xi32, #tpu.memory_space<vmem>> -> memref<1x50xi32, #tpu.memory_space<vmem>>
    %dma_start3A_13 = tpu.memref_squeeze %dma_start3A_12 : memref<1x50xi32, #tpu.memory_space<vmem>> -> memref<50xi32, #tpu.memory_space<vmem>>
    %dma_start3A_14 = arith.constant 0 : i32
    %dma_start3A_15 = arith.constant 0 : i32
    %dma_start3A_16 = tpu.memref_slice %arg3[%dma_start3A_14, %dma_start3A_15] : memref<1000000x32xf32, #tpu.memory_space<hbm>> -> memref<1000000x32xf32, #tpu.memory_space<hbm>>
    tpu.enqueue_indirect_dma source(%dma_start3A_16 : memref<1000000x32xf32, #tpu.memory_space<hbm>>) target(%dma_start3A_10 : memref<50x32xf32, #tpu.memory_space<vmem>>) offsets(%dma_start3A_13 : memref<50xi32, #tpu.memory_space<vmem>>) semaphore(%arg10 : memref<!tpu.dma_semaphore, #tpu.memory_space<semaphore_mem>>)
    %dma_start3A_17 = arith.constant 1 : i32
    %dma_start3A_18 = arith.constant 0 : i32
    %dma_start3A_19 = arith.constant 1 : i32
    %dma_start3A_20 = arith.constant 0 : i32
    %dma_start3A_21 = arith.constant 0 : i32
    %dma_start3A_22 = tpu.memref_slice %arg9[%dma_start3A_18, %dma_start3A_19, %dma_start3A_20, %dma_start3A_21] : memref<4x16x50x32xf32, #tpu.memory_space<vmem>> -> memref<1x1x50x32xf32, #tpu.memory_space<vmem>>
    %dma_start3A_23 = tpu.memref_squeeze %dma_start3A_22 : memref<1x1x50x32xf32, #tpu.memory_space<vmem>> -> memref<50x32xf32, #tpu.memory_space<vmem>>
    %dma_start3A_24 = arith.constant 0 : i32
    %dma_start3A_25 = tpu.memref_slice %arg5[%dma_start3A_17, %dma_start3A_24] : memref<16x50xi32, #tpu.memory_space<vmem>> -> memref<1x50xi32, #tpu.memory_space<vmem>>
    %dma_start3A_26 = tpu.memref_squeeze %dma_start3A_25 : memref<1x50xi32, #tpu.memory_space<vmem>> -> memref<50xi32, #tpu.memory_space<vmem>>
    %dma_start3A_27 = arith.constant 0 : i32
    %dma_start3A_28 = arith.constant 0 : i32
    %dma_start3A_29 = tpu.memref_slice %arg3[%dma_start3A_27, %dma_start3A_28] : memref<1000000x32xf32, #tpu.memory_space<hbm>> -> memref<1000000x32xf32, #tpu.memory_space<hbm>>
    tpu.enqueue_indirect_dma source(%dma_start3A_29 : memref<1000000x32xf32, #tpu.memory_space<hbm>>) target(%dma_start3A_23 : memref<50x32xf32, #tpu.memory_space<vmem>>) offsets(%dma_start3A_26 : memref<50xi32, #tpu.memory_space<vmem>>) semaphore(%arg10 : memref<!tpu.dma_semaphore, #tpu.memory_space<semaphore_mem>>)
    %dma_start3A_30 = arith.constant 2 : i32
    %dma_start3A_31 = arith.constant 0 : i32
    %dma_start3A_32 = arith.constant 2 : i32
    %dma_start3A_33 = arith.constant 0 : i32
    %dma_start3A_34 = arith.constant 0 : i32
    %dma_start3A_35 = tpu.memref_slice %arg9[%dma_start3A_31, %dma_start3A_32, %dma_start3A_33, %dma_start3A_34] : memref<4x16x50x32xf32, #tpu.memory_space<vmem>> -> memref<1x1x50x32xf32, #tpu.memory_space<vmem>>
    %dma_start3A_36 = tpu.memref_squeeze %dma_start3A_35 : memref<1x1x50x32xf32, #tpu.memory_space<vmem>> -> memref<50x32xf32, #tpu.memory_space<vmem>>
    %dma_start3A_37 = arith.constant 0 : i32
    %dma_start3A_38 = tpu.memref_slice %arg5[%dma_start3A_30, %dma_start3A_37] : memref<16x50xi32, #tpu.memory_space<vmem>> -> memref<1x50xi32, #tpu.memory_space<vmem>>
    %dma_start3A_39 = tpu.memref_squeeze %dma_start3A_38 : memref<1x50xi32, #tpu.memory_space<vmem>> -> memref<50xi32, #tpu.memory_space<vmem>>
    %dma_start3A_40 = arith.constant 0 : i32
    %dma_start3A_41 = arith.constant 0 : i32
    %dma_start3A_42 = tpu.memref_slice %arg3[%dma_start3A_40, %dma_start3A_41] : memref<1000000x32xf32, #tpu.memory_space<hbm>> -> memref<1000000x32xf32, #tpu.memory_space<hbm>>
    tpu.enqueue_indirect_dma source(%dma_start3A_42 : memref<1000000x32xf32, #tpu.memory_space<hbm>>) target(%dma_start3A_36 : memref<50x32xf32, #tpu.memory_space<vmem>>) offsets(%dma_start3A_39 : memref<50xi32, #tpu.memory_space<vmem>>) semaphore(%arg10 : memref<!tpu.dma_semaphore, #tpu.memory_space<semaphore_mem>>)
    %dma_start3A_43 = arith.constant 3 : i32
    %dma_start3A_44 = arith.constant 0 : i32
    %dma_start3A_45 = arith.constant 3 : i32
    %dma_start3A_46 = arith.constant 0 : i32
    %dma_start3A_47 = arith.constant 0 : i32
    %dma_start3A_48 = tpu.memref_slice %arg9[%dma_start3A_44, %dma_start3A_45, %dma_start3A_46, %dma_start3A_47] : memref<4x16x50x32xf32, #tpu.memory_space<vmem>> -> memref<1x1x50x32xf32, #tpu.memory_space<vmem>>
    %dma_start3A_49 = tpu.memref_squeeze %dma_start3A_48 : memref<1x1x50x32xf32, #tpu.memory_space<vmem>> -> memref<50x32xf32, #tpu.memory_space<vmem>>
    %dma_start3A_50 = arith.constant 0 : i32
    %dma_start3A_51 = tpu.memref_slice %arg5[%dma_start3A_43, %dma_start3A_50] : memref<16x50xi32, #tpu.memory_space<vmem>> -> memref<1x50xi32, #tpu.memory_space<vmem>>
    %dma_start3A_52 = tpu.memref_squeeze %dma_start3A_51 : memref<1x50xi32, #tpu.memory_space<vmem>> -> memref<50xi32, #tpu.memory_space<vmem>>
    %dma_start3A_53 = arith.constant 0 : i32
    %dma_start3A_54 = arith.constant 0 : i32
    %dma_start3A_55 = tpu.memref_slice %arg3[%dma_start3A_53, %dma_start3A_54] : memref<1000000x32xf32, #tpu.memory_space<hbm>> -> memref<1000000x32xf32, #tpu.memory_space<hbm>>
    tpu.enqueue_indirect_dma source(%dma_start3A_55 : memref<1000000x32xf32, #tpu.memory_space<hbm>>) target(%dma_start3A_49 : memref<50x32xf32, #tpu.memory_space<vmem>>) offsets(%dma_start3A_52 : memref<50xi32, #tpu.memory_space<vmem>>) semaphore(%arg10 : memref<!tpu.dma_semaphore, #tpu.memory_space<semaphore_mem>>)
    %dma_start3A_56 = arith.constant 4 : i32
    %dma_start3A_57 = arith.constant 0 : i32
    %dma_start3A_58 = arith.constant 4 : i32
    %dma_start3A_59 = arith.constant 0 : i32
    %dma_start3A_60 = arith.constant 0 : i32
    %dma_start3A_61 = tpu.memref_slice %arg9[%dma_start3A_57, %dma_start3A_58, %dma_start3A_59, %dma_start3A_60] : memref<4x16x50x32xf32, #tpu.memory_space<vmem>> -> memref<1x1x50x32xf32, #tpu.memory_space<vmem>>
    %dma_start3A_62 = tpu.memref_squeeze %dma_start3A_61 : memref<1x1x50x32xf32, #tpu.memory_space<vmem>> -> memref<50x32xf32, #tpu.memory_space<vmem>>
    %dma_start3A_63 = arith.constant 0 : i32
    %dma_start3A_64 = tpu.memref_slice %arg5[%dma_start3A_56, %dma_start3A_63] : memref<16x50xi32, #tpu.memory_space<vmem>> -> memref<1x50xi32, #tpu.memory_space<vmem>>
    %dma_start3A_65 = tpu.memref_squeeze %dma_start3A_64 : memref<1x50xi32, #tpu.memory_space<vmem>> -> memref<50xi32, #tpu.memory_space<vmem>>
    %dma_start3A_66 = arith.constant 0 : i32
    %dma_start3A_67 = arith.constant 0 : i32
    %dma_start3A_68 = tpu.memref_slice %arg3[%dma_start3A_66, %dma_start3A_67] : memref<1000000x32xf32, #tpu.memory_space<hbm>> -> memref<1000000x32xf32, #tpu.memory_space<hbm>>
    tpu.enqueue_indirect_dma source(%dma_start3A_68 : memref<1000000x32xf32, #tpu.memory_space<hbm>>) target(%dma_start3A_62 : memref<50x32xf32, #tpu.memory_space<vmem>>) offsets(%dma_start3A_65 : memref<50xi32, #tpu.memory_space<vmem>>) semaphore(%arg10 : memref<!tpu.dma_semaphore, #tpu.memory_space<semaphore_mem>>)
    %dma_start3A_69 = arith.constant 5 : i32
    %dma_start3A_70 = arith.constant 0 : i32
    %dma_start3A_71 = arith.constant 5 : i32
    %dma_start3A_72 = arith.constant 0 : i32
    %dma_start3A_73 = arith.constant 0 : i32
    %dma_start3A_74 = tpu.memref_slice %arg9[%dma_start3A_70, %dma_start3A_71, %dma_start3A_72, %dma_start3A_73] : memref<4x16x50x32xf32, #tpu.memory_space<vmem>> -> memref<1x1x50x32xf32, #tpu.memory_space<vmem>>
    %dma_start3A_75 = tpu.memref_squeeze %dma_start3A_74 : memref<1x1x50x32xf32, #tpu.memory_space<vmem>> -> memref<50x32xf32, #tpu.memory_space<vmem>>
    %dma_start3A_76 = arith.constant 0 : i32
    %dma_start3A_77 = tpu.memref_slice %arg5[%dma_start3A_69, %dma_start3A_76] : memref<16x50xi32, #tpu.memory_space<vmem>> -> memref<1x50xi32, #tpu.memory_space<vmem>>
    %dma_start3A_78 = tpu.memref_squeeze %dma_start3A_77 : memref<1x50xi32, #tpu.memory_space<vmem>> -> memref<50xi32, #tpu.memory_space<vmem>>
    %dma_start3A_79 = arith.constant 0 : i32
    %dma_start3A_80 = arith.constant 0 : i32
    %dma_start3A_81 = tpu.memref_slice %arg3[%dma_start3A_79, %dma_start3A_80] : memref<1000000x32xf32, #tpu.memory_space<hbm>> -> memref<1000000x32xf32, #tpu.memory_space<hbm>>
    tpu.enqueue_indirect_dma source(%dma_start3A_81 : memref<1000000x32xf32, #tpu.memory_space<hbm>>) target(%dma_start3A_75 : memref<50x32xf32, #tpu.memory_space<vmem>>) offsets(%dma_start3A_78 : memref<50xi32, #tpu.memory_space<vmem>>) semaphore(%arg10 : memref<!tpu.dma_semaphore, #tpu.memory_space<semaphore_mem>>)
    %dma_start3A_82 = arith.constant 6 : i32
    %dma_start3A_83 = arith.constant 0 : i32
    %dma_start3A_84 = arith.constant 6 : i32
    %dma_start3A_85 = arith.constant 0 : i32
    %dma_start3A_86 = arith.constant 0 : i32
    %dma_start3A_87 = tpu.memref_slice %arg9[%dma_start3A_83, %dma_start3A_84, %dma_start3A_85, %dma_start3A_86] : memref<4x16x50x32xf32, #tpu.memory_space<vmem>> -> memref<1x1x50x32xf32, #tpu.memory_space<vmem>>
    %dma_start3A_88 = tpu.memref_squeeze %dma_start3A_87 : memref<1x1x50x32xf32, #tpu.memory_space<vmem>> -> memref<50x32xf32, #tpu.memory_space<vmem>>
    %dma_start3A_89 = arith.constant 0 : i32
    %dma_start3A_90 = tpu.memref_slice %arg5[%dma_start3A_82, %dma_start3A_89] : memref<16x50xi32, #tpu.memory_space<vmem>> -> memref<1x50xi32, #tpu.memory_space<vmem>>
    %dma_start3A_91 = tpu.memref_squeeze %dma_start3A_90 : memref<1x50xi32, #tpu.memory_space<vmem>> -> memref<50xi32, #tpu.memory_space<vmem>>
    %dma_start3A_92 = arith.constant 0 : i32
    %dma_start3A_93 = arith.constant 0 : i32
    %dma_start3A_94 = tpu.memref_slice %arg3[%dma_start3A_92, %dma_start3A_93] : memref<1000000x32xf32, #tpu.memory_space<hbm>> -> memref<1000000x32xf32, #tpu.memory_space<hbm>>
    tpu.enqueue_indirect_dma source(%dma_start3A_94 : memref<1000000x32xf32, #tpu.memory_space<hbm>>) target(%dma_start3A_88 : memref<50x32xf32, #tpu.memory_space<vmem>>) offsets(%dma_start3A_91 : memref<50xi32, #tpu.memory_space<vmem>>) semaphore(%arg10 : memref<!tpu.dma_semaphore, #tpu.memory_space<semaphore_mem>>)
    %dma_start3A_95 = arith.constant 7 : i32
    %dma_start3A_96 = arith.constant 0 : i32
    %dma_start3A_97 = arith.constant 7 : i32
    %dma_start3A_98 = arith.constant 0 : i32
    %dma_start3A_99 = arith.constant 0 : i32
    %dma_start3A_100 = tpu.memref_slice %arg9[%dma_start3A_96, %dma_start3A_97, %dma_start3A_98, %dma_start3A_99] : memref<4x16x50x32xf32, #tpu.memory_space<vmem>> -> memref<1x1x50x32xf32, #tpu.memory_space<vmem>>
    %dma_start3A_101 = tpu.memref_squeeze %dma_start3A_100 : memref<1x1x50x32xf32, #tpu.memory_space<vmem>> -> memref<50x32xf32, #tpu.memory_space<vmem>>
    %dma_start3A_102 = arith.constant 0 : i32
    %dma_start3A_103 = tpu.memref_slice %arg5[%dma_start3A_95, %dma_start3A_102] : memref<16x50xi32, #tpu.memory_space<vmem>> -> memref<1x50xi32, #tpu.memory_space<vmem>>
    %dma_start3A_104 = tpu.memref_squeeze %dma_start3A_103 : memref<1x50xi32, #tpu.memory_space<vmem>> -> memref<50xi32, #tpu.memory_space<vmem>>
    %dma_start3A_105 = arith.constant 0 : i32
    %dma_start3A_106 = arith.constant 0 : i32
    %dma_start3A_107 = tpu.memref_slice %arg3[%dma_start3A_105, %dma_start3A_106] : memref<1000000x32xf32, #tpu.memory_space<hbm>> -> memref<1000000x32xf32, #tpu.memory_space<hbm>>
    tpu.enqueue_indirect_dma source(%dma_start3A_107 : memref<1000000x32xf32, #tpu.memory_space<hbm>>) target(%dma_start3A_101 : memref<50x32xf32, #tpu.memory_space<vmem>>) offsets(%dma_start3A_104 : memref<50xi32, #tpu.memory_space<vmem>>) semaphore(%arg10 : memref<!tpu.dma_semaphore, #tpu.memory_space<semaphore_mem>>)
    %dma_start3A_108 = arith.constant 8 : i32
    %dma_start3A_109 = arith.constant 0 : i32
    %dma_start3A_110 = arith.constant 8 : i32
    %dma_start3A_111 = arith.constant 0 : i32
    %dma_start3A_112 = arith.constant 0 : i32
    %dma_start3A_113 = tpu.memref_slice %arg9[%dma_start3A_109, %dma_start3A_110, %dma_start3A_111, %dma_start3A_112] : memref<4x16x50x32xf32, #tpu.memory_space<vmem>> -> memref<1x1x50x32xf32, #tpu.memory_space<vmem>>
    %dma_start3A_114 = tpu.memref_squeeze %dma_start3A_113 : memref<1x1x50x32xf32, #tpu.memory_space<vmem>> -> memref<50x32xf32, #tpu.memory_space<vmem>>
    %dma_start3A_115 = arith.constant 0 : i32
    %dma_start3A_116 = tpu.memref_slice %arg5[%dma_start3A_108, %dma_start3A_115] : memref<16x50xi32, #tpu.memory_space<vmem>> -> memref<1x50xi32, #tpu.memory_space<vmem>>
    %dma_start3A_117 = tpu.memref_squeeze %dma_start3A_116 : memref<1x50xi32, #tpu.memory_space<vmem>> -> memref<50xi32, #tpu.memory_space<vmem>>
    %dma_start3A_118 = arith.constant 0 : i32
    %dma_start3A_119 = arith.constant 0 : i32
    %dma_start3A_120 = tpu.memref_slice %arg3[%dma_start3A_118, %dma_start3A_119] : memref<1000000x32xf32, #tpu.memory_space<hbm>> -> memref<1000000x32xf32, #tpu.memory_space<hbm>>
    tpu.enqueue_indirect_dma source(%dma_start3A_120 : memref<1000000x32xf32, #tpu.memory_space<hbm>>) target(%dma_start3A_114 : memref<50x32xf32, #tpu.memory_space<vmem>>) offsets(%dma_start3A_117 : memref<50xi32, #tpu.memory_space<vmem>>) semaphore(%arg10 : memref<!tpu.dma_semaphore, #tpu.memory_space<semaphore_mem>>)
    %dma_start3A_121 = arith.constant 9 : i32
    %dma_start3A_122 = arith.constant 0 : i32
    %dma_start3A_123 = arith.constant 9 : i32
    %dma_start3A_124 = arith.constant 0 : i32
    %dma_start3A_125 = arith.constant 0 : i32
    %dma_start3A_126 = tpu.memref_slice %arg9[%dma_start3A_122, %dma_start3A_123, %dma_start3A_124, %dma_start3A_125] : memref<4x16x50x32xf32, #tpu.memory_space<vmem>> -> memref<1x1x50x32xf32, #tpu.memory_space<vmem>>
    %dma_start3A_127 = tpu.memref_squeeze %dma_start3A_126 : memref<1x1x50x32xf32, #tpu.memory_space<vmem>> -> memref<50x32xf32, #tpu.memory_space<vmem>>
    %dma_start3A_128 = arith.constant 0 : i32
    %dma_start3A_129 = tpu.memref_slice %arg5[%dma_start3A_121, %dma_start3A_128] : memref<16x50xi32, #tpu.memory_space<vmem>> -> memref<1x50xi32, #tpu.memory_space<vmem>>
    %dma_start3A_130 = tpu.memref_squeeze %dma_start3A_129 : memref<1x50xi32, #tpu.memory_space<vmem>> -> memref<50xi32, #tpu.memory_space<vmem>>
    %dma_start3A_131 = arith.constant 0 : i32
    %dma_start3A_132 = arith.constant 0 : i32
    %dma_start3A_133 = tpu.memref_slice %arg3[%dma_start3A_131, %dma_start3A_132] : memref<1000000x32xf32, #tpu.memory_space<hbm>> -> memref<1000000x32xf32, #tpu.memory_space<hbm>>
    tpu.enqueue_indirect_dma source(%dma_start3A_133 : memref<1000000x32xf32, #tpu.memory_space<hbm>>) target(%dma_start3A_127 : memref<50x32xf32, #tpu.memory_space<vmem>>) offsets(%dma_start3A_130 : memref<50xi32, #tpu.memory_space<vmem>>) semaphore(%arg10 : memref<!tpu.dma_semaphore, #tpu.memory_space<semaphore_mem>>)
    %dma_start3A_134 = arith.constant 10 : i32
    %dma_start3A_135 = arith.constant 0 : i32
    %dma_start3A_136 = arith.constant 10 : i32
    %dma_start3A_137 = arith.constant 0 : i32
    %dma_start3A_138 = arith.constant 0 : i32
    %dma_start3A_139 = tpu.memref_slice %arg9[%dma_start3A_135, %dma_start3A_136, %dma_start3A_137, %dma_start3A_138] : memref<4x16x50x32xf32, #tpu.memory_space<vmem>> -> memref<1x1x50x32xf32, #tpu.memory_space<vmem>>
    %dma_start3A_140 = tpu.memref_squeeze %dma_start3A_139 : memref<1x1x50x32xf32, #tpu.memory_space<vmem>> -> memref<50x32xf32, #tpu.memory_space<vmem>>
    %dma_start3A_141 = arith.constant 0 : i32
    %dma_start3A_142 = tpu.memref_slice %arg5[%dma_start3A_134, %dma_start3A_141] : memref<16x50xi32, #tpu.memory_space<vmem>> -> memref<1x50xi32, #tpu.memory_space<vmem>>
    %dma_start3A_143 = tpu.memref_squeeze %dma_start3A_142 : memref<1x50xi32, #tpu.memory_space<vmem>> -> memref<50xi32, #tpu.memory_space<vmem>>
    %dma_start3A_144 = arith.constant 0 : i32
    %dma_start3A_145 = arith.constant 0 : i32
    %dma_start3A_146 = tpu.memref_slice %arg3[%dma_start3A_144, %dma_start3A_145] : memref<1000000x32xf32, #tpu.memory_space<hbm>> -> memref<1000000x32xf32, #tpu.memory_space<hbm>>
    tpu.enqueue_indirect_dma source(%dma_start3A_146 : memref<1000000x32xf32, #tpu.memory_space<hbm>>) target(%dma_start3A_140 : memref<50x32xf32, #tpu.memory_space<vmem>>) offsets(%dma_start3A_143 : memref<50xi32, #tpu.memory_space<vmem>>) semaphore(%arg10 : memref<!tpu.dma_semaphore, #tpu.memory_space<semaphore_mem>>)
    %dma_start3A_147 = arith.constant 11 : i32
    %dma_start3A_148 = arith.constant 0 : i32
    %dma_start3A_149 = arith.constant 11 : i32
    %dma_start3A_150 = arith.constant 0 : i32
    %dma_start3A_151 = arith.constant 0 : i32
    %dma_start3A_152 = tpu.memref_slice %arg9[%dma_start3A_148, %dma_start3A_149, %dma_start3A_150, %dma_start3A_151] : memref<4x16x50x32xf32, #tpu.memory_space<vmem>> -> memref<1x1x50x32xf32, #tpu.memory_space<vmem>>
    %dma_start3A_153 = tpu.memref_squeeze %dma_start3A_152 : memref<1x1x50x32xf32, #tpu.memory_space<vmem>> -> memref<50x32xf32, #tpu.memory_space<vmem>>
    %dma_start3A_154 = arith.constant 0 : i32
    %dma_start3A_155 = tpu.memref_slice %arg5[%dma_start3A_147, %dma_start3A_154] : memref<16x50xi32, #tpu.memory_space<vmem>> -> memref<1x50xi32, #tpu.memory_space<vmem>>
    %dma_start3A_156 = tpu.memref_squeeze %dma_start3A_155 : memref<1x50xi32, #tpu.memory_space<vmem>> -> memref<50xi32, #tpu.memory_space<vmem>>
    %dma_start3A_157 = arith.constant 0 : i32
    %dma_start3A_158 = arith.constant 0 : i32
    %dma_start3A_159 = tpu.memref_slice %arg3[%dma_start3A_157, %dma_start3A_158] : memref<1000000x32xf32, #tpu.memory_space<hbm>> -> memref<1000000x32xf32, #tpu.memory_space<hbm>>
    tpu.enqueue_indirect_dma source(%dma_start3A_159 : memref<1000000x32xf32, #tpu.memory_space<hbm>>) target(%dma_start3A_153 : memref<50x32xf32, #tpu.memory_space<vmem>>) offsets(%dma_start3A_156 : memref<50xi32, #tpu.memory_space<vmem>>) semaphore(%arg10 : memref<!tpu.dma_semaphore, #tpu.memory_space<semaphore_mem>>)
    %dma_start3A_160 = arith.constant 12 : i32
    %dma_start3A_161 = arith.constant 0 : i32
    %dma_start3A_162 = arith.constant 12 : i32
    %dma_start3A_163 = arith.constant 0 : i32
    %dma_start3A_164 = arith.constant 0 : i32
    %dma_start3A_165 = tpu.memref_slice %arg9[%dma_start3A_161, %dma_start3A_162, %dma_start3A_163, %dma_start3A_164] : memref<4x16x50x32xf32, #tpu.memory_space<vmem>> -> memref<1x1x50x32xf32, #tpu.memory_space<vmem>>
    %dma_start3A_166 = tpu.memref_squeeze %dma_start3A_165 : memref<1x1x50x32xf32, #tpu.memory_space<vmem>> -> memref<50x32xf32, #tpu.memory_space<vmem>>
    %dma_start3A_167 = arith.constant 0 : i32
    %dma_start3A_168 = tpu.memref_slice %arg5[%dma_start3A_160, %dma_start3A_167] : memref<16x50xi32, #tpu.memory_space<vmem>> -> memref<1x50xi32, #tpu.memory_space<vmem>>
    %dma_start3A_169 = tpu.memref_squeeze %dma_start3A_168 : memref<1x50xi32, #tpu.memory_space<vmem>> -> memref<50xi32, #tpu.memory_space<vmem>>
    %dma_start3A_170 = arith.constant 0 : i32
    %dma_start3A_171 = arith.constant 0 : i32
    %dma_start3A_172 = tpu.memref_slice %arg3[%dma_start3A_170, %dma_start3A_171] : memref<1000000x32xf32, #tpu.memory_space<hbm>> -> memref<1000000x32xf32, #tpu.memory_space<hbm>>
    tpu.enqueue_indirect_dma source(%dma_start3A_172 : memref<1000000x32xf32, #tpu.memory_space<hbm>>) target(%dma_start3A_166 : memref<50x32xf32, #tpu.memory_space<vmem>>) offsets(%dma_start3A_169 : memref<50xi32, #tpu.memory_space<vmem>>) semaphore(%arg10 : memref<!tpu.dma_semaphore, #tpu.memory_space<semaphore_mem>>)
    %dma_start3A_173 = arith.constant 13 : i32
    %dma_start3A_174 = arith.constant 0 : i32
    %dma_start3A_175 = arith.constant 13 : i32
    %dma_start3A_176 = arith.constant 0 : i32
    %dma_start3A_177 = arith.constant 0 : i32
    %dma_start3A_178 = tpu.memref_slice %arg9[%dma_start3A_174, %dma_start3A_175, %dma_start3A_176, %dma_start3A_177] : memref<4x16x50x32xf32, #tpu.memory_space<vmem>> -> memref<1x1x50x32xf32, #tpu.memory_space<vmem>>
    %dma_start3A_179 = tpu.memref_squeeze %dma_start3A_178 : memref<1x1x50x32xf32, #tpu.memory_space<vmem>> -> memref<50x32xf32, #tpu.memory_space<vmem>>
    %dma_start3A_180 = arith.constant 0 : i32
    %dma_start3A_181 = tpu.memref_slice %arg5[%dma_start3A_173, %dma_start3A_180] : memref<16x50xi32, #tpu.memory_space<vmem>> -> memref<1x50xi32, #tpu.memory_space<vmem>>
    %dma_start3A_182 = tpu.memref_squeeze %dma_start3A_181 : memref<1x50xi32, #tpu.memory_space<vmem>> -> memref<50xi32, #tpu.memory_space<vmem>>
    %dma_start3A_183 = arith.constant 0 : i32
    %dma_start3A_184 = arith.constant 0 : i32
    %dma_start3A_185 = tpu.memref_slice %arg3[%dma_start3A_183, %dma_start3A_184] : memref<1000000x32xf32, #tpu.memory_space<hbm>> -> memref<1000000x32xf32, #tpu.memory_space<hbm>>
    tpu.enqueue_indirect_dma source(%dma_start3A_185 : memref<1000000x32xf32, #tpu.memory_space<hbm>>) target(%dma_start3A_179 : memref<50x32xf32, #tpu.memory_space<vmem>>) offsets(%dma_start3A_182 : memref<50xi32, #tpu.memory_space<vmem>>) semaphore(%arg10 : memref<!tpu.dma_semaphore, #tpu.memory_space<semaphore_mem>>)
    %dma_start3A_186 = arith.constant 14 : i32
    %dma_start3A_187 = arith.constant 0 : i32
    %dma_start3A_188 = arith.constant 14 : i32
    %dma_start3A_189 = arith.constant 0 : i32
    %dma_start3A_190 = arith.constant 0 : i32
    %dma_start3A_191 = tpu.memref_slice %arg9[%dma_start3A_187, %dma_start3A_188, %dma_start3A_189, %dma_start3A_190] : memref<4x16x50x32xf32, #tpu.memory_space<vmem>> -> memref<1x1x50x32xf32, #tpu.memory_space<vmem>>
    %dma_start3A_192 = tpu.memref_squeeze %dma_start3A_191 : memref<1x1x50x32xf32, #tpu.memory_space<vmem>> -> memref<50x32xf32, #tpu.memory_space<vmem>>
    %dma_start3A_193 = arith.constant 0 : i32
    %dma_start3A_194 = tpu.memref_slice %arg5[%dma_start3A_186, %dma_start3A_193] : memref<16x50xi32, #tpu.memory_space<vmem>> -> memref<1x50xi32, #tpu.memory_space<vmem>>
    %dma_start3A_195 = tpu.memref_squeeze %dma_start3A_194 : memref<1x50xi32, #tpu.memory_space<vmem>> -> memref<50xi32, #tpu.memory_space<vmem>>
    %dma_start3A_196 = arith.constant 0 : i32
    %dma_start3A_197 = arith.constant 0 : i32
    %dma_start3A_198 = tpu.memref_slice %arg3[%dma_start3A_196, %dma_start3A_197] : memref<1000000x32xf32, #tpu.memory_space<hbm>> -> memref<1000000x32xf32, #tpu.memory_space<hbm>>
    tpu.enqueue_indirect_dma source(%dma_start3A_198 : memref<1000000x32xf32, #tpu.memory_space<hbm>>) target(%dma_start3A_192 : memref<50x32xf32, #tpu.memory_space<vmem>>) offsets(%dma_start3A_195 : memref<50xi32, #tpu.memory_space<vmem>>) semaphore(%arg10 : memref<!tpu.dma_semaphore, #tpu.memory_space<semaphore_mem>>)
    %dma_start3A_199 = arith.constant 15 : i32
    %dma_start3A_200 = arith.constant 0 : i32
    %dma_start3A_201 = arith.constant 15 : i32
    %dma_start3A_202 = arith.constant 0 : i32
    %dma_start3A_203 = arith.constant 0 : i32
    %dma_start3A_204 = tpu.memref_slice %arg9[%dma_start3A_200, %dma_start3A_201, %dma_start3A_202, %dma_start3A_203] : memref<4x16x50x32xf32, #tpu.memory_space<vmem>> -> memref<1x1x50x32xf32, #tpu.memory_space<vmem>>
    %dma_start3A_205 = tpu.memref_squeeze %dma_start3A_204 : memref<1x1x50x32xf32, #tpu.memory_space<vmem>> -> memref<50x32xf32, #tpu.memory_space<vmem>>
    %dma_start3A_206 = arith.constant 0 : i32
    %dma_start3A_207 = tpu.memref_slice %arg5[%dma_start3A_199, %dma_start3A_206] : memref<16x50xi32, #tpu.memory_space<vmem>> -> memref<1x50xi32, #tpu.memory_space<vmem>>
    %dma_start3A_208 = tpu.memref_squeeze %dma_start3A_207 : memref<1x50xi32, #tpu.memory_space<vmem>> -> memref<50xi32, #tpu.memory_space<vmem>>
    %dma_start3A_209 = arith.constant 0 : i32
    %dma_start3A_210 = arith.constant 0 : i32
    %dma_start3A_211 = tpu.memref_slice %arg3[%dma_start3A_209, %dma_start3A_210] : memref<1000000x32xf32, #tpu.memory_space<hbm>> -> memref<1000000x32xf32, #tpu.memory_space<hbm>>
    tpu.enqueue_indirect_dma source(%dma_start3A_211 : memref<1000000x32xf32, #tpu.memory_space<hbm>>) target(%dma_start3A_205 : memref<50x32xf32, #tpu.memory_space<vmem>>) offsets(%dma_start3A_208 : memref<50xi32, #tpu.memory_space<vmem>>) semaphore(%arg10 : memref<!tpu.dma_semaphore, #tpu.memory_space<semaphore_mem>>)
    %add3A_212 = arith.constant 16 : i32
    %add3A_213 = arith.addi %mul3A_2, %add3A_212 : i32
    "tpu.region"() ({
      %run_scoped3A = tpu.sem_alloc : memref<!tpu.dma_semaphore, #tpu.memory_space<semaphore_mem>>
      %dma_start3A_846 = arith.constant 0 : i32
      %dma_start3A_847 = tpu.memref_slice %arg2[%add3A_213, %dma_start3A_846] : memref<16384x50xi32, #tpu.memory_space<hbm>> -> memref<16x50xi32, #tpu.memory_space<hbm>>
      %dma_start3A_848 = arith.constant 0 : i32
      %dma_start3A_849 = tpu.memref_slice %arg2[%add3A_213, %dma_start3A_848] : memref<16384x50xi32, #tpu.memory_space<hbm>> -> memref<16x50xi32, #tpu.memory_space<hbm>>
      tpu.enqueue_dma source(%dma_start3A_849 : memref<16x50xi32, #tpu.memory_space<hbm>>) target(%arg6 : memref<16x50xi32, #tpu.memory_space<vmem>>) target_semaphore(%run_scoped3A : memref<!tpu.dma_semaphore, #tpu.memory_space<semaphore_mem>>)
      %dma_wait3A = arith.constant 0 : i32
      %dma_wait3A_850 = tpu.memref_slice %arg2[%add3A_213, %dma_wait3A] : memref<16384x50xi32, #tpu.memory_space<hbm>> -> memref<16x50xi32, #tpu.memory_space<hbm>>
      %dma_wait3A_851 = arith.constant 0 : i32
      %dma_wait3A_852 = tpu.memref_slice %arg2[%add3A_213, %dma_wait3A_851] : memref<16384x50xi32, #tpu.memory_space<hbm>> -> memref<16x50xi32, #tpu.memory_space<hbm>>
      tpu.wait_dma2 semaphore(%run_scoped3A : memref<!tpu.dma_semaphore, #tpu.memory_space<semaphore_mem>>) src(%dma_wait3A_852 : memref<16x50xi32, #tpu.memory_space<hbm>>) dst(%arg6 : memref<16x50xi32, #tpu.memory_space<vmem>>)
      tpu.yield
    }) : () -> ()
    %dma_start3A_214 = arith.constant 0 : i32
    %dma_start3A_215 = arith.constant 1 : i32
    %dma_start3A_216 = arith.constant 0 : i32
    %dma_start3A_217 = arith.constant 0 : i32
    %dma_start3A_218 = arith.constant 0 : i32
    %dma_start3A_219 = tpu.memref_slice %arg9[%dma_start3A_215, %dma_start3A_216, %dma_start3A_217, %dma_start3A_218] : memref<4x16x50x32xf32, #tpu.memory_space<vmem>> -> memref<1x1x50x32xf32, #tpu.memory_space<vmem>>
    %dma_start3A_220 = tpu.memref_squeeze %dma_start3A_219 : memref<1x1x50x32xf32, #tpu.memory_space<vmem>> -> memref<50x32xf32, #tpu.memory_space<vmem>>
    %dma_start3A_221 = arith.constant 0 : i32
    %dma_start3A_222 = tpu.memref_slice %arg6[%dma_start3A_214, %dma_start3A_221] : memref<16x50xi32, #tpu.memory_space<vmem>> -> memref<1x50xi32, #tpu.memory_space<vmem>>
    %dma_start3A_223 = tpu.memref_squeeze %dma_start3A_222 : memref<1x50xi32, #tpu.memory_space<vmem>> -> memref<50xi32, #tpu.memory_space<vmem>>
    %dma_start3A_224 = arith.constant 0 : i32
    %dma_start3A_225 = arith.constant 0 : i32
    %dma_start3A_226 = tpu.memref_slice %arg3[%dma_start3A_224, %dma_start3A_225] : memref<1000000x32xf32, #tpu.memory_space<hbm>> -> memref<1000000x32xf32, #tpu.memory_space<hbm>>
    tpu.enqueue_indirect_dma source(%dma_start3A_226 : memref<1000000x32xf32, #tpu.memory_space<hbm>>) target(%dma_start3A_220 : memref<50x32xf32, #tpu.memory_space<vmem>>) offsets(%dma_start3A_223 : memref<50xi32, #tpu.memory_space<vmem>>) semaphore(%arg11 : memref<!tpu.dma_semaphore, #tpu.memory_space<semaphore_mem>>)
    %dma_start3A_227 = arith.constant 1 : i32
    %dma_start3A_228 = arith.constant 1 : i32
    %dma_start3A_229 = arith.constant 1 : i32
    %dma_start3A_230 = arith.constant 0 : i32
    %dma_start3A_231 = arith.constant 0 : i32
    %dma_start3A_232 = tpu.memref_slice %arg9[%dma_start3A_228, %dma_start3A_229, %dma_start3A_230, %dma_start3A_231] : memref<4x16x50x32xf32, #tpu.memory_space<vmem>> -> memref<1x1x50x32xf32, #tpu.memory_space<vmem>>
    %dma_start3A_233 = tpu.memref_squeeze %dma_start3A_232 : memref<1x1x50x32xf32, #tpu.memory_space<vmem>> -> memref<50x32xf32, #tpu.memory_space<vmem>>
    %dma_start3A_234 = arith.constant 0 : i32
    %dma_start3A_235 = tpu.memref_slice %arg6[%dma_start3A_227, %dma_start3A_234] : memref<16x50xi32, #tpu.memory_space<vmem>> -> memref<1x50xi32, #tpu.memory_space<vmem>>
    %dma_start3A_236 = tpu.memref_squeeze %dma_start3A_235 : memref<1x50xi32, #tpu.memory_space<vmem>> -> memref<50xi32, #tpu.memory_space<vmem>>
    %dma_start3A_237 = arith.constant 0 : i32
    %dma_start3A_238 = arith.constant 0 : i32
    %dma_start3A_239 = tpu.memref_slice %arg3[%dma_start3A_237, %dma_start3A_238] : memref<1000000x32xf32, #tpu.memory_space<hbm>> -> memref<1000000x32xf32, #tpu.memory_space<hbm>>
    tpu.enqueue_indirect_dma source(%dma_start3A_239 : memref<1000000x32xf32, #tpu.memory_space<hbm>>) target(%dma_start3A_233 : memref<50x32xf32, #tpu.memory_space<vmem>>) offsets(%dma_start3A_236 : memref<50xi32, #tpu.memory_space<vmem>>) semaphore(%arg11 : memref<!tpu.dma_semaphore, #tpu.memory_space<semaphore_mem>>)
    %dma_start3A_240 = arith.constant 2 : i32
    %dma_start3A_241 = arith.constant 1 : i32
    %dma_start3A_242 = arith.constant 2 : i32
    %dma_start3A_243 = arith.constant 0 : i32
    %dma_start3A_244 = arith.constant 0 : i32
    %dma_start3A_245 = tpu.memref_slice %arg9[%dma_start3A_241, %dma_start3A_242, %dma_start3A_243, %dma_start3A_244] : memref<4x16x50x32xf32, #tpu.memory_space<vmem>> -> memref<1x1x50x32xf32, #tpu.memory_space<vmem>>
    %dma_start3A_246 = tpu.memref_squeeze %dma_start3A_245 : memref<1x1x50x32xf32, #tpu.memory_space<vmem>> -> memref<50x32xf32, #tpu.memory_space<vmem>>
    %dma_start3A_247 = arith.constant 0 : i32
    %dma_start3A_248 = tpu.memref_slice %arg6[%dma_start3A_240, %dma_start3A_247] : memref<16x50xi32, #tpu.memory_space<vmem>> -> memref<1x50xi32, #tpu.memory_space<vmem>>
    %dma_start3A_249 = tpu.memref_squeeze %dma_start3A_248 : memref<1x50xi32, #tpu.memory_space<vmem>> -> memref<50xi32, #tpu.memory_space<vmem>>
    %dma_start3A_250 = arith.constant 0 : i32
    %dma_start3A_251 = arith.constant 0 : i32
    %dma_start3A_252 = tpu.memref_slice %arg3[%dma_start3A_250, %dma_start3A_251] : memref<1000000x32xf32, #tpu.memory_space<hbm>> -> memref<1000000x32xf32, #tpu.memory_space<hbm>>
    tpu.enqueue_indirect_dma source(%dma_start3A_252 : memref<1000000x32xf32, #tpu.memory_space<hbm>>) target(%dma_start3A_246 : memref<50x32xf32, #tpu.memory_space<vmem>>) offsets(%dma_start3A_249 : memref<50xi32, #tpu.memory_space<vmem>>) semaphore(%arg11 : memref<!tpu.dma_semaphore, #tpu.memory_space<semaphore_mem>>)
    %dma_start3A_253 = arith.constant 3 : i32
    %dma_start3A_254 = arith.constant 1 : i32
    %dma_start3A_255 = arith.constant 3 : i32
    %dma_start3A_256 = arith.constant 0 : i32
    %dma_start3A_257 = arith.constant 0 : i32
    %dma_start3A_258 = tpu.memref_slice %arg9[%dma_start3A_254, %dma_start3A_255, %dma_start3A_256, %dma_start3A_257] : memref<4x16x50x32xf32, #tpu.memory_space<vmem>> -> memref<1x1x50x32xf32, #tpu.memory_space<vmem>>
    %dma_start3A_259 = tpu.memref_squeeze %dma_start3A_258 : memref<1x1x50x32xf32, #tpu.memory_space<vmem>> -> memref<50x32xf32, #tpu.memory_space<vmem>>
    %dma_start3A_260 = arith.constant 0 : i32
    %dma_start3A_261 = tpu.memref_slice %arg6[%dma_start3A_253, %dma_start3A_260] : memref<16x50xi32, #tpu.memory_space<vmem>> -> memref<1x50xi32, #tpu.memory_space<vmem>>
    %dma_start3A_262 = tpu.memref_squeeze %dma_start3A_261 : memref<1x50xi32, #tpu.memory_space<vmem>> -> memref<50xi32, #tpu.memory_space<vmem>>
    %dma_start3A_263 = arith.constant 0 : i32
    %dma_start3A_264 = arith.constant 0 : i32
    %dma_start3A_265 = tpu.memref_slice %arg3[%dma_start3A_263, %dma_start3A_264] : memref<1000000x32xf32, #tpu.memory_space<hbm>> -> memref<1000000x32xf32, #tpu.memory_space<hbm>>
    tpu.enqueue_indirect_dma source(%dma_start3A_265 : memref<1000000x32xf32, #tpu.memory_space<hbm>>) target(%dma_start3A_259 : memref<50x32xf32, #tpu.memory_space<vmem>>) offsets(%dma_start3A_262 : memref<50xi32, #tpu.memory_space<vmem>>) semaphore(%arg11 : memref<!tpu.dma_semaphore, #tpu.memory_space<semaphore_mem>>)
    %dma_start3A_266 = arith.constant 4 : i32
    %dma_start3A_267 = arith.constant 1 : i32
    %dma_start3A_268 = arith.constant 4 : i32
    %dma_start3A_269 = arith.constant 0 : i32
    %dma_start3A_270 = arith.constant 0 : i32
    %dma_start3A_271 = tpu.memref_slice %arg9[%dma_start3A_267, %dma_start3A_268, %dma_start3A_269, %dma_start3A_270] : memref<4x16x50x32xf32, #tpu.memory_space<vmem>> -> memref<1x1x50x32xf32, #tpu.memory_space<vmem>>
    %dma_start3A_272 = tpu.memref_squeeze %dma_start3A_271 : memref<1x1x50x32xf32, #tpu.memory_space<vmem>> -> memref<50x32xf32, #tpu.memory_space<vmem>>
    %dma_start3A_273 = arith.constant 0 : i32
    %dma_start3A_274 = tpu.memref_slice %arg6[%dma_start3A_266, %dma_start3A_273] : memref<16x50xi32, #tpu.memory_space<vmem>> -> memref<1x50xi32, #tpu.memory_space<vmem>>
    %dma_start3A_275 = tpu.memref_squeeze %dma_start3A_274 : memref<1x50xi32, #tpu.memory_space<vmem>> -> memref<50xi32, #tpu.memory_space<vmem>>
    %dma_start3A_276 = arith.constant 0 : i32
    %dma_start3A_277 = arith.constant 0 : i32
    %dma_start3A_278 = tpu.memref_slice %arg3[%dma_start3A_276, %dma_start3A_277] : memref<1000000x32xf32, #tpu.memory_space<hbm>> -> memref<1000000x32xf32, #tpu.memory_space<hbm>>
    tpu.enqueue_indirect_dma source(%dma_start3A_278 : memref<1000000x32xf32, #tpu.memory_space<hbm>>) target(%dma_start3A_272 : memref<50x32xf32, #tpu.memory_space<vmem>>) offsets(%dma_start3A_275 : memref<50xi32, #tpu.memory_space<vmem>>) semaphore(%arg11 : memref<!tpu.dma_semaphore, #tpu.memory_space<semaphore_mem>>)
    %dma_start3A_279 = arith.constant 5 : i32
    %dma_start3A_280 = arith.constant 1 : i32
    %dma_start3A_281 = arith.constant 5 : i32
    %dma_start3A_282 = arith.constant 0 : i32
    %dma_start3A_283 = arith.constant 0 : i32
    %dma_start3A_284 = tpu.memref_slice %arg9[%dma_start3A_280, %dma_start3A_281, %dma_start3A_282, %dma_start3A_283] : memref<4x16x50x32xf32, #tpu.memory_space<vmem>> -> memref<1x1x50x32xf32, #tpu.memory_space<vmem>>
    %dma_start3A_285 = tpu.memref_squeeze %dma_start3A_284 : memref<1x1x50x32xf32, #tpu.memory_space<vmem>> -> memref<50x32xf32, #tpu.memory_space<vmem>>
    %dma_start3A_286 = arith.constant 0 : i32
    %dma_start3A_287 = tpu.memref_slice %arg6[%dma_start3A_279, %dma_start3A_286] : memref<16x50xi32, #tpu.memory_space<vmem>> -> memref<1x50xi32, #tpu.memory_space<vmem>>
    %dma_start3A_288 = tpu.memref_squeeze %dma_start3A_287 : memref<1x50xi32, #tpu.memory_space<vmem>> -> memref<50xi32, #tpu.memory_space<vmem>>
    %dma_start3A_289 = arith.constant 0 : i32
    %dma_start3A_290 = arith.constant 0 : i32
    %dma_start3A_291 = tpu.memref_slice %arg3[%dma_start3A_289, %dma_start3A_290] : memref<1000000x32xf32, #tpu.memory_space<hbm>> -> memref<1000000x32xf32, #tpu.memory_space<hbm>>
    tpu.enqueue_indirect_dma source(%dma_start3A_291 : memref<1000000x32xf32, #tpu.memory_space<hbm>>) target(%dma_start3A_285 : memref<50x32xf32, #tpu.memory_space<vmem>>) offsets(%dma_start3A_288 : memref<50xi32, #tpu.memory_space<vmem>>) semaphore(%arg11 : memref<!tpu.dma_semaphore, #tpu.memory_space<semaphore_mem>>)
    %dma_start3A_292 = arith.constant 6 : i32
    %dma_start3A_293 = arith.constant 1 : i32
    %dma_start3A_294 = arith.constant 6 : i32
    %dma_start3A_295 = arith.constant 0 : i32
    %dma_start3A_296 = arith.constant 0 : i32
    %dma_start3A_297 = tpu.memref_slice %arg9[%dma_start3A_293, %dma_start3A_294, %dma_start3A_295, %dma_start3A_296] : memref<4x16x50x32xf32, #tpu.memory_space<vmem>> -> memref<1x1x50x32xf32, #tpu.memory_space<vmem>>
    %dma_start3A_298 = tpu.memref_squeeze %dma_start3A_297 : memref<1x1x50x32xf32, #tpu.memory_space<vmem>> -> memref<50x32xf32, #tpu.memory_space<vmem>>
    %dma_start3A_299 = arith.constant 0 : i32
    %dma_start3A_300 = tpu.memref_slice %arg6[%dma_start3A_292, %dma_start3A_299] : memref<16x50xi32, #tpu.memory_space<vmem>> -> memref<1x50xi32, #tpu.memory_space<vmem>>
    %dma_start3A_301 = tpu.memref_squeeze %dma_start3A_300 : memref<1x50xi32, #tpu.memory_space<vmem>> -> memref<50xi32, #tpu.memory_space<vmem>>
    %dma_start3A_302 = arith.constant 0 : i32
    %dma_start3A_303 = arith.constant 0 : i32
    %dma_start3A_304 = tpu.memref_slice %arg3[%dma_start3A_302, %dma_start3A_303] : memref<1000000x32xf32, #tpu.memory_space<hbm>> -> memref<1000000x32xf32, #tpu.memory_space<hbm>>
    tpu.enqueue_indirect_dma source(%dma_start3A_304 : memref<1000000x32xf32, #tpu.memory_space<hbm>>) target(%dma_start3A_298 : memref<50x32xf32, #tpu.memory_space<vmem>>) offsets(%dma_start3A_301 : memref<50xi32, #tpu.memory_space<vmem>>) semaphore(%arg11 : memref<!tpu.dma_semaphore, #tpu.memory_space<semaphore_mem>>)
    %dma_start3A_305 = arith.constant 7 : i32
    %dma_start3A_306 = arith.constant 1 : i32
    %dma_start3A_307 = arith.constant 7 : i32
    %dma_start3A_308 = arith.constant 0 : i32
    %dma_start3A_309 = arith.constant 0 : i32
    %dma_start3A_310 = tpu.memref_slice %arg9[%dma_start3A_306, %dma_start3A_307, %dma_start3A_308, %dma_start3A_309] : memref<4x16x50x32xf32, #tpu.memory_space<vmem>> -> memref<1x1x50x32xf32, #tpu.memory_space<vmem>>
    %dma_start3A_311 = tpu.memref_squeeze %dma_start3A_310 : memref<1x1x50x32xf32, #tpu.memory_space<vmem>> -> memref<50x32xf32, #tpu.memory_space<vmem>>
    %dma_start3A_312 = arith.constant 0 : i32
    %dma_start3A_313 = tpu.memref_slice %arg6[%dma_start3A_305, %dma_start3A_312] : memref<16x50xi32, #tpu.memory_space<vmem>> -> memref<1x50xi32, #tpu.memory_space<vmem>>
    %dma_start3A_314 = tpu.memref_squeeze %dma_start3A_313 : memref<1x50xi32, #tpu.memory_space<vmem>> -> memref<50xi32, #tpu.memory_space<vmem>>
    %dma_start3A_315 = arith.constant 0 : i32
    %dma_start3A_316 = arith.constant 0 : i32
    %dma_start3A_317 = tpu.memref_slice %arg3[%dma_start3A_315, %dma_start3A_316] : memref<1000000x32xf32, #tpu.memory_space<hbm>> -> memref<1000000x32xf32, #tpu.memory_space<hbm>>
    tpu.enqueue_indirect_dma source(%dma_start3A_317 : memref<1000000x32xf32, #tpu.memory_space<hbm>>) target(%dma_start3A_311 : memref<50x32xf32, #tpu.memory_space<vmem>>) offsets(%dma_start3A_314 : memref<50xi32, #tpu.memory_space<vmem>>) semaphore(%arg11 : memref<!tpu.dma_semaphore, #tpu.memory_space<semaphore_mem>>)
    %dma_start3A_318 = arith.constant 8 : i32
    %dma_start3A_319 = arith.constant 1 : i32
    %dma_start3A_320 = arith.constant 8 : i32
    %dma_start3A_321 = arith.constant 0 : i32
    %dma_start3A_322 = arith.constant 0 : i32
    %dma_start3A_323 = tpu.memref_slice %arg9[%dma_start3A_319, %dma_start3A_320, %dma_start3A_321, %dma_start3A_322] : memref<4x16x50x32xf32, #tpu.memory_space<vmem>> -> memref<1x1x50x32xf32, #tpu.memory_space<vmem>>
    %dma_start3A_324 = tpu.memref_squeeze %dma_start3A_323 : memref<1x1x50x32xf32, #tpu.memory_space<vmem>> -> memref<50x32xf32, #tpu.memory_space<vmem>>
    %dma_start3A_325 = arith.constant 0 : i32
    %dma_start3A_326 = tpu.memref_slice %arg6[%dma_start3A_318, %dma_start3A_325] : memref<16x50xi32, #tpu.memory_space<vmem>> -> memref<1x50xi32, #tpu.memory_space<vmem>>
    %dma_start3A_327 = tpu.memref_squeeze %dma_start3A_326 : memref<1x50xi32, #tpu.memory_space<vmem>> -> memref<50xi32, #tpu.memory_space<vmem>>
    %dma_start3A_328 = arith.constant 0 : i32
    %dma_start3A_329 = arith.constant 0 : i32
    %dma_start3A_330 = tpu.memref_slice %arg3[%dma_start3A_328, %dma_start3A_329] : memref<1000000x32xf32, #tpu.memory_space<hbm>> -> memref<1000000x32xf32, #tpu.memory_space<hbm>>
    tpu.enqueue_indirect_dma source(%dma_start3A_330 : memref<1000000x32xf32, #tpu.memory_space<hbm>>) target(%dma_start3A_324 : memref<50x32xf32, #tpu.memory_space<vmem>>) offsets(%dma_start3A_327 : memref<50xi32, #tpu.memory_space<vmem>>) semaphore(%arg11 : memref<!tpu.dma_semaphore, #tpu.memory_space<semaphore_mem>>)
    %dma_start3A_331 = arith.constant 9 : i32
    %dma_start3A_332 = arith.constant 1 : i32
    %dma_start3A_333 = arith.constant 9 : i32
    %dma_start3A_334 = arith.constant 0 : i32
    %dma_start3A_335 = arith.constant 0 : i32
    %dma_start3A_336 = tpu.memref_slice %arg9[%dma_start3A_332, %dma_start3A_333, %dma_start3A_334, %dma_start3A_335] : memref<4x16x50x32xf32, #tpu.memory_space<vmem>> -> memref<1x1x50x32xf32, #tpu.memory_space<vmem>>
    %dma_start3A_337 = tpu.memref_squeeze %dma_start3A_336 : memref<1x1x50x32xf32, #tpu.memory_space<vmem>> -> memref<50x32xf32, #tpu.memory_space<vmem>>
    %dma_start3A_338 = arith.constant 0 : i32
    %dma_start3A_339 = tpu.memref_slice %arg6[%dma_start3A_331, %dma_start3A_338] : memref<16x50xi32, #tpu.memory_space<vmem>> -> memref<1x50xi32, #tpu.memory_space<vmem>>
    %dma_start3A_340 = tpu.memref_squeeze %dma_start3A_339 : memref<1x50xi32, #tpu.memory_space<vmem>> -> memref<50xi32, #tpu.memory_space<vmem>>
    %dma_start3A_341 = arith.constant 0 : i32
    %dma_start3A_342 = arith.constant 0 : i32
    %dma_start3A_343 = tpu.memref_slice %arg3[%dma_start3A_341, %dma_start3A_342] : memref<1000000x32xf32, #tpu.memory_space<hbm>> -> memref<1000000x32xf32, #tpu.memory_space<hbm>>
    tpu.enqueue_indirect_dma source(%dma_start3A_343 : memref<1000000x32xf32, #tpu.memory_space<hbm>>) target(%dma_start3A_337 : memref<50x32xf32, #tpu.memory_space<vmem>>) offsets(%dma_start3A_340 : memref<50xi32, #tpu.memory_space<vmem>>) semaphore(%arg11 : memref<!tpu.dma_semaphore, #tpu.memory_space<semaphore_mem>>)
    %dma_start3A_344 = arith.constant 10 : i32
    %dma_start3A_345 = arith.constant 1 : i32
    %dma_start3A_346 = arith.constant 10 : i32
    %dma_start3A_347 = arith.constant 0 : i32
    %dma_start3A_348 = arith.constant 0 : i32
    %dma_start3A_349 = tpu.memref_slice %arg9[%dma_start3A_345, %dma_start3A_346, %dma_start3A_347, %dma_start3A_348] : memref<4x16x50x32xf32, #tpu.memory_space<vmem>> -> memref<1x1x50x32xf32, #tpu.memory_space<vmem>>
    %dma_start3A_350 = tpu.memref_squeeze %dma_start3A_349 : memref<1x1x50x32xf32, #tpu.memory_space<vmem>> -> memref<50x32xf32, #tpu.memory_space<vmem>>
    %dma_start3A_351 = arith.constant 0 : i32
    %dma_start3A_352 = tpu.memref_slice %arg6[%dma_start3A_344, %dma_start3A_351] : memref<16x50xi32, #tpu.memory_space<vmem>> -> memref<1x50xi32, #tpu.memory_space<vmem>>
    %dma_start3A_353 = tpu.memref_squeeze %dma_start3A_352 : memref<1x50xi32, #tpu.memory_space<vmem>> -> memref<50xi32, #tpu.memory_space<vmem>>
    %dma_start3A_354 = arith.constant 0 : i32
    %dma_start3A_355 = arith.constant 0 : i32
    %dma_start3A_356 = tpu.memref_slice %arg3[%dma_start3A_354, %dma_start3A_355] : memref<1000000x32xf32, #tpu.memory_space<hbm>> -> memref<1000000x32xf32, #tpu.memory_space<hbm>>
    tpu.enqueue_indirect_dma source(%dma_start3A_356 : memref<1000000x32xf32, #tpu.memory_space<hbm>>) target(%dma_start3A_350 : memref<50x32xf32, #tpu.memory_space<vmem>>) offsets(%dma_start3A_353 : memref<50xi32, #tpu.memory_space<vmem>>) semaphore(%arg11 : memref<!tpu.dma_semaphore, #tpu.memory_space<semaphore_mem>>)
    %dma_start3A_357 = arith.constant 11 : i32
    %dma_start3A_358 = arith.constant 1 : i32
    %dma_start3A_359 = arith.constant 11 : i32
    %dma_start3A_360 = arith.constant 0 : i32
    %dma_start3A_361 = arith.constant 0 : i32
    %dma_start3A_362 = tpu.memref_slice %arg9[%dma_start3A_358, %dma_start3A_359, %dma_start3A_360, %dma_start3A_361] : memref<4x16x50x32xf32, #tpu.memory_space<vmem>> -> memref<1x1x50x32xf32, #tpu.memory_space<vmem>>
    %dma_start3A_363 = tpu.memref_squeeze %dma_start3A_362 : memref<1x1x50x32xf32, #tpu.memory_space<vmem>> -> memref<50x32xf32, #tpu.memory_space<vmem>>
    %dma_start3A_364 = arith.constant 0 : i32
    %dma_start3A_365 = tpu.memref_slice %arg6[%dma_start3A_357, %dma_start3A_364] : memref<16x50xi32, #tpu.memory_space<vmem>> -> memref<1x50xi32, #tpu.memory_space<vmem>>
    %dma_start3A_366 = tpu.memref_squeeze %dma_start3A_365 : memref<1x50xi32, #tpu.memory_space<vmem>> -> memref<50xi32, #tpu.memory_space<vmem>>
    %dma_start3A_367 = arith.constant 0 : i32
    %dma_start3A_368 = arith.constant 0 : i32
    %dma_start3A_369 = tpu.memref_slice %arg3[%dma_start3A_367, %dma_start3A_368] : memref<1000000x32xf32, #tpu.memory_space<hbm>> -> memref<1000000x32xf32, #tpu.memory_space<hbm>>
    tpu.enqueue_indirect_dma source(%dma_start3A_369 : memref<1000000x32xf32, #tpu.memory_space<hbm>>) target(%dma_start3A_363 : memref<50x32xf32, #tpu.memory_space<vmem>>) offsets(%dma_start3A_366 : memref<50xi32, #tpu.memory_space<vmem>>) semaphore(%arg11 : memref<!tpu.dma_semaphore, #tpu.memory_space<semaphore_mem>>)
    %dma_start3A_370 = arith.constant 12 : i32
    %dma_start3A_371 = arith.constant 1 : i32
    %dma_start3A_372 = arith.constant 12 : i32
    %dma_start3A_373 = arith.constant 0 : i32
    %dma_start3A_374 = arith.constant 0 : i32
    %dma_start3A_375 = tpu.memref_slice %arg9[%dma_start3A_371, %dma_start3A_372, %dma_start3A_373, %dma_start3A_374] : memref<4x16x50x32xf32, #tpu.memory_space<vmem>> -> memref<1x1x50x32xf32, #tpu.memory_space<vmem>>
    %dma_start3A_376 = tpu.memref_squeeze %dma_start3A_375 : memref<1x1x50x32xf32, #tpu.memory_space<vmem>> -> memref<50x32xf32, #tpu.memory_space<vmem>>
    %dma_start3A_377 = arith.constant 0 : i32
    %dma_start3A_378 = tpu.memref_slice %arg6[%dma_start3A_370, %dma_start3A_377] : memref<16x50xi32, #tpu.memory_space<vmem>> -> memref<1x50xi32, #tpu.memory_space<vmem>>
    %dma_start3A_379 = tpu.memref_squeeze %dma_start3A_378 : memref<1x50xi32, #tpu.memory_space<vmem>> -> memref<50xi32, #tpu.memory_space<vmem>>
    %dma_start3A_380 = arith.constant 0 : i32
    %dma_start3A_381 = arith.constant 0 : i32
    %dma_start3A_382 = tpu.memref_slice %arg3[%dma_start3A_380, %dma_start3A_381] : memref<1000000x32xf32, #tpu.memory_space<hbm>> -> memref<1000000x32xf32, #tpu.memory_space<hbm>>
    tpu.enqueue_indirect_dma source(%dma_start3A_382 : memref<1000000x32xf32, #tpu.memory_space<hbm>>) target(%dma_start3A_376 : memref<50x32xf32, #tpu.memory_space<vmem>>) offsets(%dma_start3A_379 : memref<50xi32, #tpu.memory_space<vmem>>) semaphore(%arg11 : memref<!tpu.dma_semaphore, #tpu.memory_space<semaphore_mem>>)
    %dma_start3A_383 = arith.constant 13 : i32
    %dma_start3A_384 = arith.constant 1 : i32
    %dma_start3A_385 = arith.constant 13 : i32
    %dma_start3A_386 = arith.constant 0 : i32
    %dma_start3A_387 = arith.constant 0 : i32
    %dma_start3A_388 = tpu.memref_slice %arg9[%dma_start3A_384, %dma_start3A_385, %dma_start3A_386, %dma_start3A_387] : memref<4x16x50x32xf32, #tpu.memory_space<vmem>> -> memref<1x1x50x32xf32, #tpu.memory_space<vmem>>
    %dma_start3A_389 = tpu.memref_squeeze %dma_start3A_388 : memref<1x1x50x32xf32, #tpu.memory_space<vmem>> -> memref<50x32xf32, #tpu.memory_space<vmem>>
    %dma_start3A_390 = arith.constant 0 : i32
    %dma_start3A_391 = tpu.memref_slice %arg6[%dma_start3A_383, %dma_start3A_390] : memref<16x50xi32, #tpu.memory_space<vmem>> -> memref<1x50xi32, #tpu.memory_space<vmem>>
    %dma_start3A_392 = tpu.memref_squeeze %dma_start3A_391 : memref<1x50xi32, #tpu.memory_space<vmem>> -> memref<50xi32, #tpu.memory_space<vmem>>
    %dma_start3A_393 = arith.constant 0 : i32
    %dma_start3A_394 = arith.constant 0 : i32
    %dma_start3A_395 = tpu.memref_slice %arg3[%dma_start3A_393, %dma_start3A_394] : memref<1000000x32xf32, #tpu.memory_space<hbm>> -> memref<1000000x32xf32, #tpu.memory_space<hbm>>
    tpu.enqueue_indirect_dma source(%dma_start3A_395 : memref<1000000x32xf32, #tpu.memory_space<hbm>>) target(%dma_start3A_389 : memref<50x32xf32, #tpu.memory_space<vmem>>) offsets(%dma_start3A_392 : memref<50xi32, #tpu.memory_space<vmem>>) semaphore(%arg11 : memref<!tpu.dma_semaphore, #tpu.memory_space<semaphore_mem>>)
    %dma_start3A_396 = arith.constant 14 : i32
    %dma_start3A_397 = arith.constant 1 : i32
    %dma_start3A_398 = arith.constant 14 : i32
    %dma_start3A_399 = arith.constant 0 : i32
    %dma_start3A_400 = arith.constant 0 : i32
    %dma_start3A_401 = tpu.memref_slice %arg9[%dma_start3A_397, %dma_start3A_398, %dma_start3A_399, %dma_start3A_400] : memref<4x16x50x32xf32, #tpu.memory_space<vmem>> -> memref<1x1x50x32xf32, #tpu.memory_space<vmem>>
    %dma_start3A_402 = tpu.memref_squeeze %dma_start3A_401 : memref<1x1x50x32xf32, #tpu.memory_space<vmem>> -> memref<50x32xf32, #tpu.memory_space<vmem>>
    %dma_start3A_403 = arith.constant 0 : i32
    %dma_start3A_404 = tpu.memref_slice %arg6[%dma_start3A_396, %dma_start3A_403] : memref<16x50xi32, #tpu.memory_space<vmem>> -> memref<1x50xi32, #tpu.memory_space<vmem>>
    %dma_start3A_405 = tpu.memref_squeeze %dma_start3A_404 : memref<1x50xi32, #tpu.memory_space<vmem>> -> memref<50xi32, #tpu.memory_space<vmem>>
    %dma_start3A_406 = arith.constant 0 : i32
    %dma_start3A_407 = arith.constant 0 : i32
    %dma_start3A_408 = tpu.memref_slice %arg3[%dma_start3A_406, %dma_start3A_407] : memref<1000000x32xf32, #tpu.memory_space<hbm>> -> memref<1000000x32xf32, #tpu.memory_space<hbm>>
    tpu.enqueue_indirect_dma source(%dma_start3A_408 : memref<1000000x32xf32, #tpu.memory_space<hbm>>) target(%dma_start3A_402 : memref<50x32xf32, #tpu.memory_space<vmem>>) offsets(%dma_start3A_405 : memref<50xi32, #tpu.memory_space<vmem>>) semaphore(%arg11 : memref<!tpu.dma_semaphore, #tpu.memory_space<semaphore_mem>>)
    %dma_start3A_409 = arith.constant 15 : i32
    %dma_start3A_410 = arith.constant 1 : i32
    %dma_start3A_411 = arith.constant 15 : i32
    %dma_start3A_412 = arith.constant 0 : i32
    %dma_start3A_413 = arith.constant 0 : i32
    %dma_start3A_414 = tpu.memref_slice %arg9[%dma_start3A_410, %dma_start3A_411, %dma_start3A_412, %dma_start3A_413] : memref<4x16x50x32xf32, #tpu.memory_space<vmem>> -> memref<1x1x50x32xf32, #tpu.memory_space<vmem>>
    %dma_start3A_415 = tpu.memref_squeeze %dma_start3A_414 : memref<1x1x50x32xf32, #tpu.memory_space<vmem>> -> memref<50x32xf32, #tpu.memory_space<vmem>>
    %dma_start3A_416 = arith.constant 0 : i32
    %dma_start3A_417 = tpu.memref_slice %arg6[%dma_start3A_409, %dma_start3A_416] : memref<16x50xi32, #tpu.memory_space<vmem>> -> memref<1x50xi32, #tpu.memory_space<vmem>>
    %dma_start3A_418 = tpu.memref_squeeze %dma_start3A_417 : memref<1x50xi32, #tpu.memory_space<vmem>> -> memref<50xi32, #tpu.memory_space<vmem>>
    %dma_start3A_419 = arith.constant 0 : i32
    %dma_start3A_420 = arith.constant 0 : i32
    %dma_start3A_421 = tpu.memref_slice %arg3[%dma_start3A_419, %dma_start3A_420] : memref<1000000x32xf32, #tpu.memory_space<hbm>> -> memref<1000000x32xf32, #tpu.memory_space<hbm>>
    tpu.enqueue_indirect_dma source(%dma_start3A_421 : memref<1000000x32xf32, #tpu.memory_space<hbm>>) target(%dma_start3A_415 : memref<50x32xf32, #tpu.memory_space<vmem>>) offsets(%dma_start3A_418 : memref<50xi32, #tpu.memory_space<vmem>>) semaphore(%arg11 : memref<!tpu.dma_semaphore, #tpu.memory_space<semaphore_mem>>)
    %add3A_422 = arith.constant 32 : i32
    %add3A_423 = arith.addi %mul3A_2, %add3A_422 : i32
    "tpu.region"() ({
      %run_scoped3A = tpu.sem_alloc : memref<!tpu.dma_semaphore, #tpu.memory_space<semaphore_mem>>
      %dma_start3A_846 = arith.constant 0 : i32
      %dma_start3A_847 = tpu.memref_slice %arg2[%add3A_423, %dma_start3A_846] : memref<16384x50xi32, #tpu.memory_space<hbm>> -> memref<16x50xi32, #tpu.memory_space<hbm>>
      %dma_start3A_848 = arith.constant 0 : i32
      %dma_start3A_849 = tpu.memref_slice %arg2[%add3A_423, %dma_start3A_848] : memref<16384x50xi32, #tpu.memory_space<hbm>> -> memref<16x50xi32, #tpu.memory_space<hbm>>
      tpu.enqueue_dma source(%dma_start3A_849 : memref<16x50xi32, #tpu.memory_space<hbm>>) target(%arg7 : memref<16x50xi32, #tpu.memory_space<vmem>>) target_semaphore(%run_scoped3A : memref<!tpu.dma_semaphore, #tpu.memory_space<semaphore_mem>>)
      %dma_wait3A = arith.constant 0 : i32
      %dma_wait3A_850 = tpu.memref_slice %arg2[%add3A_423, %dma_wait3A] : memref<16384x50xi32, #tpu.memory_space<hbm>> -> memref<16x50xi32, #tpu.memory_space<hbm>>
      %dma_wait3A_851 = arith.constant 0 : i32
      %dma_wait3A_852 = tpu.memref_slice %arg2[%add3A_423, %dma_wait3A_851] : memref<16384x50xi32, #tpu.memory_space<hbm>> -> memref<16x50xi32, #tpu.memory_space<hbm>>
      tpu.wait_dma2 semaphore(%run_scoped3A : memref<!tpu.dma_semaphore, #tpu.memory_space<semaphore_mem>>) src(%dma_wait3A_852 : memref<16x50xi32, #tpu.memory_space<hbm>>) dst(%arg7 : memref<16x50xi32, #tpu.memory_space<vmem>>)
      tpu.yield
    }) : () -> ()
    %dma_start3A_424 = arith.constant 0 : i32
    %dma_start3A_425 = arith.constant 2 : i32
    %dma_start3A_426 = arith.constant 0 : i32
    %dma_start3A_427 = arith.constant 0 : i32
    %dma_start3A_428 = arith.constant 0 : i32
    %dma_start3A_429 = tpu.memref_slice %arg9[%dma_start3A_425, %dma_start3A_426, %dma_start3A_427, %dma_start3A_428] : memref<4x16x50x32xf32, #tpu.memory_space<vmem>> -> memref<1x1x50x32xf32, #tpu.memory_space<vmem>>
    %dma_start3A_430 = tpu.memref_squeeze %dma_start3A_429 : memref<1x1x50x32xf32, #tpu.memory_space<vmem>> -> memref<50x32xf32, #tpu.memory_space<vmem>>
    %dma_start3A_431 = arith.constant 0 : i32
    %dma_start3A_432 = tpu.memref_slice %arg7[%dma_start3A_424, %dma_start3A_431] : memref<16x50xi32, #tpu.memory_space<vmem>> -> memref<1x50xi32, #tpu.memory_space<vmem>>
    %dma_start3A_433 = tpu.memref_squeeze %dma_start3A_432 : memref<1x50xi32, #tpu.memory_space<vmem>> -> memref<50xi32, #tpu.memory_space<vmem>>
    %dma_start3A_434 = arith.constant 0 : i32
    %dma_start3A_435 = arith.constant 0 : i32
    %dma_start3A_436 = tpu.memref_slice %arg3[%dma_start3A_434, %dma_start3A_435] : memref<1000000x32xf32, #tpu.memory_space<hbm>> -> memref<1000000x32xf32, #tpu.memory_space<hbm>>
    tpu.enqueue_indirect_dma source(%dma_start3A_436 : memref<1000000x32xf32, #tpu.memory_space<hbm>>) target(%dma_start3A_430 : memref<50x32xf32, #tpu.memory_space<vmem>>) offsets(%dma_start3A_433 : memref<50xi32, #tpu.memory_space<vmem>>) semaphore(%arg12 : memref<!tpu.dma_semaphore, #tpu.memory_space<semaphore_mem>>)
    %dma_start3A_437 = arith.constant 1 : i32
    %dma_start3A_438 = arith.constant 2 : i32
    %dma_start3A_439 = arith.constant 1 : i32
    %dma_start3A_440 = arith.constant 0 : i32
    %dma_start3A_441 = arith.constant 0 : i32
    %dma_start3A_442 = tpu.memref_slice %arg9[%dma_start3A_438, %dma_start3A_439, %dma_start3A_440, %dma_start3A_441] : memref<4x16x50x32xf32, #tpu.memory_space<vmem>> -> memref<1x1x50x32xf32, #tpu.memory_space<vmem>>
    %dma_start3A_443 = tpu.memref_squeeze %dma_start3A_442 : memref<1x1x50x32xf32, #tpu.memory_space<vmem>> -> memref<50x32xf32, #tpu.memory_space<vmem>>
    %dma_start3A_444 = arith.constant 0 : i32
    %dma_start3A_445 = tpu.memref_slice %arg7[%dma_start3A_437, %dma_start3A_444] : memref<16x50xi32, #tpu.memory_space<vmem>> -> memref<1x50xi32, #tpu.memory_space<vmem>>
    %dma_start3A_446 = tpu.memref_squeeze %dma_start3A_445 : memref<1x50xi32, #tpu.memory_space<vmem>> -> memref<50xi32, #tpu.memory_space<vmem>>
    %dma_start3A_447 = arith.constant 0 : i32
    %dma_start3A_448 = arith.constant 0 : i32
    %dma_start3A_449 = tpu.memref_slice %arg3[%dma_start3A_447, %dma_start3A_448] : memref<1000000x32xf32, #tpu.memory_space<hbm>> -> memref<1000000x32xf32, #tpu.memory_space<hbm>>
    tpu.enqueue_indirect_dma source(%dma_start3A_449 : memref<1000000x32xf32, #tpu.memory_space<hbm>>) target(%dma_start3A_443 : memref<50x32xf32, #tpu.memory_space<vmem>>) offsets(%dma_start3A_446 : memref<50xi32, #tpu.memory_space<vmem>>) semaphore(%arg12 : memref<!tpu.dma_semaphore, #tpu.memory_space<semaphore_mem>>)
    %dma_start3A_450 = arith.constant 2 : i32
    %dma_start3A_451 = arith.constant 2 : i32
    %dma_start3A_452 = arith.constant 2 : i32
    %dma_start3A_453 = arith.constant 0 : i32
    %dma_start3A_454 = arith.constant 0 : i32
    %dma_start3A_455 = tpu.memref_slice %arg9[%dma_start3A_451, %dma_start3A_452, %dma_start3A_453, %dma_start3A_454] : memref<4x16x50x32xf32, #tpu.memory_space<vmem>> -> memref<1x1x50x32xf32, #tpu.memory_space<vmem>>
    %dma_start3A_456 = tpu.memref_squeeze %dma_start3A_455 : memref<1x1x50x32xf32, #tpu.memory_space<vmem>> -> memref<50x32xf32, #tpu.memory_space<vmem>>
    %dma_start3A_457 = arith.constant 0 : i32
    %dma_start3A_458 = tpu.memref_slice %arg7[%dma_start3A_450, %dma_start3A_457] : memref<16x50xi32, #tpu.memory_space<vmem>> -> memref<1x50xi32, #tpu.memory_space<vmem>>
    %dma_start3A_459 = tpu.memref_squeeze %dma_start3A_458 : memref<1x50xi32, #tpu.memory_space<vmem>> -> memref<50xi32, #tpu.memory_space<vmem>>
    %dma_start3A_460 = arith.constant 0 : i32
    %dma_start3A_461 = arith.constant 0 : i32
    %dma_start3A_462 = tpu.memref_slice %arg3[%dma_start3A_460, %dma_start3A_461] : memref<1000000x32xf32, #tpu.memory_space<hbm>> -> memref<1000000x32xf32, #tpu.memory_space<hbm>>
    tpu.enqueue_indirect_dma source(%dma_start3A_462 : memref<1000000x32xf32, #tpu.memory_space<hbm>>) target(%dma_start3A_456 : memref<50x32xf32, #tpu.memory_space<vmem>>) offsets(%dma_start3A_459 : memref<50xi32, #tpu.memory_space<vmem>>) semaphore(%arg12 : memref<!tpu.dma_semaphore, #tpu.memory_space<semaphore_mem>>)
    %dma_start3A_463 = arith.constant 3 : i32
    %dma_start3A_464 = arith.constant 2 : i32
    %dma_start3A_465 = arith.constant 3 : i32
    %dma_start3A_466 = arith.constant 0 : i32
    %dma_start3A_467 = arith.constant 0 : i32
    %dma_start3A_468 = tpu.memref_slice %arg9[%dma_start3A_464, %dma_start3A_465, %dma_start3A_466, %dma_start3A_467] : memref<4x16x50x32xf32, #tpu.memory_space<vmem>> -> memref<1x1x50x32xf32, #tpu.memory_space<vmem>>
    %dma_start3A_469 = tpu.memref_squeeze %dma_start3A_468 : memref<1x1x50x32xf32, #tpu.memory_space<vmem>> -> memref<50x32xf32, #tpu.memory_space<vmem>>
    %dma_start3A_470 = arith.constant 0 : i32
    %dma_start3A_471 = tpu.memref_slice %arg7[%dma_start3A_463, %dma_start3A_470] : memref<16x50xi32, #tpu.memory_space<vmem>> -> memref<1x50xi32, #tpu.memory_space<vmem>>
    %dma_start3A_472 = tpu.memref_squeeze %dma_start3A_471 : memref<1x50xi32, #tpu.memory_space<vmem>> -> memref<50xi32, #tpu.memory_space<vmem>>
    %dma_start3A_473 = arith.constant 0 : i32
    %dma_start3A_474 = arith.constant 0 : i32
    %dma_start3A_475 = tpu.memref_slice %arg3[%dma_start3A_473, %dma_start3A_474] : memref<1000000x32xf32, #tpu.memory_space<hbm>> -> memref<1000000x32xf32, #tpu.memory_space<hbm>>
    tpu.enqueue_indirect_dma source(%dma_start3A_475 : memref<1000000x32xf32, #tpu.memory_space<hbm>>) target(%dma_start3A_469 : memref<50x32xf32, #tpu.memory_space<vmem>>) offsets(%dma_start3A_472 : memref<50xi32, #tpu.memory_space<vmem>>) semaphore(%arg12 : memref<!tpu.dma_semaphore, #tpu.memory_space<semaphore_mem>>)
    %dma_start3A_476 = arith.constant 4 : i32
    %dma_start3A_477 = arith.constant 2 : i32
    %dma_start3A_478 = arith.constant 4 : i32
    %dma_start3A_479 = arith.constant 0 : i32
    %dma_start3A_480 = arith.constant 0 : i32
    %dma_start3A_481 = tpu.memref_slice %arg9[%dma_start3A_477, %dma_start3A_478, %dma_start3A_479, %dma_start3A_480] : memref<4x16x50x32xf32, #tpu.memory_space<vmem>> -> memref<1x1x50x32xf32, #tpu.memory_space<vmem>>
    %dma_start3A_482 = tpu.memref_squeeze %dma_start3A_481 : memref<1x1x50x32xf32, #tpu.memory_space<vmem>> -> memref<50x32xf32, #tpu.memory_space<vmem>>
    %dma_start3A_483 = arith.constant 0 : i32
    %dma_start3A_484 = tpu.memref_slice %arg7[%dma_start3A_476, %dma_start3A_483] : memref<16x50xi32, #tpu.memory_space<vmem>> -> memref<1x50xi32, #tpu.memory_space<vmem>>
    %dma_start3A_485 = tpu.memref_squeeze %dma_start3A_484 : memref<1x50xi32, #tpu.memory_space<vmem>> -> memref<50xi32, #tpu.memory_space<vmem>>
    %dma_start3A_486 = arith.constant 0 : i32
    %dma_start3A_487 = arith.constant 0 : i32
    %dma_start3A_488 = tpu.memref_slice %arg3[%dma_start3A_486, %dma_start3A_487] : memref<1000000x32xf32, #tpu.memory_space<hbm>> -> memref<1000000x32xf32, #tpu.memory_space<hbm>>
    tpu.enqueue_indirect_dma source(%dma_start3A_488 : memref<1000000x32xf32, #tpu.memory_space<hbm>>) target(%dma_start3A_482 : memref<50x32xf32, #tpu.memory_space<vmem>>) offsets(%dma_start3A_485 : memref<50xi32, #tpu.memory_space<vmem>>) semaphore(%arg12 : memref<!tpu.dma_semaphore, #tpu.memory_space<semaphore_mem>>)
    %dma_start3A_489 = arith.constant 5 : i32
    %dma_start3A_490 = arith.constant 2 : i32
    %dma_start3A_491 = arith.constant 5 : i32
    %dma_start3A_492 = arith.constant 0 : i32
    %dma_start3A_493 = arith.constant 0 : i32
    %dma_start3A_494 = tpu.memref_slice %arg9[%dma_start3A_490, %dma_start3A_491, %dma_start3A_492, %dma_start3A_493] : memref<4x16x50x32xf32, #tpu.memory_space<vmem>> -> memref<1x1x50x32xf32, #tpu.memory_space<vmem>>
    %dma_start3A_495 = tpu.memref_squeeze %dma_start3A_494 : memref<1x1x50x32xf32, #tpu.memory_space<vmem>> -> memref<50x32xf32, #tpu.memory_space<vmem>>
    %dma_start3A_496 = arith.constant 0 : i32
    %dma_start3A_497 = tpu.memref_slice %arg7[%dma_start3A_489, %dma_start3A_496] : memref<16x50xi32, #tpu.memory_space<vmem>> -> memref<1x50xi32, #tpu.memory_space<vmem>>
    %dma_start3A_498 = tpu.memref_squeeze %dma_start3A_497 : memref<1x50xi32, #tpu.memory_space<vmem>> -> memref<50xi32, #tpu.memory_space<vmem>>
    %dma_start3A_499 = arith.constant 0 : i32
    %dma_start3A_500 = arith.constant 0 : i32
    %dma_start3A_501 = tpu.memref_slice %arg3[%dma_start3A_499, %dma_start3A_500] : memref<1000000x32xf32, #tpu.memory_space<hbm>> -> memref<1000000x32xf32, #tpu.memory_space<hbm>>
    tpu.enqueue_indirect_dma source(%dma_start3A_501 : memref<1000000x32xf32, #tpu.memory_space<hbm>>) target(%dma_start3A_495 : memref<50x32xf32, #tpu.memory_space<vmem>>) offsets(%dma_start3A_498 : memref<50xi32, #tpu.memory_space<vmem>>) semaphore(%arg12 : memref<!tpu.dma_semaphore, #tpu.memory_space<semaphore_mem>>)
    %dma_start3A_502 = arith.constant 6 : i32
    %dma_start3A_503 = arith.constant 2 : i32
    %dma_start3A_504 = arith.constant 6 : i32
    %dma_start3A_505 = arith.constant 0 : i32
    %dma_start3A_506 = arith.constant 0 : i32
    %dma_start3A_507 = tpu.memref_slice %arg9[%dma_start3A_503, %dma_start3A_504, %dma_start3A_505, %dma_start3A_506] : memref<4x16x50x32xf32, #tpu.memory_space<vmem>> -> memref<1x1x50x32xf32, #tpu.memory_space<vmem>>
    %dma_start3A_508 = tpu.memref_squeeze %dma_start3A_507 : memref<1x1x50x32xf32, #tpu.memory_space<vmem>> -> memref<50x32xf32, #tpu.memory_space<vmem>>
    %dma_start3A_509 = arith.constant 0 : i32
    %dma_start3A_510 = tpu.memref_slice %arg7[%dma_start3A_502, %dma_start3A_509] : memref<16x50xi32, #tpu.memory_space<vmem>> -> memref<1x50xi32, #tpu.memory_space<vmem>>
    %dma_start3A_511 = tpu.memref_squeeze %dma_start3A_510 : memref<1x50xi32, #tpu.memory_space<vmem>> -> memref<50xi32, #tpu.memory_space<vmem>>
    %dma_start3A_512 = arith.constant 0 : i32
    %dma_start3A_513 = arith.constant 0 : i32
    %dma_start3A_514 = tpu.memref_slice %arg3[%dma_start3A_512, %dma_start3A_513] : memref<1000000x32xf32, #tpu.memory_space<hbm>> -> memref<1000000x32xf32, #tpu.memory_space<hbm>>
    tpu.enqueue_indirect_dma source(%dma_start3A_514 : memref<1000000x32xf32, #tpu.memory_space<hbm>>) target(%dma_start3A_508 : memref<50x32xf32, #tpu.memory_space<vmem>>) offsets(%dma_start3A_511 : memref<50xi32, #tpu.memory_space<vmem>>) semaphore(%arg12 : memref<!tpu.dma_semaphore, #tpu.memory_space<semaphore_mem>>)
    %dma_start3A_515 = arith.constant 7 : i32
    %dma_start3A_516 = arith.constant 2 : i32
    %dma_start3A_517 = arith.constant 7 : i32
    %dma_start3A_518 = arith.constant 0 : i32
    %dma_start3A_519 = arith.constant 0 : i32
    %dma_start3A_520 = tpu.memref_slice %arg9[%dma_start3A_516, %dma_start3A_517, %dma_start3A_518, %dma_start3A_519] : memref<4x16x50x32xf32, #tpu.memory_space<vmem>> -> memref<1x1x50x32xf32, #tpu.memory_space<vmem>>
    %dma_start3A_521 = tpu.memref_squeeze %dma_start3A_520 : memref<1x1x50x32xf32, #tpu.memory_space<vmem>> -> memref<50x32xf32, #tpu.memory_space<vmem>>
    %dma_start3A_522 = arith.constant 0 : i32
    %dma_start3A_523 = tpu.memref_slice %arg7[%dma_start3A_515, %dma_start3A_522] : memref<16x50xi32, #tpu.memory_space<vmem>> -> memref<1x50xi32, #tpu.memory_space<vmem>>
    %dma_start3A_524 = tpu.memref_squeeze %dma_start3A_523 : memref<1x50xi32, #tpu.memory_space<vmem>> -> memref<50xi32, #tpu.memory_space<vmem>>
    %dma_start3A_525 = arith.constant 0 : i32
    %dma_start3A_526 = arith.constant 0 : i32
    %dma_start3A_527 = tpu.memref_slice %arg3[%dma_start3A_525, %dma_start3A_526] : memref<1000000x32xf32, #tpu.memory_space<hbm>> -> memref<1000000x32xf32, #tpu.memory_space<hbm>>
    tpu.enqueue_indirect_dma source(%dma_start3A_527 : memref<1000000x32xf32, #tpu.memory_space<hbm>>) target(%dma_start3A_521 : memref<50x32xf32, #tpu.memory_space<vmem>>) offsets(%dma_start3A_524 : memref<50xi32, #tpu.memory_space<vmem>>) semaphore(%arg12 : memref<!tpu.dma_semaphore, #tpu.memory_space<semaphore_mem>>)
    %dma_start3A_528 = arith.constant 8 : i32
    %dma_start3A_529 = arith.constant 2 : i32
    %dma_start3A_530 = arith.constant 8 : i32
    %dma_start3A_531 = arith.constant 0 : i32
    %dma_start3A_532 = arith.constant 0 : i32
    %dma_start3A_533 = tpu.memref_slice %arg9[%dma_start3A_529, %dma_start3A_530, %dma_start3A_531, %dma_start3A_532] : memref<4x16x50x32xf32, #tpu.memory_space<vmem>> -> memref<1x1x50x32xf32, #tpu.memory_space<vmem>>
    %dma_start3A_534 = tpu.memref_squeeze %dma_start3A_533 : memref<1x1x50x32xf32, #tpu.memory_space<vmem>> -> memref<50x32xf32, #tpu.memory_space<vmem>>
    %dma_start3A_535 = arith.constant 0 : i32
    %dma_start3A_536 = tpu.memref_slice %arg7[%dma_start3A_528, %dma_start3A_535] : memref<16x50xi32, #tpu.memory_space<vmem>> -> memref<1x50xi32, #tpu.memory_space<vmem>>
    %dma_start3A_537 = tpu.memref_squeeze %dma_start3A_536 : memref<1x50xi32, #tpu.memory_space<vmem>> -> memref<50xi32, #tpu.memory_space<vmem>>
    %dma_start3A_538 = arith.constant 0 : i32
    %dma_start3A_539 = arith.constant 0 : i32
    %dma_start3A_540 = tpu.memref_slice %arg3[%dma_start3A_538, %dma_start3A_539] : memref<1000000x32xf32, #tpu.memory_space<hbm>> -> memref<1000000x32xf32, #tpu.memory_space<hbm>>
    tpu.enqueue_indirect_dma source(%dma_start3A_540 : memref<1000000x32xf32, #tpu.memory_space<hbm>>) target(%dma_start3A_534 : memref<50x32xf32, #tpu.memory_space<vmem>>) offsets(%dma_start3A_537 : memref<50xi32, #tpu.memory_space<vmem>>) semaphore(%arg12 : memref<!tpu.dma_semaphore, #tpu.memory_space<semaphore_mem>>)
    %dma_start3A_541 = arith.constant 9 : i32
    %dma_start3A_542 = arith.constant 2 : i32
    %dma_start3A_543 = arith.constant 9 : i32
    %dma_start3A_544 = arith.constant 0 : i32
    %dma_start3A_545 = arith.constant 0 : i32
    %dma_start3A_546 = tpu.memref_slice %arg9[%dma_start3A_542, %dma_start3A_543, %dma_start3A_544, %dma_start3A_545] : memref<4x16x50x32xf32, #tpu.memory_space<vmem>> -> memref<1x1x50x32xf32, #tpu.memory_space<vmem>>
    %dma_start3A_547 = tpu.memref_squeeze %dma_start3A_546 : memref<1x1x50x32xf32, #tpu.memory_space<vmem>> -> memref<50x32xf32, #tpu.memory_space<vmem>>
    %dma_start3A_548 = arith.constant 0 : i32
    %dma_start3A_549 = tpu.memref_slice %arg7[%dma_start3A_541, %dma_start3A_548] : memref<16x50xi32, #tpu.memory_space<vmem>> -> memref<1x50xi32, #tpu.memory_space<vmem>>
    %dma_start3A_550 = tpu.memref_squeeze %dma_start3A_549 : memref<1x50xi32, #tpu.memory_space<vmem>> -> memref<50xi32, #tpu.memory_space<vmem>>
    %dma_start3A_551 = arith.constant 0 : i32
    %dma_start3A_552 = arith.constant 0 : i32
    %dma_start3A_553 = tpu.memref_slice %arg3[%dma_start3A_551, %dma_start3A_552] : memref<1000000x32xf32, #tpu.memory_space<hbm>> -> memref<1000000x32xf32, #tpu.memory_space<hbm>>
    tpu.enqueue_indirect_dma source(%dma_start3A_553 : memref<1000000x32xf32, #tpu.memory_space<hbm>>) target(%dma_start3A_547 : memref<50x32xf32, #tpu.memory_space<vmem>>) offsets(%dma_start3A_550 : memref<50xi32, #tpu.memory_space<vmem>>) semaphore(%arg12 : memref<!tpu.dma_semaphore, #tpu.memory_space<semaphore_mem>>)
    %dma_start3A_554 = arith.constant 10 : i32
    %dma_start3A_555 = arith.constant 2 : i32
    %dma_start3A_556 = arith.constant 10 : i32
    %dma_start3A_557 = arith.constant 0 : i32
    %dma_start3A_558 = arith.constant 0 : i32
    %dma_start3A_559 = tpu.memref_slice %arg9[%dma_start3A_555, %dma_start3A_556, %dma_start3A_557, %dma_start3A_558] : memref<4x16x50x32xf32, #tpu.memory_space<vmem>> -> memref<1x1x50x32xf32, #tpu.memory_space<vmem>>
    %dma_start3A_560 = tpu.memref_squeeze %dma_start3A_559 : memref<1x1x50x32xf32, #tpu.memory_space<vmem>> -> memref<50x32xf32, #tpu.memory_space<vmem>>
    %dma_start3A_561 = arith.constant 0 : i32
    %dma_start3A_562 = tpu.memref_slice %arg7[%dma_start3A_554, %dma_start3A_561] : memref<16x50xi32, #tpu.memory_space<vmem>> -> memref<1x50xi32, #tpu.memory_space<vmem>>
    %dma_start3A_563 = tpu.memref_squeeze %dma_start3A_562 : memref<1x50xi32, #tpu.memory_space<vmem>> -> memref<50xi32, #tpu.memory_space<vmem>>
    %dma_start3A_564 = arith.constant 0 : i32
    %dma_start3A_565 = arith.constant 0 : i32
    %dma_start3A_566 = tpu.memref_slice %arg3[%dma_start3A_564, %dma_start3A_565] : memref<1000000x32xf32, #tpu.memory_space<hbm>> -> memref<1000000x32xf32, #tpu.memory_space<hbm>>
    tpu.enqueue_indirect_dma source(%dma_start3A_566 : memref<1000000x32xf32, #tpu.memory_space<hbm>>) target(%dma_start3A_560 : memref<50x32xf32, #tpu.memory_space<vmem>>) offsets(%dma_start3A_563 : memref<50xi32, #tpu.memory_space<vmem>>) semaphore(%arg12 : memref<!tpu.dma_semaphore, #tpu.memory_space<semaphore_mem>>)
    %dma_start3A_567 = arith.constant 11 : i32
    %dma_start3A_568 = arith.constant 2 : i32
    %dma_start3A_569 = arith.constant 11 : i32
    %dma_start3A_570 = arith.constant 0 : i32
    %dma_start3A_571 = arith.constant 0 : i32
    %dma_start3A_572 = tpu.memref_slice %arg9[%dma_start3A_568, %dma_start3A_569, %dma_start3A_570, %dma_start3A_571] : memref<4x16x50x32xf32, #tpu.memory_space<vmem>> -> memref<1x1x50x32xf32, #tpu.memory_space<vmem>>
    %dma_start3A_573 = tpu.memref_squeeze %dma_start3A_572 : memref<1x1x50x32xf32, #tpu.memory_space<vmem>> -> memref<50x32xf32, #tpu.memory_space<vmem>>
    %dma_start3A_574 = arith.constant 0 : i32
    %dma_start3A_575 = tpu.memref_slice %arg7[%dma_start3A_567, %dma_start3A_574] : memref<16x50xi32, #tpu.memory_space<vmem>> -> memref<1x50xi32, #tpu.memory_space<vmem>>
    %dma_start3A_576 = tpu.memref_squeeze %dma_start3A_575 : memref<1x50xi32, #tpu.memory_space<vmem>> -> memref<50xi32, #tpu.memory_space<vmem>>
    %dma_start3A_577 = arith.constant 0 : i32
    %dma_start3A_578 = arith.constant 0 : i32
    %dma_start3A_579 = tpu.memref_slice %arg3[%dma_start3A_577, %dma_start3A_578] : memref<1000000x32xf32, #tpu.memory_space<hbm>> -> memref<1000000x32xf32, #tpu.memory_space<hbm>>
    tpu.enqueue_indirect_dma source(%dma_start3A_579 : memref<1000000x32xf32, #tpu.memory_space<hbm>>) target(%dma_start3A_573 : memref<50x32xf32, #tpu.memory_space<vmem>>) offsets(%dma_start3A_576 : memref<50xi32, #tpu.memory_space<vmem>>) semaphore(%arg12 : memref<!tpu.dma_semaphore, #tpu.memory_space<semaphore_mem>>)
    %dma_start3A_580 = arith.constant 12 : i32
    %dma_start3A_581 = arith.constant 2 : i32
    %dma_start3A_582 = arith.constant 12 : i32
    %dma_start3A_583 = arith.constant 0 : i32
    %dma_start3A_584 = arith.constant 0 : i32
    %dma_start3A_585 = tpu.memref_slice %arg9[%dma_start3A_581, %dma_start3A_582, %dma_start3A_583, %dma_start3A_584] : memref<4x16x50x32xf32, #tpu.memory_space<vmem>> -> memref<1x1x50x32xf32, #tpu.memory_space<vmem>>
    %dma_start3A_586 = tpu.memref_squeeze %dma_start3A_585 : memref<1x1x50x32xf32, #tpu.memory_space<vmem>> -> memref<50x32xf32, #tpu.memory_space<vmem>>
    %dma_start3A_587 = arith.constant 0 : i32
    %dma_start3A_588 = tpu.memref_slice %arg7[%dma_start3A_580, %dma_start3A_587] : memref<16x50xi32, #tpu.memory_space<vmem>> -> memref<1x50xi32, #tpu.memory_space<vmem>>
    %dma_start3A_589 = tpu.memref_squeeze %dma_start3A_588 : memref<1x50xi32, #tpu.memory_space<vmem>> -> memref<50xi32, #tpu.memory_space<vmem>>
    %dma_start3A_590 = arith.constant 0 : i32
    %dma_start3A_591 = arith.constant 0 : i32
    %dma_start3A_592 = tpu.memref_slice %arg3[%dma_start3A_590, %dma_start3A_591] : memref<1000000x32xf32, #tpu.memory_space<hbm>> -> memref<1000000x32xf32, #tpu.memory_space<hbm>>
    tpu.enqueue_indirect_dma source(%dma_start3A_592 : memref<1000000x32xf32, #tpu.memory_space<hbm>>) target(%dma_start3A_586 : memref<50x32xf32, #tpu.memory_space<vmem>>) offsets(%dma_start3A_589 : memref<50xi32, #tpu.memory_space<vmem>>) semaphore(%arg12 : memref<!tpu.dma_semaphore, #tpu.memory_space<semaphore_mem>>)
    %dma_start3A_593 = arith.constant 13 : i32
    %dma_start3A_594 = arith.constant 2 : i32
    %dma_start3A_595 = arith.constant 13 : i32
    %dma_start3A_596 = arith.constant 0 : i32
    %dma_start3A_597 = arith.constant 0 : i32
    %dma_start3A_598 = tpu.memref_slice %arg9[%dma_start3A_594, %dma_start3A_595, %dma_start3A_596, %dma_start3A_597] : memref<4x16x50x32xf32, #tpu.memory_space<vmem>> -> memref<1x1x50x32xf32, #tpu.memory_space<vmem>>
    %dma_start3A_599 = tpu.memref_squeeze %dma_start3A_598 : memref<1x1x50x32xf32, #tpu.memory_space<vmem>> -> memref<50x32xf32, #tpu.memory_space<vmem>>
    %dma_start3A_600 = arith.constant 0 : i32
    %dma_start3A_601 = tpu.memref_slice %arg7[%dma_start3A_593, %dma_start3A_600] : memref<16x50xi32, #tpu.memory_space<vmem>> -> memref<1x50xi32, #tpu.memory_space<vmem>>
    %dma_start3A_602 = tpu.memref_squeeze %dma_start3A_601 : memref<1x50xi32, #tpu.memory_space<vmem>> -> memref<50xi32, #tpu.memory_space<vmem>>
    %dma_start3A_603 = arith.constant 0 : i32
    %dma_start3A_604 = arith.constant 0 : i32
    %dma_start3A_605 = tpu.memref_slice %arg3[%dma_start3A_603, %dma_start3A_604] : memref<1000000x32xf32, #tpu.memory_space<hbm>> -> memref<1000000x32xf32, #tpu.memory_space<hbm>>
    tpu.enqueue_indirect_dma source(%dma_start3A_605 : memref<1000000x32xf32, #tpu.memory_space<hbm>>) target(%dma_start3A_599 : memref<50x32xf32, #tpu.memory_space<vmem>>) offsets(%dma_start3A_602 : memref<50xi32, #tpu.memory_space<vmem>>) semaphore(%arg12 : memref<!tpu.dma_semaphore, #tpu.memory_space<semaphore_mem>>)
    %dma_start3A_606 = arith.constant 14 : i32
    %dma_start3A_607 = arith.constant 2 : i32
    %dma_start3A_608 = arith.constant 14 : i32
    %dma_start3A_609 = arith.constant 0 : i32
    %dma_start3A_610 = arith.constant 0 : i32
    %dma_start3A_611 = tpu.memref_slice %arg9[%dma_start3A_607, %dma_start3A_608, %dma_start3A_609, %dma_start3A_610] : memref<4x16x50x32xf32, #tpu.memory_space<vmem>> -> memref<1x1x50x32xf32, #tpu.memory_space<vmem>>
    %dma_start3A_612 = tpu.memref_squeeze %dma_start3A_611 : memref<1x1x50x32xf32, #tpu.memory_space<vmem>> -> memref<50x32xf32, #tpu.memory_space<vmem>>
    %dma_start3A_613 = arith.constant 0 : i32
    %dma_start3A_614 = tpu.memref_slice %arg7[%dma_start3A_606, %dma_start3A_613] : memref<16x50xi32, #tpu.memory_space<vmem>> -> memref<1x50xi32, #tpu.memory_space<vmem>>
    %dma_start3A_615 = tpu.memref_squeeze %dma_start3A_614 : memref<1x50xi32, #tpu.memory_space<vmem>> -> memref<50xi32, #tpu.memory_space<vmem>>
    %dma_start3A_616 = arith.constant 0 : i32
    %dma_start3A_617 = arith.constant 0 : i32
    %dma_start3A_618 = tpu.memref_slice %arg3[%dma_start3A_616, %dma_start3A_617] : memref<1000000x32xf32, #tpu.memory_space<hbm>> -> memref<1000000x32xf32, #tpu.memory_space<hbm>>
    tpu.enqueue_indirect_dma source(%dma_start3A_618 : memref<1000000x32xf32, #tpu.memory_space<hbm>>) target(%dma_start3A_612 : memref<50x32xf32, #tpu.memory_space<vmem>>) offsets(%dma_start3A_615 : memref<50xi32, #tpu.memory_space<vmem>>) semaphore(%arg12 : memref<!tpu.dma_semaphore, #tpu.memory_space<semaphore_mem>>)
    %dma_start3A_619 = arith.constant 15 : i32
    %dma_start3A_620 = arith.constant 2 : i32
    %dma_start3A_621 = arith.constant 15 : i32
    %dma_start3A_622 = arith.constant 0 : i32
    %dma_start3A_623 = arith.constant 0 : i32
    %dma_start3A_624 = tpu.memref_slice %arg9[%dma_start3A_620, %dma_start3A_621, %dma_start3A_622, %dma_start3A_623] : memref<4x16x50x32xf32, #tpu.memory_space<vmem>> -> memref<1x1x50x32xf32, #tpu.memory_space<vmem>>
    %dma_start3A_625 = tpu.memref_squeeze %dma_start3A_624 : memref<1x1x50x32xf32, #tpu.memory_space<vmem>> -> memref<50x32xf32, #tpu.memory_space<vmem>>
    %dma_start3A_626 = arith.constant 0 : i32
    %dma_start3A_627 = tpu.memref_slice %arg7[%dma_start3A_619, %dma_start3A_626] : memref<16x50xi32, #tpu.memory_space<vmem>> -> memref<1x50xi32, #tpu.memory_space<vmem>>
    %dma_start3A_628 = tpu.memref_squeeze %dma_start3A_627 : memref<1x50xi32, #tpu.memory_space<vmem>> -> memref<50xi32, #tpu.memory_space<vmem>>
    %dma_start3A_629 = arith.constant 0 : i32
    %dma_start3A_630 = arith.constant 0 : i32
    %dma_start3A_631 = tpu.memref_slice %arg3[%dma_start3A_629, %dma_start3A_630] : memref<1000000x32xf32, #tpu.memory_space<hbm>> -> memref<1000000x32xf32, #tpu.memory_space<hbm>>
    tpu.enqueue_indirect_dma source(%dma_start3A_631 : memref<1000000x32xf32, #tpu.memory_space<hbm>>) target(%dma_start3A_625 : memref<50x32xf32, #tpu.memory_space<vmem>>) offsets(%dma_start3A_628 : memref<50xi32, #tpu.memory_space<vmem>>) semaphore(%arg12 : memref<!tpu.dma_semaphore, #tpu.memory_space<semaphore_mem>>)
    %add3A_632 = arith.constant 48 : i32
    %add3A_633 = arith.addi %mul3A_2, %add3A_632 : i32
    "tpu.region"() ({
      %run_scoped3A = tpu.sem_alloc : memref<!tpu.dma_semaphore, #tpu.memory_space<semaphore_mem>>
      %dma_start3A_846 = arith.constant 0 : i32
      %dma_start3A_847 = tpu.memref_slice %arg2[%add3A_633, %dma_start3A_846] : memref<16384x50xi32, #tpu.memory_space<hbm>> -> memref<16x50xi32, #tpu.memory_space<hbm>>
      %dma_start3A_848 = arith.constant 0 : i32
      %dma_start3A_849 = tpu.memref_slice %arg2[%add3A_633, %dma_start3A_848] : memref<16384x50xi32, #tpu.memory_space<hbm>> -> memref<16x50xi32, #tpu.memory_space<hbm>>
      tpu.enqueue_dma source(%dma_start3A_849 : memref<16x50xi32, #tpu.memory_space<hbm>>) target(%arg8 : memref<16x50xi32, #tpu.memory_space<vmem>>) target_semaphore(%run_scoped3A : memref<!tpu.dma_semaphore, #tpu.memory_space<semaphore_mem>>)
      %dma_wait3A = arith.constant 0 : i32
      %dma_wait3A_850 = tpu.memref_slice %arg2[%add3A_633, %dma_wait3A] : memref<16384x50xi32, #tpu.memory_space<hbm>> -> memref<16x50xi32, #tpu.memory_space<hbm>>
      %dma_wait3A_851 = arith.constant 0 : i32
      %dma_wait3A_852 = tpu.memref_slice %arg2[%add3A_633, %dma_wait3A_851] : memref<16384x50xi32, #tpu.memory_space<hbm>> -> memref<16x50xi32, #tpu.memory_space<hbm>>
      tpu.wait_dma2 semaphore(%run_scoped3A : memref<!tpu.dma_semaphore, #tpu.memory_space<semaphore_mem>>) src(%dma_wait3A_852 : memref<16x50xi32, #tpu.memory_space<hbm>>) dst(%arg8 : memref<16x50xi32, #tpu.memory_space<vmem>>)
      tpu.yield
    }) : () -> ()
    %dma_start3A_634 = arith.constant 0 : i32
    %dma_start3A_635 = arith.constant 3 : i32
    %dma_start3A_636 = arith.constant 0 : i32
    %dma_start3A_637 = arith.constant 0 : i32
    %dma_start3A_638 = arith.constant 0 : i32
    %dma_start3A_639 = tpu.memref_slice %arg9[%dma_start3A_635, %dma_start3A_636, %dma_start3A_637, %dma_start3A_638] : memref<4x16x50x32xf32, #tpu.memory_space<vmem>> -> memref<1x1x50x32xf32, #tpu.memory_space<vmem>>
    %dma_start3A_640 = tpu.memref_squeeze %dma_start3A_639 : memref<1x1x50x32xf32, #tpu.memory_space<vmem>> -> memref<50x32xf32, #tpu.memory_space<vmem>>
    %dma_start3A_641 = arith.constant 0 : i32
    %dma_start3A_642 = tpu.memref_slice %arg8[%dma_start3A_634, %dma_start3A_641] : memref<16x50xi32, #tpu.memory_space<vmem>> -> memref<1x50xi32, #tpu.memory_space<vmem>>
    %dma_start3A_643 = tpu.memref_squeeze %dma_start3A_642 : memref<1x50xi32, #tpu.memory_space<vmem>> -> memref<50xi32, #tpu.memory_space<vmem>>
    %dma_start3A_644 = arith.constant 0 : i32
    %dma_start3A_645 = arith.constant 0 : i32
    %dma_start3A_646 = tpu.memref_slice %arg3[%dma_start3A_644, %dma_start3A_645] : memref<1000000x32xf32, #tpu.memory_space<hbm>> -> memref<1000000x32xf32, #tpu.memory_space<hbm>>
    tpu.enqueue_indirect_dma source(%dma_start3A_646 : memref<1000000x32xf32, #tpu.memory_space<hbm>>) target(%dma_start3A_640 : memref<50x32xf32, #tpu.memory_space<vmem>>) offsets(%dma_start3A_643 : memref<50xi32, #tpu.memory_space<vmem>>) semaphore(%arg13 : memref<!tpu.dma_semaphore, #tpu.memory_space<semaphore_mem>>)
    %dma_start3A_647 = arith.constant 1 : i32
    %dma_start3A_648 = arith.constant 3 : i32
    %dma_start3A_649 = arith.constant 1 : i32
    %dma_start3A_650 = arith.constant 0 : i32
    %dma_start3A_651 = arith.constant 0 : i32
    %dma_start3A_652 = tpu.memref_slice %arg9[%dma_start3A_648, %dma_start3A_649, %dma_start3A_650, %dma_start3A_651] : memref<4x16x50x32xf32, #tpu.memory_space<vmem>> -> memref<1x1x50x32xf32, #tpu.memory_space<vmem>>
    %dma_start3A_653 = tpu.memref_squeeze %dma_start3A_652 : memref<1x1x50x32xf32, #tpu.memory_space<vmem>> -> memref<50x32xf32, #tpu.memory_space<vmem>>
    %dma_start3A_654 = arith.constant 0 : i32
    %dma_start3A_655 = tpu.memref_slice %arg8[%dma_start3A_647, %dma_start3A_654] : memref<16x50xi32, #tpu.memory_space<vmem>> -> memref<1x50xi32, #tpu.memory_space<vmem>>
    %dma_start3A_656 = tpu.memref_squeeze %dma_start3A_655 : memref<1x50xi32, #tpu.memory_space<vmem>> -> memref<50xi32, #tpu.memory_space<vmem>>
    %dma_start3A_657 = arith.constant 0 : i32
    %dma_start3A_658 = arith.constant 0 : i32
    %dma_start3A_659 = tpu.memref_slice %arg3[%dma_start3A_657, %dma_start3A_658] : memref<1000000x32xf32, #tpu.memory_space<hbm>> -> memref<1000000x32xf32, #tpu.memory_space<hbm>>
    tpu.enqueue_indirect_dma source(%dma_start3A_659 : memref<1000000x32xf32, #tpu.memory_space<hbm>>) target(%dma_start3A_653 : memref<50x32xf32, #tpu.memory_space<vmem>>) offsets(%dma_start3A_656 : memref<50xi32, #tpu.memory_space<vmem>>) semaphore(%arg13 : memref<!tpu.dma_semaphore, #tpu.memory_space<semaphore_mem>>)
    %dma_start3A_660 = arith.constant 2 : i32
    %dma_start3A_661 = arith.constant 3 : i32
    %dma_start3A_662 = arith.constant 2 : i32
    %dma_start3A_663 = arith.constant 0 : i32
    %dma_start3A_664 = arith.constant 0 : i32
    %dma_start3A_665 = tpu.memref_slice %arg9[%dma_start3A_661, %dma_start3A_662, %dma_start3A_663, %dma_start3A_664] : memref<4x16x50x32xf32, #tpu.memory_space<vmem>> -> memref<1x1x50x32xf32, #tpu.memory_space<vmem>>
    %dma_start3A_666 = tpu.memref_squeeze %dma_start3A_665 : memref<1x1x50x32xf32, #tpu.memory_space<vmem>> -> memref<50x32xf32, #tpu.memory_space<vmem>>
    %dma_start3A_667 = arith.constant 0 : i32
    %dma_start3A_668 = tpu.memref_slice %arg8[%dma_start3A_660, %dma_start3A_667] : memref<16x50xi32, #tpu.memory_space<vmem>> -> memref<1x50xi32, #tpu.memory_space<vmem>>
    %dma_start3A_669 = tpu.memref_squeeze %dma_start3A_668 : memref<1x50xi32, #tpu.memory_space<vmem>> -> memref<50xi32, #tpu.memory_space<vmem>>
    %dma_start3A_670 = arith.constant 0 : i32
    %dma_start3A_671 = arith.constant 0 : i32
    %dma_start3A_672 = tpu.memref_slice %arg3[%dma_start3A_670, %dma_start3A_671] : memref<1000000x32xf32, #tpu.memory_space<hbm>> -> memref<1000000x32xf32, #tpu.memory_space<hbm>>
    tpu.enqueue_indirect_dma source(%dma_start3A_672 : memref<1000000x32xf32, #tpu.memory_space<hbm>>) target(%dma_start3A_666 : memref<50x32xf32, #tpu.memory_space<vmem>>) offsets(%dma_start3A_669 : memref<50xi32, #tpu.memory_space<vmem>>) semaphore(%arg13 : memref<!tpu.dma_semaphore, #tpu.memory_space<semaphore_mem>>)
    %dma_start3A_673 = arith.constant 3 : i32
    %dma_start3A_674 = arith.constant 3 : i32
    %dma_start3A_675 = arith.constant 3 : i32
    %dma_start3A_676 = arith.constant 0 : i32
    %dma_start3A_677 = arith.constant 0 : i32
    %dma_start3A_678 = tpu.memref_slice %arg9[%dma_start3A_674, %dma_start3A_675, %dma_start3A_676, %dma_start3A_677] : memref<4x16x50x32xf32, #tpu.memory_space<vmem>> -> memref<1x1x50x32xf32, #tpu.memory_space<vmem>>
    %dma_start3A_679 = tpu.memref_squeeze %dma_start3A_678 : memref<1x1x50x32xf32, #tpu.memory_space<vmem>> -> memref<50x32xf32, #tpu.memory_space<vmem>>
    %dma_start3A_680 = arith.constant 0 : i32
    %dma_start3A_681 = tpu.memref_slice %arg8[%dma_start3A_673, %dma_start3A_680] : memref<16x50xi32, #tpu.memory_space<vmem>> -> memref<1x50xi32, #tpu.memory_space<vmem>>
    %dma_start3A_682 = tpu.memref_squeeze %dma_start3A_681 : memref<1x50xi32, #tpu.memory_space<vmem>> -> memref<50xi32, #tpu.memory_space<vmem>>
    %dma_start3A_683 = arith.constant 0 : i32
    %dma_start3A_684 = arith.constant 0 : i32
    %dma_start3A_685 = tpu.memref_slice %arg3[%dma_start3A_683, %dma_start3A_684] : memref<1000000x32xf32, #tpu.memory_space<hbm>> -> memref<1000000x32xf32, #tpu.memory_space<hbm>>
    tpu.enqueue_indirect_dma source(%dma_start3A_685 : memref<1000000x32xf32, #tpu.memory_space<hbm>>) target(%dma_start3A_679 : memref<50x32xf32, #tpu.memory_space<vmem>>) offsets(%dma_start3A_682 : memref<50xi32, #tpu.memory_space<vmem>>) semaphore(%arg13 : memref<!tpu.dma_semaphore, #tpu.memory_space<semaphore_mem>>)
    %dma_start3A_686 = arith.constant 4 : i32
    %dma_start3A_687 = arith.constant 3 : i32
    %dma_start3A_688 = arith.constant 4 : i32
    %dma_start3A_689 = arith.constant 0 : i32
    %dma_start3A_690 = arith.constant 0 : i32
    %dma_start3A_691 = tpu.memref_slice %arg9[%dma_start3A_687, %dma_start3A_688, %dma_start3A_689, %dma_start3A_690] : memref<4x16x50x32xf32, #tpu.memory_space<vmem>> -> memref<1x1x50x32xf32, #tpu.memory_space<vmem>>
    %dma_start3A_692 = tpu.memref_squeeze %dma_start3A_691 : memref<1x1x50x32xf32, #tpu.memory_space<vmem>> -> memref<50x32xf32, #tpu.memory_space<vmem>>
    %dma_start3A_693 = arith.constant 0 : i32
    %dma_start3A_694 = tpu.memref_slice %arg8[%dma_start3A_686, %dma_start3A_693] : memref<16x50xi32, #tpu.memory_space<vmem>> -> memref<1x50xi32, #tpu.memory_space<vmem>>
    %dma_start3A_695 = tpu.memref_squeeze %dma_start3A_694 : memref<1x50xi32, #tpu.memory_space<vmem>> -> memref<50xi32, #tpu.memory_space<vmem>>
    %dma_start3A_696 = arith.constant 0 : i32
    %dma_start3A_697 = arith.constant 0 : i32
    %dma_start3A_698 = tpu.memref_slice %arg3[%dma_start3A_696, %dma_start3A_697] : memref<1000000x32xf32, #tpu.memory_space<hbm>> -> memref<1000000x32xf32, #tpu.memory_space<hbm>>
    tpu.enqueue_indirect_dma source(%dma_start3A_698 : memref<1000000x32xf32, #tpu.memory_space<hbm>>) target(%dma_start3A_692 : memref<50x32xf32, #tpu.memory_space<vmem>>) offsets(%dma_start3A_695 : memref<50xi32, #tpu.memory_space<vmem>>) semaphore(%arg13 : memref<!tpu.dma_semaphore, #tpu.memory_space<semaphore_mem>>)
    %dma_start3A_699 = arith.constant 5 : i32
    %dma_start3A_700 = arith.constant 3 : i32
    %dma_start3A_701 = arith.constant 5 : i32
    %dma_start3A_702 = arith.constant 0 : i32
    %dma_start3A_703 = arith.constant 0 : i32
    %dma_start3A_704 = tpu.memref_slice %arg9[%dma_start3A_700, %dma_start3A_701, %dma_start3A_702, %dma_start3A_703] : memref<4x16x50x32xf32, #tpu.memory_space<vmem>> -> memref<1x1x50x32xf32, #tpu.memory_space<vmem>>
    %dma_start3A_705 = tpu.memref_squeeze %dma_start3A_704 : memref<1x1x50x32xf32, #tpu.memory_space<vmem>> -> memref<50x32xf32, #tpu.memory_space<vmem>>
    %dma_start3A_706 = arith.constant 0 : i32
    %dma_start3A_707 = tpu.memref_slice %arg8[%dma_start3A_699, %dma_start3A_706] : memref<16x50xi32, #tpu.memory_space<vmem>> -> memref<1x50xi32, #tpu.memory_space<vmem>>
    %dma_start3A_708 = tpu.memref_squeeze %dma_start3A_707 : memref<1x50xi32, #tpu.memory_space<vmem>> -> memref<50xi32, #tpu.memory_space<vmem>>
    %dma_start3A_709 = arith.constant 0 : i32
    %dma_start3A_710 = arith.constant 0 : i32
    %dma_start3A_711 = tpu.memref_slice %arg3[%dma_start3A_709, %dma_start3A_710] : memref<1000000x32xf32, #tpu.memory_space<hbm>> -> memref<1000000x32xf32, #tpu.memory_space<hbm>>
    tpu.enqueue_indirect_dma source(%dma_start3A_711 : memref<1000000x32xf32, #tpu.memory_space<hbm>>) target(%dma_start3A_705 : memref<50x32xf32, #tpu.memory_space<vmem>>) offsets(%dma_start3A_708 : memref<50xi32, #tpu.memory_space<vmem>>) semaphore(%arg13 : memref<!tpu.dma_semaphore, #tpu.memory_space<semaphore_mem>>)
    %dma_start3A_712 = arith.constant 6 : i32
    %dma_start3A_713 = arith.constant 3 : i32
    %dma_start3A_714 = arith.constant 6 : i32
    %dma_start3A_715 = arith.constant 0 : i32
    %dma_start3A_716 = arith.constant 0 : i32
    %dma_start3A_717 = tpu.memref_slice %arg9[%dma_start3A_713, %dma_start3A_714, %dma_start3A_715, %dma_start3A_716] : memref<4x16x50x32xf32, #tpu.memory_space<vmem>> -> memref<1x1x50x32xf32, #tpu.memory_space<vmem>>
    %dma_start3A_718 = tpu.memref_squeeze %dma_start3A_717 : memref<1x1x50x32xf32, #tpu.memory_space<vmem>> -> memref<50x32xf32, #tpu.memory_space<vmem>>
    %dma_start3A_719 = arith.constant 0 : i32
    %dma_start3A_720 = tpu.memref_slice %arg8[%dma_start3A_712, %dma_start3A_719] : memref<16x50xi32, #tpu.memory_space<vmem>> -> memref<1x50xi32, #tpu.memory_space<vmem>>
    %dma_start3A_721 = tpu.memref_squeeze %dma_start3A_720 : memref<1x50xi32, #tpu.memory_space<vmem>> -> memref<50xi32, #tpu.memory_space<vmem>>
    %dma_start3A_722 = arith.constant 0 : i32
    %dma_start3A_723 = arith.constant 0 : i32
    %dma_start3A_724 = tpu.memref_slice %arg3[%dma_start3A_722, %dma_start3A_723] : memref<1000000x32xf32, #tpu.memory_space<hbm>> -> memref<1000000x32xf32, #tpu.memory_space<hbm>>
    tpu.enqueue_indirect_dma source(%dma_start3A_724 : memref<1000000x32xf32, #tpu.memory_space<hbm>>) target(%dma_start3A_718 : memref<50x32xf32, #tpu.memory_space<vmem>>) offsets(%dma_start3A_721 : memref<50xi32, #tpu.memory_space<vmem>>) semaphore(%arg13 : memref<!tpu.dma_semaphore, #tpu.memory_space<semaphore_mem>>)
    %dma_start3A_725 = arith.constant 7 : i32
    %dma_start3A_726 = arith.constant 3 : i32
    %dma_start3A_727 = arith.constant 7 : i32
    %dma_start3A_728 = arith.constant 0 : i32
    %dma_start3A_729 = arith.constant 0 : i32
    %dma_start3A_730 = tpu.memref_slice %arg9[%dma_start3A_726, %dma_start3A_727, %dma_start3A_728, %dma_start3A_729] : memref<4x16x50x32xf32, #tpu.memory_space<vmem>> -> memref<1x1x50x32xf32, #tpu.memory_space<vmem>>
    %dma_start3A_731 = tpu.memref_squeeze %dma_start3A_730 : memref<1x1x50x32xf32, #tpu.memory_space<vmem>> -> memref<50x32xf32, #tpu.memory_space<vmem>>
    %dma_start3A_732 = arith.constant 0 : i32
    %dma_start3A_733 = tpu.memref_slice %arg8[%dma_start3A_725, %dma_start3A_732] : memref<16x50xi32, #tpu.memory_space<vmem>> -> memref<1x50xi32, #tpu.memory_space<vmem>>
    %dma_start3A_734 = tpu.memref_squeeze %dma_start3A_733 : memref<1x50xi32, #tpu.memory_space<vmem>> -> memref<50xi32, #tpu.memory_space<vmem>>
    %dma_start3A_735 = arith.constant 0 : i32
    %dma_start3A_736 = arith.constant 0 : i32
    %dma_start3A_737 = tpu.memref_slice %arg3[%dma_start3A_735, %dma_start3A_736] : memref<1000000x32xf32, #tpu.memory_space<hbm>> -> memref<1000000x32xf32, #tpu.memory_space<hbm>>
    tpu.enqueue_indirect_dma source(%dma_start3A_737 : memref<1000000x32xf32, #tpu.memory_space<hbm>>) target(%dma_start3A_731 : memref<50x32xf32, #tpu.memory_space<vmem>>) offsets(%dma_start3A_734 : memref<50xi32, #tpu.memory_space<vmem>>) semaphore(%arg13 : memref<!tpu.dma_semaphore, #tpu.memory_space<semaphore_mem>>)
    %dma_start3A_738 = arith.constant 8 : i32
    %dma_start3A_739 = arith.constant 3 : i32
    %dma_start3A_740 = arith.constant 8 : i32
    %dma_start3A_741 = arith.constant 0 : i32
    %dma_start3A_742 = arith.constant 0 : i32
    %dma_start3A_743 = tpu.memref_slice %arg9[%dma_start3A_739, %dma_start3A_740, %dma_start3A_741, %dma_start3A_742] : memref<4x16x50x32xf32, #tpu.memory_space<vmem>> -> memref<1x1x50x32xf32, #tpu.memory_space<vmem>>
    %dma_start3A_744 = tpu.memref_squeeze %dma_start3A_743 : memref<1x1x50x32xf32, #tpu.memory_space<vmem>> -> memref<50x32xf32, #tpu.memory_space<vmem>>
    %dma_start3A_745 = arith.constant 0 : i32
    %dma_start3A_746 = tpu.memref_slice %arg8[%dma_start3A_738, %dma_start3A_745] : memref<16x50xi32, #tpu.memory_space<vmem>> -> memref<1x50xi32, #tpu.memory_space<vmem>>
    %dma_start3A_747 = tpu.memref_squeeze %dma_start3A_746 : memref<1x50xi32, #tpu.memory_space<vmem>> -> memref<50xi32, #tpu.memory_space<vmem>>
    %dma_start3A_748 = arith.constant 0 : i32
    %dma_start3A_749 = arith.constant 0 : i32
    %dma_start3A_750 = tpu.memref_slice %arg3[%dma_start3A_748, %dma_start3A_749] : memref<1000000x32xf32, #tpu.memory_space<hbm>> -> memref<1000000x32xf32, #tpu.memory_space<hbm>>
    tpu.enqueue_indirect_dma source(%dma_start3A_750 : memref<1000000x32xf32, #tpu.memory_space<hbm>>) target(%dma_start3A_744 : memref<50x32xf32, #tpu.memory_space<vmem>>) offsets(%dma_start3A_747 : memref<50xi32, #tpu.memory_space<vmem>>) semaphore(%arg13 : memref<!tpu.dma_semaphore, #tpu.memory_space<semaphore_mem>>)
    %dma_start3A_751 = arith.constant 9 : i32
    %dma_start3A_752 = arith.constant 3 : i32
    %dma_start3A_753 = arith.constant 9 : i32
    %dma_start3A_754 = arith.constant 0 : i32
    %dma_start3A_755 = arith.constant 0 : i32
    %dma_start3A_756 = tpu.memref_slice %arg9[%dma_start3A_752, %dma_start3A_753, %dma_start3A_754, %dma_start3A_755] : memref<4x16x50x32xf32, #tpu.memory_space<vmem>> -> memref<1x1x50x32xf32, #tpu.memory_space<vmem>>
    %dma_start3A_757 = tpu.memref_squeeze %dma_start3A_756 : memref<1x1x50x32xf32, #tpu.memory_space<vmem>> -> memref<50x32xf32, #tpu.memory_space<vmem>>
    %dma_start3A_758 = arith.constant 0 : i32
    %dma_start3A_759 = tpu.memref_slice %arg8[%dma_start3A_751, %dma_start3A_758] : memref<16x50xi32, #tpu.memory_space<vmem>> -> memref<1x50xi32, #tpu.memory_space<vmem>>
    %dma_start3A_760 = tpu.memref_squeeze %dma_start3A_759 : memref<1x50xi32, #tpu.memory_space<vmem>> -> memref<50xi32, #tpu.memory_space<vmem>>
    %dma_start3A_761 = arith.constant 0 : i32
    %dma_start3A_762 = arith.constant 0 : i32
    %dma_start3A_763 = tpu.memref_slice %arg3[%dma_start3A_761, %dma_start3A_762] : memref<1000000x32xf32, #tpu.memory_space<hbm>> -> memref<1000000x32xf32, #tpu.memory_space<hbm>>
    tpu.enqueue_indirect_dma source(%dma_start3A_763 : memref<1000000x32xf32, #tpu.memory_space<hbm>>) target(%dma_start3A_757 : memref<50x32xf32, #tpu.memory_space<vmem>>) offsets(%dma_start3A_760 : memref<50xi32, #tpu.memory_space<vmem>>) semaphore(%arg13 : memref<!tpu.dma_semaphore, #tpu.memory_space<semaphore_mem>>)
    %dma_start3A_764 = arith.constant 10 : i32
    %dma_start3A_765 = arith.constant 3 : i32
    %dma_start3A_766 = arith.constant 10 : i32
    %dma_start3A_767 = arith.constant 0 : i32
    %dma_start3A_768 = arith.constant 0 : i32
    %dma_start3A_769 = tpu.memref_slice %arg9[%dma_start3A_765, %dma_start3A_766, %dma_start3A_767, %dma_start3A_768] : memref<4x16x50x32xf32, #tpu.memory_space<vmem>> -> memref<1x1x50x32xf32, #tpu.memory_space<vmem>>
    %dma_start3A_770 = tpu.memref_squeeze %dma_start3A_769 : memref<1x1x50x32xf32, #tpu.memory_space<vmem>> -> memref<50x32xf32, #tpu.memory_space<vmem>>
    %dma_start3A_771 = arith.constant 0 : i32
    %dma_start3A_772 = tpu.memref_slice %arg8[%dma_start3A_764, %dma_start3A_771] : memref<16x50xi32, #tpu.memory_space<vmem>> -> memref<1x50xi32, #tpu.memory_space<vmem>>
    %dma_start3A_773 = tpu.memref_squeeze %dma_start3A_772 : memref<1x50xi32, #tpu.memory_space<vmem>> -> memref<50xi32, #tpu.memory_space<vmem>>
    %dma_start3A_774 = arith.constant 0 : i32
    %dma_start3A_775 = arith.constant 0 : i32
    %dma_start3A_776 = tpu.memref_slice %arg3[%dma_start3A_774, %dma_start3A_775] : memref<1000000x32xf32, #tpu.memory_space<hbm>> -> memref<1000000x32xf32, #tpu.memory_space<hbm>>
    tpu.enqueue_indirect_dma source(%dma_start3A_776 : memref<1000000x32xf32, #tpu.memory_space<hbm>>) target(%dma_start3A_770 : memref<50x32xf32, #tpu.memory_space<vmem>>) offsets(%dma_start3A_773 : memref<50xi32, #tpu.memory_space<vmem>>) semaphore(%arg13 : memref<!tpu.dma_semaphore, #tpu.memory_space<semaphore_mem>>)
    %dma_start3A_777 = arith.constant 11 : i32
    %dma_start3A_778 = arith.constant 3 : i32
    %dma_start3A_779 = arith.constant 11 : i32
    %dma_start3A_780 = arith.constant 0 : i32
    %dma_start3A_781 = arith.constant 0 : i32
    %dma_start3A_782 = tpu.memref_slice %arg9[%dma_start3A_778, %dma_start3A_779, %dma_start3A_780, %dma_start3A_781] : memref<4x16x50x32xf32, #tpu.memory_space<vmem>> -> memref<1x1x50x32xf32, #tpu.memory_space<vmem>>
    %dma_start3A_783 = tpu.memref_squeeze %dma_start3A_782 : memref<1x1x50x32xf32, #tpu.memory_space<vmem>> -> memref<50x32xf32, #tpu.memory_space<vmem>>
    %dma_start3A_784 = arith.constant 0 : i32
    %dma_start3A_785 = tpu.memref_slice %arg8[%dma_start3A_777, %dma_start3A_784] : memref<16x50xi32, #tpu.memory_space<vmem>> -> memref<1x50xi32, #tpu.memory_space<vmem>>
    %dma_start3A_786 = tpu.memref_squeeze %dma_start3A_785 : memref<1x50xi32, #tpu.memory_space<vmem>> -> memref<50xi32, #tpu.memory_space<vmem>>
    %dma_start3A_787 = arith.constant 0 : i32
    %dma_start3A_788 = arith.constant 0 : i32
    %dma_start3A_789 = tpu.memref_slice %arg3[%dma_start3A_787, %dma_start3A_788] : memref<1000000x32xf32, #tpu.memory_space<hbm>> -> memref<1000000x32xf32, #tpu.memory_space<hbm>>
    tpu.enqueue_indirect_dma source(%dma_start3A_789 : memref<1000000x32xf32, #tpu.memory_space<hbm>>) target(%dma_start3A_783 : memref<50x32xf32, #tpu.memory_space<vmem>>) offsets(%dma_start3A_786 : memref<50xi32, #tpu.memory_space<vmem>>) semaphore(%arg13 : memref<!tpu.dma_semaphore, #tpu.memory_space<semaphore_mem>>)
    %dma_start3A_790 = arith.constant 12 : i32
    %dma_start3A_791 = arith.constant 3 : i32
    %dma_start3A_792 = arith.constant 12 : i32
    %dma_start3A_793 = arith.constant 0 : i32
    %dma_start3A_794 = arith.constant 0 : i32
    %dma_start3A_795 = tpu.memref_slice %arg9[%dma_start3A_791, %dma_start3A_792, %dma_start3A_793, %dma_start3A_794] : memref<4x16x50x32xf32, #tpu.memory_space<vmem>> -> memref<1x1x50x32xf32, #tpu.memory_space<vmem>>
    %dma_start3A_796 = tpu.memref_squeeze %dma_start3A_795 : memref<1x1x50x32xf32, #tpu.memory_space<vmem>> -> memref<50x32xf32, #tpu.memory_space<vmem>>
    %dma_start3A_797 = arith.constant 0 : i32
    %dma_start3A_798 = tpu.memref_slice %arg8[%dma_start3A_790, %dma_start3A_797] : memref<16x50xi32, #tpu.memory_space<vmem>> -> memref<1x50xi32, #tpu.memory_space<vmem>>
    %dma_start3A_799 = tpu.memref_squeeze %dma_start3A_798 : memref<1x50xi32, #tpu.memory_space<vmem>> -> memref<50xi32, #tpu.memory_space<vmem>>
    %dma_start3A_800 = arith.constant 0 : i32
    %dma_start3A_801 = arith.constant 0 : i32
    %dma_start3A_802 = tpu.memref_slice %arg3[%dma_start3A_800, %dma_start3A_801] : memref<1000000x32xf32, #tpu.memory_space<hbm>> -> memref<1000000x32xf32, #tpu.memory_space<hbm>>
    tpu.enqueue_indirect_dma source(%dma_start3A_802 : memref<1000000x32xf32, #tpu.memory_space<hbm>>) target(%dma_start3A_796 : memref<50x32xf32, #tpu.memory_space<vmem>>) offsets(%dma_start3A_799 : memref<50xi32, #tpu.memory_space<vmem>>) semaphore(%arg13 : memref<!tpu.dma_semaphore, #tpu.memory_space<semaphore_mem>>)
    %dma_start3A_803 = arith.constant 13 : i32
    %dma_start3A_804 = arith.constant 3 : i32
    %dma_start3A_805 = arith.constant 13 : i32
    %dma_start3A_806 = arith.constant 0 : i32
    %dma_start3A_807 = arith.constant 0 : i32
    %dma_start3A_808 = tpu.memref_slice %arg9[%dma_start3A_804, %dma_start3A_805, %dma_start3A_806, %dma_start3A_807] : memref<4x16x50x32xf32, #tpu.memory_space<vmem>> -> memref<1x1x50x32xf32, #tpu.memory_space<vmem>>
    %dma_start3A_809 = tpu.memref_squeeze %dma_start3A_808 : memref<1x1x50x32xf32, #tpu.memory_space<vmem>> -> memref<50x32xf32, #tpu.memory_space<vmem>>
    %dma_start3A_810 = arith.constant 0 : i32
    %dma_start3A_811 = tpu.memref_slice %arg8[%dma_start3A_803, %dma_start3A_810] : memref<16x50xi32, #tpu.memory_space<vmem>> -> memref<1x50xi32, #tpu.memory_space<vmem>>
    %dma_start3A_812 = tpu.memref_squeeze %dma_start3A_811 : memref<1x50xi32, #tpu.memory_space<vmem>> -> memref<50xi32, #tpu.memory_space<vmem>>
    %dma_start3A_813 = arith.constant 0 : i32
    %dma_start3A_814 = arith.constant 0 : i32
    %dma_start3A_815 = tpu.memref_slice %arg3[%dma_start3A_813, %dma_start3A_814] : memref<1000000x32xf32, #tpu.memory_space<hbm>> -> memref<1000000x32xf32, #tpu.memory_space<hbm>>
    tpu.enqueue_indirect_dma source(%dma_start3A_815 : memref<1000000x32xf32, #tpu.memory_space<hbm>>) target(%dma_start3A_809 : memref<50x32xf32, #tpu.memory_space<vmem>>) offsets(%dma_start3A_812 : memref<50xi32, #tpu.memory_space<vmem>>) semaphore(%arg13 : memref<!tpu.dma_semaphore, #tpu.memory_space<semaphore_mem>>)
    %dma_start3A_816 = arith.constant 14 : i32
    %dma_start3A_817 = arith.constant 3 : i32
    %dma_start3A_818 = arith.constant 14 : i32
    %dma_start3A_819 = arith.constant 0 : i32
    %dma_start3A_820 = arith.constant 0 : i32
    %dma_start3A_821 = tpu.memref_slice %arg9[%dma_start3A_817, %dma_start3A_818, %dma_start3A_819, %dma_start3A_820] : memref<4x16x50x32xf32, #tpu.memory_space<vmem>> -> memref<1x1x50x32xf32, #tpu.memory_space<vmem>>
    %dma_start3A_822 = tpu.memref_squeeze %dma_start3A_821 : memref<1x1x50x32xf32, #tpu.memory_space<vmem>> -> memref<50x32xf32, #tpu.memory_space<vmem>>
    %dma_start3A_823 = arith.constant 0 : i32
    %dma_start3A_824 = tpu.memref_slice %arg8[%dma_start3A_816, %dma_start3A_823] : memref<16x50xi32, #tpu.memory_space<vmem>> -> memref<1x50xi32, #tpu.memory_space<vmem>>
    %dma_start3A_825 = tpu.memref_squeeze %dma_start3A_824 : memref<1x50xi32, #tpu.memory_space<vmem>> -> memref<50xi32, #tpu.memory_space<vmem>>
    %dma_start3A_826 = arith.constant 0 : i32
    %dma_start3A_827 = arith.constant 0 : i32
    %dma_start3A_828 = tpu.memref_slice %arg3[%dma_start3A_826, %dma_start3A_827] : memref<1000000x32xf32, #tpu.memory_space<hbm>> -> memref<1000000x32xf32, #tpu.memory_space<hbm>>
    tpu.enqueue_indirect_dma source(%dma_start3A_828 : memref<1000000x32xf32, #tpu.memory_space<hbm>>) target(%dma_start3A_822 : memref<50x32xf32, #tpu.memory_space<vmem>>) offsets(%dma_start3A_825 : memref<50xi32, #tpu.memory_space<vmem>>) semaphore(%arg13 : memref<!tpu.dma_semaphore, #tpu.memory_space<semaphore_mem>>)
    %dma_start3A_829 = arith.constant 15 : i32
    %dma_start3A_830 = arith.constant 3 : i32
    %dma_start3A_831 = arith.constant 15 : i32
    %dma_start3A_832 = arith.constant 0 : i32
    %dma_start3A_833 = arith.constant 0 : i32
    %dma_start3A_834 = tpu.memref_slice %arg9[%dma_start3A_830, %dma_start3A_831, %dma_start3A_832, %dma_start3A_833] : memref<4x16x50x32xf32, #tpu.memory_space<vmem>> -> memref<1x1x50x32xf32, #tpu.memory_space<vmem>>
    %dma_start3A_835 = tpu.memref_squeeze %dma_start3A_834 : memref<1x1x50x32xf32, #tpu.memory_space<vmem>> -> memref<50x32xf32, #tpu.memory_space<vmem>>
    %dma_start3A_836 = arith.constant 0 : i32
    %dma_start3A_837 = tpu.memref_slice %arg8[%dma_start3A_829, %dma_start3A_836] : memref<16x50xi32, #tpu.memory_space<vmem>> -> memref<1x50xi32, #tpu.memory_space<vmem>>
    %dma_start3A_838 = tpu.memref_squeeze %dma_start3A_837 : memref<1x50xi32, #tpu.memory_space<vmem>> -> memref<50xi32, #tpu.memory_space<vmem>>
    %dma_start3A_839 = arith.constant 0 : i32
    %dma_start3A_840 = arith.constant 0 : i32
    %dma_start3A_841 = tpu.memref_slice %arg3[%dma_start3A_839, %dma_start3A_840] : memref<1000000x32xf32, #tpu.memory_space<hbm>> -> memref<1000000x32xf32, #tpu.memory_space<hbm>>
    tpu.enqueue_indirect_dma source(%dma_start3A_841 : memref<1000000x32xf32, #tpu.memory_space<hbm>>) target(%dma_start3A_835 : memref<50x32xf32, #tpu.memory_space<vmem>>) offsets(%dma_start3A_838 : memref<50xi32, #tpu.memory_space<vmem>>) semaphore(%arg13 : memref<!tpu.dma_semaphore, #tpu.memory_space<semaphore_mem>>)
    %scan3A = arith.constant 0 : i32
    %scan3A_842 = arith.constant 8 : i32
    %scan3A_843 = arith.addi %scan3A, %scan3A_842 : i32
    %scan3A_844 = arith.constant 1 : i32
    scf.for %scan3A_846 = %scan3A to %scan3A_843 step %scan3A_844  : i32 {
      %mul3A_847 = arith.constant 4 : i32
      %mul3A_848 = arith.muli %scan3A_846, %mul3A_847 : i32
      %add3A_849 = arith.constant 0 : i32
      %add3A_850 = arith.addi %mul3A_848, %add3A_849 : i32
      %dma_wait3A = arith.constant 0 : i32
      %dma_wait3A_851 = arith.constant 0 : i32
      %dma_wait3A_852 = arith.constant 0 : i32
      %dma_wait3A_853 = arith.constant 0 : i32
      %dma_wait3A_854 = arith.constant 0 : i32
      %dma_wait3A_855 = tpu.memref_slice %arg9[%dma_wait3A_851, %dma_wait3A_852, %dma_wait3A_853, %dma_wait3A_854] : memref<4x16x50x32xf32, #tpu.memory_space<vmem>> -> memref<1x1x50x32xf32, #tpu.memory_space<vmem>>
      %dma_wait3A_856 = tpu.memref_squeeze %dma_wait3A_855 : memref<1x1x50x32xf32, #tpu.memory_space<vmem>> -> memref<50x32xf32, #tpu.memory_space<vmem>>
      %dma_wait3A_857 = arith.constant 0 : i32
      %dma_wait3A_858 = tpu.memref_slice %arg5[%dma_wait3A, %dma_wait3A_857] : memref<16x50xi32, #tpu.memory_space<vmem>> -> memref<1x50xi32, #tpu.memory_space<vmem>>
      %dma_wait3A_859 = tpu.memref_squeeze %dma_wait3A_858 : memref<1x50xi32, #tpu.memory_space<vmem>> -> memref<50xi32, #tpu.memory_space<vmem>>
      %dma_wait3A_860 = arith.constant 0 : i32
      %dma_wait3A_861 = arith.constant 0 : i32
      %dma_wait3A_862 = tpu.memref_slice %arg3[%dma_wait3A_860, %dma_wait3A_861] : memref<1000000x32xf32, #tpu.memory_space<hbm>> -> memref<1000000x32xf32, #tpu.memory_space<hbm>>
      tpu.wait_indirect_dma semaphore(%arg10 : memref<!tpu.dma_semaphore, #tpu.memory_space<semaphore_mem>>) src(%dma_wait3A_862 : memref<1000000x32xf32, #tpu.memory_space<hbm>>) dst(%dma_wait3A_856 : memref<50x32xf32, #tpu.memory_space<vmem>>)
      %dma_wait3A_863 = arith.constant 1 : i32
      %dma_wait3A_864 = arith.constant 0 : i32
      %dma_wait3A_865 = arith.constant 1 : i32
      %dma_wait3A_866 = arith.constant 0 : i32
      %dma_wait3A_867 = arith.constant 0 : i32
      %dma_wait3A_868 = tpu.memref_slice %arg9[%dma_wait3A_864, %dma_wait3A_865, %dma_wait3A_866, %dma_wait3A_867] : memref<4x16x50x32xf32, #tpu.memory_space<vmem>> -> memref<1x1x50x32xf32, #tpu.memory_space<vmem>>
      %dma_wait3A_869 = tpu.memref_squeeze %dma_wait3A_868 : memref<1x1x50x32xf32, #tpu.memory_space<vmem>> -> memref<50x32xf32, #tpu.memory_space<vmem>>
      %dma_wait3A_870 = arith.constant 0 : i32
      %dma_wait3A_871 = tpu.memref_slice %arg5[%dma_wait3A_863, %dma_wait3A_870] : memref<16x50xi32, #tpu.memory_space<vmem>> -> memref<1x50xi32, #tpu.memory_space<vmem>>
      %dma_wait3A_872 = tpu.memref_squeeze %dma_wait3A_871 : memref<1x50xi32, #tpu.memory_space<vmem>> -> memref<50xi32, #tpu.memory_space<vmem>>
      %dma_wait3A_873 = arith.constant 0 : i32
      %dma_wait3A_874 = arith.constant 0 : i32
      %dma_wait3A_875 = tpu.memref_slice %arg3[%dma_wait3A_873, %dma_wait3A_874] : memref<1000000x32xf32, #tpu.memory_space<hbm>> -> memref<1000000x32xf32, #tpu.memory_space<hbm>>
      tpu.wait_indirect_dma semaphore(%arg10 : memref<!tpu.dma_semaphore, #tpu.memory_space<semaphore_mem>>) src(%dma_wait3A_875 : memref<1000000x32xf32, #tpu.memory_space<hbm>>) dst(%dma_wait3A_869 : memref<50x32xf32, #tpu.memory_space<vmem>>)
      %dma_wait3A_876 = arith.constant 2 : i32
      %dma_wait3A_877 = arith.constant 0 : i32
      %dma_wait3A_878 = arith.constant 2 : i32
      %dma_wait3A_879 = arith.constant 0 : i32
      %dma_wait3A_880 = arith.constant 0 : i32
      %dma_wait3A_881 = tpu.memref_slice %arg9[%dma_wait3A_877, %dma_wait3A_878, %dma_wait3A_879, %dma_wait3A_880] : memref<4x16x50x32xf32, #tpu.memory_space<vmem>> -> memref<1x1x50x32xf32, #tpu.memory_space<vmem>>
      %dma_wait3A_882 = tpu.memref_squeeze %dma_wait3A_881 : memref<1x1x50x32xf32, #tpu.memory_space<vmem>> -> memref<50x32xf32, #tpu.memory_space<vmem>>
      %dma_wait3A_883 = arith.constant 0 : i32
      %dma_wait3A_884 = tpu.memref_slice %arg5[%dma_wait3A_876, %dma_wait3A_883] : memref<16x50xi32, #tpu.memory_space<vmem>> -> memref<1x50xi32, #tpu.memory_space<vmem>>
      %dma_wait3A_885 = tpu.memref_squeeze %dma_wait3A_884 : memref<1x50xi32, #tpu.memory_space<vmem>> -> memref<50xi32, #tpu.memory_space<vmem>>
      %dma_wait3A_886 = arith.constant 0 : i32
      %dma_wait3A_887 = arith.constant 0 : i32
      %dma_wait3A_888 = tpu.memref_slice %arg3[%dma_wait3A_886, %dma_wait3A_887] : memref<1000000x32xf32, #tpu.memory_space<hbm>> -> memref<1000000x32xf32, #tpu.memory_space<hbm>>
      tpu.wait_indirect_dma semaphore(%arg10 : memref<!tpu.dma_semaphore, #tpu.memory_space<semaphore_mem>>) src(%dma_wait3A_888 : memref<1000000x32xf32, #tpu.memory_space<hbm>>) dst(%dma_wait3A_882 : memref<50x32xf32, #tpu.memory_space<vmem>>)
      %dma_wait3A_889 = arith.constant 3 : i32
      %dma_wait3A_890 = arith.constant 0 : i32
      %dma_wait3A_891 = arith.constant 3 : i32
      %dma_wait3A_892 = arith.constant 0 : i32
      %dma_wait3A_893 = arith.constant 0 : i32
      %dma_wait3A_894 = tpu.memref_slice %arg9[%dma_wait3A_890, %dma_wait3A_891, %dma_wait3A_892, %dma_wait3A_893] : memref<4x16x50x32xf32, #tpu.memory_space<vmem>> -> memref<1x1x50x32xf32, #tpu.memory_space<vmem>>
      %dma_wait3A_895 = tpu.memref_squeeze %dma_wait3A_894 : memref<1x1x50x32xf32, #tpu.memory_space<vmem>> -> memref<50x32xf32, #tpu.memory_space<vmem>>
      %dma_wait3A_896 = arith.constant 0 : i32
      %dma_wait3A_897 = tpu.memref_slice %arg5[%dma_wait3A_889, %dma_wait3A_896] : memref<16x50xi32, #tpu.memory_space<vmem>> -> memref<1x50xi32, #tpu.memory_space<vmem>>
      %dma_wait3A_898 = tpu.memref_squeeze %dma_wait3A_897 : memref<1x50xi32, #tpu.memory_space<vmem>> -> memref<50xi32, #tpu.memory_space<vmem>>
      %dma_wait3A_899 = arith.constant 0 : i32
      %dma_wait3A_900 = arith.constant 0 : i32
      %dma_wait3A_901 = tpu.memref_slice %arg3[%dma_wait3A_899, %dma_wait3A_900] : memref<1000000x32xf32, #tpu.memory_space<hbm>> -> memref<1000000x32xf32, #tpu.memory_space<hbm>>
      tpu.wait_indirect_dma semaphore(%arg10 : memref<!tpu.dma_semaphore, #tpu.memory_space<semaphore_mem>>) src(%dma_wait3A_901 : memref<1000000x32xf32, #tpu.memory_space<hbm>>) dst(%dma_wait3A_895 : memref<50x32xf32, #tpu.memory_space<vmem>>)
      %dma_wait3A_902 = arith.constant 4 : i32
      %dma_wait3A_903 = arith.constant 0 : i32
      %dma_wait3A_904 = arith.constant 4 : i32
      %dma_wait3A_905 = arith.constant 0 : i32
      %dma_wait3A_906 = arith.constant 0 : i32
      %dma_wait3A_907 = tpu.memref_slice %arg9[%dma_wait3A_903, %dma_wait3A_904, %dma_wait3A_905, %dma_wait3A_906] : memref<4x16x50x32xf32, #tpu.memory_space<vmem>> -> memref<1x1x50x32xf32, #tpu.memory_space<vmem>>
      %dma_wait3A_908 = tpu.memref_squeeze %dma_wait3A_907 : memref<1x1x50x32xf32, #tpu.memory_space<vmem>> -> memref<50x32xf32, #tpu.memory_space<vmem>>
      %dma_wait3A_909 = arith.constant 0 : i32
      %dma_wait3A_910 = tpu.memref_slice %arg5[%dma_wait3A_902, %dma_wait3A_909] : memref<16x50xi32, #tpu.memory_space<vmem>> -> memref<1x50xi32, #tpu.memory_space<vmem>>
      %dma_wait3A_911 = tpu.memref_squeeze %dma_wait3A_910 : memref<1x50xi32, #tpu.memory_space<vmem>> -> memref<50xi32, #tpu.memory_space<vmem>>
      %dma_wait3A_912 = arith.constant 0 : i32
      %dma_wait3A_913 = arith.constant 0 : i32
      %dma_wait3A_914 = tpu.memref_slice %arg3[%dma_wait3A_912, %dma_wait3A_913] : memref<1000000x32xf32, #tpu.memory_space<hbm>> -> memref<1000000x32xf32, #tpu.memory_space<hbm>>
      tpu.wait_indirect_dma semaphore(%arg10 : memref<!tpu.dma_semaphore, #tpu.memory_space<semaphore_mem>>) src(%dma_wait3A_914 : memref<1000000x32xf32, #tpu.memory_space<hbm>>) dst(%dma_wait3A_908 : memref<50x32xf32, #tpu.memory_space<vmem>>)
      %dma_wait3A_915 = arith.constant 5 : i32
      %dma_wait3A_916 = arith.constant 0 : i32
      %dma_wait3A_917 = arith.constant 5 : i32
      %dma_wait3A_918 = arith.constant 0 : i32
      %dma_wait3A_919 = arith.constant 0 : i32
      %dma_wait3A_920 = tpu.memref_slice %arg9[%dma_wait3A_916, %dma_wait3A_917, %dma_wait3A_918, %dma_wait3A_919] : memref<4x16x50x32xf32, #tpu.memory_space<vmem>> -> memref<1x1x50x32xf32, #tpu.memory_space<vmem>>
      %dma_wait3A_921 = tpu.memref_squeeze %dma_wait3A_920 : memref<1x1x50x32xf32, #tpu.memory_space<vmem>> -> memref<50x32xf32, #tpu.memory_space<vmem>>
      %dma_wait3A_922 = arith.constant 0 : i32
      %dma_wait3A_923 = tpu.memref_slice %arg5[%dma_wait3A_915, %dma_wait3A_922] : memref<16x50xi32, #tpu.memory_space<vmem>> -> memref<1x50xi32, #tpu.memory_space<vmem>>
      %dma_wait3A_924 = tpu.memref_squeeze %dma_wait3A_923 : memref<1x50xi32, #tpu.memory_space<vmem>> -> memref<50xi32, #tpu.memory_space<vmem>>
      %dma_wait3A_925 = arith.constant 0 : i32
      %dma_wait3A_926 = arith.constant 0 : i32
      %dma_wait3A_927 = tpu.memref_slice %arg3[%dma_wait3A_925, %dma_wait3A_926] : memref<1000000x32xf32, #tpu.memory_space<hbm>> -> memref<1000000x32xf32, #tpu.memory_space<hbm>>
      tpu.wait_indirect_dma semaphore(%arg10 : memref<!tpu.dma_semaphore, #tpu.memory_space<semaphore_mem>>) src(%dma_wait3A_927 : memref<1000000x32xf32, #tpu.memory_space<hbm>>) dst(%dma_wait3A_921 : memref<50x32xf32, #tpu.memory_space<vmem>>)
      %dma_wait3A_928 = arith.constant 6 : i32
      %dma_wait3A_929 = arith.constant 0 : i32
      %dma_wait3A_930 = arith.constant 6 : i32
      %dma_wait3A_931 = arith.constant 0 : i32
      %dma_wait3A_932 = arith.constant 0 : i32
      %dma_wait3A_933 = tpu.memref_slice %arg9[%dma_wait3A_929, %dma_wait3A_930, %dma_wait3A_931, %dma_wait3A_932] : memref<4x16x50x32xf32, #tpu.memory_space<vmem>> -> memref<1x1x50x32xf32, #tpu.memory_space<vmem>>
      %dma_wait3A_934 = tpu.memref_squeeze %dma_wait3A_933 : memref<1x1x50x32xf32, #tpu.memory_space<vmem>> -> memref<50x32xf32, #tpu.memory_space<vmem>>
      %dma_wait3A_935 = arith.constant 0 : i32
      %dma_wait3A_936 = tpu.memref_slice %arg5[%dma_wait3A_928, %dma_wait3A_935] : memref<16x50xi32, #tpu.memory_space<vmem>> -> memref<1x50xi32, #tpu.memory_space<vmem>>
      %dma_wait3A_937 = tpu.memref_squeeze %dma_wait3A_936 : memref<1x50xi32, #tpu.memory_space<vmem>> -> memref<50xi32, #tpu.memory_space<vmem>>
      %dma_wait3A_938 = arith.constant 0 : i32
      %dma_wait3A_939 = arith.constant 0 : i32
      %dma_wait3A_940 = tpu.memref_slice %arg3[%dma_wait3A_938, %dma_wait3A_939] : memref<1000000x32xf32, #tpu.memory_space<hbm>> -> memref<1000000x32xf32, #tpu.memory_space<hbm>>
      tpu.wait_indirect_dma semaphore(%arg10 : memref<!tpu.dma_semaphore, #tpu.memory_space<semaphore_mem>>) src(%dma_wait3A_940 : memref<1000000x32xf32, #tpu.memory_space<hbm>>) dst(%dma_wait3A_934 : memref<50x32xf32, #tpu.memory_space<vmem>>)
      %dma_wait3A_941 = arith.constant 7 : i32
      %dma_wait3A_942 = arith.constant 0 : i32
      %dma_wait3A_943 = arith.constant 7 : i32
      %dma_wait3A_944 = arith.constant 0 : i32
      %dma_wait3A_945 = arith.constant 0 : i32
      %dma_wait3A_946 = tpu.memref_slice %arg9[%dma_wait3A_942, %dma_wait3A_943, %dma_wait3A_944, %dma_wait3A_945] : memref<4x16x50x32xf32, #tpu.memory_space<vmem>> -> memref<1x1x50x32xf32, #tpu.memory_space<vmem>>
      %dma_wait3A_947 = tpu.memref_squeeze %dma_wait3A_946 : memref<1x1x50x32xf32, #tpu.memory_space<vmem>> -> memref<50x32xf32, #tpu.memory_space<vmem>>
      %dma_wait3A_948 = arith.constant 0 : i32
      %dma_wait3A_949 = tpu.memref_slice %arg5[%dma_wait3A_941, %dma_wait3A_948] : memref<16x50xi32, #tpu.memory_space<vmem>> -> memref<1x50xi32, #tpu.memory_space<vmem>>
      %dma_wait3A_950 = tpu.memref_squeeze %dma_wait3A_949 : memref<1x50xi32, #tpu.memory_space<vmem>> -> memref<50xi32, #tpu.memory_space<vmem>>
      %dma_wait3A_951 = arith.constant 0 : i32
      %dma_wait3A_952 = arith.constant 0 : i32
      %dma_wait3A_953 = tpu.memref_slice %arg3[%dma_wait3A_951, %dma_wait3A_952] : memref<1000000x32xf32, #tpu.memory_space<hbm>> -> memref<1000000x32xf32, #tpu.memory_space<hbm>>
      tpu.wait_indirect_dma semaphore(%arg10 : memref<!tpu.dma_semaphore, #tpu.memory_space<semaphore_mem>>) src(%dma_wait3A_953 : memref<1000000x32xf32, #tpu.memory_space<hbm>>) dst(%dma_wait3A_947 : memref<50x32xf32, #tpu.memory_space<vmem>>)
      %dma_wait3A_954 = arith.constant 8 : i32
      %dma_wait3A_955 = arith.constant 0 : i32
      %dma_wait3A_956 = arith.constant 8 : i32
      %dma_wait3A_957 = arith.constant 0 : i32
      %dma_wait3A_958 = arith.constant 0 : i32
      %dma_wait3A_959 = tpu.memref_slice %arg9[%dma_wait3A_955, %dma_wait3A_956, %dma_wait3A_957, %dma_wait3A_958] : memref<4x16x50x32xf32, #tpu.memory_space<vmem>> -> memref<1x1x50x32xf32, #tpu.memory_space<vmem>>
      %dma_wait3A_960 = tpu.memref_squeeze %dma_wait3A_959 : memref<1x1x50x32xf32, #tpu.memory_space<vmem>> -> memref<50x32xf32, #tpu.memory_space<vmem>>
      %dma_wait3A_961 = arith.constant 0 : i32
      %dma_wait3A_962 = tpu.memref_slice %arg5[%dma_wait3A_954, %dma_wait3A_961] : memref<16x50xi32, #tpu.memory_space<vmem>> -> memref<1x50xi32, #tpu.memory_space<vmem>>
      %dma_wait3A_963 = tpu.memref_squeeze %dma_wait3A_962 : memref<1x50xi32, #tpu.memory_space<vmem>> -> memref<50xi32, #tpu.memory_space<vmem>>
      %dma_wait3A_964 = arith.constant 0 : i32
      %dma_wait3A_965 = arith.constant 0 : i32
      %dma_wait3A_966 = tpu.memref_slice %arg3[%dma_wait3A_964, %dma_wait3A_965] : memref<1000000x32xf32, #tpu.memory_space<hbm>> -> memref<1000000x32xf32, #tpu.memory_space<hbm>>
      tpu.wait_indirect_dma semaphore(%arg10 : memref<!tpu.dma_semaphore, #tpu.memory_space<semaphore_mem>>) src(%dma_wait3A_966 : memref<1000000x32xf32, #tpu.memory_space<hbm>>) dst(%dma_wait3A_960 : memref<50x32xf32, #tpu.memory_space<vmem>>)
      %dma_wait3A_967 = arith.constant 9 : i32
      %dma_wait3A_968 = arith.constant 0 : i32
      %dma_wait3A_969 = arith.constant 9 : i32
      %dma_wait3A_970 = arith.constant 0 : i32
      %dma_wait3A_971 = arith.constant 0 : i32
      %dma_wait3A_972 = tpu.memref_slice %arg9[%dma_wait3A_968, %dma_wait3A_969, %dma_wait3A_970, %dma_wait3A_971] : memref<4x16x50x32xf32, #tpu.memory_space<vmem>> -> memref<1x1x50x32xf32, #tpu.memory_space<vmem>>
      %dma_wait3A_973 = tpu.memref_squeeze %dma_wait3A_972 : memref<1x1x50x32xf32, #tpu.memory_space<vmem>> -> memref<50x32xf32, #tpu.memory_space<vmem>>
      %dma_wait3A_974 = arith.constant 0 : i32
      %dma_wait3A_975 = tpu.memref_slice %arg5[%dma_wait3A_967, %dma_wait3A_974] : memref<16x50xi32, #tpu.memory_space<vmem>> -> memref<1x50xi32, #tpu.memory_space<vmem>>
      %dma_wait3A_976 = tpu.memref_squeeze %dma_wait3A_975 : memref<1x50xi32, #tpu.memory_space<vmem>> -> memref<50xi32, #tpu.memory_space<vmem>>
      %dma_wait3A_977 = arith.constant 0 : i32
      %dma_wait3A_978 = arith.constant 0 : i32
      %dma_wait3A_979 = tpu.memref_slice %arg3[%dma_wait3A_977, %dma_wait3A_978] : memref<1000000x32xf32, #tpu.memory_space<hbm>> -> memref<1000000x32xf32, #tpu.memory_space<hbm>>
      tpu.wait_indirect_dma semaphore(%arg10 : memref<!tpu.dma_semaphore, #tpu.memory_space<semaphore_mem>>) src(%dma_wait3A_979 : memref<1000000x32xf32, #tpu.memory_space<hbm>>) dst(%dma_wait3A_973 : memref<50x32xf32, #tpu.memory_space<vmem>>)
      %dma_wait3A_980 = arith.constant 10 : i32
      %dma_wait3A_981 = arith.constant 0 : i32
      %dma_wait3A_982 = arith.constant 10 : i32
      %dma_wait3A_983 = arith.constant 0 : i32
      %dma_wait3A_984 = arith.constant 0 : i32
      %dma_wait3A_985 = tpu.memref_slice %arg9[%dma_wait3A_981, %dma_wait3A_982, %dma_wait3A_983, %dma_wait3A_984] : memref<4x16x50x32xf32, #tpu.memory_space<vmem>> -> memref<1x1x50x32xf32, #tpu.memory_space<vmem>>
      %dma_wait3A_986 = tpu.memref_squeeze %dma_wait3A_985 : memref<1x1x50x32xf32, #tpu.memory_space<vmem>> -> memref<50x32xf32, #tpu.memory_space<vmem>>
      %dma_wait3A_987 = arith.constant 0 : i32
      %dma_wait3A_988 = tpu.memref_slice %arg5[%dma_wait3A_980, %dma_wait3A_987] : memref<16x50xi32, #tpu.memory_space<vmem>> -> memref<1x50xi32, #tpu.memory_space<vmem>>
      %dma_wait3A_989 = tpu.memref_squeeze %dma_wait3A_988 : memref<1x50xi32, #tpu.memory_space<vmem>> -> memref<50xi32, #tpu.memory_space<vmem>>
      %dma_wait3A_990 = arith.constant 0 : i32
      %dma_wait3A_991 = arith.constant 0 : i32
      %dma_wait3A_992 = tpu.memref_slice %arg3[%dma_wait3A_990, %dma_wait3A_991] : memref<1000000x32xf32, #tpu.memory_space<hbm>> -> memref<1000000x32xf32, #tpu.memory_space<hbm>>
      tpu.wait_indirect_dma semaphore(%arg10 : memref<!tpu.dma_semaphore, #tpu.memory_space<semaphore_mem>>) src(%dma_wait3A_992 : memref<1000000x32xf32, #tpu.memory_space<hbm>>) dst(%dma_wait3A_986 : memref<50x32xf32, #tpu.memory_space<vmem>>)
      %dma_wait3A_993 = arith.constant 11 : i32
      %dma_wait3A_994 = arith.constant 0 : i32
      %dma_wait3A_995 = arith.constant 11 : i32
      %dma_wait3A_996 = arith.constant 0 : i32
      %dma_wait3A_997 = arith.constant 0 : i32
      %dma_wait3A_998 = tpu.memref_slice %arg9[%dma_wait3A_994, %dma_wait3A_995, %dma_wait3A_996, %dma_wait3A_997] : memref<4x16x50x32xf32, #tpu.memory_space<vmem>> -> memref<1x1x50x32xf32, #tpu.memory_space<vmem>>
      %dma_wait3A_999 = tpu.memref_squeeze %dma_wait3A_998 : memref<1x1x50x32xf32, #tpu.memory_space<vmem>> -> memref<50x32xf32, #tpu.memory_space<vmem>>
      %dma_wait3A_1000 = arith.constant 0 : i32
      %dma_wait3A_1001 = tpu.memref_slice %arg5[%dma_wait3A_993, %dma_wait3A_1000] : memref<16x50xi32, #tpu.memory_space<vmem>> -> memref<1x50xi32, #tpu.memory_space<vmem>>
      %dma_wait3A_1002 = tpu.memref_squeeze %dma_wait3A_1001 : memref<1x50xi32, #tpu.memory_space<vmem>> -> memref<50xi32, #tpu.memory_space<vmem>>
      %dma_wait3A_1003 = arith.constant 0 : i32
      %dma_wait3A_1004 = arith.constant 0 : i32
      %dma_wait3A_1005 = tpu.memref_slice %arg3[%dma_wait3A_1003, %dma_wait3A_1004] : memref<1000000x32xf32, #tpu.memory_space<hbm>> -> memref<1000000x32xf32, #tpu.memory_space<hbm>>
      tpu.wait_indirect_dma semaphore(%arg10 : memref<!tpu.dma_semaphore, #tpu.memory_space<semaphore_mem>>) src(%dma_wait3A_1005 : memref<1000000x32xf32, #tpu.memory_space<hbm>>) dst(%dma_wait3A_999 : memref<50x32xf32, #tpu.memory_space<vmem>>)
      %dma_wait3A_1006 = arith.constant 12 : i32
      %dma_wait3A_1007 = arith.constant 0 : i32
      %dma_wait3A_1008 = arith.constant 12 : i32
      %dma_wait3A_1009 = arith.constant 0 : i32
      %dma_wait3A_1010 = arith.constant 0 : i32
      %dma_wait3A_1011 = tpu.memref_slice %arg9[%dma_wait3A_1007, %dma_wait3A_1008, %dma_wait3A_1009, %dma_wait3A_1010] : memref<4x16x50x32xf32, #tpu.memory_space<vmem>> -> memref<1x1x50x32xf32, #tpu.memory_space<vmem>>
      %dma_wait3A_1012 = tpu.memref_squeeze %dma_wait3A_1011 : memref<1x1x50x32xf32, #tpu.memory_space<vmem>> -> memref<50x32xf32, #tpu.memory_space<vmem>>
      %dma_wait3A_1013 = arith.constant 0 : i32
      %dma_wait3A_1014 = tpu.memref_slice %arg5[%dma_wait3A_1006, %dma_wait3A_1013] : memref<16x50xi32, #tpu.memory_space<vmem>> -> memref<1x50xi32, #tpu.memory_space<vmem>>
      %dma_wait3A_1015 = tpu.memref_squeeze %dma_wait3A_1014 : memref<1x50xi32, #tpu.memory_space<vmem>> -> memref<50xi32, #tpu.memory_space<vmem>>
      %dma_wait3A_1016 = arith.constant 0 : i32
      %dma_wait3A_1017 = arith.constant 0 : i32
      %dma_wait3A_1018 = tpu.memref_slice %arg3[%dma_wait3A_1016, %dma_wait3A_1017] : memref<1000000x32xf32, #tpu.memory_space<hbm>> -> memref<1000000x32xf32, #tpu.memory_space<hbm>>
      tpu.wait_indirect_dma semaphore(%arg10 : memref<!tpu.dma_semaphore, #tpu.memory_space<semaphore_mem>>) src(%dma_wait3A_1018 : memref<1000000x32xf32, #tpu.memory_space<hbm>>) dst(%dma_wait3A_1012 : memref<50x32xf32, #tpu.memory_space<vmem>>)
      %dma_wait3A_1019 = arith.constant 13 : i32
      %dma_wait3A_1020 = arith.constant 0 : i32
      %dma_wait3A_1021 = arith.constant 13 : i32
      %dma_wait3A_1022 = arith.constant 0 : i32
      %dma_wait3A_1023 = arith.constant 0 : i32
      %dma_wait3A_1024 = tpu.memref_slice %arg9[%dma_wait3A_1020, %dma_wait3A_1021, %dma_wait3A_1022, %dma_wait3A_1023] : memref<4x16x50x32xf32, #tpu.memory_space<vmem>> -> memref<1x1x50x32xf32, #tpu.memory_space<vmem>>
      %dma_wait3A_1025 = tpu.memref_squeeze %dma_wait3A_1024 : memref<1x1x50x32xf32, #tpu.memory_space<vmem>> -> memref<50x32xf32, #tpu.memory_space<vmem>>
      %dma_wait3A_1026 = arith.constant 0 : i32
      %dma_wait3A_1027 = tpu.memref_slice %arg5[%dma_wait3A_1019, %dma_wait3A_1026] : memref<16x50xi32, #tpu.memory_space<vmem>> -> memref<1x50xi32, #tpu.memory_space<vmem>>
      %dma_wait3A_1028 = tpu.memref_squeeze %dma_wait3A_1027 : memref<1x50xi32, #tpu.memory_space<vmem>> -> memref<50xi32, #tpu.memory_space<vmem>>
      %dma_wait3A_1029 = arith.constant 0 : i32
      %dma_wait3A_1030 = arith.constant 0 : i32
      %dma_wait3A_1031 = tpu.memref_slice %arg3[%dma_wait3A_1029, %dma_wait3A_1030] : memref<1000000x32xf32, #tpu.memory_space<hbm>> -> memref<1000000x32xf32, #tpu.memory_space<hbm>>
      tpu.wait_indirect_dma semaphore(%arg10 : memref<!tpu.dma_semaphore, #tpu.memory_space<semaphore_mem>>) src(%dma_wait3A_1031 : memref<1000000x32xf32, #tpu.memory_space<hbm>>) dst(%dma_wait3A_1025 : memref<50x32xf32, #tpu.memory_space<vmem>>)
      %dma_wait3A_1032 = arith.constant 14 : i32
      %dma_wait3A_1033 = arith.constant 0 : i32
      %dma_wait3A_1034 = arith.constant 14 : i32
      %dma_wait3A_1035 = arith.constant 0 : i32
      %dma_wait3A_1036 = arith.constant 0 : i32
      %dma_wait3A_1037 = tpu.memref_slice %arg9[%dma_wait3A_1033, %dma_wait3A_1034, %dma_wait3A_1035, %dma_wait3A_1036] : memref<4x16x50x32xf32, #tpu.memory_space<vmem>> -> memref<1x1x50x32xf32, #tpu.memory_space<vmem>>
      %dma_wait3A_1038 = tpu.memref_squeeze %dma_wait3A_1037 : memref<1x1x50x32xf32, #tpu.memory_space<vmem>> -> memref<50x32xf32, #tpu.memory_space<vmem>>
      %dma_wait3A_1039 = arith.constant 0 : i32
      %dma_wait3A_1040 = tpu.memref_slice %arg5[%dma_wait3A_1032, %dma_wait3A_1039] : memref<16x50xi32, #tpu.memory_space<vmem>> -> memref<1x50xi32, #tpu.memory_space<vmem>>
      %dma_wait3A_1041 = tpu.memref_squeeze %dma_wait3A_1040 : memref<1x50xi32, #tpu.memory_space<vmem>> -> memref<50xi32, #tpu.memory_space<vmem>>
      %dma_wait3A_1042 = arith.constant 0 : i32
      %dma_wait3A_1043 = arith.constant 0 : i32
      %dma_wait3A_1044 = tpu.memref_slice %arg3[%dma_wait3A_1042, %dma_wait3A_1043] : memref<1000000x32xf32, #tpu.memory_space<hbm>> -> memref<1000000x32xf32, #tpu.memory_space<hbm>>
      tpu.wait_indirect_dma semaphore(%arg10 : memref<!tpu.dma_semaphore, #tpu.memory_space<semaphore_mem>>) src(%dma_wait3A_1044 : memref<1000000x32xf32, #tpu.memory_space<hbm>>) dst(%dma_wait3A_1038 : memref<50x32xf32, #tpu.memory_space<vmem>>)
      %dma_wait3A_1045 = arith.constant 15 : i32
      %dma_wait3A_1046 = arith.constant 0 : i32
      %dma_wait3A_1047 = arith.constant 15 : i32
      %dma_wait3A_1048 = arith.constant 0 : i32
      %dma_wait3A_1049 = arith.constant 0 : i32
      %dma_wait3A_1050 = tpu.memref_slice %arg9[%dma_wait3A_1046, %dma_wait3A_1047, %dma_wait3A_1048, %dma_wait3A_1049] : memref<4x16x50x32xf32, #tpu.memory_space<vmem>> -> memref<1x1x50x32xf32, #tpu.memory_space<vmem>>
      %dma_wait3A_1051 = tpu.memref_squeeze %dma_wait3A_1050 : memref<1x1x50x32xf32, #tpu.memory_space<vmem>> -> memref<50x32xf32, #tpu.memory_space<vmem>>
      %dma_wait3A_1052 = arith.constant 0 : i32
      %dma_wait3A_1053 = tpu.memref_slice %arg5[%dma_wait3A_1045, %dma_wait3A_1052] : memref<16x50xi32, #tpu.memory_space<vmem>> -> memref<1x50xi32, #tpu.memory_space<vmem>>
      %dma_wait3A_1054 = tpu.memref_squeeze %dma_wait3A_1053 : memref<1x50xi32, #tpu.memory_space<vmem>> -> memref<50xi32, #tpu.memory_space<vmem>>
      %dma_wait3A_1055 = arith.constant 0 : i32
      %dma_wait3A_1056 = arith.constant 0 : i32
      %dma_wait3A_1057 = tpu.memref_slice %arg3[%dma_wait3A_1055, %dma_wait3A_1056] : memref<1000000x32xf32, #tpu.memory_space<hbm>> -> memref<1000000x32xf32, #tpu.memory_space<hbm>>
      tpu.wait_indirect_dma semaphore(%arg10 : memref<!tpu.dma_semaphore, #tpu.memory_space<semaphore_mem>>) src(%dma_wait3A_1057 : memref<1000000x32xf32, #tpu.memory_space<hbm>>) dst(%dma_wait3A_1051 : memref<50x32xf32, #tpu.memory_space<vmem>>)
      %mul3A_1058 = arith.constant 16 : i32
      %mul3A_1059 = arith.muli %add3A_850, %mul3A_1058 : i32
      %add3A_1060 = arith.addi %mul3A_2, %mul3A_1059 : i32
      %dma_start3A_1061 = arith.constant 0 : i32
      %dma_start3A_1062 = arith.constant 0 : i32
      %dma_start3A_1063 = arith.constant 0 : i32
      %dma_start3A_1064 = arith.constant 0 : i32
      %dma_start3A_1065 = tpu.memref_slice %arg9[%dma_start3A_1061, %dma_start3A_1062, %dma_start3A_1063, %dma_start3A_1064] : memref<4x16x50x32xf32, #tpu.memory_space<vmem>> -> memref<1x16x50x32xf32, #tpu.memory_space<vmem>>
      %dma_start3A_1066 = tpu.memref_squeeze %dma_start3A_1065 : memref<1x16x50x32xf32, #tpu.memory_space<vmem>> -> memref<16x50x32xf32, #tpu.memory_space<vmem>>
      %dma_start3A_1067 = arith.constant 0 : i32
      %dma_start3A_1068 = arith.constant 0 : i32
      %dma_start3A_1069 = tpu.memref_slice %arg4[%add3A_1060, %dma_start3A_1067, %dma_start3A_1068] : memref<16384x50x32xf32, #tpu.memory_space<hbm>> -> memref<16x50x32xf32, #tpu.memory_space<hbm>>
      %dma_start3A_1070 = arith.constant 0 : i32
      %dma_start3A_1071 = arith.constant 0 : i32
      %dma_start3A_1072 = tpu.memref_slice %arg4[%add3A_1060, %dma_start3A_1070, %dma_start3A_1071] : memref<16384x50x32xf32, #tpu.memory_space<hbm>> -> memref<16x50x32xf32, #tpu.memory_space<hbm>>
      %dma_start3A_1073 = arith.constant 0 : i32
      %dma_start3A_1074 = arith.constant 0 : i32
      %dma_start3A_1075 = arith.constant 0 : i32
      %dma_start3A_1076 = tpu.memref_slice %arg9[%dma_start3A_1061, %dma_start3A_1073, %dma_start3A_1074, %dma_start3A_1075] : memref<4x16x50x32xf32, #tpu.memory_space<vmem>> -> memref<1x16x50x32xf32, #tpu.memory_space<vmem>>
      %dma_start3A_1077 = tpu.memref_squeeze %dma_start3A_1076 : memref<1x16x50x32xf32, #tpu.memory_space<vmem>> -> memref<16x50x32xf32, #tpu.memory_space<vmem>>
      tpu.enqueue_dma source(%dma_start3A_1077 : memref<16x50x32xf32, #tpu.memory_space<vmem>>) target(%dma_start3A_1072 : memref<16x50x32xf32, #tpu.memory_space<hbm>>) target_semaphore(%arg14 : memref<!tpu.dma_semaphore, #tpu.memory_space<semaphore_mem>>)
      %dma_wait3A_1078 = arith.constant 0 : i32
      %dma_wait3A_1079 = arith.constant 0 : i32
      %dma_wait3A_1080 = arith.constant 0 : i32
      %dma_wait3A_1081 = arith.constant 0 : i32
      %dma_wait3A_1082 = tpu.memref_slice %arg9[%dma_wait3A_1078, %dma_wait3A_1079, %dma_wait3A_1080, %dma_wait3A_1081] : memref<4x16x50x32xf32, #tpu.memory_space<vmem>> -> memref<1x16x50x32xf32, #tpu.memory_space<vmem>>
      %dma_wait3A_1083 = tpu.memref_squeeze %dma_wait3A_1082 : memref<1x16x50x32xf32, #tpu.memory_space<vmem>> -> memref<16x50x32xf32, #tpu.memory_space<vmem>>
      %dma_wait3A_1084 = arith.constant 0 : i32
      %dma_wait3A_1085 = arith.constant 0 : i32
      %dma_wait3A_1086 = tpu.memref_slice %arg4[%add3A_1060, %dma_wait3A_1084, %dma_wait3A_1085] : memref<16384x50x32xf32, #tpu.memory_space<hbm>> -> memref<16x50x32xf32, #tpu.memory_space<hbm>>
      %dma_wait3A_1087 = arith.constant 0 : i32
      %dma_wait3A_1088 = arith.constant 0 : i32
      %dma_wait3A_1089 = tpu.memref_slice %arg4[%add3A_1060, %dma_wait3A_1087, %dma_wait3A_1088] : memref<16384x50x32xf32, #tpu.memory_space<hbm>> -> memref<16x50x32xf32, #tpu.memory_space<hbm>>
      %dma_wait3A_1090 = arith.constant 0 : i32
      %dma_wait3A_1091 = arith.constant 0 : i32
      %dma_wait3A_1092 = arith.constant 0 : i32
      %dma_wait3A_1093 = tpu.memref_slice %arg9[%dma_wait3A_1078, %dma_wait3A_1090, %dma_wait3A_1091, %dma_wait3A_1092] : memref<4x16x50x32xf32, #tpu.memory_space<vmem>> -> memref<1x16x50x32xf32, #tpu.memory_space<vmem>>
      %dma_wait3A_1094 = tpu.memref_squeeze %dma_wait3A_1093 : memref<1x16x50x32xf32, #tpu.memory_space<vmem>> -> memref<16x50x32xf32, #tpu.memory_space<vmem>>
      tpu.wait_dma2 semaphore(%arg14 : memref<!tpu.dma_semaphore, #tpu.memory_space<semaphore_mem>>) src(%dma_wait3A_1094 : memref<16x50x32xf32, #tpu.memory_space<vmem>>) dst(%dma_wait3A_1089 : memref<16x50x32xf32, #tpu.memory_space<hbm>>)
      %lt3A = arith.constant 7 : i32
      %lt3A_1095 = arith.cmpi slt, %scan3A_846, %lt3A : i32
      %convert_element_type3A = arith.extui %lt3A_1095 : i1 to i32
      %cond3A = arith.constant 0 : i32
      %cond3A_1096 = arith.cmpi ne, %convert_element_type3A, %cond3A : i32
      scf.if %cond3A_1096 {
        %add3A_1859 = arith.constant 4 : i32
        %add3A_1860 = arith.addi %add3A_850, %add3A_1859 : i32
        %mul3A_1861 = arith.constant 16 : i32
        %mul3A_1862 = arith.muli %add3A_1860, %mul3A_1861 : i32
        %add3A_1863 = arith.addi %mul3A_2, %mul3A_1862 : i32
        "tpu.region"() ({
          %run_scoped3A = tpu.sem_alloc : memref<!tpu.dma_semaphore, #tpu.memory_space<semaphore_mem>>
          %dma_start3A_2072 = arith.constant 0 : i32
          %dma_start3A_2073 = tpu.memref_slice %arg2[%add3A_1863, %dma_start3A_2072] : memref<16384x50xi32, #tpu.memory_space<hbm>> -> memref<16x50xi32, #tpu.memory_space<hbm>>
          %dma_start3A_2074 = arith.constant 0 : i32
          %dma_start3A_2075 = tpu.memref_slice %arg2[%add3A_1863, %dma_start3A_2074] : memref<16384x50xi32, #tpu.memory_space<hbm>> -> memref<16x50xi32, #tpu.memory_space<hbm>>
          tpu.enqueue_dma source(%dma_start3A_2075 : memref<16x50xi32, #tpu.memory_space<hbm>>) target(%arg5 : memref<16x50xi32, #tpu.memory_space<vmem>>) target_semaphore(%run_scoped3A : memref<!tpu.dma_semaphore, #tpu.memory_space<semaphore_mem>>)
          %dma_wait3A_2076 = arith.constant 0 : i32
          %dma_wait3A_2077 = tpu.memref_slice %arg2[%add3A_1863, %dma_wait3A_2076] : memref<16384x50xi32, #tpu.memory_space<hbm>> -> memref<16x50xi32, #tpu.memory_space<hbm>>
          %dma_wait3A_2078 = arith.constant 0 : i32
          %dma_wait3A_2079 = tpu.memref_slice %arg2[%add3A_1863, %dma_wait3A_2078] : memref<16384x50xi32, #tpu.memory_space<hbm>> -> memref<16x50xi32, #tpu.memory_space<hbm>>
          tpu.wait_dma2 semaphore(%run_scoped3A : memref<!tpu.dma_semaphore, #tpu.memory_space<semaphore_mem>>) src(%dma_wait3A_2079 : memref<16x50xi32, #tpu.memory_space<hbm>>) dst(%arg5 : memref<16x50xi32, #tpu.memory_space<vmem>>)
          tpu.yield
        }) : () -> ()
        %dma_start3A_1864 = arith.constant 0 : i32
        %dma_start3A_1865 = arith.constant 0 : i32
        %dma_start3A_1866 = arith.constant 0 : i32
        %dma_start3A_1867 = arith.constant 0 : i32
        %dma_start3A_1868 = arith.constant 0 : i32
        %dma_start3A_1869 = tpu.memref_slice %arg9[%dma_start3A_1865, %dma_start3A_1866, %dma_start3A_1867, %dma_start3A_1868] : memref<4x16x50x32xf32, #tpu.memory_space<vmem>> -> memref<1x1x50x32xf32, #tpu.memory_space<vmem>>
        %dma_start3A_1870 = tpu.memref_squeeze %dma_start3A_1869 : memref<1x1x50x32xf32, #tpu.memory_space<vmem>> -> memref<50x32xf32, #tpu.memory_space<vmem>>
        %dma_start3A_1871 = arith.constant 0 : i32
        %dma_start3A_1872 = tpu.memref_slice %arg5[%dma_start3A_1864, %dma_start3A_1871] : memref<16x50xi32, #tpu.memory_space<vmem>> -> memref<1x50xi32, #tpu.memory_space<vmem>>
        %dma_start3A_1873 = tpu.memref_squeeze %dma_start3A_1872 : memref<1x50xi32, #tpu.memory_space<vmem>> -> memref<50xi32, #tpu.memory_space<vmem>>
        %dma_start3A_1874 = arith.constant 0 : i32
        %dma_start3A_1875 = arith.constant 0 : i32
        %dma_start3A_1876 = tpu.memref_slice %arg3[%dma_start3A_1874, %dma_start3A_1875] : memref<1000000x32xf32, #tpu.memory_space<hbm>> -> memref<1000000x32xf32, #tpu.memory_space<hbm>>
        tpu.enqueue_indirect_dma source(%dma_start3A_1876 : memref<1000000x32xf32, #tpu.memory_space<hbm>>) target(%dma_start3A_1870 : memref<50x32xf32, #tpu.memory_space<vmem>>) offsets(%dma_start3A_1873 : memref<50xi32, #tpu.memory_space<vmem>>) semaphore(%arg10 : memref<!tpu.dma_semaphore, #tpu.memory_space<semaphore_mem>>)
        %dma_start3A_1877 = arith.constant 1 : i32
        %dma_start3A_1878 = arith.constant 0 : i32
        %dma_start3A_1879 = arith.constant 1 : i32
        %dma_start3A_1880 = arith.constant 0 : i32
        %dma_start3A_1881 = arith.constant 0 : i32
        %dma_start3A_1882 = tpu.memref_slice %arg9[%dma_start3A_1878, %dma_start3A_1879, %dma_start3A_1880, %dma_start3A_1881] : memref<4x16x50x32xf32, #tpu.memory_space<vmem>> -> memref<1x1x50x32xf32, #tpu.memory_space<vmem>>
        %dma_start3A_1883 = tpu.memref_squeeze %dma_start3A_1882 : memref<1x1x50x32xf32, #tpu.memory_space<vmem>> -> memref<50x32xf32, #tpu.memory_space<vmem>>
        %dma_start3A_1884 = arith.constant 0 : i32
        %dma_start3A_1885 = tpu.memref_slice %arg5[%dma_start3A_1877, %dma_start3A_1884] : memref<16x50xi32, #tpu.memory_space<vmem>> -> memref<1x50xi32, #tpu.memory_space<vmem>>
        %dma_start3A_1886 = tpu.memref_squeeze %dma_start3A_1885 : memref<1x50xi32, #tpu.memory_space<vmem>> -> memref<50xi32, #tpu.memory_space<vmem>>
        %dma_start3A_1887 = arith.constant 0 : i32
        %dma_start3A_1888 = arith.constant 0 : i32
        %dma_start3A_1889 = tpu.memref_slice %arg3[%dma_start3A_1887, %dma_start3A_1888] : memref<1000000x32xf32, #tpu.memory_space<hbm>> -> memref<1000000x32xf32, #tpu.memory_space<hbm>>
        tpu.enqueue_indirect_dma source(%dma_start3A_1889 : memref<1000000x32xf32, #tpu.memory_space<hbm>>) target(%dma_start3A_1883 : memref<50x32xf32, #tpu.memory_space<vmem>>) offsets(%dma_start3A_1886 : memref<50xi32, #tpu.memory_space<vmem>>) semaphore(%arg10 : memref<!tpu.dma_semaphore, #tpu.memory_space<semaphore_mem>>)
        %dma_start3A_1890 = arith.constant 2 : i32
        %dma_start3A_1891 = arith.constant 0 : i32
        %dma_start3A_1892 = arith.constant 2 : i32
        %dma_start3A_1893 = arith.constant 0 : i32
        %dma_start3A_1894 = arith.constant 0 : i32
        %dma_start3A_1895 = tpu.memref_slice %arg9[%dma_start3A_1891, %dma_start3A_1892, %dma_start3A_1893, %dma_start3A_1894] : memref<4x16x50x32xf32, #tpu.memory_space<vmem>> -> memref<1x1x50x32xf32, #tpu.memory_space<vmem>>
        %dma_start3A_1896 = tpu.memref_squeeze %dma_start3A_1895 : memref<1x1x50x32xf32, #tpu.memory_space<vmem>> -> memref<50x32xf32, #tpu.memory_space<vmem>>
        %dma_start3A_1897 = arith.constant 0 : i32
        %dma_start3A_1898 = tpu.memref_slice %arg5[%dma_start3A_1890, %dma_start3A_1897] : memref<16x50xi32, #tpu.memory_space<vmem>> -> memref<1x50xi32, #tpu.memory_space<vmem>>
        %dma_start3A_1899 = tpu.memref_squeeze %dma_start3A_1898 : memref<1x50xi32, #tpu.memory_space<vmem>> -> memref<50xi32, #tpu.memory_space<vmem>>
        %dma_start3A_1900 = arith.constant 0 : i32
        %dma_start3A_1901 = arith.constant 0 : i32
        %dma_start3A_1902 = tpu.memref_slice %arg3[%dma_start3A_1900, %dma_start3A_1901] : memref<1000000x32xf32, #tpu.memory_space<hbm>> -> memref<1000000x32xf32, #tpu.memory_space<hbm>>
        tpu.enqueue_indirect_dma source(%dma_start3A_1902 : memref<1000000x32xf32, #tpu.memory_space<hbm>>) target(%dma_start3A_1896 : memref<50x32xf32, #tpu.memory_space<vmem>>) offsets(%dma_start3A_1899 : memref<50xi32, #tpu.memory_space<vmem>>) semaphore(%arg10 : memref<!tpu.dma_semaphore, #tpu.memory_space<semaphore_mem>>)
        %dma_start3A_1903 = arith.constant 3 : i32
        %dma_start3A_1904 = arith.constant 0 : i32
        %dma_start3A_1905 = arith.constant 3 : i32
        %dma_start3A_1906 = arith.constant 0 : i32
        %dma_start3A_1907 = arith.constant 0 : i32
        %dma_start3A_1908 = tpu.memref_slice %arg9[%dma_start3A_1904, %dma_start3A_1905, %dma_start3A_1906, %dma_start3A_1907] : memref<4x16x50x32xf32, #tpu.memory_space<vmem>> -> memref<1x1x50x32xf32, #tpu.memory_space<vmem>>
        %dma_start3A_1909 = tpu.memref_squeeze %dma_start3A_1908 : memref<1x1x50x32xf32, #tpu.memory_space<vmem>> -> memref<50x32xf32, #tpu.memory_space<vmem>>
        %dma_start3A_1910 = arith.constant 0 : i32
        %dma_start3A_1911 = tpu.memref_slice %arg5[%dma_start3A_1903, %dma_start3A_1910] : memref<16x50xi32, #tpu.memory_space<vmem>> -> memref<1x50xi32, #tpu.memory_space<vmem>>
        %dma_start3A_1912 = tpu.memref_squeeze %dma_start3A_1911 : memref<1x50xi32, #tpu.memory_space<vmem>> -> memref<50xi32, #tpu.memory_space<vmem>>
        %dma_start3A_1913 = arith.constant 0 : i32
        %dma_start3A_1914 = arith.constant 0 : i32
        %dma_start3A_1915 = tpu.memref_slice %arg3[%dma_start3A_1913, %dma_start3A_1914] : memref<1000000x32xf32, #tpu.memory_space<hbm>> -> memref<1000000x32xf32, #tpu.memory_space<hbm>>
        tpu.enqueue_indirect_dma source(%dma_start3A_1915 : memref<1000000x32xf32, #tpu.memory_space<hbm>>) target(%dma_start3A_1909 : memref<50x32xf32, #tpu.memory_space<vmem>>) offsets(%dma_start3A_1912 : memref<50xi32, #tpu.memory_space<vmem>>) semaphore(%arg10 : memref<!tpu.dma_semaphore, #tpu.memory_space<semaphore_mem>>)
        %dma_start3A_1916 = arith.constant 4 : i32
        %dma_start3A_1917 = arith.constant 0 : i32
        %dma_start3A_1918 = arith.constant 4 : i32
        %dma_start3A_1919 = arith.constant 0 : i32
        %dma_start3A_1920 = arith.constant 0 : i32
        %dma_start3A_1921 = tpu.memref_slice %arg9[%dma_start3A_1917, %dma_start3A_1918, %dma_start3A_1919, %dma_start3A_1920] : memref<4x16x50x32xf32, #tpu.memory_space<vmem>> -> memref<1x1x50x32xf32, #tpu.memory_space<vmem>>
        %dma_start3A_1922 = tpu.memref_squeeze %dma_start3A_1921 : memref<1x1x50x32xf32, #tpu.memory_space<vmem>> -> memref<50x32xf32, #tpu.memory_space<vmem>>
        %dma_start3A_1923 = arith.constant 0 : i32
        %dma_start3A_1924 = tpu.memref_slice %arg5[%dma_start3A_1916, %dma_start3A_1923] : memref<16x50xi32, #tpu.memory_space<vmem>> -> memref<1x50xi32, #tpu.memory_space<vmem>>
        %dma_start3A_1925 = tpu.memref_squeeze %dma_start3A_1924 : memref<1x50xi32, #tpu.memory_space<vmem>> -> memref<50xi32, #tpu.memory_space<vmem>>
        %dma_start3A_1926 = arith.constant 0 : i32
        %dma_start3A_1927 = arith.constant 0 : i32
        %dma_start3A_1928 = tpu.memref_slice %arg3[%dma_start3A_1926, %dma_start3A_1927] : memref<1000000x32xf32, #tpu.memory_space<hbm>> -> memref<1000000x32xf32, #tpu.memory_space<hbm>>
        tpu.enqueue_indirect_dma source(%dma_start3A_1928 : memref<1000000x32xf32, #tpu.memory_space<hbm>>) target(%dma_start3A_1922 : memref<50x32xf32, #tpu.memory_space<vmem>>) offsets(%dma_start3A_1925 : memref<50xi32, #tpu.memory_space<vmem>>) semaphore(%arg10 : memref<!tpu.dma_semaphore, #tpu.memory_space<semaphore_mem>>)
        %dma_start3A_1929 = arith.constant 5 : i32
        %dma_start3A_1930 = arith.constant 0 : i32
        %dma_start3A_1931 = arith.constant 5 : i32
        %dma_start3A_1932 = arith.constant 0 : i32
        %dma_start3A_1933 = arith.constant 0 : i32
        %dma_start3A_1934 = tpu.memref_slice %arg9[%dma_start3A_1930, %dma_start3A_1931, %dma_start3A_1932, %dma_start3A_1933] : memref<4x16x50x32xf32, #tpu.memory_space<vmem>> -> memref<1x1x50x32xf32, #tpu.memory_space<vmem>>
        %dma_start3A_1935 = tpu.memref_squeeze %dma_start3A_1934 : memref<1x1x50x32xf32, #tpu.memory_space<vmem>> -> memref<50x32xf32, #tpu.memory_space<vmem>>
        %dma_start3A_1936 = arith.constant 0 : i32
        %dma_start3A_1937 = tpu.memref_slice %arg5[%dma_start3A_1929, %dma_start3A_1936] : memref<16x50xi32, #tpu.memory_space<vmem>> -> memref<1x50xi32, #tpu.memory_space<vmem>>
        %dma_start3A_1938 = tpu.memref_squeeze %dma_start3A_1937 : memref<1x50xi32, #tpu.memory_space<vmem>> -> memref<50xi32, #tpu.memory_space<vmem>>
        %dma_start3A_1939 = arith.constant 0 : i32
        %dma_start3A_1940 = arith.constant 0 : i32
        %dma_start3A_1941 = tpu.memref_slice %arg3[%dma_start3A_1939, %dma_start3A_1940] : memref<1000000x32xf32, #tpu.memory_space<hbm>> -> memref<1000000x32xf32, #tpu.memory_space<hbm>>
        tpu.enqueue_indirect_dma source(%dma_start3A_1941 : memref<1000000x32xf32, #tpu.memory_space<hbm>>) target(%dma_start3A_1935 : memref<50x32xf32, #tpu.memory_space<vmem>>) offsets(%dma_start3A_1938 : memref<50xi32, #tpu.memory_space<vmem>>) semaphore(%arg10 : memref<!tpu.dma_semaphore, #tpu.memory_space<semaphore_mem>>)
        %dma_start3A_1942 = arith.constant 6 : i32
        %dma_start3A_1943 = arith.constant 0 : i32
        %dma_start3A_1944 = arith.constant 6 : i32
        %dma_start3A_1945 = arith.constant 0 : i32
        %dma_start3A_1946 = arith.constant 0 : i32
        %dma_start3A_1947 = tpu.memref_slice %arg9[%dma_start3A_1943, %dma_start3A_1944, %dma_start3A_1945, %dma_start3A_1946] : memref<4x16x50x32xf32, #tpu.memory_space<vmem>> -> memref<1x1x50x32xf32, #tpu.memory_space<vmem>>
        %dma_start3A_1948 = tpu.memref_squeeze %dma_start3A_1947 : memref<1x1x50x32xf32, #tpu.memory_space<vmem>> -> memref<50x32xf32, #tpu.memory_space<vmem>>
        %dma_start3A_1949 = arith.constant 0 : i32
        %dma_start3A_1950 = tpu.memref_slice %arg5[%dma_start3A_1942, %dma_start3A_1949] : memref<16x50xi32, #tpu.memory_space<vmem>> -> memref<1x50xi32, #tpu.memory_space<vmem>>
        %dma_start3A_1951 = tpu.memref_squeeze %dma_start3A_1950 : memref<1x50xi32, #tpu.memory_space<vmem>> -> memref<50xi32, #tpu.memory_space<vmem>>
        %dma_start3A_1952 = arith.constant 0 : i32
        %dma_start3A_1953 = arith.constant 0 : i32
        %dma_start3A_1954 = tpu.memref_slice %arg3[%dma_start3A_1952, %dma_start3A_1953] : memref<1000000x32xf32, #tpu.memory_space<hbm>> -> memref<1000000x32xf32, #tpu.memory_space<hbm>>
        tpu.enqueue_indirect_dma source(%dma_start3A_1954 : memref<1000000x32xf32, #tpu.memory_space<hbm>>) target(%dma_start3A_1948 : memref<50x32xf32, #tpu.memory_space<vmem>>) offsets(%dma_start3A_1951 : memref<50xi32, #tpu.memory_space<vmem>>) semaphore(%arg10 : memref<!tpu.dma_semaphore, #tpu.memory_space<semaphore_mem>>)
        %dma_start3A_1955 = arith.constant 7 : i32
        %dma_start3A_1956 = arith.constant 0 : i32
        %dma_start3A_1957 = arith.constant 7 : i32
        %dma_start3A_1958 = arith.constant 0 : i32
        %dma_start3A_1959 = arith.constant 0 : i32
        %dma_start3A_1960 = tpu.memref_slice %arg9[%dma_start3A_1956, %dma_start3A_1957, %dma_start3A_1958, %dma_start3A_1959] : memref<4x16x50x32xf32, #tpu.memory_space<vmem>> -> memref<1x1x50x32xf32, #tpu.memory_space<vmem>>
        %dma_start3A_1961 = tpu.memref_squeeze %dma_start3A_1960 : memref<1x1x50x32xf32, #tpu.memory_space<vmem>> -> memref<50x32xf32, #tpu.memory_space<vmem>>
        %dma_start3A_1962 = arith.constant 0 : i32
        %dma_start3A_1963 = tpu.memref_slice %arg5[%dma_start3A_1955, %dma_start3A_1962] : memref<16x50xi32, #tpu.memory_space<vmem>> -> memref<1x50xi32, #tpu.memory_space<vmem>>
        %dma_start3A_1964 = tpu.memref_squeeze %dma_start3A_1963 : memref<1x50xi32, #tpu.memory_space<vmem>> -> memref<50xi32, #tpu.memory_space<vmem>>
        %dma_start3A_1965 = arith.constant 0 : i32
        %dma_start3A_1966 = arith.constant 0 : i32
        %dma_start3A_1967 = tpu.memref_slice %arg3[%dma_start3A_1965, %dma_start3A_1966] : memref<1000000x32xf32, #tpu.memory_space<hbm>> -> memref<1000000x32xf32, #tpu.memory_space<hbm>>
        tpu.enqueue_indirect_dma source(%dma_start3A_1967 : memref<1000000x32xf32, #tpu.memory_space<hbm>>) target(%dma_start3A_1961 : memref<50x32xf32, #tpu.memory_space<vmem>>) offsets(%dma_start3A_1964 : memref<50xi32, #tpu.memory_space<vmem>>) semaphore(%arg10 : memref<!tpu.dma_semaphore, #tpu.memory_space<semaphore_mem>>)
        %dma_start3A_1968 = arith.constant 8 : i32
        %dma_start3A_1969 = arith.constant 0 : i32
        %dma_start3A_1970 = arith.constant 8 : i32
        %dma_start3A_1971 = arith.constant 0 : i32
        %dma_start3A_1972 = arith.constant 0 : i32
        %dma_start3A_1973 = tpu.memref_slice %arg9[%dma_start3A_1969, %dma_start3A_1970, %dma_start3A_1971, %dma_start3A_1972] : memref<4x16x50x32xf32, #tpu.memory_space<vmem>> -> memref<1x1x50x32xf32, #tpu.memory_space<vmem>>
        %dma_start3A_1974 = tpu.memref_squeeze %dma_start3A_1973 : memref<1x1x50x32xf32, #tpu.memory_space<vmem>> -> memref<50x32xf32, #tpu.memory_space<vmem>>
        %dma_start3A_1975 = arith.constant 0 : i32
        %dma_start3A_1976 = tpu.memref_slice %arg5[%dma_start3A_1968, %dma_start3A_1975] : memref<16x50xi32, #tpu.memory_space<vmem>> -> memref<1x50xi32, #tpu.memory_space<vmem>>
        %dma_start3A_1977 = tpu.memref_squeeze %dma_start3A_1976 : memref<1x50xi32, #tpu.memory_space<vmem>> -> memref<50xi32, #tpu.memory_space<vmem>>
        %dma_start3A_1978 = arith.constant 0 : i32
        %dma_start3A_1979 = arith.constant 0 : i32
        %dma_start3A_1980 = tpu.memref_slice %arg3[%dma_start3A_1978, %dma_start3A_1979] : memref<1000000x32xf32, #tpu.memory_space<hbm>> -> memref<1000000x32xf32, #tpu.memory_space<hbm>>
        tpu.enqueue_indirect_dma source(%dma_start3A_1980 : memref<1000000x32xf32, #tpu.memory_space<hbm>>) target(%dma_start3A_1974 : memref<50x32xf32, #tpu.memory_space<vmem>>) offsets(%dma_start3A_1977 : memref<50xi32, #tpu.memory_space<vmem>>) semaphore(%arg10 : memref<!tpu.dma_semaphore, #tpu.memory_space<semaphore_mem>>)
        %dma_start3A_1981 = arith.constant 9 : i32
        %dma_start3A_1982 = arith.constant 0 : i32
        %dma_start3A_1983 = arith.constant 9 : i32
        %dma_start3A_1984 = arith.constant 0 : i32
        %dma_start3A_1985 = arith.constant 0 : i32
        %dma_start3A_1986 = tpu.memref_slice %arg9[%dma_start3A_1982, %dma_start3A_1983, %dma_start3A_1984, %dma_start3A_1985] : memref<4x16x50x32xf32, #tpu.memory_space<vmem>> -> memref<1x1x50x32xf32, #tpu.memory_space<vmem>>
        %dma_start3A_1987 = tpu.memref_squeeze %dma_start3A_1986 : memref<1x1x50x32xf32, #tpu.memory_space<vmem>> -> memref<50x32xf32, #tpu.memory_space<vmem>>
        %dma_start3A_1988 = arith.constant 0 : i32
        %dma_start3A_1989 = tpu.memref_slice %arg5[%dma_start3A_1981, %dma_start3A_1988] : memref<16x50xi32, #tpu.memory_space<vmem>> -> memref<1x50xi32, #tpu.memory_space<vmem>>
        %dma_start3A_1990 = tpu.memref_squeeze %dma_start3A_1989 : memref<1x50xi32, #tpu.memory_space<vmem>> -> memref<50xi32, #tpu.memory_space<vmem>>
        %dma_start3A_1991 = arith.constant 0 : i32
        %dma_start3A_1992 = arith.constant 0 : i32
        %dma_start3A_1993 = tpu.memref_slice %arg3[%dma_start3A_1991, %dma_start3A_1992] : memref<1000000x32xf32, #tpu.memory_space<hbm>> -> memref<1000000x32xf32, #tpu.memory_space<hbm>>
        tpu.enqueue_indirect_dma source(%dma_start3A_1993 : memref<1000000x32xf32, #tpu.memory_space<hbm>>) target(%dma_start3A_1987 : memref<50x32xf32, #tpu.memory_space<vmem>>) offsets(%dma_start3A_1990 : memref<50xi32, #tpu.memory_space<vmem>>) semaphore(%arg10 : memref<!tpu.dma_semaphore, #tpu.memory_space<semaphore_mem>>)
        %dma_start3A_1994 = arith.constant 10 : i32
        %dma_start3A_1995 = arith.constant 0 : i32
        %dma_start3A_1996 = arith.constant 10 : i32
        %dma_start3A_1997 = arith.constant 0 : i32
        %dma_start3A_1998 = arith.constant 0 : i32
        %dma_start3A_1999 = tpu.memref_slice %arg9[%dma_start3A_1995, %dma_start3A_1996, %dma_start3A_1997, %dma_start3A_1998] : memref<4x16x50x32xf32, #tpu.memory_space<vmem>> -> memref<1x1x50x32xf32, #tpu.memory_space<vmem>>
        %dma_start3A_2000 = tpu.memref_squeeze %dma_start3A_1999 : memref<1x1x50x32xf32, #tpu.memory_space<vmem>> -> memref<50x32xf32, #tpu.memory_space<vmem>>
        %dma_start3A_2001 = arith.constant 0 : i32
        %dma_start3A_2002 = tpu.memref_slice %arg5[%dma_start3A_1994, %dma_start3A_2001] : memref<16x50xi32, #tpu.memory_space<vmem>> -> memref<1x50xi32, #tpu.memory_space<vmem>>
        %dma_start3A_2003 = tpu.memref_squeeze %dma_start3A_2002 : memref<1x50xi32, #tpu.memory_space<vmem>> -> memref<50xi32, #tpu.memory_space<vmem>>
        %dma_start3A_2004 = arith.constant 0 : i32
        %dma_start3A_2005 = arith.constant 0 : i32
        %dma_start3A_2006 = tpu.memref_slice %arg3[%dma_start3A_2004, %dma_start3A_2005] : memref<1000000x32xf32, #tpu.memory_space<hbm>> -> memref<1000000x32xf32, #tpu.memory_space<hbm>>
        tpu.enqueue_indirect_dma source(%dma_start3A_2006 : memref<1000000x32xf32, #tpu.memory_space<hbm>>) target(%dma_start3A_2000 : memref<50x32xf32, #tpu.memory_space<vmem>>) offsets(%dma_start3A_2003 : memref<50xi32, #tpu.memory_space<vmem>>) semaphore(%arg10 : memref<!tpu.dma_semaphore, #tpu.memory_space<semaphore_mem>>)
        %dma_start3A_2007 = arith.constant 11 : i32
        %dma_start3A_2008 = arith.constant 0 : i32
        %dma_start3A_2009 = arith.constant 11 : i32
        %dma_start3A_2010 = arith.constant 0 : i32
        %dma_start3A_2011 = arith.constant 0 : i32
        %dma_start3A_2012 = tpu.memref_slice %arg9[%dma_start3A_2008, %dma_start3A_2009, %dma_start3A_2010, %dma_start3A_2011] : memref<4x16x50x32xf32, #tpu.memory_space<vmem>> -> memref<1x1x50x32xf32, #tpu.memory_space<vmem>>
        %dma_start3A_2013 = tpu.memref_squeeze %dma_start3A_2012 : memref<1x1x50x32xf32, #tpu.memory_space<vmem>> -> memref<50x32xf32, #tpu.memory_space<vmem>>
        %dma_start3A_2014 = arith.constant 0 : i32
        %dma_start3A_2015 = tpu.memref_slice %arg5[%dma_start3A_2007, %dma_start3A_2014] : memref<16x50xi32, #tpu.memory_space<vmem>> -> memref<1x50xi32, #tpu.memory_space<vmem>>
        %dma_start3A_2016 = tpu.memref_squeeze %dma_start3A_2015 : memref<1x50xi32, #tpu.memory_space<vmem>> -> memref<50xi32, #tpu.memory_space<vmem>>
        %dma_start3A_2017 = arith.constant 0 : i32
        %dma_start3A_2018 = arith.constant 0 : i32
        %dma_start3A_2019 = tpu.memref_slice %arg3[%dma_start3A_2017, %dma_start3A_2018] : memref<1000000x32xf32, #tpu.memory_space<hbm>> -> memref<1000000x32xf32, #tpu.memory_space<hbm>>
        tpu.enqueue_indirect_dma source(%dma_start3A_2019 : memref<1000000x32xf32, #tpu.memory_space<hbm>>) target(%dma_start3A_2013 : memref<50x32xf32, #tpu.memory_space<vmem>>) offsets(%dma_start3A_2016 : memref<50xi32, #tpu.memory_space<vmem>>) semaphore(%arg10 : memref<!tpu.dma_semaphore, #tpu.memory_space<semaphore_mem>>)
        %dma_start3A_2020 = arith.constant 12 : i32
        %dma_start3A_2021 = arith.constant 0 : i32
        %dma_start3A_2022 = arith.constant 12 : i32
        %dma_start3A_2023 = arith.constant 0 : i32
        %dma_start3A_2024 = arith.constant 0 : i32
        %dma_start3A_2025 = tpu.memref_slice %arg9[%dma_start3A_2021, %dma_start3A_2022, %dma_start3A_2023, %dma_start3A_2024] : memref<4x16x50x32xf32, #tpu.memory_space<vmem>> -> memref<1x1x50x32xf32, #tpu.memory_space<vmem>>
        %dma_start3A_2026 = tpu.memref_squeeze %dma_start3A_2025 : memref<1x1x50x32xf32, #tpu.memory_space<vmem>> -> memref<50x32xf32, #tpu.memory_space<vmem>>
        %dma_start3A_2027 = arith.constant 0 : i32
        %dma_start3A_2028 = tpu.memref_slice %arg5[%dma_start3A_2020, %dma_start3A_2027] : memref<16x50xi32, #tpu.memory_space<vmem>> -> memref<1x50xi32, #tpu.memory_space<vmem>>
        %dma_start3A_2029 = tpu.memref_squeeze %dma_start3A_2028 : memref<1x50xi32, #tpu.memory_space<vmem>> -> memref<50xi32, #tpu.memory_space<vmem>>
        %dma_start3A_2030 = arith.constant 0 : i32
        %dma_start3A_2031 = arith.constant 0 : i32
        %dma_start3A_2032 = tpu.memref_slice %arg3[%dma_start3A_2030, %dma_start3A_2031] : memref<1000000x32xf32, #tpu.memory_space<hbm>> -> memref<1000000x32xf32, #tpu.memory_space<hbm>>
        tpu.enqueue_indirect_dma source(%dma_start3A_2032 : memref<1000000x32xf32, #tpu.memory_space<hbm>>) target(%dma_start3A_2026 : memref<50x32xf32, #tpu.memory_space<vmem>>) offsets(%dma_start3A_2029 : memref<50xi32, #tpu.memory_space<vmem>>) semaphore(%arg10 : memref<!tpu.dma_semaphore, #tpu.memory_space<semaphore_mem>>)
        %dma_start3A_2033 = arith.constant 13 : i32
        %dma_start3A_2034 = arith.constant 0 : i32
        %dma_start3A_2035 = arith.constant 13 : i32
        %dma_start3A_2036 = arith.constant 0 : i32
        %dma_start3A_2037 = arith.constant 0 : i32
        %dma_start3A_2038 = tpu.memref_slice %arg9[%dma_start3A_2034, %dma_start3A_2035, %dma_start3A_2036, %dma_start3A_2037] : memref<4x16x50x32xf32, #tpu.memory_space<vmem>> -> memref<1x1x50x32xf32, #tpu.memory_space<vmem>>
        %dma_start3A_2039 = tpu.memref_squeeze %dma_start3A_2038 : memref<1x1x50x32xf32, #tpu.memory_space<vmem>> -> memref<50x32xf32, #tpu.memory_space<vmem>>
        %dma_start3A_2040 = arith.constant 0 : i32
        %dma_start3A_2041 = tpu.memref_slice %arg5[%dma_start3A_2033, %dma_start3A_2040] : memref<16x50xi32, #tpu.memory_space<vmem>> -> memref<1x50xi32, #tpu.memory_space<vmem>>
        %dma_start3A_2042 = tpu.memref_squeeze %dma_start3A_2041 : memref<1x50xi32, #tpu.memory_space<vmem>> -> memref<50xi32, #tpu.memory_space<vmem>>
        %dma_start3A_2043 = arith.constant 0 : i32
        %dma_start3A_2044 = arith.constant 0 : i32
        %dma_start3A_2045 = tpu.memref_slice %arg3[%dma_start3A_2043, %dma_start3A_2044] : memref<1000000x32xf32, #tpu.memory_space<hbm>> -> memref<1000000x32xf32, #tpu.memory_space<hbm>>
        tpu.enqueue_indirect_dma source(%dma_start3A_2045 : memref<1000000x32xf32, #tpu.memory_space<hbm>>) target(%dma_start3A_2039 : memref<50x32xf32, #tpu.memory_space<vmem>>) offsets(%dma_start3A_2042 : memref<50xi32, #tpu.memory_space<vmem>>) semaphore(%arg10 : memref<!tpu.dma_semaphore, #tpu.memory_space<semaphore_mem>>)
        %dma_start3A_2046 = arith.constant 14 : i32
        %dma_start3A_2047 = arith.constant 0 : i32
        %dma_start3A_2048 = arith.constant 14 : i32
        %dma_start3A_2049 = arith.constant 0 : i32
        %dma_start3A_2050 = arith.constant 0 : i32
        %dma_start3A_2051 = tpu.memref_slice %arg9[%dma_start3A_2047, %dma_start3A_2048, %dma_start3A_2049, %dma_start3A_2050] : memref<4x16x50x32xf32, #tpu.memory_space<vmem>> -> memref<1x1x50x32xf32, #tpu.memory_space<vmem>>
        %dma_start3A_2052 = tpu.memref_squeeze %dma_start3A_2051 : memref<1x1x50x32xf32, #tpu.memory_space<vmem>> -> memref<50x32xf32, #tpu.memory_space<vmem>>
        %dma_start3A_2053 = arith.constant 0 : i32
        %dma_start3A_2054 = tpu.memref_slice %arg5[%dma_start3A_2046, %dma_start3A_2053] : memref<16x50xi32, #tpu.memory_space<vmem>> -> memref<1x50xi32, #tpu.memory_space<vmem>>
        %dma_start3A_2055 = tpu.memref_squeeze %dma_start3A_2054 : memref<1x50xi32, #tpu.memory_space<vmem>> -> memref<50xi32, #tpu.memory_space<vmem>>
        %dma_start3A_2056 = arith.constant 0 : i32
        %dma_start3A_2057 = arith.constant 0 : i32
        %dma_start3A_2058 = tpu.memref_slice %arg3[%dma_start3A_2056, %dma_start3A_2057] : memref<1000000x32xf32, #tpu.memory_space<hbm>> -> memref<1000000x32xf32, #tpu.memory_space<hbm>>
        tpu.enqueue_indirect_dma source(%dma_start3A_2058 : memref<1000000x32xf32, #tpu.memory_space<hbm>>) target(%dma_start3A_2052 : memref<50x32xf32, #tpu.memory_space<vmem>>) offsets(%dma_start3A_2055 : memref<50xi32, #tpu.memory_space<vmem>>) semaphore(%arg10 : memref<!tpu.dma_semaphore, #tpu.memory_space<semaphore_mem>>)
        %dma_start3A_2059 = arith.constant 15 : i32
        %dma_start3A_2060 = arith.constant 0 : i32
        %dma_start3A_2061 = arith.constant 15 : i32
        %dma_start3A_2062 = arith.constant 0 : i32
        %dma_start3A_2063 = arith.constant 0 : i32
        %dma_start3A_2064 = tpu.memref_slice %arg9[%dma_start3A_2060, %dma_start3A_2061, %dma_start3A_2062, %dma_start3A_2063] : memref<4x16x50x32xf32, #tpu.memory_space<vmem>> -> memref<1x1x50x32xf32, #tpu.memory_space<vmem>>
        %dma_start3A_2065 = tpu.memref_squeeze %dma_start3A_2064 : memref<1x1x50x32xf32, #tpu.memory_space<vmem>> -> memref<50x32xf32, #tpu.memory_space<vmem>>
        %dma_start3A_2066 = arith.constant 0 : i32
        %dma_start3A_2067 = tpu.memref_slice %arg5[%dma_start3A_2059, %dma_start3A_2066] : memref<16x50xi32, #tpu.memory_space<vmem>> -> memref<1x50xi32, #tpu.memory_space<vmem>>
        %dma_start3A_2068 = tpu.memref_squeeze %dma_start3A_2067 : memref<1x50xi32, #tpu.memory_space<vmem>> -> memref<50xi32, #tpu.memory_space<vmem>>
        %dma_start3A_2069 = arith.constant 0 : i32
        %dma_start3A_2070 = arith.constant 0 : i32
        %dma_start3A_2071 = tpu.memref_slice %arg3[%dma_start3A_2069, %dma_start3A_2070] : memref<1000000x32xf32, #tpu.memory_space<hbm>> -> memref<1000000x32xf32, #tpu.memory_space<hbm>>
        tpu.enqueue_indirect_dma source(%dma_start3A_2071 : memref<1000000x32xf32, #tpu.memory_space<hbm>>) target(%dma_start3A_2065 : memref<50x32xf32, #tpu.memory_space<vmem>>) offsets(%dma_start3A_2068 : memref<50xi32, #tpu.memory_space<vmem>>) semaphore(%arg10 : memref<!tpu.dma_semaphore, #tpu.memory_space<semaphore_mem>>)
      } else {
      }
      %mul3A_1097 = arith.constant 4 : i32
      %mul3A_1098 = arith.muli %scan3A_846, %mul3A_1097 : i32
      %add3A_1099 = arith.constant 1 : i32
      %add3A_1100 = arith.addi %mul3A_1098, %add3A_1099 : i32
      %dma_wait3A_1101 = arith.constant 0 : i32
      %dma_wait3A_1102 = arith.constant 1 : i32
      %dma_wait3A_1103 = arith.constant 0 : i32
      %dma_wait3A_1104 = arith.constant 0 : i32
      %dma_wait3A_1105 = arith.constant 0 : i32
      %dma_wait3A_1106 = tpu.memref_slice %arg9[%dma_wait3A_1102, %dma_wait3A_1103, %dma_wait3A_1104, %dma_wait3A_1105] : memref<4x16x50x32xf32, #tpu.memory_space<vmem>> -> memref<1x1x50x32xf32, #tpu.memory_space<vmem>>
      %dma_wait3A_1107 = tpu.memref_squeeze %dma_wait3A_1106 : memref<1x1x50x32xf32, #tpu.memory_space<vmem>> -> memref<50x32xf32, #tpu.memory_space<vmem>>
      %dma_wait3A_1108 = arith.constant 0 : i32
      %dma_wait3A_1109 = tpu.memref_slice %arg6[%dma_wait3A_1101, %dma_wait3A_1108] : memref<16x50xi32, #tpu.memory_space<vmem>> -> memref<1x50xi32, #tpu.memory_space<vmem>>
      %dma_wait3A_1110 = tpu.memref_squeeze %dma_wait3A_1109 : memref<1x50xi32, #tpu.memory_space<vmem>> -> memref<50xi32, #tpu.memory_space<vmem>>
      %dma_wait3A_1111 = arith.constant 0 : i32
      %dma_wait3A_1112 = arith.constant 0 : i32
      %dma_wait3A_1113 = tpu.memref_slice %arg3[%dma_wait3A_1111, %dma_wait3A_1112] : memref<1000000x32xf32, #tpu.memory_space<hbm>> -> memref<1000000x32xf32, #tpu.memory_space<hbm>>
      tpu.wait_indirect_dma semaphore(%arg11 : memref<!tpu.dma_semaphore, #tpu.memory_space<semaphore_mem>>) src(%dma_wait3A_1113 : memref<1000000x32xf32, #tpu.memory_space<hbm>>) dst(%dma_wait3A_1107 : memref<50x32xf32, #tpu.memory_space<vmem>>)
      %dma_wait3A_1114 = arith.constant 1 : i32
      %dma_wait3A_1115 = arith.constant 1 : i32
      %dma_wait3A_1116 = arith.constant 1 : i32
      %dma_wait3A_1117 = arith.constant 0 : i32
      %dma_wait3A_1118 = arith.constant 0 : i32
      %dma_wait3A_1119 = tpu.memref_slice %arg9[%dma_wait3A_1115, %dma_wait3A_1116, %dma_wait3A_1117, %dma_wait3A_1118] : memref<4x16x50x32xf32, #tpu.memory_space<vmem>> -> memref<1x1x50x32xf32, #tpu.memory_space<vmem>>
      %dma_wait3A_1120 = tpu.memref_squeeze %dma_wait3A_1119 : memref<1x1x50x32xf32, #tpu.memory_space<vmem>> -> memref<50x32xf32, #tpu.memory_space<vmem>>
      %dma_wait3A_1121 = arith.constant 0 : i32
      %dma_wait3A_1122 = tpu.memref_slice %arg6[%dma_wait3A_1114, %dma_wait3A_1121] : memref<16x50xi32, #tpu.memory_space<vmem>> -> memref<1x50xi32, #tpu.memory_space<vmem>>
      %dma_wait3A_1123 = tpu.memref_squeeze %dma_wait3A_1122 : memref<1x50xi32, #tpu.memory_space<vmem>> -> memref<50xi32, #tpu.memory_space<vmem>>
      %dma_wait3A_1124 = arith.constant 0 : i32
      %dma_wait3A_1125 = arith.constant 0 : i32
      %dma_wait3A_1126 = tpu.memref_slice %arg3[%dma_wait3A_1124, %dma_wait3A_1125] : memref<1000000x32xf32, #tpu.memory_space<hbm>> -> memref<1000000x32xf32, #tpu.memory_space<hbm>>
      tpu.wait_indirect_dma semaphore(%arg11 : memref<!tpu.dma_semaphore, #tpu.memory_space<semaphore_mem>>) src(%dma_wait3A_1126 : memref<1000000x32xf32, #tpu.memory_space<hbm>>) dst(%dma_wait3A_1120 : memref<50x32xf32, #tpu.memory_space<vmem>>)
      %dma_wait3A_1127 = arith.constant 2 : i32
      %dma_wait3A_1128 = arith.constant 1 : i32
      %dma_wait3A_1129 = arith.constant 2 : i32
      %dma_wait3A_1130 = arith.constant 0 : i32
      %dma_wait3A_1131 = arith.constant 0 : i32
      %dma_wait3A_1132 = tpu.memref_slice %arg9[%dma_wait3A_1128, %dma_wait3A_1129, %dma_wait3A_1130, %dma_wait3A_1131] : memref<4x16x50x32xf32, #tpu.memory_space<vmem>> -> memref<1x1x50x32xf32, #tpu.memory_space<vmem>>
      %dma_wait3A_1133 = tpu.memref_squeeze %dma_wait3A_1132 : memref<1x1x50x32xf32, #tpu.memory_space<vmem>> -> memref<50x32xf32, #tpu.memory_space<vmem>>
      %dma_wait3A_1134 = arith.constant 0 : i32
      %dma_wait3A_1135 = tpu.memref_slice %arg6[%dma_wait3A_1127, %dma_wait3A_1134] : memref<16x50xi32, #tpu.memory_space<vmem>> -> memref<1x50xi32, #tpu.memory_space<vmem>>
      %dma_wait3A_1136 = tpu.memref_squeeze %dma_wait3A_1135 : memref<1x50xi32, #tpu.memory_space<vmem>> -> memref<50xi32, #tpu.memory_space<vmem>>
      %dma_wait3A_1137 = arith.constant 0 : i32
      %dma_wait3A_1138 = arith.constant 0 : i32
      %dma_wait3A_1139 = tpu.memref_slice %arg3[%dma_wait3A_1137, %dma_wait3A_1138] : memref<1000000x32xf32, #tpu.memory_space<hbm>> -> memref<1000000x32xf32, #tpu.memory_space<hbm>>
      tpu.wait_indirect_dma semaphore(%arg11 : memref<!tpu.dma_semaphore, #tpu.memory_space<semaphore_mem>>) src(%dma_wait3A_1139 : memref<1000000x32xf32, #tpu.memory_space<hbm>>) dst(%dma_wait3A_1133 : memref<50x32xf32, #tpu.memory_space<vmem>>)
      %dma_wait3A_1140 = arith.constant 3 : i32
      %dma_wait3A_1141 = arith.constant 1 : i32
      %dma_wait3A_1142 = arith.constant 3 : i32
      %dma_wait3A_1143 = arith.constant 0 : i32
      %dma_wait3A_1144 = arith.constant 0 : i32
      %dma_wait3A_1145 = tpu.memref_slice %arg9[%dma_wait3A_1141, %dma_wait3A_1142, %dma_wait3A_1143, %dma_wait3A_1144] : memref<4x16x50x32xf32, #tpu.memory_space<vmem>> -> memref<1x1x50x32xf32, #tpu.memory_space<vmem>>
      %dma_wait3A_1146 = tpu.memref_squeeze %dma_wait3A_1145 : memref<1x1x50x32xf32, #tpu.memory_space<vmem>> -> memref<50x32xf32, #tpu.memory_space<vmem>>
      %dma_wait3A_1147 = arith.constant 0 : i32
      %dma_wait3A_1148 = tpu.memref_slice %arg6[%dma_wait3A_1140, %dma_wait3A_1147] : memref<16x50xi32, #tpu.memory_space<vmem>> -> memref<1x50xi32, #tpu.memory_space<vmem>>
      %dma_wait3A_1149 = tpu.memref_squeeze %dma_wait3A_1148 : memref<1x50xi32, #tpu.memory_space<vmem>> -> memref<50xi32, #tpu.memory_space<vmem>>
      %dma_wait3A_1150 = arith.constant 0 : i32
      %dma_wait3A_1151 = arith.constant 0 : i32
      %dma_wait3A_1152 = tpu.memref_slice %arg3[%dma_wait3A_1150, %dma_wait3A_1151] : memref<1000000x32xf32, #tpu.memory_space<hbm>> -> memref<1000000x32xf32, #tpu.memory_space<hbm>>
      tpu.wait_indirect_dma semaphore(%arg11 : memref<!tpu.dma_semaphore, #tpu.memory_space<semaphore_mem>>) src(%dma_wait3A_1152 : memref<1000000x32xf32, #tpu.memory_space<hbm>>) dst(%dma_wait3A_1146 : memref<50x32xf32, #tpu.memory_space<vmem>>)
      %dma_wait3A_1153 = arith.constant 4 : i32
      %dma_wait3A_1154 = arith.constant 1 : i32
      %dma_wait3A_1155 = arith.constant 4 : i32
      %dma_wait3A_1156 = arith.constant 0 : i32
      %dma_wait3A_1157 = arith.constant 0 : i32
      %dma_wait3A_1158 = tpu.memref_slice %arg9[%dma_wait3A_1154, %dma_wait3A_1155, %dma_wait3A_1156, %dma_wait3A_1157] : memref<4x16x50x32xf32, #tpu.memory_space<vmem>> -> memref<1x1x50x32xf32, #tpu.memory_space<vmem>>
      %dma_wait3A_1159 = tpu.memref_squeeze %dma_wait3A_1158 : memref<1x1x50x32xf32, #tpu.memory_space<vmem>> -> memref<50x32xf32, #tpu.memory_space<vmem>>
      %dma_wait3A_1160 = arith.constant 0 : i32
      %dma_wait3A_1161 = tpu.memref_slice %arg6[%dma_wait3A_1153, %dma_wait3A_1160] : memref<16x50xi32, #tpu.memory_space<vmem>> -> memref<1x50xi32, #tpu.memory_space<vmem>>
      %dma_wait3A_1162 = tpu.memref_squeeze %dma_wait3A_1161 : memref<1x50xi32, #tpu.memory_space<vmem>> -> memref<50xi32, #tpu.memory_space<vmem>>
      %dma_wait3A_1163 = arith.constant 0 : i32
      %dma_wait3A_1164 = arith.constant 0 : i32
      %dma_wait3A_1165 = tpu.memref_slice %arg3[%dma_wait3A_1163, %dma_wait3A_1164] : memref<1000000x32xf32, #tpu.memory_space<hbm>> -> memref<1000000x32xf32, #tpu.memory_space<hbm>>
      tpu.wait_indirect_dma semaphore(%arg11 : memref<!tpu.dma_semaphore, #tpu.memory_space<semaphore_mem>>) src(%dma_wait3A_1165 : memref<1000000x32xf32, #tpu.memory_space<hbm>>) dst(%dma_wait3A_1159 : memref<50x32xf32, #tpu.memory_space<vmem>>)
      %dma_wait3A_1166 = arith.constant 5 : i32
      %dma_wait3A_1167 = arith.constant 1 : i32
      %dma_wait3A_1168 = arith.constant 5 : i32
      %dma_wait3A_1169 = arith.constant 0 : i32
      %dma_wait3A_1170 = arith.constant 0 : i32
      %dma_wait3A_1171 = tpu.memref_slice %arg9[%dma_wait3A_1167, %dma_wait3A_1168, %dma_wait3A_1169, %dma_wait3A_1170] : memref<4x16x50x32xf32, #tpu.memory_space<vmem>> -> memref<1x1x50x32xf32, #tpu.memory_space<vmem>>
      %dma_wait3A_1172 = tpu.memref_squeeze %dma_wait3A_1171 : memref<1x1x50x32xf32, #tpu.memory_space<vmem>> -> memref<50x32xf32, #tpu.memory_space<vmem>>
      %dma_wait3A_1173 = arith.constant 0 : i32
      %dma_wait3A_1174 = tpu.memref_slice %arg6[%dma_wait3A_1166, %dma_wait3A_1173] : memref<16x50xi32, #tpu.memory_space<vmem>> -> memref<1x50xi32, #tpu.memory_space<vmem>>
      %dma_wait3A_1175 = tpu.memref_squeeze %dma_wait3A_1174 : memref<1x50xi32, #tpu.memory_space<vmem>> -> memref<50xi32, #tpu.memory_space<vmem>>
      %dma_wait3A_1176 = arith.constant 0 : i32
      %dma_wait3A_1177 = arith.constant 0 : i32
      %dma_wait3A_1178 = tpu.memref_slice %arg3[%dma_wait3A_1176, %dma_wait3A_1177] : memref<1000000x32xf32, #tpu.memory_space<hbm>> -> memref<1000000x32xf32, #tpu.memory_space<hbm>>
      tpu.wait_indirect_dma semaphore(%arg11 : memref<!tpu.dma_semaphore, #tpu.memory_space<semaphore_mem>>) src(%dma_wait3A_1178 : memref<1000000x32xf32, #tpu.memory_space<hbm>>) dst(%dma_wait3A_1172 : memref<50x32xf32, #tpu.memory_space<vmem>>)
      %dma_wait3A_1179 = arith.constant 6 : i32
      %dma_wait3A_1180 = arith.constant 1 : i32
      %dma_wait3A_1181 = arith.constant 6 : i32
      %dma_wait3A_1182 = arith.constant 0 : i32
      %dma_wait3A_1183 = arith.constant 0 : i32
      %dma_wait3A_1184 = tpu.memref_slice %arg9[%dma_wait3A_1180, %dma_wait3A_1181, %dma_wait3A_1182, %dma_wait3A_1183] : memref<4x16x50x32xf32, #tpu.memory_space<vmem>> -> memref<1x1x50x32xf32, #tpu.memory_space<vmem>>
      %dma_wait3A_1185 = tpu.memref_squeeze %dma_wait3A_1184 : memref<1x1x50x32xf32, #tpu.memory_space<vmem>> -> memref<50x32xf32, #tpu.memory_space<vmem>>
      %dma_wait3A_1186 = arith.constant 0 : i32
      %dma_wait3A_1187 = tpu.memref_slice %arg6[%dma_wait3A_1179, %dma_wait3A_1186] : memref<16x50xi32, #tpu.memory_space<vmem>> -> memref<1x50xi32, #tpu.memory_space<vmem>>
      %dma_wait3A_1188 = tpu.memref_squeeze %dma_wait3A_1187 : memref<1x50xi32, #tpu.memory_space<vmem>> -> memref<50xi32, #tpu.memory_space<vmem>>
      %dma_wait3A_1189 = arith.constant 0 : i32
      %dma_wait3A_1190 = arith.constant 0 : i32
      %dma_wait3A_1191 = tpu.memref_slice %arg3[%dma_wait3A_1189, %dma_wait3A_1190] : memref<1000000x32xf32, #tpu.memory_space<hbm>> -> memref<1000000x32xf32, #tpu.memory_space<hbm>>
      tpu.wait_indirect_dma semaphore(%arg11 : memref<!tpu.dma_semaphore, #tpu.memory_space<semaphore_mem>>) src(%dma_wait3A_1191 : memref<1000000x32xf32, #tpu.memory_space<hbm>>) dst(%dma_wait3A_1185 : memref<50x32xf32, #tpu.memory_space<vmem>>)
      %dma_wait3A_1192 = arith.constant 7 : i32
      %dma_wait3A_1193 = arith.constant 1 : i32
      %dma_wait3A_1194 = arith.constant 7 : i32
      %dma_wait3A_1195 = arith.constant 0 : i32
      %dma_wait3A_1196 = arith.constant 0 : i32
      %dma_wait3A_1197 = tpu.memref_slice %arg9[%dma_wait3A_1193, %dma_wait3A_1194, %dma_wait3A_1195, %dma_wait3A_1196] : memref<4x16x50x32xf32, #tpu.memory_space<vmem>> -> memref<1x1x50x32xf32, #tpu.memory_space<vmem>>
      %dma_wait3A_1198 = tpu.memref_squeeze %dma_wait3A_1197 : memref<1x1x50x32xf32, #tpu.memory_space<vmem>> -> memref<50x32xf32, #tpu.memory_space<vmem>>
      %dma_wait3A_1199 = arith.constant 0 : i32
      %dma_wait3A_1200 = tpu.memref_slice %arg6[%dma_wait3A_1192, %dma_wait3A_1199] : memref<16x50xi32, #tpu.memory_space<vmem>> -> memref<1x50xi32, #tpu.memory_space<vmem>>
      %dma_wait3A_1201 = tpu.memref_squeeze %dma_wait3A_1200 : memref<1x50xi32, #tpu.memory_space<vmem>> -> memref<50xi32, #tpu.memory_space<vmem>>
      %dma_wait3A_1202 = arith.constant 0 : i32
      %dma_wait3A_1203 = arith.constant 0 : i32
      %dma_wait3A_1204 = tpu.memref_slice %arg3[%dma_wait3A_1202, %dma_wait3A_1203] : memref<1000000x32xf32, #tpu.memory_space<hbm>> -> memref<1000000x32xf32, #tpu.memory_space<hbm>>
      tpu.wait_indirect_dma semaphore(%arg11 : memref<!tpu.dma_semaphore, #tpu.memory_space<semaphore_mem>>) src(%dma_wait3A_1204 : memref<1000000x32xf32, #tpu.memory_space<hbm>>) dst(%dma_wait3A_1198 : memref<50x32xf32, #tpu.memory_space<vmem>>)
      %dma_wait3A_1205 = arith.constant 8 : i32
      %dma_wait3A_1206 = arith.constant 1 : i32
      %dma_wait3A_1207 = arith.constant 8 : i32
      %dma_wait3A_1208 = arith.constant 0 : i32
      %dma_wait3A_1209 = arith.constant 0 : i32
      %dma_wait3A_1210 = tpu.memref_slice %arg9[%dma_wait3A_1206, %dma_wait3A_1207, %dma_wait3A_1208, %dma_wait3A_1209] : memref<4x16x50x32xf32, #tpu.memory_space<vmem>> -> memref<1x1x50x32xf32, #tpu.memory_space<vmem>>
      %dma_wait3A_1211 = tpu.memref_squeeze %dma_wait3A_1210 : memref<1x1x50x32xf32, #tpu.memory_space<vmem>> -> memref<50x32xf32, #tpu.memory_space<vmem>>
      %dma_wait3A_1212 = arith.constant 0 : i32
      %dma_wait3A_1213 = tpu.memref_slice %arg6[%dma_wait3A_1205, %dma_wait3A_1212] : memref<16x50xi32, #tpu.memory_space<vmem>> -> memref<1x50xi32, #tpu.memory_space<vmem>>
      %dma_wait3A_1214 = tpu.memref_squeeze %dma_wait3A_1213 : memref<1x50xi32, #tpu.memory_space<vmem>> -> memref<50xi32, #tpu.memory_space<vmem>>
      %dma_wait3A_1215 = arith.constant 0 : i32
      %dma_wait3A_1216 = arith.constant 0 : i32
      %dma_wait3A_1217 = tpu.memref_slice %arg3[%dma_wait3A_1215, %dma_wait3A_1216] : memref<1000000x32xf32, #tpu.memory_space<hbm>> -> memref<1000000x32xf32, #tpu.memory_space<hbm>>
      tpu.wait_indirect_dma semaphore(%arg11 : memref<!tpu.dma_semaphore, #tpu.memory_space<semaphore_mem>>) src(%dma_wait3A_1217 : memref<1000000x32xf32, #tpu.memory_space<hbm>>) dst(%dma_wait3A_1211 : memref<50x32xf32, #tpu.memory_space<vmem>>)
      %dma_wait3A_1218 = arith.constant 9 : i32
      %dma_wait3A_1219 = arith.constant 1 : i32
      %dma_wait3A_1220 = arith.constant 9 : i32
      %dma_wait3A_1221 = arith.constant 0 : i32
      %dma_wait3A_1222 = arith.constant 0 : i32
      %dma_wait3A_1223 = tpu.memref_slice %arg9[%dma_wait3A_1219, %dma_wait3A_1220, %dma_wait3A_1221, %dma_wait3A_1222] : memref<4x16x50x32xf32, #tpu.memory_space<vmem>> -> memref<1x1x50x32xf32, #tpu.memory_space<vmem>>
      %dma_wait3A_1224 = tpu.memref_squeeze %dma_wait3A_1223 : memref<1x1x50x32xf32, #tpu.memory_space<vmem>> -> memref<50x32xf32, #tpu.memory_space<vmem>>
      %dma_wait3A_1225 = arith.constant 0 : i32
      %dma_wait3A_1226 = tpu.memref_slice %arg6[%dma_wait3A_1218, %dma_wait3A_1225] : memref<16x50xi32, #tpu.memory_space<vmem>> -> memref<1x50xi32, #tpu.memory_space<vmem>>
      %dma_wait3A_1227 = tpu.memref_squeeze %dma_wait3A_1226 : memref<1x50xi32, #tpu.memory_space<vmem>> -> memref<50xi32, #tpu.memory_space<vmem>>
      %dma_wait3A_1228 = arith.constant 0 : i32
      %dma_wait3A_1229 = arith.constant 0 : i32
      %dma_wait3A_1230 = tpu.memref_slice %arg3[%dma_wait3A_1228, %dma_wait3A_1229] : memref<1000000x32xf32, #tpu.memory_space<hbm>> -> memref<1000000x32xf32, #tpu.memory_space<hbm>>
      tpu.wait_indirect_dma semaphore(%arg11 : memref<!tpu.dma_semaphore, #tpu.memory_space<semaphore_mem>>) src(%dma_wait3A_1230 : memref<1000000x32xf32, #tpu.memory_space<hbm>>) dst(%dma_wait3A_1224 : memref<50x32xf32, #tpu.memory_space<vmem>>)
      %dma_wait3A_1231 = arith.constant 10 : i32
      %dma_wait3A_1232 = arith.constant 1 : i32
      %dma_wait3A_1233 = arith.constant 10 : i32
      %dma_wait3A_1234 = arith.constant 0 : i32
      %dma_wait3A_1235 = arith.constant 0 : i32
      %dma_wait3A_1236 = tpu.memref_slice %arg9[%dma_wait3A_1232, %dma_wait3A_1233, %dma_wait3A_1234, %dma_wait3A_1235] : memref<4x16x50x32xf32, #tpu.memory_space<vmem>> -> memref<1x1x50x32xf32, #tpu.memory_space<vmem>>
      %dma_wait3A_1237 = tpu.memref_squeeze %dma_wait3A_1236 : memref<1x1x50x32xf32, #tpu.memory_space<vmem>> -> memref<50x32xf32, #tpu.memory_space<vmem>>
      %dma_wait3A_1238 = arith.constant 0 : i32
      %dma_wait3A_1239 = tpu.memref_slice %arg6[%dma_wait3A_1231, %dma_wait3A_1238] : memref<16x50xi32, #tpu.memory_space<vmem>> -> memref<1x50xi32, #tpu.memory_space<vmem>>
      %dma_wait3A_1240 = tpu.memref_squeeze %dma_wait3A_1239 : memref<1x50xi32, #tpu.memory_space<vmem>> -> memref<50xi32, #tpu.memory_space<vmem>>
      %dma_wait3A_1241 = arith.constant 0 : i32
      %dma_wait3A_1242 = arith.constant 0 : i32
      %dma_wait3A_1243 = tpu.memref_slice %arg3[%dma_wait3A_1241, %dma_wait3A_1242] : memref<1000000x32xf32, #tpu.memory_space<hbm>> -> memref<1000000x32xf32, #tpu.memory_space<hbm>>
      tpu.wait_indirect_dma semaphore(%arg11 : memref<!tpu.dma_semaphore, #tpu.memory_space<semaphore_mem>>) src(%dma_wait3A_1243 : memref<1000000x32xf32, #tpu.memory_space<hbm>>) dst(%dma_wait3A_1237 : memref<50x32xf32, #tpu.memory_space<vmem>>)
      %dma_wait3A_1244 = arith.constant 11 : i32
      %dma_wait3A_1245 = arith.constant 1 : i32
      %dma_wait3A_1246 = arith.constant 11 : i32
      %dma_wait3A_1247 = arith.constant 0 : i32
      %dma_wait3A_1248 = arith.constant 0 : i32
      %dma_wait3A_1249 = tpu.memref_slice %arg9[%dma_wait3A_1245, %dma_wait3A_1246, %dma_wait3A_1247, %dma_wait3A_1248] : memref<4x16x50x32xf32, #tpu.memory_space<vmem>> -> memref<1x1x50x32xf32, #tpu.memory_space<vmem>>
      %dma_wait3A_1250 = tpu.memref_squeeze %dma_wait3A_1249 : memref<1x1x50x32xf32, #tpu.memory_space<vmem>> -> memref<50x32xf32, #tpu.memory_space<vmem>>
      %dma_wait3A_1251 = arith.constant 0 : i32
      %dma_wait3A_1252 = tpu.memref_slice %arg6[%dma_wait3A_1244, %dma_wait3A_1251] : memref<16x50xi32, #tpu.memory_space<vmem>> -> memref<1x50xi32, #tpu.memory_space<vmem>>
      %dma_wait3A_1253 = tpu.memref_squeeze %dma_wait3A_1252 : memref<1x50xi32, #tpu.memory_space<vmem>> -> memref<50xi32, #tpu.memory_space<vmem>>
      %dma_wait3A_1254 = arith.constant 0 : i32
      %dma_wait3A_1255 = arith.constant 0 : i32
      %dma_wait3A_1256 = tpu.memref_slice %arg3[%dma_wait3A_1254, %dma_wait3A_1255] : memref<1000000x32xf32, #tpu.memory_space<hbm>> -> memref<1000000x32xf32, #tpu.memory_space<hbm>>
      tpu.wait_indirect_dma semaphore(%arg11 : memref<!tpu.dma_semaphore, #tpu.memory_space<semaphore_mem>>) src(%dma_wait3A_1256 : memref<1000000x32xf32, #tpu.memory_space<hbm>>) dst(%dma_wait3A_1250 : memref<50x32xf32, #tpu.memory_space<vmem>>)
      %dma_wait3A_1257 = arith.constant 12 : i32
      %dma_wait3A_1258 = arith.constant 1 : i32
      %dma_wait3A_1259 = arith.constant 12 : i32
      %dma_wait3A_1260 = arith.constant 0 : i32
      %dma_wait3A_1261 = arith.constant 0 : i32
      %dma_wait3A_1262 = tpu.memref_slice %arg9[%dma_wait3A_1258, %dma_wait3A_1259, %dma_wait3A_1260, %dma_wait3A_1261] : memref<4x16x50x32xf32, #tpu.memory_space<vmem>> -> memref<1x1x50x32xf32, #tpu.memory_space<vmem>>
      %dma_wait3A_1263 = tpu.memref_squeeze %dma_wait3A_1262 : memref<1x1x50x32xf32, #tpu.memory_space<vmem>> -> memref<50x32xf32, #tpu.memory_space<vmem>>
      %dma_wait3A_1264 = arith.constant 0 : i32
      %dma_wait3A_1265 = tpu.memref_slice %arg6[%dma_wait3A_1257, %dma_wait3A_1264] : memref<16x50xi32, #tpu.memory_space<vmem>> -> memref<1x50xi32, #tpu.memory_space<vmem>>
      %dma_wait3A_1266 = tpu.memref_squeeze %dma_wait3A_1265 : memref<1x50xi32, #tpu.memory_space<vmem>> -> memref<50xi32, #tpu.memory_space<vmem>>
      %dma_wait3A_1267 = arith.constant 0 : i32
      %dma_wait3A_1268 = arith.constant 0 : i32
      %dma_wait3A_1269 = tpu.memref_slice %arg3[%dma_wait3A_1267, %dma_wait3A_1268] : memref<1000000x32xf32, #tpu.memory_space<hbm>> -> memref<1000000x32xf32, #tpu.memory_space<hbm>>
      tpu.wait_indirect_dma semaphore(%arg11 : memref<!tpu.dma_semaphore, #tpu.memory_space<semaphore_mem>>) src(%dma_wait3A_1269 : memref<1000000x32xf32, #tpu.memory_space<hbm>>) dst(%dma_wait3A_1263 : memref<50x32xf32, #tpu.memory_space<vmem>>)
      %dma_wait3A_1270 = arith.constant 13 : i32
      %dma_wait3A_1271 = arith.constant 1 : i32
      %dma_wait3A_1272 = arith.constant 13 : i32
      %dma_wait3A_1273 = arith.constant 0 : i32
      %dma_wait3A_1274 = arith.constant 0 : i32
      %dma_wait3A_1275 = tpu.memref_slice %arg9[%dma_wait3A_1271, %dma_wait3A_1272, %dma_wait3A_1273, %dma_wait3A_1274] : memref<4x16x50x32xf32, #tpu.memory_space<vmem>> -> memref<1x1x50x32xf32, #tpu.memory_space<vmem>>
      %dma_wait3A_1276 = tpu.memref_squeeze %dma_wait3A_1275 : memref<1x1x50x32xf32, #tpu.memory_space<vmem>> -> memref<50x32xf32, #tpu.memory_space<vmem>>
      %dma_wait3A_1277 = arith.constant 0 : i32
      %dma_wait3A_1278 = tpu.memref_slice %arg6[%dma_wait3A_1270, %dma_wait3A_1277] : memref<16x50xi32, #tpu.memory_space<vmem>> -> memref<1x50xi32, #tpu.memory_space<vmem>>
      %dma_wait3A_1279 = tpu.memref_squeeze %dma_wait3A_1278 : memref<1x50xi32, #tpu.memory_space<vmem>> -> memref<50xi32, #tpu.memory_space<vmem>>
      %dma_wait3A_1280 = arith.constant 0 : i32
      %dma_wait3A_1281 = arith.constant 0 : i32
      %dma_wait3A_1282 = tpu.memref_slice %arg3[%dma_wait3A_1280, %dma_wait3A_1281] : memref<1000000x32xf32, #tpu.memory_space<hbm>> -> memref<1000000x32xf32, #tpu.memory_space<hbm>>
      tpu.wait_indirect_dma semaphore(%arg11 : memref<!tpu.dma_semaphore, #tpu.memory_space<semaphore_mem>>) src(%dma_wait3A_1282 : memref<1000000x32xf32, #tpu.memory_space<hbm>>) dst(%dma_wait3A_1276 : memref<50x32xf32, #tpu.memory_space<vmem>>)
      %dma_wait3A_1283 = arith.constant 14 : i32
      %dma_wait3A_1284 = arith.constant 1 : i32
      %dma_wait3A_1285 = arith.constant 14 : i32
      %dma_wait3A_1286 = arith.constant 0 : i32
      %dma_wait3A_1287 = arith.constant 0 : i32
      %dma_wait3A_1288 = tpu.memref_slice %arg9[%dma_wait3A_1284, %dma_wait3A_1285, %dma_wait3A_1286, %dma_wait3A_1287] : memref<4x16x50x32xf32, #tpu.memory_space<vmem>> -> memref<1x1x50x32xf32, #tpu.memory_space<vmem>>
      %dma_wait3A_1289 = tpu.memref_squeeze %dma_wait3A_1288 : memref<1x1x50x32xf32, #tpu.memory_space<vmem>> -> memref<50x32xf32, #tpu.memory_space<vmem>>
      %dma_wait3A_1290 = arith.constant 0 : i32
      %dma_wait3A_1291 = tpu.memref_slice %arg6[%dma_wait3A_1283, %dma_wait3A_1290] : memref<16x50xi32, #tpu.memory_space<vmem>> -> memref<1x50xi32, #tpu.memory_space<vmem>>
      %dma_wait3A_1292 = tpu.memref_squeeze %dma_wait3A_1291 : memref<1x50xi32, #tpu.memory_space<vmem>> -> memref<50xi32, #tpu.memory_space<vmem>>
      %dma_wait3A_1293 = arith.constant 0 : i32
      %dma_wait3A_1294 = arith.constant 0 : i32
      %dma_wait3A_1295 = tpu.memref_slice %arg3[%dma_wait3A_1293, %dma_wait3A_1294] : memref<1000000x32xf32, #tpu.memory_space<hbm>> -> memref<1000000x32xf32, #tpu.memory_space<hbm>>
      tpu.wait_indirect_dma semaphore(%arg11 : memref<!tpu.dma_semaphore, #tpu.memory_space<semaphore_mem>>) src(%dma_wait3A_1295 : memref<1000000x32xf32, #tpu.memory_space<hbm>>) dst(%dma_wait3A_1289 : memref<50x32xf32, #tpu.memory_space<vmem>>)
      %dma_wait3A_1296 = arith.constant 15 : i32
      %dma_wait3A_1297 = arith.constant 1 : i32
      %dma_wait3A_1298 = arith.constant 15 : i32
      %dma_wait3A_1299 = arith.constant 0 : i32
      %dma_wait3A_1300 = arith.constant 0 : i32
      %dma_wait3A_1301 = tpu.memref_slice %arg9[%dma_wait3A_1297, %dma_wait3A_1298, %dma_wait3A_1299, %dma_wait3A_1300] : memref<4x16x50x32xf32, #tpu.memory_space<vmem>> -> memref<1x1x50x32xf32, #tpu.memory_space<vmem>>
      %dma_wait3A_1302 = tpu.memref_squeeze %dma_wait3A_1301 : memref<1x1x50x32xf32, #tpu.memory_space<vmem>> -> memref<50x32xf32, #tpu.memory_space<vmem>>
      %dma_wait3A_1303 = arith.constant 0 : i32
      %dma_wait3A_1304 = tpu.memref_slice %arg6[%dma_wait3A_1296, %dma_wait3A_1303] : memref<16x50xi32, #tpu.memory_space<vmem>> -> memref<1x50xi32, #tpu.memory_space<vmem>>
      %dma_wait3A_1305 = tpu.memref_squeeze %dma_wait3A_1304 : memref<1x50xi32, #tpu.memory_space<vmem>> -> memref<50xi32, #tpu.memory_space<vmem>>
      %dma_wait3A_1306 = arith.constant 0 : i32
      %dma_wait3A_1307 = arith.constant 0 : i32
      %dma_wait3A_1308 = tpu.memref_slice %arg3[%dma_wait3A_1306, %dma_wait3A_1307] : memref<1000000x32xf32, #tpu.memory_space<hbm>> -> memref<1000000x32xf32, #tpu.memory_space<hbm>>
      tpu.wait_indirect_dma semaphore(%arg11 : memref<!tpu.dma_semaphore, #tpu.memory_space<semaphore_mem>>) src(%dma_wait3A_1308 : memref<1000000x32xf32, #tpu.memory_space<hbm>>) dst(%dma_wait3A_1302 : memref<50x32xf32, #tpu.memory_space<vmem>>)
      %mul3A_1309 = arith.constant 16 : i32
      %mul3A_1310 = arith.muli %add3A_1100, %mul3A_1309 : i32
      %add3A_1311 = arith.addi %mul3A_2, %mul3A_1310 : i32
      %dma_start3A_1312 = arith.constant 1 : i32
      %dma_start3A_1313 = arith.constant 0 : i32
      %dma_start3A_1314 = arith.constant 0 : i32
      %dma_start3A_1315 = arith.constant 0 : i32
      %dma_start3A_1316 = tpu.memref_slice %arg9[%dma_start3A_1312, %dma_start3A_1313, %dma_start3A_1314, %dma_start3A_1315] : memref<4x16x50x32xf32, #tpu.memory_space<vmem>> -> memref<1x16x50x32xf32, #tpu.memory_space<vmem>>
      %dma_start3A_1317 = tpu.memref_squeeze %dma_start3A_1316 : memref<1x16x50x32xf32, #tpu.memory_space<vmem>> -> memref<16x50x32xf32, #tpu.memory_space<vmem>>
      %dma_start3A_1318 = arith.constant 0 : i32
      %dma_start3A_1319 = arith.constant 0 : i32
      %dma_start3A_1320 = tpu.memref_slice %arg4[%add3A_1311, %dma_start3A_1318, %dma_start3A_1319] : memref<16384x50x32xf32, #tpu.memory_space<hbm>> -> memref<16x50x32xf32, #tpu.memory_space<hbm>>
      %dma_start3A_1321 = arith.constant 0 : i32
      %dma_start3A_1322 = arith.constant 0 : i32
      %dma_start3A_1323 = tpu.memref_slice %arg4[%add3A_1311, %dma_start3A_1321, %dma_start3A_1322] : memref<16384x50x32xf32, #tpu.memory_space<hbm>> -> memref<16x50x32xf32, #tpu.memory_space<hbm>>
      %dma_start3A_1324 = arith.constant 0 : i32
      %dma_start3A_1325 = arith.constant 0 : i32
      %dma_start3A_1326 = arith.constant 0 : i32
      %dma_start3A_1327 = tpu.memref_slice %arg9[%dma_start3A_1312, %dma_start3A_1324, %dma_start3A_1325, %dma_start3A_1326] : memref<4x16x50x32xf32, #tpu.memory_space<vmem>> -> memref<1x16x50x32xf32, #tpu.memory_space<vmem>>
      %dma_start3A_1328 = tpu.memref_squeeze %dma_start3A_1327 : memref<1x16x50x32xf32, #tpu.memory_space<vmem>> -> memref<16x50x32xf32, #tpu.memory_space<vmem>>
      tpu.enqueue_dma source(%dma_start3A_1328 : memref<16x50x32xf32, #tpu.memory_space<vmem>>) target(%dma_start3A_1323 : memref<16x50x32xf32, #tpu.memory_space<hbm>>) target_semaphore(%arg15 : memref<!tpu.dma_semaphore, #tpu.memory_space<semaphore_mem>>)
      %dma_wait3A_1329 = arith.constant 1 : i32
      %dma_wait3A_1330 = arith.constant 0 : i32
      %dma_wait3A_1331 = arith.constant 0 : i32
      %dma_wait3A_1332 = arith.constant 0 : i32
      %dma_wait3A_1333 = tpu.memref_slice %arg9[%dma_wait3A_1329, %dma_wait3A_1330, %dma_wait3A_1331, %dma_wait3A_1332] : memref<4x16x50x32xf32, #tpu.memory_space<vmem>> -> memref<1x16x50x32xf32, #tpu.memory_space<vmem>>
      %dma_wait3A_1334 = tpu.memref_squeeze %dma_wait3A_1333 : memref<1x16x50x32xf32, #tpu.memory_space<vmem>> -> memref<16x50x32xf32, #tpu.memory_space<vmem>>
      %dma_wait3A_1335 = arith.constant 0 : i32
      %dma_wait3A_1336 = arith.constant 0 : i32
      %dma_wait3A_1337 = tpu.memref_slice %arg4[%add3A_1311, %dma_wait3A_1335, %dma_wait3A_1336] : memref<16384x50x32xf32, #tpu.memory_space<hbm>> -> memref<16x50x32xf32, #tpu.memory_space<hbm>>
      %dma_wait3A_1338 = arith.constant 0 : i32
      %dma_wait3A_1339 = arith.constant 0 : i32
      %dma_wait3A_1340 = tpu.memref_slice %arg4[%add3A_1311, %dma_wait3A_1338, %dma_wait3A_1339] : memref<16384x50x32xf32, #tpu.memory_space<hbm>> -> memref<16x50x32xf32, #tpu.memory_space<hbm>>
      %dma_wait3A_1341 = arith.constant 0 : i32
      %dma_wait3A_1342 = arith.constant 0 : i32
      %dma_wait3A_1343 = arith.constant 0 : i32
      %dma_wait3A_1344 = tpu.memref_slice %arg9[%dma_wait3A_1329, %dma_wait3A_1341, %dma_wait3A_1342, %dma_wait3A_1343] : memref<4x16x50x32xf32, #tpu.memory_space<vmem>> -> memref<1x16x50x32xf32, #tpu.memory_space<vmem>>
      %dma_wait3A_1345 = tpu.memref_squeeze %dma_wait3A_1344 : memref<1x16x50x32xf32, #tpu.memory_space<vmem>> -> memref<16x50x32xf32, #tpu.memory_space<vmem>>
      tpu.wait_dma2 semaphore(%arg15 : memref<!tpu.dma_semaphore, #tpu.memory_space<semaphore_mem>>) src(%dma_wait3A_1345 : memref<16x50x32xf32, #tpu.memory_space<vmem>>) dst(%dma_wait3A_1340 : memref<16x50x32xf32, #tpu.memory_space<hbm>>)
      %lt3A_1346 = arith.constant 7 : i32
      %lt3A_1347 = arith.cmpi slt, %scan3A_846, %lt3A_1346 : i32
      %convert_element_type3A_1348 = arith.extui %lt3A_1347 : i1 to i32
      %cond3A_1349 = arith.constant 0 : i32
      %cond3A_1350 = arith.cmpi ne, %convert_element_type3A_1348, %cond3A_1349 : i32
      scf.if %cond3A_1350 {
        %add3A_1859 = arith.constant 4 : i32
        %add3A_1860 = arith.addi %add3A_1100, %add3A_1859 : i32
        %mul3A_1861 = arith.constant 16 : i32
        %mul3A_1862 = arith.muli %add3A_1860, %mul3A_1861 : i32
        %add3A_1863 = arith.addi %mul3A_2, %mul3A_1862 : i32
        "tpu.region"() ({
          %run_scoped3A = tpu.sem_alloc : memref<!tpu.dma_semaphore, #tpu.memory_space<semaphore_mem>>
          %dma_start3A_2072 = arith.constant 0 : i32
          %dma_start3A_2073 = tpu.memref_slice %arg2[%add3A_1863, %dma_start3A_2072] : memref<16384x50xi32, #tpu.memory_space<hbm>> -> memref<16x50xi32, #tpu.memory_space<hbm>>
          %dma_start3A_2074 = arith.constant 0 : i32
          %dma_start3A_2075 = tpu.memref_slice %arg2[%add3A_1863, %dma_start3A_2074] : memref<16384x50xi32, #tpu.memory_space<hbm>> -> memref<16x50xi32, #tpu.memory_space<hbm>>
          tpu.enqueue_dma source(%dma_start3A_2075 : memref<16x50xi32, #tpu.memory_space<hbm>>) target(%arg6 : memref<16x50xi32, #tpu.memory_space<vmem>>) target_semaphore(%run_scoped3A : memref<!tpu.dma_semaphore, #tpu.memory_space<semaphore_mem>>)
          %dma_wait3A_2076 = arith.constant 0 : i32
          %dma_wait3A_2077 = tpu.memref_slice %arg2[%add3A_1863, %dma_wait3A_2076] : memref<16384x50xi32, #tpu.memory_space<hbm>> -> memref<16x50xi32, #tpu.memory_space<hbm>>
          %dma_wait3A_2078 = arith.constant 0 : i32
          %dma_wait3A_2079 = tpu.memref_slice %arg2[%add3A_1863, %dma_wait3A_2078] : memref<16384x50xi32, #tpu.memory_space<hbm>> -> memref<16x50xi32, #tpu.memory_space<hbm>>
          tpu.wait_dma2 semaphore(%run_scoped3A : memref<!tpu.dma_semaphore, #tpu.memory_space<semaphore_mem>>) src(%dma_wait3A_2079 : memref<16x50xi32, #tpu.memory_space<hbm>>) dst(%arg6 : memref<16x50xi32, #tpu.memory_space<vmem>>)
          tpu.yield
        }) : () -> ()
        %dma_start3A_1864 = arith.constant 0 : i32
        %dma_start3A_1865 = arith.constant 1 : i32
        %dma_start3A_1866 = arith.constant 0 : i32
        %dma_start3A_1867 = arith.constant 0 : i32
        %dma_start3A_1868 = arith.constant 0 : i32
        %dma_start3A_1869 = tpu.memref_slice %arg9[%dma_start3A_1865, %dma_start3A_1866, %dma_start3A_1867, %dma_start3A_1868] : memref<4x16x50x32xf32, #tpu.memory_space<vmem>> -> memref<1x1x50x32xf32, #tpu.memory_space<vmem>>
        %dma_start3A_1870 = tpu.memref_squeeze %dma_start3A_1869 : memref<1x1x50x32xf32, #tpu.memory_space<vmem>> -> memref<50x32xf32, #tpu.memory_space<vmem>>
        %dma_start3A_1871 = arith.constant 0 : i32
        %dma_start3A_1872 = tpu.memref_slice %arg6[%dma_start3A_1864, %dma_start3A_1871] : memref<16x50xi32, #tpu.memory_space<vmem>> -> memref<1x50xi32, #tpu.memory_space<vmem>>
        %dma_start3A_1873 = tpu.memref_squeeze %dma_start3A_1872 : memref<1x50xi32, #tpu.memory_space<vmem>> -> memref<50xi32, #tpu.memory_space<vmem>>
        %dma_start3A_1874 = arith.constant 0 : i32
        %dma_start3A_1875 = arith.constant 0 : i32
        %dma_start3A_1876 = tpu.memref_slice %arg3[%dma_start3A_1874, %dma_start3A_1875] : memref<1000000x32xf32, #tpu.memory_space<hbm>> -> memref<1000000x32xf32, #tpu.memory_space<hbm>>
        tpu.enqueue_indirect_dma source(%dma_start3A_1876 : memref<1000000x32xf32, #tpu.memory_space<hbm>>) target(%dma_start3A_1870 : memref<50x32xf32, #tpu.memory_space<vmem>>) offsets(%dma_start3A_1873 : memref<50xi32, #tpu.memory_space<vmem>>) semaphore(%arg11 : memref<!tpu.dma_semaphore, #tpu.memory_space<semaphore_mem>>)
        %dma_start3A_1877 = arith.constant 1 : i32
        %dma_start3A_1878 = arith.constant 1 : i32
        %dma_start3A_1879 = arith.constant 1 : i32
        %dma_start3A_1880 = arith.constant 0 : i32
        %dma_start3A_1881 = arith.constant 0 : i32
        %dma_start3A_1882 = tpu.memref_slice %arg9[%dma_start3A_1878, %dma_start3A_1879, %dma_start3A_1880, %dma_start3A_1881] : memref<4x16x50x32xf32, #tpu.memory_space<vmem>> -> memref<1x1x50x32xf32, #tpu.memory_space<vmem>>
        %dma_start3A_1883 = tpu.memref_squeeze %dma_start3A_1882 : memref<1x1x50x32xf32, #tpu.memory_space<vmem>> -> memref<50x32xf32, #tpu.memory_space<vmem>>
        %dma_start3A_1884 = arith.constant 0 : i32
        %dma_start3A_1885 = tpu.memref_slice %arg6[%dma_start3A_1877, %dma_start3A_1884] : memref<16x50xi32, #tpu.memory_space<vmem>> -> memref<1x50xi32, #tpu.memory_space<vmem>>
        %dma_start3A_1886 = tpu.memref_squeeze %dma_start3A_1885 : memref<1x50xi32, #tpu.memory_space<vmem>> -> memref<50xi32, #tpu.memory_space<vmem>>
        %dma_start3A_1887 = arith.constant 0 : i32
        %dma_start3A_1888 = arith.constant 0 : i32
        %dma_start3A_1889 = tpu.memref_slice %arg3[%dma_start3A_1887, %dma_start3A_1888] : memref<1000000x32xf32, #tpu.memory_space<hbm>> -> memref<1000000x32xf32, #tpu.memory_space<hbm>>
        tpu.enqueue_indirect_dma source(%dma_start3A_1889 : memref<1000000x32xf32, #tpu.memory_space<hbm>>) target(%dma_start3A_1883 : memref<50x32xf32, #tpu.memory_space<vmem>>) offsets(%dma_start3A_1886 : memref<50xi32, #tpu.memory_space<vmem>>) semaphore(%arg11 : memref<!tpu.dma_semaphore, #tpu.memory_space<semaphore_mem>>)
        %dma_start3A_1890 = arith.constant 2 : i32
        %dma_start3A_1891 = arith.constant 1 : i32
        %dma_start3A_1892 = arith.constant 2 : i32
        %dma_start3A_1893 = arith.constant 0 : i32
        %dma_start3A_1894 = arith.constant 0 : i32
        %dma_start3A_1895 = tpu.memref_slice %arg9[%dma_start3A_1891, %dma_start3A_1892, %dma_start3A_1893, %dma_start3A_1894] : memref<4x16x50x32xf32, #tpu.memory_space<vmem>> -> memref<1x1x50x32xf32, #tpu.memory_space<vmem>>
        %dma_start3A_1896 = tpu.memref_squeeze %dma_start3A_1895 : memref<1x1x50x32xf32, #tpu.memory_space<vmem>> -> memref<50x32xf32, #tpu.memory_space<vmem>>
        %dma_start3A_1897 = arith.constant 0 : i32
        %dma_start3A_1898 = tpu.memref_slice %arg6[%dma_start3A_1890, %dma_start3A_1897] : memref<16x50xi32, #tpu.memory_space<vmem>> -> memref<1x50xi32, #tpu.memory_space<vmem>>
        %dma_start3A_1899 = tpu.memref_squeeze %dma_start3A_1898 : memref<1x50xi32, #tpu.memory_space<vmem>> -> memref<50xi32, #tpu.memory_space<vmem>>
        %dma_start3A_1900 = arith.constant 0 : i32
        %dma_start3A_1901 = arith.constant 0 : i32
        %dma_start3A_1902 = tpu.memref_slice %arg3[%dma_start3A_1900, %dma_start3A_1901] : memref<1000000x32xf32, #tpu.memory_space<hbm>> -> memref<1000000x32xf32, #tpu.memory_space<hbm>>
        tpu.enqueue_indirect_dma source(%dma_start3A_1902 : memref<1000000x32xf32, #tpu.memory_space<hbm>>) target(%dma_start3A_1896 : memref<50x32xf32, #tpu.memory_space<vmem>>) offsets(%dma_start3A_1899 : memref<50xi32, #tpu.memory_space<vmem>>) semaphore(%arg11 : memref<!tpu.dma_semaphore, #tpu.memory_space<semaphore_mem>>)
        %dma_start3A_1903 = arith.constant 3 : i32
        %dma_start3A_1904 = arith.constant 1 : i32
        %dma_start3A_1905 = arith.constant 3 : i32
        %dma_start3A_1906 = arith.constant 0 : i32
        %dma_start3A_1907 = arith.constant 0 : i32
        %dma_start3A_1908 = tpu.memref_slice %arg9[%dma_start3A_1904, %dma_start3A_1905, %dma_start3A_1906, %dma_start3A_1907] : memref<4x16x50x32xf32, #tpu.memory_space<vmem>> -> memref<1x1x50x32xf32, #tpu.memory_space<vmem>>
        %dma_start3A_1909 = tpu.memref_squeeze %dma_start3A_1908 : memref<1x1x50x32xf32, #tpu.memory_space<vmem>> -> memref<50x32xf32, #tpu.memory_space<vmem>>
        %dma_start3A_1910 = arith.constant 0 : i32
        %dma_start3A_1911 = tpu.memref_slice %arg6[%dma_start3A_1903, %dma_start3A_1910] : memref<16x50xi32, #tpu.memory_space<vmem>> -> memref<1x50xi32, #tpu.memory_space<vmem>>
        %dma_start3A_1912 = tpu.memref_squeeze %dma_start3A_1911 : memref<1x50xi32, #tpu.memory_space<vmem>> -> memref<50xi32, #tpu.memory_space<vmem>>
        %dma_start3A_1913 = arith.constant 0 : i32
        %dma_start3A_1914 = arith.constant 0 : i32
        %dma_start3A_1915 = tpu.memref_slice %arg3[%dma_start3A_1913, %dma_start3A_1914] : memref<1000000x32xf32, #tpu.memory_space<hbm>> -> memref<1000000x32xf32, #tpu.memory_space<hbm>>
        tpu.enqueue_indirect_dma source(%dma_start3A_1915 : memref<1000000x32xf32, #tpu.memory_space<hbm>>) target(%dma_start3A_1909 : memref<50x32xf32, #tpu.memory_space<vmem>>) offsets(%dma_start3A_1912 : memref<50xi32, #tpu.memory_space<vmem>>) semaphore(%arg11 : memref<!tpu.dma_semaphore, #tpu.memory_space<semaphore_mem>>)
        %dma_start3A_1916 = arith.constant 4 : i32
        %dma_start3A_1917 = arith.constant 1 : i32
        %dma_start3A_1918 = arith.constant 4 : i32
        %dma_start3A_1919 = arith.constant 0 : i32
        %dma_start3A_1920 = arith.constant 0 : i32
        %dma_start3A_1921 = tpu.memref_slice %arg9[%dma_start3A_1917, %dma_start3A_1918, %dma_start3A_1919, %dma_start3A_1920] : memref<4x16x50x32xf32, #tpu.memory_space<vmem>> -> memref<1x1x50x32xf32, #tpu.memory_space<vmem>>
        %dma_start3A_1922 = tpu.memref_squeeze %dma_start3A_1921 : memref<1x1x50x32xf32, #tpu.memory_space<vmem>> -> memref<50x32xf32, #tpu.memory_space<vmem>>
        %dma_start3A_1923 = arith.constant 0 : i32
        %dma_start3A_1924 = tpu.memref_slice %arg6[%dma_start3A_1916, %dma_start3A_1923] : memref<16x50xi32, #tpu.memory_space<vmem>> -> memref<1x50xi32, #tpu.memory_space<vmem>>
        %dma_start3A_1925 = tpu.memref_squeeze %dma_start3A_1924 : memref<1x50xi32, #tpu.memory_space<vmem>> -> memref<50xi32, #tpu.memory_space<vmem>>
        %dma_start3A_1926 = arith.constant 0 : i32
        %dma_start3A_1927 = arith.constant 0 : i32
        %dma_start3A_1928 = tpu.memref_slice %arg3[%dma_start3A_1926, %dma_start3A_1927] : memref<1000000x32xf32, #tpu.memory_space<hbm>> -> memref<1000000x32xf32, #tpu.memory_space<hbm>>
        tpu.enqueue_indirect_dma source(%dma_start3A_1928 : memref<1000000x32xf32, #tpu.memory_space<hbm>>) target(%dma_start3A_1922 : memref<50x32xf32, #tpu.memory_space<vmem>>) offsets(%dma_start3A_1925 : memref<50xi32, #tpu.memory_space<vmem>>) semaphore(%arg11 : memref<!tpu.dma_semaphore, #tpu.memory_space<semaphore_mem>>)
        %dma_start3A_1929 = arith.constant 5 : i32
        %dma_start3A_1930 = arith.constant 1 : i32
        %dma_start3A_1931 = arith.constant 5 : i32
        %dma_start3A_1932 = arith.constant 0 : i32
        %dma_start3A_1933 = arith.constant 0 : i32
        %dma_start3A_1934 = tpu.memref_slice %arg9[%dma_start3A_1930, %dma_start3A_1931, %dma_start3A_1932, %dma_start3A_1933] : memref<4x16x50x32xf32, #tpu.memory_space<vmem>> -> memref<1x1x50x32xf32, #tpu.memory_space<vmem>>
        %dma_start3A_1935 = tpu.memref_squeeze %dma_start3A_1934 : memref<1x1x50x32xf32, #tpu.memory_space<vmem>> -> memref<50x32xf32, #tpu.memory_space<vmem>>
        %dma_start3A_1936 = arith.constant 0 : i32
        %dma_start3A_1937 = tpu.memref_slice %arg6[%dma_start3A_1929, %dma_start3A_1936] : memref<16x50xi32, #tpu.memory_space<vmem>> -> memref<1x50xi32, #tpu.memory_space<vmem>>
        %dma_start3A_1938 = tpu.memref_squeeze %dma_start3A_1937 : memref<1x50xi32, #tpu.memory_space<vmem>> -> memref<50xi32, #tpu.memory_space<vmem>>
        %dma_start3A_1939 = arith.constant 0 : i32
        %dma_start3A_1940 = arith.constant 0 : i32
        %dma_start3A_1941 = tpu.memref_slice %arg3[%dma_start3A_1939, %dma_start3A_1940] : memref<1000000x32xf32, #tpu.memory_space<hbm>> -> memref<1000000x32xf32, #tpu.memory_space<hbm>>
        tpu.enqueue_indirect_dma source(%dma_start3A_1941 : memref<1000000x32xf32, #tpu.memory_space<hbm>>) target(%dma_start3A_1935 : memref<50x32xf32, #tpu.memory_space<vmem>>) offsets(%dma_start3A_1938 : memref<50xi32, #tpu.memory_space<vmem>>) semaphore(%arg11 : memref<!tpu.dma_semaphore, #tpu.memory_space<semaphore_mem>>)
        %dma_start3A_1942 = arith.constant 6 : i32
        %dma_start3A_1943 = arith.constant 1 : i32
        %dma_start3A_1944 = arith.constant 6 : i32
        %dma_start3A_1945 = arith.constant 0 : i32
        %dma_start3A_1946 = arith.constant 0 : i32
        %dma_start3A_1947 = tpu.memref_slice %arg9[%dma_start3A_1943, %dma_start3A_1944, %dma_start3A_1945, %dma_start3A_1946] : memref<4x16x50x32xf32, #tpu.memory_space<vmem>> -> memref<1x1x50x32xf32, #tpu.memory_space<vmem>>
        %dma_start3A_1948 = tpu.memref_squeeze %dma_start3A_1947 : memref<1x1x50x32xf32, #tpu.memory_space<vmem>> -> memref<50x32xf32, #tpu.memory_space<vmem>>
        %dma_start3A_1949 = arith.constant 0 : i32
        %dma_start3A_1950 = tpu.memref_slice %arg6[%dma_start3A_1942, %dma_start3A_1949] : memref<16x50xi32, #tpu.memory_space<vmem>> -> memref<1x50xi32, #tpu.memory_space<vmem>>
        %dma_start3A_1951 = tpu.memref_squeeze %dma_start3A_1950 : memref<1x50xi32, #tpu.memory_space<vmem>> -> memref<50xi32, #tpu.memory_space<vmem>>
        %dma_start3A_1952 = arith.constant 0 : i32
        %dma_start3A_1953 = arith.constant 0 : i32
        %dma_start3A_1954 = tpu.memref_slice %arg3[%dma_start3A_1952, %dma_start3A_1953] : memref<1000000x32xf32, #tpu.memory_space<hbm>> -> memref<1000000x32xf32, #tpu.memory_space<hbm>>
        tpu.enqueue_indirect_dma source(%dma_start3A_1954 : memref<1000000x32xf32, #tpu.memory_space<hbm>>) target(%dma_start3A_1948 : memref<50x32xf32, #tpu.memory_space<vmem>>) offsets(%dma_start3A_1951 : memref<50xi32, #tpu.memory_space<vmem>>) semaphore(%arg11 : memref<!tpu.dma_semaphore, #tpu.memory_space<semaphore_mem>>)
        %dma_start3A_1955 = arith.constant 7 : i32
        %dma_start3A_1956 = arith.constant 1 : i32
        %dma_start3A_1957 = arith.constant 7 : i32
        %dma_start3A_1958 = arith.constant 0 : i32
        %dma_start3A_1959 = arith.constant 0 : i32
        %dma_start3A_1960 = tpu.memref_slice %arg9[%dma_start3A_1956, %dma_start3A_1957, %dma_start3A_1958, %dma_start3A_1959] : memref<4x16x50x32xf32, #tpu.memory_space<vmem>> -> memref<1x1x50x32xf32, #tpu.memory_space<vmem>>
        %dma_start3A_1961 = tpu.memref_squeeze %dma_start3A_1960 : memref<1x1x50x32xf32, #tpu.memory_space<vmem>> -> memref<50x32xf32, #tpu.memory_space<vmem>>
        %dma_start3A_1962 = arith.constant 0 : i32
        %dma_start3A_1963 = tpu.memref_slice %arg6[%dma_start3A_1955, %dma_start3A_1962] : memref<16x50xi32, #tpu.memory_space<vmem>> -> memref<1x50xi32, #tpu.memory_space<vmem>>
        %dma_start3A_1964 = tpu.memref_squeeze %dma_start3A_1963 : memref<1x50xi32, #tpu.memory_space<vmem>> -> memref<50xi32, #tpu.memory_space<vmem>>
        %dma_start3A_1965 = arith.constant 0 : i32
        %dma_start3A_1966 = arith.constant 0 : i32
        %dma_start3A_1967 = tpu.memref_slice %arg3[%dma_start3A_1965, %dma_start3A_1966] : memref<1000000x32xf32, #tpu.memory_space<hbm>> -> memref<1000000x32xf32, #tpu.memory_space<hbm>>
        tpu.enqueue_indirect_dma source(%dma_start3A_1967 : memref<1000000x32xf32, #tpu.memory_space<hbm>>) target(%dma_start3A_1961 : memref<50x32xf32, #tpu.memory_space<vmem>>) offsets(%dma_start3A_1964 : memref<50xi32, #tpu.memory_space<vmem>>) semaphore(%arg11 : memref<!tpu.dma_semaphore, #tpu.memory_space<semaphore_mem>>)
        %dma_start3A_1968 = arith.constant 8 : i32
        %dma_start3A_1969 = arith.constant 1 : i32
        %dma_start3A_1970 = arith.constant 8 : i32
        %dma_start3A_1971 = arith.constant 0 : i32
        %dma_start3A_1972 = arith.constant 0 : i32
        %dma_start3A_1973 = tpu.memref_slice %arg9[%dma_start3A_1969, %dma_start3A_1970, %dma_start3A_1971, %dma_start3A_1972] : memref<4x16x50x32xf32, #tpu.memory_space<vmem>> -> memref<1x1x50x32xf32, #tpu.memory_space<vmem>>
        %dma_start3A_1974 = tpu.memref_squeeze %dma_start3A_1973 : memref<1x1x50x32xf32, #tpu.memory_space<vmem>> -> memref<50x32xf32, #tpu.memory_space<vmem>>
        %dma_start3A_1975 = arith.constant 0 : i32
        %dma_start3A_1976 = tpu.memref_slice %arg6[%dma_start3A_1968, %dma_start3A_1975] : memref<16x50xi32, #tpu.memory_space<vmem>> -> memref<1x50xi32, #tpu.memory_space<vmem>>
        %dma_start3A_1977 = tpu.memref_squeeze %dma_start3A_1976 : memref<1x50xi32, #tpu.memory_space<vmem>> -> memref<50xi32, #tpu.memory_space<vmem>>
        %dma_start3A_1978 = arith.constant 0 : i32
        %dma_start3A_1979 = arith.constant 0 : i32
        %dma_start3A_1980 = tpu.memref_slice %arg3[%dma_start3A_1978, %dma_start3A_1979] : memref<1000000x32xf32, #tpu.memory_space<hbm>> -> memref<1000000x32xf32, #tpu.memory_space<hbm>>
        tpu.enqueue_indirect_dma source(%dma_start3A_1980 : memref<1000000x32xf32, #tpu.memory_space<hbm>>) target(%dma_start3A_1974 : memref<50x32xf32, #tpu.memory_space<vmem>>) offsets(%dma_start3A_1977 : memref<50xi32, #tpu.memory_space<vmem>>) semaphore(%arg11 : memref<!tpu.dma_semaphore, #tpu.memory_space<semaphore_mem>>)
        %dma_start3A_1981 = arith.constant 9 : i32
        %dma_start3A_1982 = arith.constant 1 : i32
        %dma_start3A_1983 = arith.constant 9 : i32
        %dma_start3A_1984 = arith.constant 0 : i32
        %dma_start3A_1985 = arith.constant 0 : i32
        %dma_start3A_1986 = tpu.memref_slice %arg9[%dma_start3A_1982, %dma_start3A_1983, %dma_start3A_1984, %dma_start3A_1985] : memref<4x16x50x32xf32, #tpu.memory_space<vmem>> -> memref<1x1x50x32xf32, #tpu.memory_space<vmem>>
        %dma_start3A_1987 = tpu.memref_squeeze %dma_start3A_1986 : memref<1x1x50x32xf32, #tpu.memory_space<vmem>> -> memref<50x32xf32, #tpu.memory_space<vmem>>
        %dma_start3A_1988 = arith.constant 0 : i32
        %dma_start3A_1989 = tpu.memref_slice %arg6[%dma_start3A_1981, %dma_start3A_1988] : memref<16x50xi32, #tpu.memory_space<vmem>> -> memref<1x50xi32, #tpu.memory_space<vmem>>
        %dma_start3A_1990 = tpu.memref_squeeze %dma_start3A_1989 : memref<1x50xi32, #tpu.memory_space<vmem>> -> memref<50xi32, #tpu.memory_space<vmem>>
        %dma_start3A_1991 = arith.constant 0 : i32
        %dma_start3A_1992 = arith.constant 0 : i32
        %dma_start3A_1993 = tpu.memref_slice %arg3[%dma_start3A_1991, %dma_start3A_1992] : memref<1000000x32xf32, #tpu.memory_space<hbm>> -> memref<1000000x32xf32, #tpu.memory_space<hbm>>
        tpu.enqueue_indirect_dma source(%dma_start3A_1993 : memref<1000000x32xf32, #tpu.memory_space<hbm>>) target(%dma_start3A_1987 : memref<50x32xf32, #tpu.memory_space<vmem>>) offsets(%dma_start3A_1990 : memref<50xi32, #tpu.memory_space<vmem>>) semaphore(%arg11 : memref<!tpu.dma_semaphore, #tpu.memory_space<semaphore_mem>>)
        %dma_start3A_1994 = arith.constant 10 : i32
        %dma_start3A_1995 = arith.constant 1 : i32
        %dma_start3A_1996 = arith.constant 10 : i32
        %dma_start3A_1997 = arith.constant 0 : i32
        %dma_start3A_1998 = arith.constant 0 : i32
        %dma_start3A_1999 = tpu.memref_slice %arg9[%dma_start3A_1995, %dma_start3A_1996, %dma_start3A_1997, %dma_start3A_1998] : memref<4x16x50x32xf32, #tpu.memory_space<vmem>> -> memref<1x1x50x32xf32, #tpu.memory_space<vmem>>
        %dma_start3A_2000 = tpu.memref_squeeze %dma_start3A_1999 : memref<1x1x50x32xf32, #tpu.memory_space<vmem>> -> memref<50x32xf32, #tpu.memory_space<vmem>>
        %dma_start3A_2001 = arith.constant 0 : i32
        %dma_start3A_2002 = tpu.memref_slice %arg6[%dma_start3A_1994, %dma_start3A_2001] : memref<16x50xi32, #tpu.memory_space<vmem>> -> memref<1x50xi32, #tpu.memory_space<vmem>>
        %dma_start3A_2003 = tpu.memref_squeeze %dma_start3A_2002 : memref<1x50xi32, #tpu.memory_space<vmem>> -> memref<50xi32, #tpu.memory_space<vmem>>
        %dma_start3A_2004 = arith.constant 0 : i32
        %dma_start3A_2005 = arith.constant 0 : i32
        %dma_start3A_2006 = tpu.memref_slice %arg3[%dma_start3A_2004, %dma_start3A_2005] : memref<1000000x32xf32, #tpu.memory_space<hbm>> -> memref<1000000x32xf32, #tpu.memory_space<hbm>>
        tpu.enqueue_indirect_dma source(%dma_start3A_2006 : memref<1000000x32xf32, #tpu.memory_space<hbm>>) target(%dma_start3A_2000 : memref<50x32xf32, #tpu.memory_space<vmem>>) offsets(%dma_start3A_2003 : memref<50xi32, #tpu.memory_space<vmem>>) semaphore(%arg11 : memref<!tpu.dma_semaphore, #tpu.memory_space<semaphore_mem>>)
        %dma_start3A_2007 = arith.constant 11 : i32
        %dma_start3A_2008 = arith.constant 1 : i32
        %dma_start3A_2009 = arith.constant 11 : i32
        %dma_start3A_2010 = arith.constant 0 : i32
        %dma_start3A_2011 = arith.constant 0 : i32
        %dma_start3A_2012 = tpu.memref_slice %arg9[%dma_start3A_2008, %dma_start3A_2009, %dma_start3A_2010, %dma_start3A_2011] : memref<4x16x50x32xf32, #tpu.memory_space<vmem>> -> memref<1x1x50x32xf32, #tpu.memory_space<vmem>>
        %dma_start3A_2013 = tpu.memref_squeeze %dma_start3A_2012 : memref<1x1x50x32xf32, #tpu.memory_space<vmem>> -> memref<50x32xf32, #tpu.memory_space<vmem>>
        %dma_start3A_2014 = arith.constant 0 : i32
        %dma_start3A_2015 = tpu.memref_slice %arg6[%dma_start3A_2007, %dma_start3A_2014] : memref<16x50xi32, #tpu.memory_space<vmem>> -> memref<1x50xi32, #tpu.memory_space<vmem>>
        %dma_start3A_2016 = tpu.memref_squeeze %dma_start3A_2015 : memref<1x50xi32, #tpu.memory_space<vmem>> -> memref<50xi32, #tpu.memory_space<vmem>>
        %dma_start3A_2017 = arith.constant 0 : i32
        %dma_start3A_2018 = arith.constant 0 : i32
        %dma_start3A_2019 = tpu.memref_slice %arg3[%dma_start3A_2017, %dma_start3A_2018] : memref<1000000x32xf32, #tpu.memory_space<hbm>> -> memref<1000000x32xf32, #tpu.memory_space<hbm>>
        tpu.enqueue_indirect_dma source(%dma_start3A_2019 : memref<1000000x32xf32, #tpu.memory_space<hbm>>) target(%dma_start3A_2013 : memref<50x32xf32, #tpu.memory_space<vmem>>) offsets(%dma_start3A_2016 : memref<50xi32, #tpu.memory_space<vmem>>) semaphore(%arg11 : memref<!tpu.dma_semaphore, #tpu.memory_space<semaphore_mem>>)
        %dma_start3A_2020 = arith.constant 12 : i32
        %dma_start3A_2021 = arith.constant 1 : i32
        %dma_start3A_2022 = arith.constant 12 : i32
        %dma_start3A_2023 = arith.constant 0 : i32
        %dma_start3A_2024 = arith.constant 0 : i32
        %dma_start3A_2025 = tpu.memref_slice %arg9[%dma_start3A_2021, %dma_start3A_2022, %dma_start3A_2023, %dma_start3A_2024] : memref<4x16x50x32xf32, #tpu.memory_space<vmem>> -> memref<1x1x50x32xf32, #tpu.memory_space<vmem>>
        %dma_start3A_2026 = tpu.memref_squeeze %dma_start3A_2025 : memref<1x1x50x32xf32, #tpu.memory_space<vmem>> -> memref<50x32xf32, #tpu.memory_space<vmem>>
        %dma_start3A_2027 = arith.constant 0 : i32
        %dma_start3A_2028 = tpu.memref_slice %arg6[%dma_start3A_2020, %dma_start3A_2027] : memref<16x50xi32, #tpu.memory_space<vmem>> -> memref<1x50xi32, #tpu.memory_space<vmem>>
        %dma_start3A_2029 = tpu.memref_squeeze %dma_start3A_2028 : memref<1x50xi32, #tpu.memory_space<vmem>> -> memref<50xi32, #tpu.memory_space<vmem>>
        %dma_start3A_2030 = arith.constant 0 : i32
        %dma_start3A_2031 = arith.constant 0 : i32
        %dma_start3A_2032 = tpu.memref_slice %arg3[%dma_start3A_2030, %dma_start3A_2031] : memref<1000000x32xf32, #tpu.memory_space<hbm>> -> memref<1000000x32xf32, #tpu.memory_space<hbm>>
        tpu.enqueue_indirect_dma source(%dma_start3A_2032 : memref<1000000x32xf32, #tpu.memory_space<hbm>>) target(%dma_start3A_2026 : memref<50x32xf32, #tpu.memory_space<vmem>>) offsets(%dma_start3A_2029 : memref<50xi32, #tpu.memory_space<vmem>>) semaphore(%arg11 : memref<!tpu.dma_semaphore, #tpu.memory_space<semaphore_mem>>)
        %dma_start3A_2033 = arith.constant 13 : i32
        %dma_start3A_2034 = arith.constant 1 : i32
        %dma_start3A_2035 = arith.constant 13 : i32
        %dma_start3A_2036 = arith.constant 0 : i32
        %dma_start3A_2037 = arith.constant 0 : i32
        %dma_start3A_2038 = tpu.memref_slice %arg9[%dma_start3A_2034, %dma_start3A_2035, %dma_start3A_2036, %dma_start3A_2037] : memref<4x16x50x32xf32, #tpu.memory_space<vmem>> -> memref<1x1x50x32xf32, #tpu.memory_space<vmem>>
        %dma_start3A_2039 = tpu.memref_squeeze %dma_start3A_2038 : memref<1x1x50x32xf32, #tpu.memory_space<vmem>> -> memref<50x32xf32, #tpu.memory_space<vmem>>
        %dma_start3A_2040 = arith.constant 0 : i32
        %dma_start3A_2041 = tpu.memref_slice %arg6[%dma_start3A_2033, %dma_start3A_2040] : memref<16x50xi32, #tpu.memory_space<vmem>> -> memref<1x50xi32, #tpu.memory_space<vmem>>
        %dma_start3A_2042 = tpu.memref_squeeze %dma_start3A_2041 : memref<1x50xi32, #tpu.memory_space<vmem>> -> memref<50xi32, #tpu.memory_space<vmem>>
        %dma_start3A_2043 = arith.constant 0 : i32
        %dma_start3A_2044 = arith.constant 0 : i32
        %dma_start3A_2045 = tpu.memref_slice %arg3[%dma_start3A_2043, %dma_start3A_2044] : memref<1000000x32xf32, #tpu.memory_space<hbm>> -> memref<1000000x32xf32, #tpu.memory_space<hbm>>
        tpu.enqueue_indirect_dma source(%dma_start3A_2045 : memref<1000000x32xf32, #tpu.memory_space<hbm>>) target(%dma_start3A_2039 : memref<50x32xf32, #tpu.memory_space<vmem>>) offsets(%dma_start3A_2042 : memref<50xi32, #tpu.memory_space<vmem>>) semaphore(%arg11 : memref<!tpu.dma_semaphore, #tpu.memory_space<semaphore_mem>>)
        %dma_start3A_2046 = arith.constant 14 : i32
        %dma_start3A_2047 = arith.constant 1 : i32
        %dma_start3A_2048 = arith.constant 14 : i32
        %dma_start3A_2049 = arith.constant 0 : i32
        %dma_start3A_2050 = arith.constant 0 : i32
        %dma_start3A_2051 = tpu.memref_slice %arg9[%dma_start3A_2047, %dma_start3A_2048, %dma_start3A_2049, %dma_start3A_2050] : memref<4x16x50x32xf32, #tpu.memory_space<vmem>> -> memref<1x1x50x32xf32, #tpu.memory_space<vmem>>
        %dma_start3A_2052 = tpu.memref_squeeze %dma_start3A_2051 : memref<1x1x50x32xf32, #tpu.memory_space<vmem>> -> memref<50x32xf32, #tpu.memory_space<vmem>>
        %dma_start3A_2053 = arith.constant 0 : i32
        %dma_start3A_2054 = tpu.memref_slice %arg6[%dma_start3A_2046, %dma_start3A_2053] : memref<16x50xi32, #tpu.memory_space<vmem>> -> memref<1x50xi32, #tpu.memory_space<vmem>>
        %dma_start3A_2055 = tpu.memref_squeeze %dma_start3A_2054 : memref<1x50xi32, #tpu.memory_space<vmem>> -> memref<50xi32, #tpu.memory_space<vmem>>
        %dma_start3A_2056 = arith.constant 0 : i32
        %dma_start3A_2057 = arith.constant 0 : i32
        %dma_start3A_2058 = tpu.memref_slice %arg3[%dma_start3A_2056, %dma_start3A_2057] : memref<1000000x32xf32, #tpu.memory_space<hbm>> -> memref<1000000x32xf32, #tpu.memory_space<hbm>>
        tpu.enqueue_indirect_dma source(%dma_start3A_2058 : memref<1000000x32xf32, #tpu.memory_space<hbm>>) target(%dma_start3A_2052 : memref<50x32xf32, #tpu.memory_space<vmem>>) offsets(%dma_start3A_2055 : memref<50xi32, #tpu.memory_space<vmem>>) semaphore(%arg11 : memref<!tpu.dma_semaphore, #tpu.memory_space<semaphore_mem>>)
        %dma_start3A_2059 = arith.constant 15 : i32
        %dma_start3A_2060 = arith.constant 1 : i32
        %dma_start3A_2061 = arith.constant 15 : i32
        %dma_start3A_2062 = arith.constant 0 : i32
        %dma_start3A_2063 = arith.constant 0 : i32
        %dma_start3A_2064 = tpu.memref_slice %arg9[%dma_start3A_2060, %dma_start3A_2061, %dma_start3A_2062, %dma_start3A_2063] : memref<4x16x50x32xf32, #tpu.memory_space<vmem>> -> memref<1x1x50x32xf32, #tpu.memory_space<vmem>>
        %dma_start3A_2065 = tpu.memref_squeeze %dma_start3A_2064 : memref<1x1x50x32xf32, #tpu.memory_space<vmem>> -> memref<50x32xf32, #tpu.memory_space<vmem>>
        %dma_start3A_2066 = arith.constant 0 : i32
        %dma_start3A_2067 = tpu.memref_slice %arg6[%dma_start3A_2059, %dma_start3A_2066] : memref<16x50xi32, #tpu.memory_space<vmem>> -> memref<1x50xi32, #tpu.memory_space<vmem>>
        %dma_start3A_2068 = tpu.memref_squeeze %dma_start3A_2067 : memref<1x50xi32, #tpu.memory_space<vmem>> -> memref<50xi32, #tpu.memory_space<vmem>>
        %dma_start3A_2069 = arith.constant 0 : i32
        %dma_start3A_2070 = arith.constant 0 : i32
        %dma_start3A_2071 = tpu.memref_slice %arg3[%dma_start3A_2069, %dma_start3A_2070] : memref<1000000x32xf32, #tpu.memory_space<hbm>> -> memref<1000000x32xf32, #tpu.memory_space<hbm>>
        tpu.enqueue_indirect_dma source(%dma_start3A_2071 : memref<1000000x32xf32, #tpu.memory_space<hbm>>) target(%dma_start3A_2065 : memref<50x32xf32, #tpu.memory_space<vmem>>) offsets(%dma_start3A_2068 : memref<50xi32, #tpu.memory_space<vmem>>) semaphore(%arg11 : memref<!tpu.dma_semaphore, #tpu.memory_space<semaphore_mem>>)
      } else {
      }
      %mul3A_1351 = arith.constant 4 : i32
      %mul3A_1352 = arith.muli %scan3A_846, %mul3A_1351 : i32
      %add3A_1353 = arith.constant 2 : i32
      %add3A_1354 = arith.addi %mul3A_1352, %add3A_1353 : i32
      %dma_wait3A_1355 = arith.constant 0 : i32
      %dma_wait3A_1356 = arith.constant 2 : i32
      %dma_wait3A_1357 = arith.constant 0 : i32
      %dma_wait3A_1358 = arith.constant 0 : i32
      %dma_wait3A_1359 = arith.constant 0 : i32
      %dma_wait3A_1360 = tpu.memref_slice %arg9[%dma_wait3A_1356, %dma_wait3A_1357, %dma_wait3A_1358, %dma_wait3A_1359] : memref<4x16x50x32xf32, #tpu.memory_space<vmem>> -> memref<1x1x50x32xf32, #tpu.memory_space<vmem>>
      %dma_wait3A_1361 = tpu.memref_squeeze %dma_wait3A_1360 : memref<1x1x50x32xf32, #tpu.memory_space<vmem>> -> memref<50x32xf32, #tpu.memory_space<vmem>>
      %dma_wait3A_1362 = arith.constant 0 : i32
      %dma_wait3A_1363 = tpu.memref_slice %arg7[%dma_wait3A_1355, %dma_wait3A_1362] : memref<16x50xi32, #tpu.memory_space<vmem>> -> memref<1x50xi32, #tpu.memory_space<vmem>>
      %dma_wait3A_1364 = tpu.memref_squeeze %dma_wait3A_1363 : memref<1x50xi32, #tpu.memory_space<vmem>> -> memref<50xi32, #tpu.memory_space<vmem>>
      %dma_wait3A_1365 = arith.constant 0 : i32
      %dma_wait3A_1366 = arith.constant 0 : i32
      %dma_wait3A_1367 = tpu.memref_slice %arg3[%dma_wait3A_1365, %dma_wait3A_1366] : memref<1000000x32xf32, #tpu.memory_space<hbm>> -> memref<1000000x32xf32, #tpu.memory_space<hbm>>
      tpu.wait_indirect_dma semaphore(%arg12 : memref<!tpu.dma_semaphore, #tpu.memory_space<semaphore_mem>>) src(%dma_wait3A_1367 : memref<1000000x32xf32, #tpu.memory_space<hbm>>) dst(%dma_wait3A_1361 : memref<50x32xf32, #tpu.memory_space<vmem>>)
      %dma_wait3A_1368 = arith.constant 1 : i32
      %dma_wait3A_1369 = arith.constant 2 : i32
      %dma_wait3A_1370 = arith.constant 1 : i32
      %dma_wait3A_1371 = arith.constant 0 : i32
      %dma_wait3A_1372 = arith.constant 0 : i32
      %dma_wait3A_1373 = tpu.memref_slice %arg9[%dma_wait3A_1369, %dma_wait3A_1370, %dma_wait3A_1371, %dma_wait3A_1372] : memref<4x16x50x32xf32, #tpu.memory_space<vmem>> -> memref<1x1x50x32xf32, #tpu.memory_space<vmem>>
      %dma_wait3A_1374 = tpu.memref_squeeze %dma_wait3A_1373 : memref<1x1x50x32xf32, #tpu.memory_space<vmem>> -> memref<50x32xf32, #tpu.memory_space<vmem>>
      %dma_wait3A_1375 = arith.constant 0 : i32
      %dma_wait3A_1376 = tpu.memref_slice %arg7[%dma_wait3A_1368, %dma_wait3A_1375] : memref<16x50xi32, #tpu.memory_space<vmem>> -> memref<1x50xi32, #tpu.memory_space<vmem>>
      %dma_wait3A_1377 = tpu.memref_squeeze %dma_wait3A_1376 : memref<1x50xi32, #tpu.memory_space<vmem>> -> memref<50xi32, #tpu.memory_space<vmem>>
      %dma_wait3A_1378 = arith.constant 0 : i32
      %dma_wait3A_1379 = arith.constant 0 : i32
      %dma_wait3A_1380 = tpu.memref_slice %arg3[%dma_wait3A_1378, %dma_wait3A_1379] : memref<1000000x32xf32, #tpu.memory_space<hbm>> -> memref<1000000x32xf32, #tpu.memory_space<hbm>>
      tpu.wait_indirect_dma semaphore(%arg12 : memref<!tpu.dma_semaphore, #tpu.memory_space<semaphore_mem>>) src(%dma_wait3A_1380 : memref<1000000x32xf32, #tpu.memory_space<hbm>>) dst(%dma_wait3A_1374 : memref<50x32xf32, #tpu.memory_space<vmem>>)
      %dma_wait3A_1381 = arith.constant 2 : i32
      %dma_wait3A_1382 = arith.constant 2 : i32
      %dma_wait3A_1383 = arith.constant 2 : i32
      %dma_wait3A_1384 = arith.constant 0 : i32
      %dma_wait3A_1385 = arith.constant 0 : i32
      %dma_wait3A_1386 = tpu.memref_slice %arg9[%dma_wait3A_1382, %dma_wait3A_1383, %dma_wait3A_1384, %dma_wait3A_1385] : memref<4x16x50x32xf32, #tpu.memory_space<vmem>> -> memref<1x1x50x32xf32, #tpu.memory_space<vmem>>
      %dma_wait3A_1387 = tpu.memref_squeeze %dma_wait3A_1386 : memref<1x1x50x32xf32, #tpu.memory_space<vmem>> -> memref<50x32xf32, #tpu.memory_space<vmem>>
      %dma_wait3A_1388 = arith.constant 0 : i32
      %dma_wait3A_1389 = tpu.memref_slice %arg7[%dma_wait3A_1381, %dma_wait3A_1388] : memref<16x50xi32, #tpu.memory_space<vmem>> -> memref<1x50xi32, #tpu.memory_space<vmem>>
      %dma_wait3A_1390 = tpu.memref_squeeze %dma_wait3A_1389 : memref<1x50xi32, #tpu.memory_space<vmem>> -> memref<50xi32, #tpu.memory_space<vmem>>
      %dma_wait3A_1391 = arith.constant 0 : i32
      %dma_wait3A_1392 = arith.constant 0 : i32
      %dma_wait3A_1393 = tpu.memref_slice %arg3[%dma_wait3A_1391, %dma_wait3A_1392] : memref<1000000x32xf32, #tpu.memory_space<hbm>> -> memref<1000000x32xf32, #tpu.memory_space<hbm>>
      tpu.wait_indirect_dma semaphore(%arg12 : memref<!tpu.dma_semaphore, #tpu.memory_space<semaphore_mem>>) src(%dma_wait3A_1393 : memref<1000000x32xf32, #tpu.memory_space<hbm>>) dst(%dma_wait3A_1387 : memref<50x32xf32, #tpu.memory_space<vmem>>)
      %dma_wait3A_1394 = arith.constant 3 : i32
      %dma_wait3A_1395 = arith.constant 2 : i32
      %dma_wait3A_1396 = arith.constant 3 : i32
      %dma_wait3A_1397 = arith.constant 0 : i32
      %dma_wait3A_1398 = arith.constant 0 : i32
      %dma_wait3A_1399 = tpu.memref_slice %arg9[%dma_wait3A_1395, %dma_wait3A_1396, %dma_wait3A_1397, %dma_wait3A_1398] : memref<4x16x50x32xf32, #tpu.memory_space<vmem>> -> memref<1x1x50x32xf32, #tpu.memory_space<vmem>>
      %dma_wait3A_1400 = tpu.memref_squeeze %dma_wait3A_1399 : memref<1x1x50x32xf32, #tpu.memory_space<vmem>> -> memref<50x32xf32, #tpu.memory_space<vmem>>
      %dma_wait3A_1401 = arith.constant 0 : i32
      %dma_wait3A_1402 = tpu.memref_slice %arg7[%dma_wait3A_1394, %dma_wait3A_1401] : memref<16x50xi32, #tpu.memory_space<vmem>> -> memref<1x50xi32, #tpu.memory_space<vmem>>
      %dma_wait3A_1403 = tpu.memref_squeeze %dma_wait3A_1402 : memref<1x50xi32, #tpu.memory_space<vmem>> -> memref<50xi32, #tpu.memory_space<vmem>>
      %dma_wait3A_1404 = arith.constant 0 : i32
      %dma_wait3A_1405 = arith.constant 0 : i32
      %dma_wait3A_1406 = tpu.memref_slice %arg3[%dma_wait3A_1404, %dma_wait3A_1405] : memref<1000000x32xf32, #tpu.memory_space<hbm>> -> memref<1000000x32xf32, #tpu.memory_space<hbm>>
      tpu.wait_indirect_dma semaphore(%arg12 : memref<!tpu.dma_semaphore, #tpu.memory_space<semaphore_mem>>) src(%dma_wait3A_1406 : memref<1000000x32xf32, #tpu.memory_space<hbm>>) dst(%dma_wait3A_1400 : memref<50x32xf32, #tpu.memory_space<vmem>>)
      %dma_wait3A_1407 = arith.constant 4 : i32
      %dma_wait3A_1408 = arith.constant 2 : i32
      %dma_wait3A_1409 = arith.constant 4 : i32
      %dma_wait3A_1410 = arith.constant 0 : i32
      %dma_wait3A_1411 = arith.constant 0 : i32
      %dma_wait3A_1412 = tpu.memref_slice %arg9[%dma_wait3A_1408, %dma_wait3A_1409, %dma_wait3A_1410, %dma_wait3A_1411] : memref<4x16x50x32xf32, #tpu.memory_space<vmem>> -> memref<1x1x50x32xf32, #tpu.memory_space<vmem>>
      %dma_wait3A_1413 = tpu.memref_squeeze %dma_wait3A_1412 : memref<1x1x50x32xf32, #tpu.memory_space<vmem>> -> memref<50x32xf32, #tpu.memory_space<vmem>>
      %dma_wait3A_1414 = arith.constant 0 : i32
      %dma_wait3A_1415 = tpu.memref_slice %arg7[%dma_wait3A_1407, %dma_wait3A_1414] : memref<16x50xi32, #tpu.memory_space<vmem>> -> memref<1x50xi32, #tpu.memory_space<vmem>>
      %dma_wait3A_1416 = tpu.memref_squeeze %dma_wait3A_1415 : memref<1x50xi32, #tpu.memory_space<vmem>> -> memref<50xi32, #tpu.memory_space<vmem>>
      %dma_wait3A_1417 = arith.constant 0 : i32
      %dma_wait3A_1418 = arith.constant 0 : i32
      %dma_wait3A_1419 = tpu.memref_slice %arg3[%dma_wait3A_1417, %dma_wait3A_1418] : memref<1000000x32xf32, #tpu.memory_space<hbm>> -> memref<1000000x32xf32, #tpu.memory_space<hbm>>
      tpu.wait_indirect_dma semaphore(%arg12 : memref<!tpu.dma_semaphore, #tpu.memory_space<semaphore_mem>>) src(%dma_wait3A_1419 : memref<1000000x32xf32, #tpu.memory_space<hbm>>) dst(%dma_wait3A_1413 : memref<50x32xf32, #tpu.memory_space<vmem>>)
      %dma_wait3A_1420 = arith.constant 5 : i32
      %dma_wait3A_1421 = arith.constant 2 : i32
      %dma_wait3A_1422 = arith.constant 5 : i32
      %dma_wait3A_1423 = arith.constant 0 : i32
      %dma_wait3A_1424 = arith.constant 0 : i32
      %dma_wait3A_1425 = tpu.memref_slice %arg9[%dma_wait3A_1421, %dma_wait3A_1422, %dma_wait3A_1423, %dma_wait3A_1424] : memref<4x16x50x32xf32, #tpu.memory_space<vmem>> -> memref<1x1x50x32xf32, #tpu.memory_space<vmem>>
      %dma_wait3A_1426 = tpu.memref_squeeze %dma_wait3A_1425 : memref<1x1x50x32xf32, #tpu.memory_space<vmem>> -> memref<50x32xf32, #tpu.memory_space<vmem>>
      %dma_wait3A_1427 = arith.constant 0 : i32
      %dma_wait3A_1428 = tpu.memref_slice %arg7[%dma_wait3A_1420, %dma_wait3A_1427] : memref<16x50xi32, #tpu.memory_space<vmem>> -> memref<1x50xi32, #tpu.memory_space<vmem>>
      %dma_wait3A_1429 = tpu.memref_squeeze %dma_wait3A_1428 : memref<1x50xi32, #tpu.memory_space<vmem>> -> memref<50xi32, #tpu.memory_space<vmem>>
      %dma_wait3A_1430 = arith.constant 0 : i32
      %dma_wait3A_1431 = arith.constant 0 : i32
      %dma_wait3A_1432 = tpu.memref_slice %arg3[%dma_wait3A_1430, %dma_wait3A_1431] : memref<1000000x32xf32, #tpu.memory_space<hbm>> -> memref<1000000x32xf32, #tpu.memory_space<hbm>>
      tpu.wait_indirect_dma semaphore(%arg12 : memref<!tpu.dma_semaphore, #tpu.memory_space<semaphore_mem>>) src(%dma_wait3A_1432 : memref<1000000x32xf32, #tpu.memory_space<hbm>>) dst(%dma_wait3A_1426 : memref<50x32xf32, #tpu.memory_space<vmem>>)
      %dma_wait3A_1433 = arith.constant 6 : i32
      %dma_wait3A_1434 = arith.constant 2 : i32
      %dma_wait3A_1435 = arith.constant 6 : i32
      %dma_wait3A_1436 = arith.constant 0 : i32
      %dma_wait3A_1437 = arith.constant 0 : i32
      %dma_wait3A_1438 = tpu.memref_slice %arg9[%dma_wait3A_1434, %dma_wait3A_1435, %dma_wait3A_1436, %dma_wait3A_1437] : memref<4x16x50x32xf32, #tpu.memory_space<vmem>> -> memref<1x1x50x32xf32, #tpu.memory_space<vmem>>
      %dma_wait3A_1439 = tpu.memref_squeeze %dma_wait3A_1438 : memref<1x1x50x32xf32, #tpu.memory_space<vmem>> -> memref<50x32xf32, #tpu.memory_space<vmem>>
      %dma_wait3A_1440 = arith.constant 0 : i32
      %dma_wait3A_1441 = tpu.memref_slice %arg7[%dma_wait3A_1433, %dma_wait3A_1440] : memref<16x50xi32, #tpu.memory_space<vmem>> -> memref<1x50xi32, #tpu.memory_space<vmem>>
      %dma_wait3A_1442 = tpu.memref_squeeze %dma_wait3A_1441 : memref<1x50xi32, #tpu.memory_space<vmem>> -> memref<50xi32, #tpu.memory_space<vmem>>
      %dma_wait3A_1443 = arith.constant 0 : i32
      %dma_wait3A_1444 = arith.constant 0 : i32
      %dma_wait3A_1445 = tpu.memref_slice %arg3[%dma_wait3A_1443, %dma_wait3A_1444] : memref<1000000x32xf32, #tpu.memory_space<hbm>> -> memref<1000000x32xf32, #tpu.memory_space<hbm>>
      tpu.wait_indirect_dma semaphore(%arg12 : memref<!tpu.dma_semaphore, #tpu.memory_space<semaphore_mem>>) src(%dma_wait3A_1445 : memref<1000000x32xf32, #tpu.memory_space<hbm>>) dst(%dma_wait3A_1439 : memref<50x32xf32, #tpu.memory_space<vmem>>)
      %dma_wait3A_1446 = arith.constant 7 : i32
      %dma_wait3A_1447 = arith.constant 2 : i32
      %dma_wait3A_1448 = arith.constant 7 : i32
      %dma_wait3A_1449 = arith.constant 0 : i32
      %dma_wait3A_1450 = arith.constant 0 : i32
      %dma_wait3A_1451 = tpu.memref_slice %arg9[%dma_wait3A_1447, %dma_wait3A_1448, %dma_wait3A_1449, %dma_wait3A_1450] : memref<4x16x50x32xf32, #tpu.memory_space<vmem>> -> memref<1x1x50x32xf32, #tpu.memory_space<vmem>>
      %dma_wait3A_1452 = tpu.memref_squeeze %dma_wait3A_1451 : memref<1x1x50x32xf32, #tpu.memory_space<vmem>> -> memref<50x32xf32, #tpu.memory_space<vmem>>
      %dma_wait3A_1453 = arith.constant 0 : i32
      %dma_wait3A_1454 = tpu.memref_slice %arg7[%dma_wait3A_1446, %dma_wait3A_1453] : memref<16x50xi32, #tpu.memory_space<vmem>> -> memref<1x50xi32, #tpu.memory_space<vmem>>
      %dma_wait3A_1455 = tpu.memref_squeeze %dma_wait3A_1454 : memref<1x50xi32, #tpu.memory_space<vmem>> -> memref<50xi32, #tpu.memory_space<vmem>>
      %dma_wait3A_1456 = arith.constant 0 : i32
      %dma_wait3A_1457 = arith.constant 0 : i32
      %dma_wait3A_1458 = tpu.memref_slice %arg3[%dma_wait3A_1456, %dma_wait3A_1457] : memref<1000000x32xf32, #tpu.memory_space<hbm>> -> memref<1000000x32xf32, #tpu.memory_space<hbm>>
      tpu.wait_indirect_dma semaphore(%arg12 : memref<!tpu.dma_semaphore, #tpu.memory_space<semaphore_mem>>) src(%dma_wait3A_1458 : memref<1000000x32xf32, #tpu.memory_space<hbm>>) dst(%dma_wait3A_1452 : memref<50x32xf32, #tpu.memory_space<vmem>>)
      %dma_wait3A_1459 = arith.constant 8 : i32
      %dma_wait3A_1460 = arith.constant 2 : i32
      %dma_wait3A_1461 = arith.constant 8 : i32
      %dma_wait3A_1462 = arith.constant 0 : i32
      %dma_wait3A_1463 = arith.constant 0 : i32
      %dma_wait3A_1464 = tpu.memref_slice %arg9[%dma_wait3A_1460, %dma_wait3A_1461, %dma_wait3A_1462, %dma_wait3A_1463] : memref<4x16x50x32xf32, #tpu.memory_space<vmem>> -> memref<1x1x50x32xf32, #tpu.memory_space<vmem>>
      %dma_wait3A_1465 = tpu.memref_squeeze %dma_wait3A_1464 : memref<1x1x50x32xf32, #tpu.memory_space<vmem>> -> memref<50x32xf32, #tpu.memory_space<vmem>>
      %dma_wait3A_1466 = arith.constant 0 : i32
      %dma_wait3A_1467 = tpu.memref_slice %arg7[%dma_wait3A_1459, %dma_wait3A_1466] : memref<16x50xi32, #tpu.memory_space<vmem>> -> memref<1x50xi32, #tpu.memory_space<vmem>>
      %dma_wait3A_1468 = tpu.memref_squeeze %dma_wait3A_1467 : memref<1x50xi32, #tpu.memory_space<vmem>> -> memref<50xi32, #tpu.memory_space<vmem>>
      %dma_wait3A_1469 = arith.constant 0 : i32
      %dma_wait3A_1470 = arith.constant 0 : i32
      %dma_wait3A_1471 = tpu.memref_slice %arg3[%dma_wait3A_1469, %dma_wait3A_1470] : memref<1000000x32xf32, #tpu.memory_space<hbm>> -> memref<1000000x32xf32, #tpu.memory_space<hbm>>
      tpu.wait_indirect_dma semaphore(%arg12 : memref<!tpu.dma_semaphore, #tpu.memory_space<semaphore_mem>>) src(%dma_wait3A_1471 : memref<1000000x32xf32, #tpu.memory_space<hbm>>) dst(%dma_wait3A_1465 : memref<50x32xf32, #tpu.memory_space<vmem>>)
      %dma_wait3A_1472 = arith.constant 9 : i32
      %dma_wait3A_1473 = arith.constant 2 : i32
      %dma_wait3A_1474 = arith.constant 9 : i32
      %dma_wait3A_1475 = arith.constant 0 : i32
      %dma_wait3A_1476 = arith.constant 0 : i32
      %dma_wait3A_1477 = tpu.memref_slice %arg9[%dma_wait3A_1473, %dma_wait3A_1474, %dma_wait3A_1475, %dma_wait3A_1476] : memref<4x16x50x32xf32, #tpu.memory_space<vmem>> -> memref<1x1x50x32xf32, #tpu.memory_space<vmem>>
      %dma_wait3A_1478 = tpu.memref_squeeze %dma_wait3A_1477 : memref<1x1x50x32xf32, #tpu.memory_space<vmem>> -> memref<50x32xf32, #tpu.memory_space<vmem>>
      %dma_wait3A_1479 = arith.constant 0 : i32
      %dma_wait3A_1480 = tpu.memref_slice %arg7[%dma_wait3A_1472, %dma_wait3A_1479] : memref<16x50xi32, #tpu.memory_space<vmem>> -> memref<1x50xi32, #tpu.memory_space<vmem>>
      %dma_wait3A_1481 = tpu.memref_squeeze %dma_wait3A_1480 : memref<1x50xi32, #tpu.memory_space<vmem>> -> memref<50xi32, #tpu.memory_space<vmem>>
      %dma_wait3A_1482 = arith.constant 0 : i32
      %dma_wait3A_1483 = arith.constant 0 : i32
      %dma_wait3A_1484 = tpu.memref_slice %arg3[%dma_wait3A_1482, %dma_wait3A_1483] : memref<1000000x32xf32, #tpu.memory_space<hbm>> -> memref<1000000x32xf32, #tpu.memory_space<hbm>>
      tpu.wait_indirect_dma semaphore(%arg12 : memref<!tpu.dma_semaphore, #tpu.memory_space<semaphore_mem>>) src(%dma_wait3A_1484 : memref<1000000x32xf32, #tpu.memory_space<hbm>>) dst(%dma_wait3A_1478 : memref<50x32xf32, #tpu.memory_space<vmem>>)
      %dma_wait3A_1485 = arith.constant 10 : i32
      %dma_wait3A_1486 = arith.constant 2 : i32
      %dma_wait3A_1487 = arith.constant 10 : i32
      %dma_wait3A_1488 = arith.constant 0 : i32
      %dma_wait3A_1489 = arith.constant 0 : i32
      %dma_wait3A_1490 = tpu.memref_slice %arg9[%dma_wait3A_1486, %dma_wait3A_1487, %dma_wait3A_1488, %dma_wait3A_1489] : memref<4x16x50x32xf32, #tpu.memory_space<vmem>> -> memref<1x1x50x32xf32, #tpu.memory_space<vmem>>
      %dma_wait3A_1491 = tpu.memref_squeeze %dma_wait3A_1490 : memref<1x1x50x32xf32, #tpu.memory_space<vmem>> -> memref<50x32xf32, #tpu.memory_space<vmem>>
      %dma_wait3A_1492 = arith.constant 0 : i32
      %dma_wait3A_1493 = tpu.memref_slice %arg7[%dma_wait3A_1485, %dma_wait3A_1492] : memref<16x50xi32, #tpu.memory_space<vmem>> -> memref<1x50xi32, #tpu.memory_space<vmem>>
      %dma_wait3A_1494 = tpu.memref_squeeze %dma_wait3A_1493 : memref<1x50xi32, #tpu.memory_space<vmem>> -> memref<50xi32, #tpu.memory_space<vmem>>
      %dma_wait3A_1495 = arith.constant 0 : i32
      %dma_wait3A_1496 = arith.constant 0 : i32
      %dma_wait3A_1497 = tpu.memref_slice %arg3[%dma_wait3A_1495, %dma_wait3A_1496] : memref<1000000x32xf32, #tpu.memory_space<hbm>> -> memref<1000000x32xf32, #tpu.memory_space<hbm>>
      tpu.wait_indirect_dma semaphore(%arg12 : memref<!tpu.dma_semaphore, #tpu.memory_space<semaphore_mem>>) src(%dma_wait3A_1497 : memref<1000000x32xf32, #tpu.memory_space<hbm>>) dst(%dma_wait3A_1491 : memref<50x32xf32, #tpu.memory_space<vmem>>)
      %dma_wait3A_1498 = arith.constant 11 : i32
      %dma_wait3A_1499 = arith.constant 2 : i32
      %dma_wait3A_1500 = arith.constant 11 : i32
      %dma_wait3A_1501 = arith.constant 0 : i32
      %dma_wait3A_1502 = arith.constant 0 : i32
      %dma_wait3A_1503 = tpu.memref_slice %arg9[%dma_wait3A_1499, %dma_wait3A_1500, %dma_wait3A_1501, %dma_wait3A_1502] : memref<4x16x50x32xf32, #tpu.memory_space<vmem>> -> memref<1x1x50x32xf32, #tpu.memory_space<vmem>>
      %dma_wait3A_1504 = tpu.memref_squeeze %dma_wait3A_1503 : memref<1x1x50x32xf32, #tpu.memory_space<vmem>> -> memref<50x32xf32, #tpu.memory_space<vmem>>
      %dma_wait3A_1505 = arith.constant 0 : i32
      %dma_wait3A_1506 = tpu.memref_slice %arg7[%dma_wait3A_1498, %dma_wait3A_1505] : memref<16x50xi32, #tpu.memory_space<vmem>> -> memref<1x50xi32, #tpu.memory_space<vmem>>
      %dma_wait3A_1507 = tpu.memref_squeeze %dma_wait3A_1506 : memref<1x50xi32, #tpu.memory_space<vmem>> -> memref<50xi32, #tpu.memory_space<vmem>>
      %dma_wait3A_1508 = arith.constant 0 : i32
      %dma_wait3A_1509 = arith.constant 0 : i32
      %dma_wait3A_1510 = tpu.memref_slice %arg3[%dma_wait3A_1508, %dma_wait3A_1509] : memref<1000000x32xf32, #tpu.memory_space<hbm>> -> memref<1000000x32xf32, #tpu.memory_space<hbm>>
      tpu.wait_indirect_dma semaphore(%arg12 : memref<!tpu.dma_semaphore, #tpu.memory_space<semaphore_mem>>) src(%dma_wait3A_1510 : memref<1000000x32xf32, #tpu.memory_space<hbm>>) dst(%dma_wait3A_1504 : memref<50x32xf32, #tpu.memory_space<vmem>>)
      %dma_wait3A_1511 = arith.constant 12 : i32
      %dma_wait3A_1512 = arith.constant 2 : i32
      %dma_wait3A_1513 = arith.constant 12 : i32
      %dma_wait3A_1514 = arith.constant 0 : i32
      %dma_wait3A_1515 = arith.constant 0 : i32
      %dma_wait3A_1516 = tpu.memref_slice %arg9[%dma_wait3A_1512, %dma_wait3A_1513, %dma_wait3A_1514, %dma_wait3A_1515] : memref<4x16x50x32xf32, #tpu.memory_space<vmem>> -> memref<1x1x50x32xf32, #tpu.memory_space<vmem>>
      %dma_wait3A_1517 = tpu.memref_squeeze %dma_wait3A_1516 : memref<1x1x50x32xf32, #tpu.memory_space<vmem>> -> memref<50x32xf32, #tpu.memory_space<vmem>>
      %dma_wait3A_1518 = arith.constant 0 : i32
      %dma_wait3A_1519 = tpu.memref_slice %arg7[%dma_wait3A_1511, %dma_wait3A_1518] : memref<16x50xi32, #tpu.memory_space<vmem>> -> memref<1x50xi32, #tpu.memory_space<vmem>>
      %dma_wait3A_1520 = tpu.memref_squeeze %dma_wait3A_1519 : memref<1x50xi32, #tpu.memory_space<vmem>> -> memref<50xi32, #tpu.memory_space<vmem>>
      %dma_wait3A_1521 = arith.constant 0 : i32
      %dma_wait3A_1522 = arith.constant 0 : i32
      %dma_wait3A_1523 = tpu.memref_slice %arg3[%dma_wait3A_1521, %dma_wait3A_1522] : memref<1000000x32xf32, #tpu.memory_space<hbm>> -> memref<1000000x32xf32, #tpu.memory_space<hbm>>
      tpu.wait_indirect_dma semaphore(%arg12 : memref<!tpu.dma_semaphore, #tpu.memory_space<semaphore_mem>>) src(%dma_wait3A_1523 : memref<1000000x32xf32, #tpu.memory_space<hbm>>) dst(%dma_wait3A_1517 : memref<50x32xf32, #tpu.memory_space<vmem>>)
      %dma_wait3A_1524 = arith.constant 13 : i32
      %dma_wait3A_1525 = arith.constant 2 : i32
      %dma_wait3A_1526 = arith.constant 13 : i32
      %dma_wait3A_1527 = arith.constant 0 : i32
      %dma_wait3A_1528 = arith.constant 0 : i32
      %dma_wait3A_1529 = tpu.memref_slice %arg9[%dma_wait3A_1525, %dma_wait3A_1526, %dma_wait3A_1527, %dma_wait3A_1528] : memref<4x16x50x32xf32, #tpu.memory_space<vmem>> -> memref<1x1x50x32xf32, #tpu.memory_space<vmem>>
      %dma_wait3A_1530 = tpu.memref_squeeze %dma_wait3A_1529 : memref<1x1x50x32xf32, #tpu.memory_space<vmem>> -> memref<50x32xf32, #tpu.memory_space<vmem>>
      %dma_wait3A_1531 = arith.constant 0 : i32
      %dma_wait3A_1532 = tpu.memref_slice %arg7[%dma_wait3A_1524, %dma_wait3A_1531] : memref<16x50xi32, #tpu.memory_space<vmem>> -> memref<1x50xi32, #tpu.memory_space<vmem>>
      %dma_wait3A_1533 = tpu.memref_squeeze %dma_wait3A_1532 : memref<1x50xi32, #tpu.memory_space<vmem>> -> memref<50xi32, #tpu.memory_space<vmem>>
      %dma_wait3A_1534 = arith.constant 0 : i32
      %dma_wait3A_1535 = arith.constant 0 : i32
      %dma_wait3A_1536 = tpu.memref_slice %arg3[%dma_wait3A_1534, %dma_wait3A_1535] : memref<1000000x32xf32, #tpu.memory_space<hbm>> -> memref<1000000x32xf32, #tpu.memory_space<hbm>>
      tpu.wait_indirect_dma semaphore(%arg12 : memref<!tpu.dma_semaphore, #tpu.memory_space<semaphore_mem>>) src(%dma_wait3A_1536 : memref<1000000x32xf32, #tpu.memory_space<hbm>>) dst(%dma_wait3A_1530 : memref<50x32xf32, #tpu.memory_space<vmem>>)
      %dma_wait3A_1537 = arith.constant 14 : i32
      %dma_wait3A_1538 = arith.constant 2 : i32
      %dma_wait3A_1539 = arith.constant 14 : i32
      %dma_wait3A_1540 = arith.constant 0 : i32
      %dma_wait3A_1541 = arith.constant 0 : i32
      %dma_wait3A_1542 = tpu.memref_slice %arg9[%dma_wait3A_1538, %dma_wait3A_1539, %dma_wait3A_1540, %dma_wait3A_1541] : memref<4x16x50x32xf32, #tpu.memory_space<vmem>> -> memref<1x1x50x32xf32, #tpu.memory_space<vmem>>
      %dma_wait3A_1543 = tpu.memref_squeeze %dma_wait3A_1542 : memref<1x1x50x32xf32, #tpu.memory_space<vmem>> -> memref<50x32xf32, #tpu.memory_space<vmem>>
      %dma_wait3A_1544 = arith.constant 0 : i32
      %dma_wait3A_1545 = tpu.memref_slice %arg7[%dma_wait3A_1537, %dma_wait3A_1544] : memref<16x50xi32, #tpu.memory_space<vmem>> -> memref<1x50xi32, #tpu.memory_space<vmem>>
      %dma_wait3A_1546 = tpu.memref_squeeze %dma_wait3A_1545 : memref<1x50xi32, #tpu.memory_space<vmem>> -> memref<50xi32, #tpu.memory_space<vmem>>
      %dma_wait3A_1547 = arith.constant 0 : i32
      %dma_wait3A_1548 = arith.constant 0 : i32
      %dma_wait3A_1549 = tpu.memref_slice %arg3[%dma_wait3A_1547, %dma_wait3A_1548] : memref<1000000x32xf32, #tpu.memory_space<hbm>> -> memref<1000000x32xf32, #tpu.memory_space<hbm>>
      tpu.wait_indirect_dma semaphore(%arg12 : memref<!tpu.dma_semaphore, #tpu.memory_space<semaphore_mem>>) src(%dma_wait3A_1549 : memref<1000000x32xf32, #tpu.memory_space<hbm>>) dst(%dma_wait3A_1543 : memref<50x32xf32, #tpu.memory_space<vmem>>)
      %dma_wait3A_1550 = arith.constant 15 : i32
      %dma_wait3A_1551 = arith.constant 2 : i32
      %dma_wait3A_1552 = arith.constant 15 : i32
      %dma_wait3A_1553 = arith.constant 0 : i32
      %dma_wait3A_1554 = arith.constant 0 : i32
      %dma_wait3A_1555 = tpu.memref_slice %arg9[%dma_wait3A_1551, %dma_wait3A_1552, %dma_wait3A_1553, %dma_wait3A_1554] : memref<4x16x50x32xf32, #tpu.memory_space<vmem>> -> memref<1x1x50x32xf32, #tpu.memory_space<vmem>>
      %dma_wait3A_1556 = tpu.memref_squeeze %dma_wait3A_1555 : memref<1x1x50x32xf32, #tpu.memory_space<vmem>> -> memref<50x32xf32, #tpu.memory_space<vmem>>
      %dma_wait3A_1557 = arith.constant 0 : i32
      %dma_wait3A_1558 = tpu.memref_slice %arg7[%dma_wait3A_1550, %dma_wait3A_1557] : memref<16x50xi32, #tpu.memory_space<vmem>> -> memref<1x50xi32, #tpu.memory_space<vmem>>
      %dma_wait3A_1559 = tpu.memref_squeeze %dma_wait3A_1558 : memref<1x50xi32, #tpu.memory_space<vmem>> -> memref<50xi32, #tpu.memory_space<vmem>>
      %dma_wait3A_1560 = arith.constant 0 : i32
      %dma_wait3A_1561 = arith.constant 0 : i32
      %dma_wait3A_1562 = tpu.memref_slice %arg3[%dma_wait3A_1560, %dma_wait3A_1561] : memref<1000000x32xf32, #tpu.memory_space<hbm>> -> memref<1000000x32xf32, #tpu.memory_space<hbm>>
      tpu.wait_indirect_dma semaphore(%arg12 : memref<!tpu.dma_semaphore, #tpu.memory_space<semaphore_mem>>) src(%dma_wait3A_1562 : memref<1000000x32xf32, #tpu.memory_space<hbm>>) dst(%dma_wait3A_1556 : memref<50x32xf32, #tpu.memory_space<vmem>>)
      %mul3A_1563 = arith.constant 16 : i32
      %mul3A_1564 = arith.muli %add3A_1354, %mul3A_1563 : i32
      %add3A_1565 = arith.addi %mul3A_2, %mul3A_1564 : i32
      %dma_start3A_1566 = arith.constant 2 : i32
      %dma_start3A_1567 = arith.constant 0 : i32
      %dma_start3A_1568 = arith.constant 0 : i32
      %dma_start3A_1569 = arith.constant 0 : i32
      %dma_start3A_1570 = tpu.memref_slice %arg9[%dma_start3A_1566, %dma_start3A_1567, %dma_start3A_1568, %dma_start3A_1569] : memref<4x16x50x32xf32, #tpu.memory_space<vmem>> -> memref<1x16x50x32xf32, #tpu.memory_space<vmem>>
      %dma_start3A_1571 = tpu.memref_squeeze %dma_start3A_1570 : memref<1x16x50x32xf32, #tpu.memory_space<vmem>> -> memref<16x50x32xf32, #tpu.memory_space<vmem>>
      %dma_start3A_1572 = arith.constant 0 : i32
      %dma_start3A_1573 = arith.constant 0 : i32
      %dma_start3A_1574 = tpu.memref_slice %arg4[%add3A_1565, %dma_start3A_1572, %dma_start3A_1573] : memref<16384x50x32xf32, #tpu.memory_space<hbm>> -> memref<16x50x32xf32, #tpu.memory_space<hbm>>
      %dma_start3A_1575 = arith.constant 0 : i32
      %dma_start3A_1576 = arith.constant 0 : i32
      %dma_start3A_1577 = tpu.memref_slice %arg4[%add3A_1565, %dma_start3A_1575, %dma_start3A_1576] : memref<16384x50x32xf32, #tpu.memory_space<hbm>> -> memref<16x50x32xf32, #tpu.memory_space<hbm>>
      %dma_start3A_1578 = arith.constant 0 : i32
      %dma_start3A_1579 = arith.constant 0 : i32
      %dma_start3A_1580 = arith.constant 0 : i32
      %dma_start3A_1581 = tpu.memref_slice %arg9[%dma_start3A_1566, %dma_start3A_1578, %dma_start3A_1579, %dma_start3A_1580] : memref<4x16x50x32xf32, #tpu.memory_space<vmem>> -> memref<1x16x50x32xf32, #tpu.memory_space<vmem>>
      %dma_start3A_1582 = tpu.memref_squeeze %dma_start3A_1581 : memref<1x16x50x32xf32, #tpu.memory_space<vmem>> -> memref<16x50x32xf32, #tpu.memory_space<vmem>>
      tpu.enqueue_dma source(%dma_start3A_1582 : memref<16x50x32xf32, #tpu.memory_space<vmem>>) target(%dma_start3A_1577 : memref<16x50x32xf32, #tpu.memory_space<hbm>>) target_semaphore(%arg16 : memref<!tpu.dma_semaphore, #tpu.memory_space<semaphore_mem>>)
      %dma_wait3A_1583 = arith.constant 2 : i32
      %dma_wait3A_1584 = arith.constant 0 : i32
      %dma_wait3A_1585 = arith.constant 0 : i32
      %dma_wait3A_1586 = arith.constant 0 : i32
      %dma_wait3A_1587 = tpu.memref_slice %arg9[%dma_wait3A_1583, %dma_wait3A_1584, %dma_wait3A_1585, %dma_wait3A_1586] : memref<4x16x50x32xf32, #tpu.memory_space<vmem>> -> memref<1x16x50x32xf32, #tpu.memory_space<vmem>>
      %dma_wait3A_1588 = tpu.memref_squeeze %dma_wait3A_1587 : memref<1x16x50x32xf32, #tpu.memory_space<vmem>> -> memref<16x50x32xf32, #tpu.memory_space<vmem>>
      %dma_wait3A_1589 = arith.constant 0 : i32
      %dma_wait3A_1590 = arith.constant 0 : i32
      %dma_wait3A_1591 = tpu.memref_slice %arg4[%add3A_1565, %dma_wait3A_1589, %dma_wait3A_1590] : memref<16384x50x32xf32, #tpu.memory_space<hbm>> -> memref<16x50x32xf32, #tpu.memory_space<hbm>>
      %dma_wait3A_1592 = arith.constant 0 : i32
      %dma_wait3A_1593 = arith.constant 0 : i32
      %dma_wait3A_1594 = tpu.memref_slice %arg4[%add3A_1565, %dma_wait3A_1592, %dma_wait3A_1593] : memref<16384x50x32xf32, #tpu.memory_space<hbm>> -> memref<16x50x32xf32, #tpu.memory_space<hbm>>
      %dma_wait3A_1595 = arith.constant 0 : i32
      %dma_wait3A_1596 = arith.constant 0 : i32
      %dma_wait3A_1597 = arith.constant 0 : i32
      %dma_wait3A_1598 = tpu.memref_slice %arg9[%dma_wait3A_1583, %dma_wait3A_1595, %dma_wait3A_1596, %dma_wait3A_1597] : memref<4x16x50x32xf32, #tpu.memory_space<vmem>> -> memref<1x16x50x32xf32, #tpu.memory_space<vmem>>
      %dma_wait3A_1599 = tpu.memref_squeeze %dma_wait3A_1598 : memref<1x16x50x32xf32, #tpu.memory_space<vmem>> -> memref<16x50x32xf32, #tpu.memory_space<vmem>>
      tpu.wait_dma2 semaphore(%arg16 : memref<!tpu.dma_semaphore, #tpu.memory_space<semaphore_mem>>) src(%dma_wait3A_1599 : memref<16x50x32xf32, #tpu.memory_space<vmem>>) dst(%dma_wait3A_1594 : memref<16x50x32xf32, #tpu.memory_space<hbm>>)
      %lt3A_1600 = arith.constant 7 : i32
      %lt3A_1601 = arith.cmpi slt, %scan3A_846, %lt3A_1600 : i32
      %convert_element_type3A_1602 = arith.extui %lt3A_1601 : i1 to i32
      %cond3A_1603 = arith.constant 0 : i32
      %cond3A_1604 = arith.cmpi ne, %convert_element_type3A_1602, %cond3A_1603 : i32
      scf.if %cond3A_1604 {
        %add3A_1859 = arith.constant 4 : i32
        %add3A_1860 = arith.addi %add3A_1354, %add3A_1859 : i32
        %mul3A_1861 = arith.constant 16 : i32
        %mul3A_1862 = arith.muli %add3A_1860, %mul3A_1861 : i32
        %add3A_1863 = arith.addi %mul3A_2, %mul3A_1862 : i32
        "tpu.region"() ({
          %run_scoped3A = tpu.sem_alloc : memref<!tpu.dma_semaphore, #tpu.memory_space<semaphore_mem>>
          %dma_start3A_2072 = arith.constant 0 : i32
          %dma_start3A_2073 = tpu.memref_slice %arg2[%add3A_1863, %dma_start3A_2072] : memref<16384x50xi32, #tpu.memory_space<hbm>> -> memref<16x50xi32, #tpu.memory_space<hbm>>
          %dma_start3A_2074 = arith.constant 0 : i32
          %dma_start3A_2075 = tpu.memref_slice %arg2[%add3A_1863, %dma_start3A_2074] : memref<16384x50xi32, #tpu.memory_space<hbm>> -> memref<16x50xi32, #tpu.memory_space<hbm>>
          tpu.enqueue_dma source(%dma_start3A_2075 : memref<16x50xi32, #tpu.memory_space<hbm>>) target(%arg7 : memref<16x50xi32, #tpu.memory_space<vmem>>) target_semaphore(%run_scoped3A : memref<!tpu.dma_semaphore, #tpu.memory_space<semaphore_mem>>)
          %dma_wait3A_2076 = arith.constant 0 : i32
          %dma_wait3A_2077 = tpu.memref_slice %arg2[%add3A_1863, %dma_wait3A_2076] : memref<16384x50xi32, #tpu.memory_space<hbm>> -> memref<16x50xi32, #tpu.memory_space<hbm>>
          %dma_wait3A_2078 = arith.constant 0 : i32
          %dma_wait3A_2079 = tpu.memref_slice %arg2[%add3A_1863, %dma_wait3A_2078] : memref<16384x50xi32, #tpu.memory_space<hbm>> -> memref<16x50xi32, #tpu.memory_space<hbm>>
          tpu.wait_dma2 semaphore(%run_scoped3A : memref<!tpu.dma_semaphore, #tpu.memory_space<semaphore_mem>>) src(%dma_wait3A_2079 : memref<16x50xi32, #tpu.memory_space<hbm>>) dst(%arg7 : memref<16x50xi32, #tpu.memory_space<vmem>>)
          tpu.yield
        }) : () -> ()
        %dma_start3A_1864 = arith.constant 0 : i32
        %dma_start3A_1865 = arith.constant 2 : i32
        %dma_start3A_1866 = arith.constant 0 : i32
        %dma_start3A_1867 = arith.constant 0 : i32
        %dma_start3A_1868 = arith.constant 0 : i32
        %dma_start3A_1869 = tpu.memref_slice %arg9[%dma_start3A_1865, %dma_start3A_1866, %dma_start3A_1867, %dma_start3A_1868] : memref<4x16x50x32xf32, #tpu.memory_space<vmem>> -> memref<1x1x50x32xf32, #tpu.memory_space<vmem>>
        %dma_start3A_1870 = tpu.memref_squeeze %dma_start3A_1869 : memref<1x1x50x32xf32, #tpu.memory_space<vmem>> -> memref<50x32xf32, #tpu.memory_space<vmem>>
        %dma_start3A_1871 = arith.constant 0 : i32
        %dma_start3A_1872 = tpu.memref_slice %arg7[%dma_start3A_1864, %dma_start3A_1871] : memref<16x50xi32, #tpu.memory_space<vmem>> -> memref<1x50xi32, #tpu.memory_space<vmem>>
        %dma_start3A_1873 = tpu.memref_squeeze %dma_start3A_1872 : memref<1x50xi32, #tpu.memory_space<vmem>> -> memref<50xi32, #tpu.memory_space<vmem>>
        %dma_start3A_1874 = arith.constant 0 : i32
        %dma_start3A_1875 = arith.constant 0 : i32
        %dma_start3A_1876 = tpu.memref_slice %arg3[%dma_start3A_1874, %dma_start3A_1875] : memref<1000000x32xf32, #tpu.memory_space<hbm>> -> memref<1000000x32xf32, #tpu.memory_space<hbm>>
        tpu.enqueue_indirect_dma source(%dma_start3A_1876 : memref<1000000x32xf32, #tpu.memory_space<hbm>>) target(%dma_start3A_1870 : memref<50x32xf32, #tpu.memory_space<vmem>>) offsets(%dma_start3A_1873 : memref<50xi32, #tpu.memory_space<vmem>>) semaphore(%arg12 : memref<!tpu.dma_semaphore, #tpu.memory_space<semaphore_mem>>)
        %dma_start3A_1877 = arith.constant 1 : i32
        %dma_start3A_1878 = arith.constant 2 : i32
        %dma_start3A_1879 = arith.constant 1 : i32
        %dma_start3A_1880 = arith.constant 0 : i32
        %dma_start3A_1881 = arith.constant 0 : i32
        %dma_start3A_1882 = tpu.memref_slice %arg9[%dma_start3A_1878, %dma_start3A_1879, %dma_start3A_1880, %dma_start3A_1881] : memref<4x16x50x32xf32, #tpu.memory_space<vmem>> -> memref<1x1x50x32xf32, #tpu.memory_space<vmem>>
        %dma_start3A_1883 = tpu.memref_squeeze %dma_start3A_1882 : memref<1x1x50x32xf32, #tpu.memory_space<vmem>> -> memref<50x32xf32, #tpu.memory_space<vmem>>
        %dma_start3A_1884 = arith.constant 0 : i32
        %dma_start3A_1885 = tpu.memref_slice %arg7[%dma_start3A_1877, %dma_start3A_1884] : memref<16x50xi32, #tpu.memory_space<vmem>> -> memref<1x50xi32, #tpu.memory_space<vmem>>
        %dma_start3A_1886 = tpu.memref_squeeze %dma_start3A_1885 : memref<1x50xi32, #tpu.memory_space<vmem>> -> memref<50xi32, #tpu.memory_space<vmem>>
        %dma_start3A_1887 = arith.constant 0 : i32
        %dma_start3A_1888 = arith.constant 0 : i32
        %dma_start3A_1889 = tpu.memref_slice %arg3[%dma_start3A_1887, %dma_start3A_1888] : memref<1000000x32xf32, #tpu.memory_space<hbm>> -> memref<1000000x32xf32, #tpu.memory_space<hbm>>
        tpu.enqueue_indirect_dma source(%dma_start3A_1889 : memref<1000000x32xf32, #tpu.memory_space<hbm>>) target(%dma_start3A_1883 : memref<50x32xf32, #tpu.memory_space<vmem>>) offsets(%dma_start3A_1886 : memref<50xi32, #tpu.memory_space<vmem>>) semaphore(%arg12 : memref<!tpu.dma_semaphore, #tpu.memory_space<semaphore_mem>>)
        %dma_start3A_1890 = arith.constant 2 : i32
        %dma_start3A_1891 = arith.constant 2 : i32
        %dma_start3A_1892 = arith.constant 2 : i32
        %dma_start3A_1893 = arith.constant 0 : i32
        %dma_start3A_1894 = arith.constant 0 : i32
        %dma_start3A_1895 = tpu.memref_slice %arg9[%dma_start3A_1891, %dma_start3A_1892, %dma_start3A_1893, %dma_start3A_1894] : memref<4x16x50x32xf32, #tpu.memory_space<vmem>> -> memref<1x1x50x32xf32, #tpu.memory_space<vmem>>
        %dma_start3A_1896 = tpu.memref_squeeze %dma_start3A_1895 : memref<1x1x50x32xf32, #tpu.memory_space<vmem>> -> memref<50x32xf32, #tpu.memory_space<vmem>>
        %dma_start3A_1897 = arith.constant 0 : i32
        %dma_start3A_1898 = tpu.memref_slice %arg7[%dma_start3A_1890, %dma_start3A_1897] : memref<16x50xi32, #tpu.memory_space<vmem>> -> memref<1x50xi32, #tpu.memory_space<vmem>>
        %dma_start3A_1899 = tpu.memref_squeeze %dma_start3A_1898 : memref<1x50xi32, #tpu.memory_space<vmem>> -> memref<50xi32, #tpu.memory_space<vmem>>
        %dma_start3A_1900 = arith.constant 0 : i32
        %dma_start3A_1901 = arith.constant 0 : i32
        %dma_start3A_1902 = tpu.memref_slice %arg3[%dma_start3A_1900, %dma_start3A_1901] : memref<1000000x32xf32, #tpu.memory_space<hbm>> -> memref<1000000x32xf32, #tpu.memory_space<hbm>>
        tpu.enqueue_indirect_dma source(%dma_start3A_1902 : memref<1000000x32xf32, #tpu.memory_space<hbm>>) target(%dma_start3A_1896 : memref<50x32xf32, #tpu.memory_space<vmem>>) offsets(%dma_start3A_1899 : memref<50xi32, #tpu.memory_space<vmem>>) semaphore(%arg12 : memref<!tpu.dma_semaphore, #tpu.memory_space<semaphore_mem>>)
        %dma_start3A_1903 = arith.constant 3 : i32
        %dma_start3A_1904 = arith.constant 2 : i32
        %dma_start3A_1905 = arith.constant 3 : i32
        %dma_start3A_1906 = arith.constant 0 : i32
        %dma_start3A_1907 = arith.constant 0 : i32
        %dma_start3A_1908 = tpu.memref_slice %arg9[%dma_start3A_1904, %dma_start3A_1905, %dma_start3A_1906, %dma_start3A_1907] : memref<4x16x50x32xf32, #tpu.memory_space<vmem>> -> memref<1x1x50x32xf32, #tpu.memory_space<vmem>>
        %dma_start3A_1909 = tpu.memref_squeeze %dma_start3A_1908 : memref<1x1x50x32xf32, #tpu.memory_space<vmem>> -> memref<50x32xf32, #tpu.memory_space<vmem>>
        %dma_start3A_1910 = arith.constant 0 : i32
        %dma_start3A_1911 = tpu.memref_slice %arg7[%dma_start3A_1903, %dma_start3A_1910] : memref<16x50xi32, #tpu.memory_space<vmem>> -> memref<1x50xi32, #tpu.memory_space<vmem>>
        %dma_start3A_1912 = tpu.memref_squeeze %dma_start3A_1911 : memref<1x50xi32, #tpu.memory_space<vmem>> -> memref<50xi32, #tpu.memory_space<vmem>>
        %dma_start3A_1913 = arith.constant 0 : i32
        %dma_start3A_1914 = arith.constant 0 : i32
        %dma_start3A_1915 = tpu.memref_slice %arg3[%dma_start3A_1913, %dma_start3A_1914] : memref<1000000x32xf32, #tpu.memory_space<hbm>> -> memref<1000000x32xf32, #tpu.memory_space<hbm>>
        tpu.enqueue_indirect_dma source(%dma_start3A_1915 : memref<1000000x32xf32, #tpu.memory_space<hbm>>) target(%dma_start3A_1909 : memref<50x32xf32, #tpu.memory_space<vmem>>) offsets(%dma_start3A_1912 : memref<50xi32, #tpu.memory_space<vmem>>) semaphore(%arg12 : memref<!tpu.dma_semaphore, #tpu.memory_space<semaphore_mem>>)
        %dma_start3A_1916 = arith.constant 4 : i32
        %dma_start3A_1917 = arith.constant 2 : i32
        %dma_start3A_1918 = arith.constant 4 : i32
        %dma_start3A_1919 = arith.constant 0 : i32
        %dma_start3A_1920 = arith.constant 0 : i32
        %dma_start3A_1921 = tpu.memref_slice %arg9[%dma_start3A_1917, %dma_start3A_1918, %dma_start3A_1919, %dma_start3A_1920] : memref<4x16x50x32xf32, #tpu.memory_space<vmem>> -> memref<1x1x50x32xf32, #tpu.memory_space<vmem>>
        %dma_start3A_1922 = tpu.memref_squeeze %dma_start3A_1921 : memref<1x1x50x32xf32, #tpu.memory_space<vmem>> -> memref<50x32xf32, #tpu.memory_space<vmem>>
        %dma_start3A_1923 = arith.constant 0 : i32
        %dma_start3A_1924 = tpu.memref_slice %arg7[%dma_start3A_1916, %dma_start3A_1923] : memref<16x50xi32, #tpu.memory_space<vmem>> -> memref<1x50xi32, #tpu.memory_space<vmem>>
        %dma_start3A_1925 = tpu.memref_squeeze %dma_start3A_1924 : memref<1x50xi32, #tpu.memory_space<vmem>> -> memref<50xi32, #tpu.memory_space<vmem>>
        %dma_start3A_1926 = arith.constant 0 : i32
        %dma_start3A_1927 = arith.constant 0 : i32
        %dma_start3A_1928 = tpu.memref_slice %arg3[%dma_start3A_1926, %dma_start3A_1927] : memref<1000000x32xf32, #tpu.memory_space<hbm>> -> memref<1000000x32xf32, #tpu.memory_space<hbm>>
        tpu.enqueue_indirect_dma source(%dma_start3A_1928 : memref<1000000x32xf32, #tpu.memory_space<hbm>>) target(%dma_start3A_1922 : memref<50x32xf32, #tpu.memory_space<vmem>>) offsets(%dma_start3A_1925 : memref<50xi32, #tpu.memory_space<vmem>>) semaphore(%arg12 : memref<!tpu.dma_semaphore, #tpu.memory_space<semaphore_mem>>)
        %dma_start3A_1929 = arith.constant 5 : i32
        %dma_start3A_1930 = arith.constant 2 : i32
        %dma_start3A_1931 = arith.constant 5 : i32
        %dma_start3A_1932 = arith.constant 0 : i32
        %dma_start3A_1933 = arith.constant 0 : i32
        %dma_start3A_1934 = tpu.memref_slice %arg9[%dma_start3A_1930, %dma_start3A_1931, %dma_start3A_1932, %dma_start3A_1933] : memref<4x16x50x32xf32, #tpu.memory_space<vmem>> -> memref<1x1x50x32xf32, #tpu.memory_space<vmem>>
        %dma_start3A_1935 = tpu.memref_squeeze %dma_start3A_1934 : memref<1x1x50x32xf32, #tpu.memory_space<vmem>> -> memref<50x32xf32, #tpu.memory_space<vmem>>
        %dma_start3A_1936 = arith.constant 0 : i32
        %dma_start3A_1937 = tpu.memref_slice %arg7[%dma_start3A_1929, %dma_start3A_1936] : memref<16x50xi32, #tpu.memory_space<vmem>> -> memref<1x50xi32, #tpu.memory_space<vmem>>
        %dma_start3A_1938 = tpu.memref_squeeze %dma_start3A_1937 : memref<1x50xi32, #tpu.memory_space<vmem>> -> memref<50xi32, #tpu.memory_space<vmem>>
        %dma_start3A_1939 = arith.constant 0 : i32
        %dma_start3A_1940 = arith.constant 0 : i32
        %dma_start3A_1941 = tpu.memref_slice %arg3[%dma_start3A_1939, %dma_start3A_1940] : memref<1000000x32xf32, #tpu.memory_space<hbm>> -> memref<1000000x32xf32, #tpu.memory_space<hbm>>
        tpu.enqueue_indirect_dma source(%dma_start3A_1941 : memref<1000000x32xf32, #tpu.memory_space<hbm>>) target(%dma_start3A_1935 : memref<50x32xf32, #tpu.memory_space<vmem>>) offsets(%dma_start3A_1938 : memref<50xi32, #tpu.memory_space<vmem>>) semaphore(%arg12 : memref<!tpu.dma_semaphore, #tpu.memory_space<semaphore_mem>>)
        %dma_start3A_1942 = arith.constant 6 : i32
        %dma_start3A_1943 = arith.constant 2 : i32
        %dma_start3A_1944 = arith.constant 6 : i32
        %dma_start3A_1945 = arith.constant 0 : i32
        %dma_start3A_1946 = arith.constant 0 : i32
        %dma_start3A_1947 = tpu.memref_slice %arg9[%dma_start3A_1943, %dma_start3A_1944, %dma_start3A_1945, %dma_start3A_1946] : memref<4x16x50x32xf32, #tpu.memory_space<vmem>> -> memref<1x1x50x32xf32, #tpu.memory_space<vmem>>
        %dma_start3A_1948 = tpu.memref_squeeze %dma_start3A_1947 : memref<1x1x50x32xf32, #tpu.memory_space<vmem>> -> memref<50x32xf32, #tpu.memory_space<vmem>>
        %dma_start3A_1949 = arith.constant 0 : i32
        %dma_start3A_1950 = tpu.memref_slice %arg7[%dma_start3A_1942, %dma_start3A_1949] : memref<16x50xi32, #tpu.memory_space<vmem>> -> memref<1x50xi32, #tpu.memory_space<vmem>>
        %dma_start3A_1951 = tpu.memref_squeeze %dma_start3A_1950 : memref<1x50xi32, #tpu.memory_space<vmem>> -> memref<50xi32, #tpu.memory_space<vmem>>
        %dma_start3A_1952 = arith.constant 0 : i32
        %dma_start3A_1953 = arith.constant 0 : i32
        %dma_start3A_1954 = tpu.memref_slice %arg3[%dma_start3A_1952, %dma_start3A_1953] : memref<1000000x32xf32, #tpu.memory_space<hbm>> -> memref<1000000x32xf32, #tpu.memory_space<hbm>>
        tpu.enqueue_indirect_dma source(%dma_start3A_1954 : memref<1000000x32xf32, #tpu.memory_space<hbm>>) target(%dma_start3A_1948 : memref<50x32xf32, #tpu.memory_space<vmem>>) offsets(%dma_start3A_1951 : memref<50xi32, #tpu.memory_space<vmem>>) semaphore(%arg12 : memref<!tpu.dma_semaphore, #tpu.memory_space<semaphore_mem>>)
        %dma_start3A_1955 = arith.constant 7 : i32
        %dma_start3A_1956 = arith.constant 2 : i32
        %dma_start3A_1957 = arith.constant 7 : i32
        %dma_start3A_1958 = arith.constant 0 : i32
        %dma_start3A_1959 = arith.constant 0 : i32
        %dma_start3A_1960 = tpu.memref_slice %arg9[%dma_start3A_1956, %dma_start3A_1957, %dma_start3A_1958, %dma_start3A_1959] : memref<4x16x50x32xf32, #tpu.memory_space<vmem>> -> memref<1x1x50x32xf32, #tpu.memory_space<vmem>>
        %dma_start3A_1961 = tpu.memref_squeeze %dma_start3A_1960 : memref<1x1x50x32xf32, #tpu.memory_space<vmem>> -> memref<50x32xf32, #tpu.memory_space<vmem>>
        %dma_start3A_1962 = arith.constant 0 : i32
        %dma_start3A_1963 = tpu.memref_slice %arg7[%dma_start3A_1955, %dma_start3A_1962] : memref<16x50xi32, #tpu.memory_space<vmem>> -> memref<1x50xi32, #tpu.memory_space<vmem>>
        %dma_start3A_1964 = tpu.memref_squeeze %dma_start3A_1963 : memref<1x50xi32, #tpu.memory_space<vmem>> -> memref<50xi32, #tpu.memory_space<vmem>>
        %dma_start3A_1965 = arith.constant 0 : i32
        %dma_start3A_1966 = arith.constant 0 : i32
        %dma_start3A_1967 = tpu.memref_slice %arg3[%dma_start3A_1965, %dma_start3A_1966] : memref<1000000x32xf32, #tpu.memory_space<hbm>> -> memref<1000000x32xf32, #tpu.memory_space<hbm>>
        tpu.enqueue_indirect_dma source(%dma_start3A_1967 : memref<1000000x32xf32, #tpu.memory_space<hbm>>) target(%dma_start3A_1961 : memref<50x32xf32, #tpu.memory_space<vmem>>) offsets(%dma_start3A_1964 : memref<50xi32, #tpu.memory_space<vmem>>) semaphore(%arg12 : memref<!tpu.dma_semaphore, #tpu.memory_space<semaphore_mem>>)
        %dma_start3A_1968 = arith.constant 8 : i32
        %dma_start3A_1969 = arith.constant 2 : i32
        %dma_start3A_1970 = arith.constant 8 : i32
        %dma_start3A_1971 = arith.constant 0 : i32
        %dma_start3A_1972 = arith.constant 0 : i32
        %dma_start3A_1973 = tpu.memref_slice %arg9[%dma_start3A_1969, %dma_start3A_1970, %dma_start3A_1971, %dma_start3A_1972] : memref<4x16x50x32xf32, #tpu.memory_space<vmem>> -> memref<1x1x50x32xf32, #tpu.memory_space<vmem>>
        %dma_start3A_1974 = tpu.memref_squeeze %dma_start3A_1973 : memref<1x1x50x32xf32, #tpu.memory_space<vmem>> -> memref<50x32xf32, #tpu.memory_space<vmem>>
        %dma_start3A_1975 = arith.constant 0 : i32
        %dma_start3A_1976 = tpu.memref_slice %arg7[%dma_start3A_1968, %dma_start3A_1975] : memref<16x50xi32, #tpu.memory_space<vmem>> -> memref<1x50xi32, #tpu.memory_space<vmem>>
        %dma_start3A_1977 = tpu.memref_squeeze %dma_start3A_1976 : memref<1x50xi32, #tpu.memory_space<vmem>> -> memref<50xi32, #tpu.memory_space<vmem>>
        %dma_start3A_1978 = arith.constant 0 : i32
        %dma_start3A_1979 = arith.constant 0 : i32
        %dma_start3A_1980 = tpu.memref_slice %arg3[%dma_start3A_1978, %dma_start3A_1979] : memref<1000000x32xf32, #tpu.memory_space<hbm>> -> memref<1000000x32xf32, #tpu.memory_space<hbm>>
        tpu.enqueue_indirect_dma source(%dma_start3A_1980 : memref<1000000x32xf32, #tpu.memory_space<hbm>>) target(%dma_start3A_1974 : memref<50x32xf32, #tpu.memory_space<vmem>>) offsets(%dma_start3A_1977 : memref<50xi32, #tpu.memory_space<vmem>>) semaphore(%arg12 : memref<!tpu.dma_semaphore, #tpu.memory_space<semaphore_mem>>)
        %dma_start3A_1981 = arith.constant 9 : i32
        %dma_start3A_1982 = arith.constant 2 : i32
        %dma_start3A_1983 = arith.constant 9 : i32
        %dma_start3A_1984 = arith.constant 0 : i32
        %dma_start3A_1985 = arith.constant 0 : i32
        %dma_start3A_1986 = tpu.memref_slice %arg9[%dma_start3A_1982, %dma_start3A_1983, %dma_start3A_1984, %dma_start3A_1985] : memref<4x16x50x32xf32, #tpu.memory_space<vmem>> -> memref<1x1x50x32xf32, #tpu.memory_space<vmem>>
        %dma_start3A_1987 = tpu.memref_squeeze %dma_start3A_1986 : memref<1x1x50x32xf32, #tpu.memory_space<vmem>> -> memref<50x32xf32, #tpu.memory_space<vmem>>
        %dma_start3A_1988 = arith.constant 0 : i32
        %dma_start3A_1989 = tpu.memref_slice %arg7[%dma_start3A_1981, %dma_start3A_1988] : memref<16x50xi32, #tpu.memory_space<vmem>> -> memref<1x50xi32, #tpu.memory_space<vmem>>
        %dma_start3A_1990 = tpu.memref_squeeze %dma_start3A_1989 : memref<1x50xi32, #tpu.memory_space<vmem>> -> memref<50xi32, #tpu.memory_space<vmem>>
        %dma_start3A_1991 = arith.constant 0 : i32
        %dma_start3A_1992 = arith.constant 0 : i32
        %dma_start3A_1993 = tpu.memref_slice %arg3[%dma_start3A_1991, %dma_start3A_1992] : memref<1000000x32xf32, #tpu.memory_space<hbm>> -> memref<1000000x32xf32, #tpu.memory_space<hbm>>
        tpu.enqueue_indirect_dma source(%dma_start3A_1993 : memref<1000000x32xf32, #tpu.memory_space<hbm>>) target(%dma_start3A_1987 : memref<50x32xf32, #tpu.memory_space<vmem>>) offsets(%dma_start3A_1990 : memref<50xi32, #tpu.memory_space<vmem>>) semaphore(%arg12 : memref<!tpu.dma_semaphore, #tpu.memory_space<semaphore_mem>>)
        %dma_start3A_1994 = arith.constant 10 : i32
        %dma_start3A_1995 = arith.constant 2 : i32
        %dma_start3A_1996 = arith.constant 10 : i32
        %dma_start3A_1997 = arith.constant 0 : i32
        %dma_start3A_1998 = arith.constant 0 : i32
        %dma_start3A_1999 = tpu.memref_slice %arg9[%dma_start3A_1995, %dma_start3A_1996, %dma_start3A_1997, %dma_start3A_1998] : memref<4x16x50x32xf32, #tpu.memory_space<vmem>> -> memref<1x1x50x32xf32, #tpu.memory_space<vmem>>
        %dma_start3A_2000 = tpu.memref_squeeze %dma_start3A_1999 : memref<1x1x50x32xf32, #tpu.memory_space<vmem>> -> memref<50x32xf32, #tpu.memory_space<vmem>>
        %dma_start3A_2001 = arith.constant 0 : i32
        %dma_start3A_2002 = tpu.memref_slice %arg7[%dma_start3A_1994, %dma_start3A_2001] : memref<16x50xi32, #tpu.memory_space<vmem>> -> memref<1x50xi32, #tpu.memory_space<vmem>>
        %dma_start3A_2003 = tpu.memref_squeeze %dma_start3A_2002 : memref<1x50xi32, #tpu.memory_space<vmem>> -> memref<50xi32, #tpu.memory_space<vmem>>
        %dma_start3A_2004 = arith.constant 0 : i32
        %dma_start3A_2005 = arith.constant 0 : i32
        %dma_start3A_2006 = tpu.memref_slice %arg3[%dma_start3A_2004, %dma_start3A_2005] : memref<1000000x32xf32, #tpu.memory_space<hbm>> -> memref<1000000x32xf32, #tpu.memory_space<hbm>>
        tpu.enqueue_indirect_dma source(%dma_start3A_2006 : memref<1000000x32xf32, #tpu.memory_space<hbm>>) target(%dma_start3A_2000 : memref<50x32xf32, #tpu.memory_space<vmem>>) offsets(%dma_start3A_2003 : memref<50xi32, #tpu.memory_space<vmem>>) semaphore(%arg12 : memref<!tpu.dma_semaphore, #tpu.memory_space<semaphore_mem>>)
        %dma_start3A_2007 = arith.constant 11 : i32
        %dma_start3A_2008 = arith.constant 2 : i32
        %dma_start3A_2009 = arith.constant 11 : i32
        %dma_start3A_2010 = arith.constant 0 : i32
        %dma_start3A_2011 = arith.constant 0 : i32
        %dma_start3A_2012 = tpu.memref_slice %arg9[%dma_start3A_2008, %dma_start3A_2009, %dma_start3A_2010, %dma_start3A_2011] : memref<4x16x50x32xf32, #tpu.memory_space<vmem>> -> memref<1x1x50x32xf32, #tpu.memory_space<vmem>>
        %dma_start3A_2013 = tpu.memref_squeeze %dma_start3A_2012 : memref<1x1x50x32xf32, #tpu.memory_space<vmem>> -> memref<50x32xf32, #tpu.memory_space<vmem>>
        %dma_start3A_2014 = arith.constant 0 : i32
        %dma_start3A_2015 = tpu.memref_slice %arg7[%dma_start3A_2007, %dma_start3A_2014] : memref<16x50xi32, #tpu.memory_space<vmem>> -> memref<1x50xi32, #tpu.memory_space<vmem>>
        %dma_start3A_2016 = tpu.memref_squeeze %dma_start3A_2015 : memref<1x50xi32, #tpu.memory_space<vmem>> -> memref<50xi32, #tpu.memory_space<vmem>>
        %dma_start3A_2017 = arith.constant 0 : i32
        %dma_start3A_2018 = arith.constant 0 : i32
        %dma_start3A_2019 = tpu.memref_slice %arg3[%dma_start3A_2017, %dma_start3A_2018] : memref<1000000x32xf32, #tpu.memory_space<hbm>> -> memref<1000000x32xf32, #tpu.memory_space<hbm>>
        tpu.enqueue_indirect_dma source(%dma_start3A_2019 : memref<1000000x32xf32, #tpu.memory_space<hbm>>) target(%dma_start3A_2013 : memref<50x32xf32, #tpu.memory_space<vmem>>) offsets(%dma_start3A_2016 : memref<50xi32, #tpu.memory_space<vmem>>) semaphore(%arg12 : memref<!tpu.dma_semaphore, #tpu.memory_space<semaphore_mem>>)
        %dma_start3A_2020 = arith.constant 12 : i32
        %dma_start3A_2021 = arith.constant 2 : i32
        %dma_start3A_2022 = arith.constant 12 : i32
        %dma_start3A_2023 = arith.constant 0 : i32
        %dma_start3A_2024 = arith.constant 0 : i32
        %dma_start3A_2025 = tpu.memref_slice %arg9[%dma_start3A_2021, %dma_start3A_2022, %dma_start3A_2023, %dma_start3A_2024] : memref<4x16x50x32xf32, #tpu.memory_space<vmem>> -> memref<1x1x50x32xf32, #tpu.memory_space<vmem>>
        %dma_start3A_2026 = tpu.memref_squeeze %dma_start3A_2025 : memref<1x1x50x32xf32, #tpu.memory_space<vmem>> -> memref<50x32xf32, #tpu.memory_space<vmem>>
        %dma_start3A_2027 = arith.constant 0 : i32
        %dma_start3A_2028 = tpu.memref_slice %arg7[%dma_start3A_2020, %dma_start3A_2027] : memref<16x50xi32, #tpu.memory_space<vmem>> -> memref<1x50xi32, #tpu.memory_space<vmem>>
        %dma_start3A_2029 = tpu.memref_squeeze %dma_start3A_2028 : memref<1x50xi32, #tpu.memory_space<vmem>> -> memref<50xi32, #tpu.memory_space<vmem>>
        %dma_start3A_2030 = arith.constant 0 : i32
        %dma_start3A_2031 = arith.constant 0 : i32
        %dma_start3A_2032 = tpu.memref_slice %arg3[%dma_start3A_2030, %dma_start3A_2031] : memref<1000000x32xf32, #tpu.memory_space<hbm>> -> memref<1000000x32xf32, #tpu.memory_space<hbm>>
        tpu.enqueue_indirect_dma source(%dma_start3A_2032 : memref<1000000x32xf32, #tpu.memory_space<hbm>>) target(%dma_start3A_2026 : memref<50x32xf32, #tpu.memory_space<vmem>>) offsets(%dma_start3A_2029 : memref<50xi32, #tpu.memory_space<vmem>>) semaphore(%arg12 : memref<!tpu.dma_semaphore, #tpu.memory_space<semaphore_mem>>)
        %dma_start3A_2033 = arith.constant 13 : i32
        %dma_start3A_2034 = arith.constant 2 : i32
        %dma_start3A_2035 = arith.constant 13 : i32
        %dma_start3A_2036 = arith.constant 0 : i32
        %dma_start3A_2037 = arith.constant 0 : i32
        %dma_start3A_2038 = tpu.memref_slice %arg9[%dma_start3A_2034, %dma_start3A_2035, %dma_start3A_2036, %dma_start3A_2037] : memref<4x16x50x32xf32, #tpu.memory_space<vmem>> -> memref<1x1x50x32xf32, #tpu.memory_space<vmem>>
        %dma_start3A_2039 = tpu.memref_squeeze %dma_start3A_2038 : memref<1x1x50x32xf32, #tpu.memory_space<vmem>> -> memref<50x32xf32, #tpu.memory_space<vmem>>
        %dma_start3A_2040 = arith.constant 0 : i32
        %dma_start3A_2041 = tpu.memref_slice %arg7[%dma_start3A_2033, %dma_start3A_2040] : memref<16x50xi32, #tpu.memory_space<vmem>> -> memref<1x50xi32, #tpu.memory_space<vmem>>
        %dma_start3A_2042 = tpu.memref_squeeze %dma_start3A_2041 : memref<1x50xi32, #tpu.memory_space<vmem>> -> memref<50xi32, #tpu.memory_space<vmem>>
        %dma_start3A_2043 = arith.constant 0 : i32
        %dma_start3A_2044 = arith.constant 0 : i32
        %dma_start3A_2045 = tpu.memref_slice %arg3[%dma_start3A_2043, %dma_start3A_2044] : memref<1000000x32xf32, #tpu.memory_space<hbm>> -> memref<1000000x32xf32, #tpu.memory_space<hbm>>
        tpu.enqueue_indirect_dma source(%dma_start3A_2045 : memref<1000000x32xf32, #tpu.memory_space<hbm>>) target(%dma_start3A_2039 : memref<50x32xf32, #tpu.memory_space<vmem>>) offsets(%dma_start3A_2042 : memref<50xi32, #tpu.memory_space<vmem>>) semaphore(%arg12 : memref<!tpu.dma_semaphore, #tpu.memory_space<semaphore_mem>>)
        %dma_start3A_2046 = arith.constant 14 : i32
        %dma_start3A_2047 = arith.constant 2 : i32
        %dma_start3A_2048 = arith.constant 14 : i32
        %dma_start3A_2049 = arith.constant 0 : i32
        %dma_start3A_2050 = arith.constant 0 : i32
        %dma_start3A_2051 = tpu.memref_slice %arg9[%dma_start3A_2047, %dma_start3A_2048, %dma_start3A_2049, %dma_start3A_2050] : memref<4x16x50x32xf32, #tpu.memory_space<vmem>> -> memref<1x1x50x32xf32, #tpu.memory_space<vmem>>
        %dma_start3A_2052 = tpu.memref_squeeze %dma_start3A_2051 : memref<1x1x50x32xf32, #tpu.memory_space<vmem>> -> memref<50x32xf32, #tpu.memory_space<vmem>>
        %dma_start3A_2053 = arith.constant 0 : i32
        %dma_start3A_2054 = tpu.memref_slice %arg7[%dma_start3A_2046, %dma_start3A_2053] : memref<16x50xi32, #tpu.memory_space<vmem>> -> memref<1x50xi32, #tpu.memory_space<vmem>>
        %dma_start3A_2055 = tpu.memref_squeeze %dma_start3A_2054 : memref<1x50xi32, #tpu.memory_space<vmem>> -> memref<50xi32, #tpu.memory_space<vmem>>
        %dma_start3A_2056 = arith.constant 0 : i32
        %dma_start3A_2057 = arith.constant 0 : i32
        %dma_start3A_2058 = tpu.memref_slice %arg3[%dma_start3A_2056, %dma_start3A_2057] : memref<1000000x32xf32, #tpu.memory_space<hbm>> -> memref<1000000x32xf32, #tpu.memory_space<hbm>>
        tpu.enqueue_indirect_dma source(%dma_start3A_2058 : memref<1000000x32xf32, #tpu.memory_space<hbm>>) target(%dma_start3A_2052 : memref<50x32xf32, #tpu.memory_space<vmem>>) offsets(%dma_start3A_2055 : memref<50xi32, #tpu.memory_space<vmem>>) semaphore(%arg12 : memref<!tpu.dma_semaphore, #tpu.memory_space<semaphore_mem>>)
        %dma_start3A_2059 = arith.constant 15 : i32
        %dma_start3A_2060 = arith.constant 2 : i32
        %dma_start3A_2061 = arith.constant 15 : i32
        %dma_start3A_2062 = arith.constant 0 : i32
        %dma_start3A_2063 = arith.constant 0 : i32
        %dma_start3A_2064 = tpu.memref_slice %arg9[%dma_start3A_2060, %dma_start3A_2061, %dma_start3A_2062, %dma_start3A_2063] : memref<4x16x50x32xf32, #tpu.memory_space<vmem>> -> memref<1x1x50x32xf32, #tpu.memory_space<vmem>>
        %dma_start3A_2065 = tpu.memref_squeeze %dma_start3A_2064 : memref<1x1x50x32xf32, #tpu.memory_space<vmem>> -> memref<50x32xf32, #tpu.memory_space<vmem>>
        %dma_start3A_2066 = arith.constant 0 : i32
        %dma_start3A_2067 = tpu.memref_slice %arg7[%dma_start3A_2059, %dma_start3A_2066] : memref<16x50xi32, #tpu.memory_space<vmem>> -> memref<1x50xi32, #tpu.memory_space<vmem>>
        %dma_start3A_2068 = tpu.memref_squeeze %dma_start3A_2067 : memref<1x50xi32, #tpu.memory_space<vmem>> -> memref<50xi32, #tpu.memory_space<vmem>>
        %dma_start3A_2069 = arith.constant 0 : i32
        %dma_start3A_2070 = arith.constant 0 : i32
        %dma_start3A_2071 = tpu.memref_slice %arg3[%dma_start3A_2069, %dma_start3A_2070] : memref<1000000x32xf32, #tpu.memory_space<hbm>> -> memref<1000000x32xf32, #tpu.memory_space<hbm>>
        tpu.enqueue_indirect_dma source(%dma_start3A_2071 : memref<1000000x32xf32, #tpu.memory_space<hbm>>) target(%dma_start3A_2065 : memref<50x32xf32, #tpu.memory_space<vmem>>) offsets(%dma_start3A_2068 : memref<50xi32, #tpu.memory_space<vmem>>) semaphore(%arg12 : memref<!tpu.dma_semaphore, #tpu.memory_space<semaphore_mem>>)
      } else {
      }
      %mul3A_1605 = arith.constant 4 : i32
      %mul3A_1606 = arith.muli %scan3A_846, %mul3A_1605 : i32
      %add3A_1607 = arith.constant 3 : i32
      %add3A_1608 = arith.addi %mul3A_1606, %add3A_1607 : i32
      %dma_wait3A_1609 = arith.constant 0 : i32
      %dma_wait3A_1610 = arith.constant 3 : i32
      %dma_wait3A_1611 = arith.constant 0 : i32
      %dma_wait3A_1612 = arith.constant 0 : i32
      %dma_wait3A_1613 = arith.constant 0 : i32
      %dma_wait3A_1614 = tpu.memref_slice %arg9[%dma_wait3A_1610, %dma_wait3A_1611, %dma_wait3A_1612, %dma_wait3A_1613] : memref<4x16x50x32xf32, #tpu.memory_space<vmem>> -> memref<1x1x50x32xf32, #tpu.memory_space<vmem>>
      %dma_wait3A_1615 = tpu.memref_squeeze %dma_wait3A_1614 : memref<1x1x50x32xf32, #tpu.memory_space<vmem>> -> memref<50x32xf32, #tpu.memory_space<vmem>>
      %dma_wait3A_1616 = arith.constant 0 : i32
      %dma_wait3A_1617 = tpu.memref_slice %arg8[%dma_wait3A_1609, %dma_wait3A_1616] : memref<16x50xi32, #tpu.memory_space<vmem>> -> memref<1x50xi32, #tpu.memory_space<vmem>>
      %dma_wait3A_1618 = tpu.memref_squeeze %dma_wait3A_1617 : memref<1x50xi32, #tpu.memory_space<vmem>> -> memref<50xi32, #tpu.memory_space<vmem>>
      %dma_wait3A_1619 = arith.constant 0 : i32
      %dma_wait3A_1620 = arith.constant 0 : i32
      %dma_wait3A_1621 = tpu.memref_slice %arg3[%dma_wait3A_1619, %dma_wait3A_1620] : memref<1000000x32xf32, #tpu.memory_space<hbm>> -> memref<1000000x32xf32, #tpu.memory_space<hbm>>
      tpu.wait_indirect_dma semaphore(%arg13 : memref<!tpu.dma_semaphore, #tpu.memory_space<semaphore_mem>>) src(%dma_wait3A_1621 : memref<1000000x32xf32, #tpu.memory_space<hbm>>) dst(%dma_wait3A_1615 : memref<50x32xf32, #tpu.memory_space<vmem>>)
      %dma_wait3A_1622 = arith.constant 1 : i32
      %dma_wait3A_1623 = arith.constant 3 : i32
      %dma_wait3A_1624 = arith.constant 1 : i32
      %dma_wait3A_1625 = arith.constant 0 : i32
      %dma_wait3A_1626 = arith.constant 0 : i32
      %dma_wait3A_1627 = tpu.memref_slice %arg9[%dma_wait3A_1623, %dma_wait3A_1624, %dma_wait3A_1625, %dma_wait3A_1626] : memref<4x16x50x32xf32, #tpu.memory_space<vmem>> -> memref<1x1x50x32xf32, #tpu.memory_space<vmem>>
      %dma_wait3A_1628 = tpu.memref_squeeze %dma_wait3A_1627 : memref<1x1x50x32xf32, #tpu.memory_space<vmem>> -> memref<50x32xf32, #tpu.memory_space<vmem>>
      %dma_wait3A_1629 = arith.constant 0 : i32
      %dma_wait3A_1630 = tpu.memref_slice %arg8[%dma_wait3A_1622, %dma_wait3A_1629] : memref<16x50xi32, #tpu.memory_space<vmem>> -> memref<1x50xi32, #tpu.memory_space<vmem>>
      %dma_wait3A_1631 = tpu.memref_squeeze %dma_wait3A_1630 : memref<1x50xi32, #tpu.memory_space<vmem>> -> memref<50xi32, #tpu.memory_space<vmem>>
      %dma_wait3A_1632 = arith.constant 0 : i32
      %dma_wait3A_1633 = arith.constant 0 : i32
      %dma_wait3A_1634 = tpu.memref_slice %arg3[%dma_wait3A_1632, %dma_wait3A_1633] : memref<1000000x32xf32, #tpu.memory_space<hbm>> -> memref<1000000x32xf32, #tpu.memory_space<hbm>>
      tpu.wait_indirect_dma semaphore(%arg13 : memref<!tpu.dma_semaphore, #tpu.memory_space<semaphore_mem>>) src(%dma_wait3A_1634 : memref<1000000x32xf32, #tpu.memory_space<hbm>>) dst(%dma_wait3A_1628 : memref<50x32xf32, #tpu.memory_space<vmem>>)
      %dma_wait3A_1635 = arith.constant 2 : i32
      %dma_wait3A_1636 = arith.constant 3 : i32
      %dma_wait3A_1637 = arith.constant 2 : i32
      %dma_wait3A_1638 = arith.constant 0 : i32
      %dma_wait3A_1639 = arith.constant 0 : i32
      %dma_wait3A_1640 = tpu.memref_slice %arg9[%dma_wait3A_1636, %dma_wait3A_1637, %dma_wait3A_1638, %dma_wait3A_1639] : memref<4x16x50x32xf32, #tpu.memory_space<vmem>> -> memref<1x1x50x32xf32, #tpu.memory_space<vmem>>
      %dma_wait3A_1641 = tpu.memref_squeeze %dma_wait3A_1640 : memref<1x1x50x32xf32, #tpu.memory_space<vmem>> -> memref<50x32xf32, #tpu.memory_space<vmem>>
      %dma_wait3A_1642 = arith.constant 0 : i32
      %dma_wait3A_1643 = tpu.memref_slice %arg8[%dma_wait3A_1635, %dma_wait3A_1642] : memref<16x50xi32, #tpu.memory_space<vmem>> -> memref<1x50xi32, #tpu.memory_space<vmem>>
      %dma_wait3A_1644 = tpu.memref_squeeze %dma_wait3A_1643 : memref<1x50xi32, #tpu.memory_space<vmem>> -> memref<50xi32, #tpu.memory_space<vmem>>
      %dma_wait3A_1645 = arith.constant 0 : i32
      %dma_wait3A_1646 = arith.constant 0 : i32
      %dma_wait3A_1647 = tpu.memref_slice %arg3[%dma_wait3A_1645, %dma_wait3A_1646] : memref<1000000x32xf32, #tpu.memory_space<hbm>> -> memref<1000000x32xf32, #tpu.memory_space<hbm>>
      tpu.wait_indirect_dma semaphore(%arg13 : memref<!tpu.dma_semaphore, #tpu.memory_space<semaphore_mem>>) src(%dma_wait3A_1647 : memref<1000000x32xf32, #tpu.memory_space<hbm>>) dst(%dma_wait3A_1641 : memref<50x32xf32, #tpu.memory_space<vmem>>)
      %dma_wait3A_1648 = arith.constant 3 : i32
      %dma_wait3A_1649 = arith.constant 3 : i32
      %dma_wait3A_1650 = arith.constant 3 : i32
      %dma_wait3A_1651 = arith.constant 0 : i32
      %dma_wait3A_1652 = arith.constant 0 : i32
      %dma_wait3A_1653 = tpu.memref_slice %arg9[%dma_wait3A_1649, %dma_wait3A_1650, %dma_wait3A_1651, %dma_wait3A_1652] : memref<4x16x50x32xf32, #tpu.memory_space<vmem>> -> memref<1x1x50x32xf32, #tpu.memory_space<vmem>>
      %dma_wait3A_1654 = tpu.memref_squeeze %dma_wait3A_1653 : memref<1x1x50x32xf32, #tpu.memory_space<vmem>> -> memref<50x32xf32, #tpu.memory_space<vmem>>
      %dma_wait3A_1655 = arith.constant 0 : i32
      %dma_wait3A_1656 = tpu.memref_slice %arg8[%dma_wait3A_1648, %dma_wait3A_1655] : memref<16x50xi32, #tpu.memory_space<vmem>> -> memref<1x50xi32, #tpu.memory_space<vmem>>
      %dma_wait3A_1657 = tpu.memref_squeeze %dma_wait3A_1656 : memref<1x50xi32, #tpu.memory_space<vmem>> -> memref<50xi32, #tpu.memory_space<vmem>>
      %dma_wait3A_1658 = arith.constant 0 : i32
      %dma_wait3A_1659 = arith.constant 0 : i32
      %dma_wait3A_1660 = tpu.memref_slice %arg3[%dma_wait3A_1658, %dma_wait3A_1659] : memref<1000000x32xf32, #tpu.memory_space<hbm>> -> memref<1000000x32xf32, #tpu.memory_space<hbm>>
      tpu.wait_indirect_dma semaphore(%arg13 : memref<!tpu.dma_semaphore, #tpu.memory_space<semaphore_mem>>) src(%dma_wait3A_1660 : memref<1000000x32xf32, #tpu.memory_space<hbm>>) dst(%dma_wait3A_1654 : memref<50x32xf32, #tpu.memory_space<vmem>>)
      %dma_wait3A_1661 = arith.constant 4 : i32
      %dma_wait3A_1662 = arith.constant 3 : i32
      %dma_wait3A_1663 = arith.constant 4 : i32
      %dma_wait3A_1664 = arith.constant 0 : i32
      %dma_wait3A_1665 = arith.constant 0 : i32
      %dma_wait3A_1666 = tpu.memref_slice %arg9[%dma_wait3A_1662, %dma_wait3A_1663, %dma_wait3A_1664, %dma_wait3A_1665] : memref<4x16x50x32xf32, #tpu.memory_space<vmem>> -> memref<1x1x50x32xf32, #tpu.memory_space<vmem>>
      %dma_wait3A_1667 = tpu.memref_squeeze %dma_wait3A_1666 : memref<1x1x50x32xf32, #tpu.memory_space<vmem>> -> memref<50x32xf32, #tpu.memory_space<vmem>>
      %dma_wait3A_1668 = arith.constant 0 : i32
      %dma_wait3A_1669 = tpu.memref_slice %arg8[%dma_wait3A_1661, %dma_wait3A_1668] : memref<16x50xi32, #tpu.memory_space<vmem>> -> memref<1x50xi32, #tpu.memory_space<vmem>>
      %dma_wait3A_1670 = tpu.memref_squeeze %dma_wait3A_1669 : memref<1x50xi32, #tpu.memory_space<vmem>> -> memref<50xi32, #tpu.memory_space<vmem>>
      %dma_wait3A_1671 = arith.constant 0 : i32
      %dma_wait3A_1672 = arith.constant 0 : i32
      %dma_wait3A_1673 = tpu.memref_slice %arg3[%dma_wait3A_1671, %dma_wait3A_1672] : memref<1000000x32xf32, #tpu.memory_space<hbm>> -> memref<1000000x32xf32, #tpu.memory_space<hbm>>
      tpu.wait_indirect_dma semaphore(%arg13 : memref<!tpu.dma_semaphore, #tpu.memory_space<semaphore_mem>>) src(%dma_wait3A_1673 : memref<1000000x32xf32, #tpu.memory_space<hbm>>) dst(%dma_wait3A_1667 : memref<50x32xf32, #tpu.memory_space<vmem>>)
      %dma_wait3A_1674 = arith.constant 5 : i32
      %dma_wait3A_1675 = arith.constant 3 : i32
      %dma_wait3A_1676 = arith.constant 5 : i32
      %dma_wait3A_1677 = arith.constant 0 : i32
      %dma_wait3A_1678 = arith.constant 0 : i32
      %dma_wait3A_1679 = tpu.memref_slice %arg9[%dma_wait3A_1675, %dma_wait3A_1676, %dma_wait3A_1677, %dma_wait3A_1678] : memref<4x16x50x32xf32, #tpu.memory_space<vmem>> -> memref<1x1x50x32xf32, #tpu.memory_space<vmem>>
      %dma_wait3A_1680 = tpu.memref_squeeze %dma_wait3A_1679 : memref<1x1x50x32xf32, #tpu.memory_space<vmem>> -> memref<50x32xf32, #tpu.memory_space<vmem>>
      %dma_wait3A_1681 = arith.constant 0 : i32
      %dma_wait3A_1682 = tpu.memref_slice %arg8[%dma_wait3A_1674, %dma_wait3A_1681] : memref<16x50xi32, #tpu.memory_space<vmem>> -> memref<1x50xi32, #tpu.memory_space<vmem>>
      %dma_wait3A_1683 = tpu.memref_squeeze %dma_wait3A_1682 : memref<1x50xi32, #tpu.memory_space<vmem>> -> memref<50xi32, #tpu.memory_space<vmem>>
      %dma_wait3A_1684 = arith.constant 0 : i32
      %dma_wait3A_1685 = arith.constant 0 : i32
      %dma_wait3A_1686 = tpu.memref_slice %arg3[%dma_wait3A_1684, %dma_wait3A_1685] : memref<1000000x32xf32, #tpu.memory_space<hbm>> -> memref<1000000x32xf32, #tpu.memory_space<hbm>>
      tpu.wait_indirect_dma semaphore(%arg13 : memref<!tpu.dma_semaphore, #tpu.memory_space<semaphore_mem>>) src(%dma_wait3A_1686 : memref<1000000x32xf32, #tpu.memory_space<hbm>>) dst(%dma_wait3A_1680 : memref<50x32xf32, #tpu.memory_space<vmem>>)
      %dma_wait3A_1687 = arith.constant 6 : i32
      %dma_wait3A_1688 = arith.constant 3 : i32
      %dma_wait3A_1689 = arith.constant 6 : i32
      %dma_wait3A_1690 = arith.constant 0 : i32
      %dma_wait3A_1691 = arith.constant 0 : i32
      %dma_wait3A_1692 = tpu.memref_slice %arg9[%dma_wait3A_1688, %dma_wait3A_1689, %dma_wait3A_1690, %dma_wait3A_1691] : memref<4x16x50x32xf32, #tpu.memory_space<vmem>> -> memref<1x1x50x32xf32, #tpu.memory_space<vmem>>
      %dma_wait3A_1693 = tpu.memref_squeeze %dma_wait3A_1692 : memref<1x1x50x32xf32, #tpu.memory_space<vmem>> -> memref<50x32xf32, #tpu.memory_space<vmem>>
      %dma_wait3A_1694 = arith.constant 0 : i32
      %dma_wait3A_1695 = tpu.memref_slice %arg8[%dma_wait3A_1687, %dma_wait3A_1694] : memref<16x50xi32, #tpu.memory_space<vmem>> -> memref<1x50xi32, #tpu.memory_space<vmem>>
      %dma_wait3A_1696 = tpu.memref_squeeze %dma_wait3A_1695 : memref<1x50xi32, #tpu.memory_space<vmem>> -> memref<50xi32, #tpu.memory_space<vmem>>
      %dma_wait3A_1697 = arith.constant 0 : i32
      %dma_wait3A_1698 = arith.constant 0 : i32
      %dma_wait3A_1699 = tpu.memref_slice %arg3[%dma_wait3A_1697, %dma_wait3A_1698] : memref<1000000x32xf32, #tpu.memory_space<hbm>> -> memref<1000000x32xf32, #tpu.memory_space<hbm>>
      tpu.wait_indirect_dma semaphore(%arg13 : memref<!tpu.dma_semaphore, #tpu.memory_space<semaphore_mem>>) src(%dma_wait3A_1699 : memref<1000000x32xf32, #tpu.memory_space<hbm>>) dst(%dma_wait3A_1693 : memref<50x32xf32, #tpu.memory_space<vmem>>)
      %dma_wait3A_1700 = arith.constant 7 : i32
      %dma_wait3A_1701 = arith.constant 3 : i32
      %dma_wait3A_1702 = arith.constant 7 : i32
      %dma_wait3A_1703 = arith.constant 0 : i32
      %dma_wait3A_1704 = arith.constant 0 : i32
      %dma_wait3A_1705 = tpu.memref_slice %arg9[%dma_wait3A_1701, %dma_wait3A_1702, %dma_wait3A_1703, %dma_wait3A_1704] : memref<4x16x50x32xf32, #tpu.memory_space<vmem>> -> memref<1x1x50x32xf32, #tpu.memory_space<vmem>>
      %dma_wait3A_1706 = tpu.memref_squeeze %dma_wait3A_1705 : memref<1x1x50x32xf32, #tpu.memory_space<vmem>> -> memref<50x32xf32, #tpu.memory_space<vmem>>
      %dma_wait3A_1707 = arith.constant 0 : i32
      %dma_wait3A_1708 = tpu.memref_slice %arg8[%dma_wait3A_1700, %dma_wait3A_1707] : memref<16x50xi32, #tpu.memory_space<vmem>> -> memref<1x50xi32, #tpu.memory_space<vmem>>
      %dma_wait3A_1709 = tpu.memref_squeeze %dma_wait3A_1708 : memref<1x50xi32, #tpu.memory_space<vmem>> -> memref<50xi32, #tpu.memory_space<vmem>>
      %dma_wait3A_1710 = arith.constant 0 : i32
      %dma_wait3A_1711 = arith.constant 0 : i32
      %dma_wait3A_1712 = tpu.memref_slice %arg3[%dma_wait3A_1710, %dma_wait3A_1711] : memref<1000000x32xf32, #tpu.memory_space<hbm>> -> memref<1000000x32xf32, #tpu.memory_space<hbm>>
      tpu.wait_indirect_dma semaphore(%arg13 : memref<!tpu.dma_semaphore, #tpu.memory_space<semaphore_mem>>) src(%dma_wait3A_1712 : memref<1000000x32xf32, #tpu.memory_space<hbm>>) dst(%dma_wait3A_1706 : memref<50x32xf32, #tpu.memory_space<vmem>>)
      %dma_wait3A_1713 = arith.constant 8 : i32
      %dma_wait3A_1714 = arith.constant 3 : i32
      %dma_wait3A_1715 = arith.constant 8 : i32
      %dma_wait3A_1716 = arith.constant 0 : i32
      %dma_wait3A_1717 = arith.constant 0 : i32
      %dma_wait3A_1718 = tpu.memref_slice %arg9[%dma_wait3A_1714, %dma_wait3A_1715, %dma_wait3A_1716, %dma_wait3A_1717] : memref<4x16x50x32xf32, #tpu.memory_space<vmem>> -> memref<1x1x50x32xf32, #tpu.memory_space<vmem>>
      %dma_wait3A_1719 = tpu.memref_squeeze %dma_wait3A_1718 : memref<1x1x50x32xf32, #tpu.memory_space<vmem>> -> memref<50x32xf32, #tpu.memory_space<vmem>>
      %dma_wait3A_1720 = arith.constant 0 : i32
      %dma_wait3A_1721 = tpu.memref_slice %arg8[%dma_wait3A_1713, %dma_wait3A_1720] : memref<16x50xi32, #tpu.memory_space<vmem>> -> memref<1x50xi32, #tpu.memory_space<vmem>>
      %dma_wait3A_1722 = tpu.memref_squeeze %dma_wait3A_1721 : memref<1x50xi32, #tpu.memory_space<vmem>> -> memref<50xi32, #tpu.memory_space<vmem>>
      %dma_wait3A_1723 = arith.constant 0 : i32
      %dma_wait3A_1724 = arith.constant 0 : i32
      %dma_wait3A_1725 = tpu.memref_slice %arg3[%dma_wait3A_1723, %dma_wait3A_1724] : memref<1000000x32xf32, #tpu.memory_space<hbm>> -> memref<1000000x32xf32, #tpu.memory_space<hbm>>
      tpu.wait_indirect_dma semaphore(%arg13 : memref<!tpu.dma_semaphore, #tpu.memory_space<semaphore_mem>>) src(%dma_wait3A_1725 : memref<1000000x32xf32, #tpu.memory_space<hbm>>) dst(%dma_wait3A_1719 : memref<50x32xf32, #tpu.memory_space<vmem>>)
      %dma_wait3A_1726 = arith.constant 9 : i32
      %dma_wait3A_1727 = arith.constant 3 : i32
      %dma_wait3A_1728 = arith.constant 9 : i32
      %dma_wait3A_1729 = arith.constant 0 : i32
      %dma_wait3A_1730 = arith.constant 0 : i32
      %dma_wait3A_1731 = tpu.memref_slice %arg9[%dma_wait3A_1727, %dma_wait3A_1728, %dma_wait3A_1729, %dma_wait3A_1730] : memref<4x16x50x32xf32, #tpu.memory_space<vmem>> -> memref<1x1x50x32xf32, #tpu.memory_space<vmem>>
      %dma_wait3A_1732 = tpu.memref_squeeze %dma_wait3A_1731 : memref<1x1x50x32xf32, #tpu.memory_space<vmem>> -> memref<50x32xf32, #tpu.memory_space<vmem>>
      %dma_wait3A_1733 = arith.constant 0 : i32
      %dma_wait3A_1734 = tpu.memref_slice %arg8[%dma_wait3A_1726, %dma_wait3A_1733] : memref<16x50xi32, #tpu.memory_space<vmem>> -> memref<1x50xi32, #tpu.memory_space<vmem>>
      %dma_wait3A_1735 = tpu.memref_squeeze %dma_wait3A_1734 : memref<1x50xi32, #tpu.memory_space<vmem>> -> memref<50xi32, #tpu.memory_space<vmem>>
      %dma_wait3A_1736 = arith.constant 0 : i32
      %dma_wait3A_1737 = arith.constant 0 : i32
      %dma_wait3A_1738 = tpu.memref_slice %arg3[%dma_wait3A_1736, %dma_wait3A_1737] : memref<1000000x32xf32, #tpu.memory_space<hbm>> -> memref<1000000x32xf32, #tpu.memory_space<hbm>>
      tpu.wait_indirect_dma semaphore(%arg13 : memref<!tpu.dma_semaphore, #tpu.memory_space<semaphore_mem>>) src(%dma_wait3A_1738 : memref<1000000x32xf32, #tpu.memory_space<hbm>>) dst(%dma_wait3A_1732 : memref<50x32xf32, #tpu.memory_space<vmem>>)
      %dma_wait3A_1739 = arith.constant 10 : i32
      %dma_wait3A_1740 = arith.constant 3 : i32
      %dma_wait3A_1741 = arith.constant 10 : i32
      %dma_wait3A_1742 = arith.constant 0 : i32
      %dma_wait3A_1743 = arith.constant 0 : i32
      %dma_wait3A_1744 = tpu.memref_slice %arg9[%dma_wait3A_1740, %dma_wait3A_1741, %dma_wait3A_1742, %dma_wait3A_1743] : memref<4x16x50x32xf32, #tpu.memory_space<vmem>> -> memref<1x1x50x32xf32, #tpu.memory_space<vmem>>
      %dma_wait3A_1745 = tpu.memref_squeeze %dma_wait3A_1744 : memref<1x1x50x32xf32, #tpu.memory_space<vmem>> -> memref<50x32xf32, #tpu.memory_space<vmem>>
      %dma_wait3A_1746 = arith.constant 0 : i32
      %dma_wait3A_1747 = tpu.memref_slice %arg8[%dma_wait3A_1739, %dma_wait3A_1746] : memref<16x50xi32, #tpu.memory_space<vmem>> -> memref<1x50xi32, #tpu.memory_space<vmem>>
      %dma_wait3A_1748 = tpu.memref_squeeze %dma_wait3A_1747 : memref<1x50xi32, #tpu.memory_space<vmem>> -> memref<50xi32, #tpu.memory_space<vmem>>
      %dma_wait3A_1749 = arith.constant 0 : i32
      %dma_wait3A_1750 = arith.constant 0 : i32
      %dma_wait3A_1751 = tpu.memref_slice %arg3[%dma_wait3A_1749, %dma_wait3A_1750] : memref<1000000x32xf32, #tpu.memory_space<hbm>> -> memref<1000000x32xf32, #tpu.memory_space<hbm>>
      tpu.wait_indirect_dma semaphore(%arg13 : memref<!tpu.dma_semaphore, #tpu.memory_space<semaphore_mem>>) src(%dma_wait3A_1751 : memref<1000000x32xf32, #tpu.memory_space<hbm>>) dst(%dma_wait3A_1745 : memref<50x32xf32, #tpu.memory_space<vmem>>)
      %dma_wait3A_1752 = arith.constant 11 : i32
      %dma_wait3A_1753 = arith.constant 3 : i32
      %dma_wait3A_1754 = arith.constant 11 : i32
      %dma_wait3A_1755 = arith.constant 0 : i32
      %dma_wait3A_1756 = arith.constant 0 : i32
      %dma_wait3A_1757 = tpu.memref_slice %arg9[%dma_wait3A_1753, %dma_wait3A_1754, %dma_wait3A_1755, %dma_wait3A_1756] : memref<4x16x50x32xf32, #tpu.memory_space<vmem>> -> memref<1x1x50x32xf32, #tpu.memory_space<vmem>>
      %dma_wait3A_1758 = tpu.memref_squeeze %dma_wait3A_1757 : memref<1x1x50x32xf32, #tpu.memory_space<vmem>> -> memref<50x32xf32, #tpu.memory_space<vmem>>
      %dma_wait3A_1759 = arith.constant 0 : i32
      %dma_wait3A_1760 = tpu.memref_slice %arg8[%dma_wait3A_1752, %dma_wait3A_1759] : memref<16x50xi32, #tpu.memory_space<vmem>> -> memref<1x50xi32, #tpu.memory_space<vmem>>
      %dma_wait3A_1761 = tpu.memref_squeeze %dma_wait3A_1760 : memref<1x50xi32, #tpu.memory_space<vmem>> -> memref<50xi32, #tpu.memory_space<vmem>>
      %dma_wait3A_1762 = arith.constant 0 : i32
      %dma_wait3A_1763 = arith.constant 0 : i32
      %dma_wait3A_1764 = tpu.memref_slice %arg3[%dma_wait3A_1762, %dma_wait3A_1763] : memref<1000000x32xf32, #tpu.memory_space<hbm>> -> memref<1000000x32xf32, #tpu.memory_space<hbm>>
      tpu.wait_indirect_dma semaphore(%arg13 : memref<!tpu.dma_semaphore, #tpu.memory_space<semaphore_mem>>) src(%dma_wait3A_1764 : memref<1000000x32xf32, #tpu.memory_space<hbm>>) dst(%dma_wait3A_1758 : memref<50x32xf32, #tpu.memory_space<vmem>>)
      %dma_wait3A_1765 = arith.constant 12 : i32
      %dma_wait3A_1766 = arith.constant 3 : i32
      %dma_wait3A_1767 = arith.constant 12 : i32
      %dma_wait3A_1768 = arith.constant 0 : i32
      %dma_wait3A_1769 = arith.constant 0 : i32
      %dma_wait3A_1770 = tpu.memref_slice %arg9[%dma_wait3A_1766, %dma_wait3A_1767, %dma_wait3A_1768, %dma_wait3A_1769] : memref<4x16x50x32xf32, #tpu.memory_space<vmem>> -> memref<1x1x50x32xf32, #tpu.memory_space<vmem>>
      %dma_wait3A_1771 = tpu.memref_squeeze %dma_wait3A_1770 : memref<1x1x50x32xf32, #tpu.memory_space<vmem>> -> memref<50x32xf32, #tpu.memory_space<vmem>>
      %dma_wait3A_1772 = arith.constant 0 : i32
      %dma_wait3A_1773 = tpu.memref_slice %arg8[%dma_wait3A_1765, %dma_wait3A_1772] : memref<16x50xi32, #tpu.memory_space<vmem>> -> memref<1x50xi32, #tpu.memory_space<vmem>>
      %dma_wait3A_1774 = tpu.memref_squeeze %dma_wait3A_1773 : memref<1x50xi32, #tpu.memory_space<vmem>> -> memref<50xi32, #tpu.memory_space<vmem>>
      %dma_wait3A_1775 = arith.constant 0 : i32
      %dma_wait3A_1776 = arith.constant 0 : i32
      %dma_wait3A_1777 = tpu.memref_slice %arg3[%dma_wait3A_1775, %dma_wait3A_1776] : memref<1000000x32xf32, #tpu.memory_space<hbm>> -> memref<1000000x32xf32, #tpu.memory_space<hbm>>
      tpu.wait_indirect_dma semaphore(%arg13 : memref<!tpu.dma_semaphore, #tpu.memory_space<semaphore_mem>>) src(%dma_wait3A_1777 : memref<1000000x32xf32, #tpu.memory_space<hbm>>) dst(%dma_wait3A_1771 : memref<50x32xf32, #tpu.memory_space<vmem>>)
      %dma_wait3A_1778 = arith.constant 13 : i32
      %dma_wait3A_1779 = arith.constant 3 : i32
      %dma_wait3A_1780 = arith.constant 13 : i32
      %dma_wait3A_1781 = arith.constant 0 : i32
      %dma_wait3A_1782 = arith.constant 0 : i32
      %dma_wait3A_1783 = tpu.memref_slice %arg9[%dma_wait3A_1779, %dma_wait3A_1780, %dma_wait3A_1781, %dma_wait3A_1782] : memref<4x16x50x32xf32, #tpu.memory_space<vmem>> -> memref<1x1x50x32xf32, #tpu.memory_space<vmem>>
      %dma_wait3A_1784 = tpu.memref_squeeze %dma_wait3A_1783 : memref<1x1x50x32xf32, #tpu.memory_space<vmem>> -> memref<50x32xf32, #tpu.memory_space<vmem>>
      %dma_wait3A_1785 = arith.constant 0 : i32
      %dma_wait3A_1786 = tpu.memref_slice %arg8[%dma_wait3A_1778, %dma_wait3A_1785] : memref<16x50xi32, #tpu.memory_space<vmem>> -> memref<1x50xi32, #tpu.memory_space<vmem>>
      %dma_wait3A_1787 = tpu.memref_squeeze %dma_wait3A_1786 : memref<1x50xi32, #tpu.memory_space<vmem>> -> memref<50xi32, #tpu.memory_space<vmem>>
      %dma_wait3A_1788 = arith.constant 0 : i32
      %dma_wait3A_1789 = arith.constant 0 : i32
      %dma_wait3A_1790 = tpu.memref_slice %arg3[%dma_wait3A_1788, %dma_wait3A_1789] : memref<1000000x32xf32, #tpu.memory_space<hbm>> -> memref<1000000x32xf32, #tpu.memory_space<hbm>>
      tpu.wait_indirect_dma semaphore(%arg13 : memref<!tpu.dma_semaphore, #tpu.memory_space<semaphore_mem>>) src(%dma_wait3A_1790 : memref<1000000x32xf32, #tpu.memory_space<hbm>>) dst(%dma_wait3A_1784 : memref<50x32xf32, #tpu.memory_space<vmem>>)
      %dma_wait3A_1791 = arith.constant 14 : i32
      %dma_wait3A_1792 = arith.constant 3 : i32
      %dma_wait3A_1793 = arith.constant 14 : i32
      %dma_wait3A_1794 = arith.constant 0 : i32
      %dma_wait3A_1795 = arith.constant 0 : i32
      %dma_wait3A_1796 = tpu.memref_slice %arg9[%dma_wait3A_1792, %dma_wait3A_1793, %dma_wait3A_1794, %dma_wait3A_1795] : memref<4x16x50x32xf32, #tpu.memory_space<vmem>> -> memref<1x1x50x32xf32, #tpu.memory_space<vmem>>
      %dma_wait3A_1797 = tpu.memref_squeeze %dma_wait3A_1796 : memref<1x1x50x32xf32, #tpu.memory_space<vmem>> -> memref<50x32xf32, #tpu.memory_space<vmem>>
      %dma_wait3A_1798 = arith.constant 0 : i32
      %dma_wait3A_1799 = tpu.memref_slice %arg8[%dma_wait3A_1791, %dma_wait3A_1798] : memref<16x50xi32, #tpu.memory_space<vmem>> -> memref<1x50xi32, #tpu.memory_space<vmem>>
      %dma_wait3A_1800 = tpu.memref_squeeze %dma_wait3A_1799 : memref<1x50xi32, #tpu.memory_space<vmem>> -> memref<50xi32, #tpu.memory_space<vmem>>
      %dma_wait3A_1801 = arith.constant 0 : i32
      %dma_wait3A_1802 = arith.constant 0 : i32
      %dma_wait3A_1803 = tpu.memref_slice %arg3[%dma_wait3A_1801, %dma_wait3A_1802] : memref<1000000x32xf32, #tpu.memory_space<hbm>> -> memref<1000000x32xf32, #tpu.memory_space<hbm>>
      tpu.wait_indirect_dma semaphore(%arg13 : memref<!tpu.dma_semaphore, #tpu.memory_space<semaphore_mem>>) src(%dma_wait3A_1803 : memref<1000000x32xf32, #tpu.memory_space<hbm>>) dst(%dma_wait3A_1797 : memref<50x32xf32, #tpu.memory_space<vmem>>)
      %dma_wait3A_1804 = arith.constant 15 : i32
      %dma_wait3A_1805 = arith.constant 3 : i32
      %dma_wait3A_1806 = arith.constant 15 : i32
      %dma_wait3A_1807 = arith.constant 0 : i32
      %dma_wait3A_1808 = arith.constant 0 : i32
      %dma_wait3A_1809 = tpu.memref_slice %arg9[%dma_wait3A_1805, %dma_wait3A_1806, %dma_wait3A_1807, %dma_wait3A_1808] : memref<4x16x50x32xf32, #tpu.memory_space<vmem>> -> memref<1x1x50x32xf32, #tpu.memory_space<vmem>>
      %dma_wait3A_1810 = tpu.memref_squeeze %dma_wait3A_1809 : memref<1x1x50x32xf32, #tpu.memory_space<vmem>> -> memref<50x32xf32, #tpu.memory_space<vmem>>
      %dma_wait3A_1811 = arith.constant 0 : i32
      %dma_wait3A_1812 = tpu.memref_slice %arg8[%dma_wait3A_1804, %dma_wait3A_1811] : memref<16x50xi32, #tpu.memory_space<vmem>> -> memref<1x50xi32, #tpu.memory_space<vmem>>
      %dma_wait3A_1813 = tpu.memref_squeeze %dma_wait3A_1812 : memref<1x50xi32, #tpu.memory_space<vmem>> -> memref<50xi32, #tpu.memory_space<vmem>>
      %dma_wait3A_1814 = arith.constant 0 : i32
      %dma_wait3A_1815 = arith.constant 0 : i32
      %dma_wait3A_1816 = tpu.memref_slice %arg3[%dma_wait3A_1814, %dma_wait3A_1815] : memref<1000000x32xf32, #tpu.memory_space<hbm>> -> memref<1000000x32xf32, #tpu.memory_space<hbm>>
      tpu.wait_indirect_dma semaphore(%arg13 : memref<!tpu.dma_semaphore, #tpu.memory_space<semaphore_mem>>) src(%dma_wait3A_1816 : memref<1000000x32xf32, #tpu.memory_space<hbm>>) dst(%dma_wait3A_1810 : memref<50x32xf32, #tpu.memory_space<vmem>>)
      %mul3A_1817 = arith.constant 16 : i32
      %mul3A_1818 = arith.muli %add3A_1608, %mul3A_1817 : i32
      %add3A_1819 = arith.addi %mul3A_2, %mul3A_1818 : i32
      %dma_start3A_1820 = arith.constant 3 : i32
      %dma_start3A_1821 = arith.constant 0 : i32
      %dma_start3A_1822 = arith.constant 0 : i32
      %dma_start3A_1823 = arith.constant 0 : i32
      %dma_start3A_1824 = tpu.memref_slice %arg9[%dma_start3A_1820, %dma_start3A_1821, %dma_start3A_1822, %dma_start3A_1823] : memref<4x16x50x32xf32, #tpu.memory_space<vmem>> -> memref<1x16x50x32xf32, #tpu.memory_space<vmem>>
      %dma_start3A_1825 = tpu.memref_squeeze %dma_start3A_1824 : memref<1x16x50x32xf32, #tpu.memory_space<vmem>> -> memref<16x50x32xf32, #tpu.memory_space<vmem>>
      %dma_start3A_1826 = arith.constant 0 : i32
      %dma_start3A_1827 = arith.constant 0 : i32
      %dma_start3A_1828 = tpu.memref_slice %arg4[%add3A_1819, %dma_start3A_1826, %dma_start3A_1827] : memref<16384x50x32xf32, #tpu.memory_space<hbm>> -> memref<16x50x32xf32, #tpu.memory_space<hbm>>
      %dma_start3A_1829 = arith.constant 0 : i32
      %dma_start3A_1830 = arith.constant 0 : i32
      %dma_start3A_1831 = tpu.memref_slice %arg4[%add3A_1819, %dma_start3A_1829, %dma_start3A_1830] : memref<16384x50x32xf32, #tpu.memory_space<hbm>> -> memref<16x50x32xf32, #tpu.memory_space<hbm>>
      %dma_start3A_1832 = arith.constant 0 : i32
      %dma_start3A_1833 = arith.constant 0 : i32
      %dma_start3A_1834 = arith.constant 0 : i32
      %dma_start3A_1835 = tpu.memref_slice %arg9[%dma_start3A_1820, %dma_start3A_1832, %dma_start3A_1833, %dma_start3A_1834] : memref<4x16x50x32xf32, #tpu.memory_space<vmem>> -> memref<1x16x50x32xf32, #tpu.memory_space<vmem>>
      %dma_start3A_1836 = tpu.memref_squeeze %dma_start3A_1835 : memref<1x16x50x32xf32, #tpu.memory_space<vmem>> -> memref<16x50x32xf32, #tpu.memory_space<vmem>>
      tpu.enqueue_dma source(%dma_start3A_1836 : memref<16x50x32xf32, #tpu.memory_space<vmem>>) target(%dma_start3A_1831 : memref<16x50x32xf32, #tpu.memory_space<hbm>>) target_semaphore(%arg17 : memref<!tpu.dma_semaphore, #tpu.memory_space<semaphore_mem>>)
      %dma_wait3A_1837 = arith.constant 3 : i32
      %dma_wait3A_1838 = arith.constant 0 : i32
      %dma_wait3A_1839 = arith.constant 0 : i32
      %dma_wait3A_1840 = arith.constant 0 : i32
      %dma_wait3A_1841 = tpu.memref_slice %arg9[%dma_wait3A_1837, %dma_wait3A_1838, %dma_wait3A_1839, %dma_wait3A_1840] : memref<4x16x50x32xf32, #tpu.memory_space<vmem>> -> memref<1x16x50x32xf32, #tpu.memory_space<vmem>>
      %dma_wait3A_1842 = tpu.memref_squeeze %dma_wait3A_1841 : memref<1x16x50x32xf32, #tpu.memory_space<vmem>> -> memref<16x50x32xf32, #tpu.memory_space<vmem>>
      %dma_wait3A_1843 = arith.constant 0 : i32
      %dma_wait3A_1844 = arith.constant 0 : i32
      %dma_wait3A_1845 = tpu.memref_slice %arg4[%add3A_1819, %dma_wait3A_1843, %dma_wait3A_1844] : memref<16384x50x32xf32, #tpu.memory_space<hbm>> -> memref<16x50x32xf32, #tpu.memory_space<hbm>>
      %dma_wait3A_1846 = arith.constant 0 : i32
      %dma_wait3A_1847 = arith.constant 0 : i32
      %dma_wait3A_1848 = tpu.memref_slice %arg4[%add3A_1819, %dma_wait3A_1846, %dma_wait3A_1847] : memref<16384x50x32xf32, #tpu.memory_space<hbm>> -> memref<16x50x32xf32, #tpu.memory_space<hbm>>
      %dma_wait3A_1849 = arith.constant 0 : i32
      %dma_wait3A_1850 = arith.constant 0 : i32
      %dma_wait3A_1851 = arith.constant 0 : i32
      %dma_wait3A_1852 = tpu.memref_slice %arg9[%dma_wait3A_1837, %dma_wait3A_1849, %dma_wait3A_1850, %dma_wait3A_1851] : memref<4x16x50x32xf32, #tpu.memory_space<vmem>> -> memref<1x16x50x32xf32, #tpu.memory_space<vmem>>
      %dma_wait3A_1853 = tpu.memref_squeeze %dma_wait3A_1852 : memref<1x16x50x32xf32, #tpu.memory_space<vmem>> -> memref<16x50x32xf32, #tpu.memory_space<vmem>>
      tpu.wait_dma2 semaphore(%arg17 : memref<!tpu.dma_semaphore, #tpu.memory_space<semaphore_mem>>) src(%dma_wait3A_1853 : memref<16x50x32xf32, #tpu.memory_space<vmem>>) dst(%dma_wait3A_1848 : memref<16x50x32xf32, #tpu.memory_space<hbm>>)
      %lt3A_1854 = arith.constant 7 : i32
      %lt3A_1855 = arith.cmpi slt, %scan3A_846, %lt3A_1854 : i32
      %convert_element_type3A_1856 = arith.extui %lt3A_1855 : i1 to i32
      %cond3A_1857 = arith.constant 0 : i32
      %cond3A_1858 = arith.cmpi ne, %convert_element_type3A_1856, %cond3A_1857 : i32
      scf.if %cond3A_1858 {
        %add3A_1859 = arith.constant 4 : i32
        %add3A_1860 = arith.addi %add3A_1608, %add3A_1859 : i32
        %mul3A_1861 = arith.constant 16 : i32
        %mul3A_1862 = arith.muli %add3A_1860, %mul3A_1861 : i32
        %add3A_1863 = arith.addi %mul3A_2, %mul3A_1862 : i32
        "tpu.region"() ({
          %run_scoped3A = tpu.sem_alloc : memref<!tpu.dma_semaphore, #tpu.memory_space<semaphore_mem>>
          %dma_start3A_2072 = arith.constant 0 : i32
          %dma_start3A_2073 = tpu.memref_slice %arg2[%add3A_1863, %dma_start3A_2072] : memref<16384x50xi32, #tpu.memory_space<hbm>> -> memref<16x50xi32, #tpu.memory_space<hbm>>
          %dma_start3A_2074 = arith.constant 0 : i32
          %dma_start3A_2075 = tpu.memref_slice %arg2[%add3A_1863, %dma_start3A_2074] : memref<16384x50xi32, #tpu.memory_space<hbm>> -> memref<16x50xi32, #tpu.memory_space<hbm>>
          tpu.enqueue_dma source(%dma_start3A_2075 : memref<16x50xi32, #tpu.memory_space<hbm>>) target(%arg8 : memref<16x50xi32, #tpu.memory_space<vmem>>) target_semaphore(%run_scoped3A : memref<!tpu.dma_semaphore, #tpu.memory_space<semaphore_mem>>)
          %dma_wait3A_2076 = arith.constant 0 : i32
          %dma_wait3A_2077 = tpu.memref_slice %arg2[%add3A_1863, %dma_wait3A_2076] : memref<16384x50xi32, #tpu.memory_space<hbm>> -> memref<16x50xi32, #tpu.memory_space<hbm>>
          %dma_wait3A_2078 = arith.constant 0 : i32
          %dma_wait3A_2079 = tpu.memref_slice %arg2[%add3A_1863, %dma_wait3A_2078] : memref<16384x50xi32, #tpu.memory_space<hbm>> -> memref<16x50xi32, #tpu.memory_space<hbm>>
          tpu.wait_dma2 semaphore(%run_scoped3A : memref<!tpu.dma_semaphore, #tpu.memory_space<semaphore_mem>>) src(%dma_wait3A_2079 : memref<16x50xi32, #tpu.memory_space<hbm>>) dst(%arg8 : memref<16x50xi32, #tpu.memory_space<vmem>>)
          tpu.yield
        }) : () -> ()
        %dma_start3A_1864 = arith.constant 0 : i32
        %dma_start3A_1865 = arith.constant 3 : i32
        %dma_start3A_1866 = arith.constant 0 : i32
        %dma_start3A_1867 = arith.constant 0 : i32
        %dma_start3A_1868 = arith.constant 0 : i32
        %dma_start3A_1869 = tpu.memref_slice %arg9[%dma_start3A_1865, %dma_start3A_1866, %dma_start3A_1867, %dma_start3A_1868] : memref<4x16x50x32xf32, #tpu.memory_space<vmem>> -> memref<1x1x50x32xf32, #tpu.memory_space<vmem>>
        %dma_start3A_1870 = tpu.memref_squeeze %dma_start3A_1869 : memref<1x1x50x32xf32, #tpu.memory_space<vmem>> -> memref<50x32xf32, #tpu.memory_space<vmem>>
        %dma_start3A_1871 = arith.constant 0 : i32
        %dma_start3A_1872 = tpu.memref_slice %arg8[%dma_start3A_1864, %dma_start3A_1871] : memref<16x50xi32, #tpu.memory_space<vmem>> -> memref<1x50xi32, #tpu.memory_space<vmem>>
        %dma_start3A_1873 = tpu.memref_squeeze %dma_start3A_1872 : memref<1x50xi32, #tpu.memory_space<vmem>> -> memref<50xi32, #tpu.memory_space<vmem>>
        %dma_start3A_1874 = arith.constant 0 : i32
        %dma_start3A_1875 = arith.constant 0 : i32
        %dma_start3A_1876 = tpu.memref_slice %arg3[%dma_start3A_1874, %dma_start3A_1875] : memref<1000000x32xf32, #tpu.memory_space<hbm>> -> memref<1000000x32xf32, #tpu.memory_space<hbm>>
        tpu.enqueue_indirect_dma source(%dma_start3A_1876 : memref<1000000x32xf32, #tpu.memory_space<hbm>>) target(%dma_start3A_1870 : memref<50x32xf32, #tpu.memory_space<vmem>>) offsets(%dma_start3A_1873 : memref<50xi32, #tpu.memory_space<vmem>>) semaphore(%arg13 : memref<!tpu.dma_semaphore, #tpu.memory_space<semaphore_mem>>)
        %dma_start3A_1877 = arith.constant 1 : i32
        %dma_start3A_1878 = arith.constant 3 : i32
        %dma_start3A_1879 = arith.constant 1 : i32
        %dma_start3A_1880 = arith.constant 0 : i32
        %dma_start3A_1881 = arith.constant 0 : i32
        %dma_start3A_1882 = tpu.memref_slice %arg9[%dma_start3A_1878, %dma_start3A_1879, %dma_start3A_1880, %dma_start3A_1881] : memref<4x16x50x32xf32, #tpu.memory_space<vmem>> -> memref<1x1x50x32xf32, #tpu.memory_space<vmem>>
        %dma_start3A_1883 = tpu.memref_squeeze %dma_start3A_1882 : memref<1x1x50x32xf32, #tpu.memory_space<vmem>> -> memref<50x32xf32, #tpu.memory_space<vmem>>
        %dma_start3A_1884 = arith.constant 0 : i32
        %dma_start3A_1885 = tpu.memref_slice %arg8[%dma_start3A_1877, %dma_start3A_1884] : memref<16x50xi32, #tpu.memory_space<vmem>> -> memref<1x50xi32, #tpu.memory_space<vmem>>
        %dma_start3A_1886 = tpu.memref_squeeze %dma_start3A_1885 : memref<1x50xi32, #tpu.memory_space<vmem>> -> memref<50xi32, #tpu.memory_space<vmem>>
        %dma_start3A_1887 = arith.constant 0 : i32
        %dma_start3A_1888 = arith.constant 0 : i32
        %dma_start3A_1889 = tpu.memref_slice %arg3[%dma_start3A_1887, %dma_start3A_1888] : memref<1000000x32xf32, #tpu.memory_space<hbm>> -> memref<1000000x32xf32, #tpu.memory_space<hbm>>
        tpu.enqueue_indirect_dma source(%dma_start3A_1889 : memref<1000000x32xf32, #tpu.memory_space<hbm>>) target(%dma_start3A_1883 : memref<50x32xf32, #tpu.memory_space<vmem>>) offsets(%dma_start3A_1886 : memref<50xi32, #tpu.memory_space<vmem>>) semaphore(%arg13 : memref<!tpu.dma_semaphore, #tpu.memory_space<semaphore_mem>>)
        %dma_start3A_1890 = arith.constant 2 : i32
        %dma_start3A_1891 = arith.constant 3 : i32
        %dma_start3A_1892 = arith.constant 2 : i32
        %dma_start3A_1893 = arith.constant 0 : i32
        %dma_start3A_1894 = arith.constant 0 : i32
        %dma_start3A_1895 = tpu.memref_slice %arg9[%dma_start3A_1891, %dma_start3A_1892, %dma_start3A_1893, %dma_start3A_1894] : memref<4x16x50x32xf32, #tpu.memory_space<vmem>> -> memref<1x1x50x32xf32, #tpu.memory_space<vmem>>
        %dma_start3A_1896 = tpu.memref_squeeze %dma_start3A_1895 : memref<1x1x50x32xf32, #tpu.memory_space<vmem>> -> memref<50x32xf32, #tpu.memory_space<vmem>>
        %dma_start3A_1897 = arith.constant 0 : i32
        %dma_start3A_1898 = tpu.memref_slice %arg8[%dma_start3A_1890, %dma_start3A_1897] : memref<16x50xi32, #tpu.memory_space<vmem>> -> memref<1x50xi32, #tpu.memory_space<vmem>>
        %dma_start3A_1899 = tpu.memref_squeeze %dma_start3A_1898 : memref<1x50xi32, #tpu.memory_space<vmem>> -> memref<50xi32, #tpu.memory_space<vmem>>
        %dma_start3A_1900 = arith.constant 0 : i32
        %dma_start3A_1901 = arith.constant 0 : i32
        %dma_start3A_1902 = tpu.memref_slice %arg3[%dma_start3A_1900, %dma_start3A_1901] : memref<1000000x32xf32, #tpu.memory_space<hbm>> -> memref<1000000x32xf32, #tpu.memory_space<hbm>>
        tpu.enqueue_indirect_dma source(%dma_start3A_1902 : memref<1000000x32xf32, #tpu.memory_space<hbm>>) target(%dma_start3A_1896 : memref<50x32xf32, #tpu.memory_space<vmem>>) offsets(%dma_start3A_1899 : memref<50xi32, #tpu.memory_space<vmem>>) semaphore(%arg13 : memref<!tpu.dma_semaphore, #tpu.memory_space<semaphore_mem>>)
        %dma_start3A_1903 = arith.constant 3 : i32
        %dma_start3A_1904 = arith.constant 3 : i32
        %dma_start3A_1905 = arith.constant 3 : i32
        %dma_start3A_1906 = arith.constant 0 : i32
        %dma_start3A_1907 = arith.constant 0 : i32
        %dma_start3A_1908 = tpu.memref_slice %arg9[%dma_start3A_1904, %dma_start3A_1905, %dma_start3A_1906, %dma_start3A_1907] : memref<4x16x50x32xf32, #tpu.memory_space<vmem>> -> memref<1x1x50x32xf32, #tpu.memory_space<vmem>>
        %dma_start3A_1909 = tpu.memref_squeeze %dma_start3A_1908 : memref<1x1x50x32xf32, #tpu.memory_space<vmem>> -> memref<50x32xf32, #tpu.memory_space<vmem>>
        %dma_start3A_1910 = arith.constant 0 : i32
        %dma_start3A_1911 = tpu.memref_slice %arg8[%dma_start3A_1903, %dma_start3A_1910] : memref<16x50xi32, #tpu.memory_space<vmem>> -> memref<1x50xi32, #tpu.memory_space<vmem>>
        %dma_start3A_1912 = tpu.memref_squeeze %dma_start3A_1911 : memref<1x50xi32, #tpu.memory_space<vmem>> -> memref<50xi32, #tpu.memory_space<vmem>>
        %dma_start3A_1913 = arith.constant 0 : i32
        %dma_start3A_1914 = arith.constant 0 : i32
        %dma_start3A_1915 = tpu.memref_slice %arg3[%dma_start3A_1913, %dma_start3A_1914] : memref<1000000x32xf32, #tpu.memory_space<hbm>> -> memref<1000000x32xf32, #tpu.memory_space<hbm>>
        tpu.enqueue_indirect_dma source(%dma_start3A_1915 : memref<1000000x32xf32, #tpu.memory_space<hbm>>) target(%dma_start3A_1909 : memref<50x32xf32, #tpu.memory_space<vmem>>) offsets(%dma_start3A_1912 : memref<50xi32, #tpu.memory_space<vmem>>) semaphore(%arg13 : memref<!tpu.dma_semaphore, #tpu.memory_space<semaphore_mem>>)
        %dma_start3A_1916 = arith.constant 4 : i32
        %dma_start3A_1917 = arith.constant 3 : i32
        %dma_start3A_1918 = arith.constant 4 : i32
        %dma_start3A_1919 = arith.constant 0 : i32
        %dma_start3A_1920 = arith.constant 0 : i32
        %dma_start3A_1921 = tpu.memref_slice %arg9[%dma_start3A_1917, %dma_start3A_1918, %dma_start3A_1919, %dma_start3A_1920] : memref<4x16x50x32xf32, #tpu.memory_space<vmem>> -> memref<1x1x50x32xf32, #tpu.memory_space<vmem>>
        %dma_start3A_1922 = tpu.memref_squeeze %dma_start3A_1921 : memref<1x1x50x32xf32, #tpu.memory_space<vmem>> -> memref<50x32xf32, #tpu.memory_space<vmem>>
        %dma_start3A_1923 = arith.constant 0 : i32
        %dma_start3A_1924 = tpu.memref_slice %arg8[%dma_start3A_1916, %dma_start3A_1923] : memref<16x50xi32, #tpu.memory_space<vmem>> -> memref<1x50xi32, #tpu.memory_space<vmem>>
        %dma_start3A_1925 = tpu.memref_squeeze %dma_start3A_1924 : memref<1x50xi32, #tpu.memory_space<vmem>> -> memref<50xi32, #tpu.memory_space<vmem>>
        %dma_start3A_1926 = arith.constant 0 : i32
        %dma_start3A_1927 = arith.constant 0 : i32
        %dma_start3A_1928 = tpu.memref_slice %arg3[%dma_start3A_1926, %dma_start3A_1927] : memref<1000000x32xf32, #tpu.memory_space<hbm>> -> memref<1000000x32xf32, #tpu.memory_space<hbm>>
        tpu.enqueue_indirect_dma source(%dma_start3A_1928 : memref<1000000x32xf32, #tpu.memory_space<hbm>>) target(%dma_start3A_1922 : memref<50x32xf32, #tpu.memory_space<vmem>>) offsets(%dma_start3A_1925 : memref<50xi32, #tpu.memory_space<vmem>>) semaphore(%arg13 : memref<!tpu.dma_semaphore, #tpu.memory_space<semaphore_mem>>)
        %dma_start3A_1929 = arith.constant 5 : i32
        %dma_start3A_1930 = arith.constant 3 : i32
        %dma_start3A_1931 = arith.constant 5 : i32
        %dma_start3A_1932 = arith.constant 0 : i32
        %dma_start3A_1933 = arith.constant 0 : i32
        %dma_start3A_1934 = tpu.memref_slice %arg9[%dma_start3A_1930, %dma_start3A_1931, %dma_start3A_1932, %dma_start3A_1933] : memref<4x16x50x32xf32, #tpu.memory_space<vmem>> -> memref<1x1x50x32xf32, #tpu.memory_space<vmem>>
        %dma_start3A_1935 = tpu.memref_squeeze %dma_start3A_1934 : memref<1x1x50x32xf32, #tpu.memory_space<vmem>> -> memref<50x32xf32, #tpu.memory_space<vmem>>
        %dma_start3A_1936 = arith.constant 0 : i32
        %dma_start3A_1937 = tpu.memref_slice %arg8[%dma_start3A_1929, %dma_start3A_1936] : memref<16x50xi32, #tpu.memory_space<vmem>> -> memref<1x50xi32, #tpu.memory_space<vmem>>
        %dma_start3A_1938 = tpu.memref_squeeze %dma_start3A_1937 : memref<1x50xi32, #tpu.memory_space<vmem>> -> memref<50xi32, #tpu.memory_space<vmem>>
        %dma_start3A_1939 = arith.constant 0 : i32
        %dma_start3A_1940 = arith.constant 0 : i32
        %dma_start3A_1941 = tpu.memref_slice %arg3[%dma_start3A_1939, %dma_start3A_1940] : memref<1000000x32xf32, #tpu.memory_space<hbm>> -> memref<1000000x32xf32, #tpu.memory_space<hbm>>
        tpu.enqueue_indirect_dma source(%dma_start3A_1941 : memref<1000000x32xf32, #tpu.memory_space<hbm>>) target(%dma_start3A_1935 : memref<50x32xf32, #tpu.memory_space<vmem>>) offsets(%dma_start3A_1938 : memref<50xi32, #tpu.memory_space<vmem>>) semaphore(%arg13 : memref<!tpu.dma_semaphore, #tpu.memory_space<semaphore_mem>>)
        %dma_start3A_1942 = arith.constant 6 : i32
        %dma_start3A_1943 = arith.constant 3 : i32
        %dma_start3A_1944 = arith.constant 6 : i32
        %dma_start3A_1945 = arith.constant 0 : i32
        %dma_start3A_1946 = arith.constant 0 : i32
        %dma_start3A_1947 = tpu.memref_slice %arg9[%dma_start3A_1943, %dma_start3A_1944, %dma_start3A_1945, %dma_start3A_1946] : memref<4x16x50x32xf32, #tpu.memory_space<vmem>> -> memref<1x1x50x32xf32, #tpu.memory_space<vmem>>
        %dma_start3A_1948 = tpu.memref_squeeze %dma_start3A_1947 : memref<1x1x50x32xf32, #tpu.memory_space<vmem>> -> memref<50x32xf32, #tpu.memory_space<vmem>>
        %dma_start3A_1949 = arith.constant 0 : i32
        %dma_start3A_1950 = tpu.memref_slice %arg8[%dma_start3A_1942, %dma_start3A_1949] : memref<16x50xi32, #tpu.memory_space<vmem>> -> memref<1x50xi32, #tpu.memory_space<vmem>>
        %dma_start3A_1951 = tpu.memref_squeeze %dma_start3A_1950 : memref<1x50xi32, #tpu.memory_space<vmem>> -> memref<50xi32, #tpu.memory_space<vmem>>
        %dma_start3A_1952 = arith.constant 0 : i32
        %dma_start3A_1953 = arith.constant 0 : i32
        %dma_start3A_1954 = tpu.memref_slice %arg3[%dma_start3A_1952, %dma_start3A_1953] : memref<1000000x32xf32, #tpu.memory_space<hbm>> -> memref<1000000x32xf32, #tpu.memory_space<hbm>>
        tpu.enqueue_indirect_dma source(%dma_start3A_1954 : memref<1000000x32xf32, #tpu.memory_space<hbm>>) target(%dma_start3A_1948 : memref<50x32xf32, #tpu.memory_space<vmem>>) offsets(%dma_start3A_1951 : memref<50xi32, #tpu.memory_space<vmem>>) semaphore(%arg13 : memref<!tpu.dma_semaphore, #tpu.memory_space<semaphore_mem>>)
        %dma_start3A_1955 = arith.constant 7 : i32
        %dma_start3A_1956 = arith.constant 3 : i32
        %dma_start3A_1957 = arith.constant 7 : i32
        %dma_start3A_1958 = arith.constant 0 : i32
        %dma_start3A_1959 = arith.constant 0 : i32
        %dma_start3A_1960 = tpu.memref_slice %arg9[%dma_start3A_1956, %dma_start3A_1957, %dma_start3A_1958, %dma_start3A_1959] : memref<4x16x50x32xf32, #tpu.memory_space<vmem>> -> memref<1x1x50x32xf32, #tpu.memory_space<vmem>>
        %dma_start3A_1961 = tpu.memref_squeeze %dma_start3A_1960 : memref<1x1x50x32xf32, #tpu.memory_space<vmem>> -> memref<50x32xf32, #tpu.memory_space<vmem>>
        %dma_start3A_1962 = arith.constant 0 : i32
        %dma_start3A_1963 = tpu.memref_slice %arg8[%dma_start3A_1955, %dma_start3A_1962] : memref<16x50xi32, #tpu.memory_space<vmem>> -> memref<1x50xi32, #tpu.memory_space<vmem>>
        %dma_start3A_1964 = tpu.memref_squeeze %dma_start3A_1963 : memref<1x50xi32, #tpu.memory_space<vmem>> -> memref<50xi32, #tpu.memory_space<vmem>>
        %dma_start3A_1965 = arith.constant 0 : i32
        %dma_start3A_1966 = arith.constant 0 : i32
        %dma_start3A_1967 = tpu.memref_slice %arg3[%dma_start3A_1965, %dma_start3A_1966] : memref<1000000x32xf32, #tpu.memory_space<hbm>> -> memref<1000000x32xf32, #tpu.memory_space<hbm>>
        tpu.enqueue_indirect_dma source(%dma_start3A_1967 : memref<1000000x32xf32, #tpu.memory_space<hbm>>) target(%dma_start3A_1961 : memref<50x32xf32, #tpu.memory_space<vmem>>) offsets(%dma_start3A_1964 : memref<50xi32, #tpu.memory_space<vmem>>) semaphore(%arg13 : memref<!tpu.dma_semaphore, #tpu.memory_space<semaphore_mem>>)
        %dma_start3A_1968 = arith.constant 8 : i32
        %dma_start3A_1969 = arith.constant 3 : i32
        %dma_start3A_1970 = arith.constant 8 : i32
        %dma_start3A_1971 = arith.constant 0 : i32
        %dma_start3A_1972 = arith.constant 0 : i32
        %dma_start3A_1973 = tpu.memref_slice %arg9[%dma_start3A_1969, %dma_start3A_1970, %dma_start3A_1971, %dma_start3A_1972] : memref<4x16x50x32xf32, #tpu.memory_space<vmem>> -> memref<1x1x50x32xf32, #tpu.memory_space<vmem>>
        %dma_start3A_1974 = tpu.memref_squeeze %dma_start3A_1973 : memref<1x1x50x32xf32, #tpu.memory_space<vmem>> -> memref<50x32xf32, #tpu.memory_space<vmem>>
        %dma_start3A_1975 = arith.constant 0 : i32
        %dma_start3A_1976 = tpu.memref_slice %arg8[%dma_start3A_1968, %dma_start3A_1975] : memref<16x50xi32, #tpu.memory_space<vmem>> -> memref<1x50xi32, #tpu.memory_space<vmem>>
        %dma_start3A_1977 = tpu.memref_squeeze %dma_start3A_1976 : memref<1x50xi32, #tpu.memory_space<vmem>> -> memref<50xi32, #tpu.memory_space<vmem>>
        %dma_start3A_1978 = arith.constant 0 : i32
        %dma_start3A_1979 = arith.constant 0 : i32
        %dma_start3A_1980 = tpu.memref_slice %arg3[%dma_start3A_1978, %dma_start3A_1979] : memref<1000000x32xf32, #tpu.memory_space<hbm>> -> memref<1000000x32xf32, #tpu.memory_space<hbm>>
        tpu.enqueue_indirect_dma source(%dma_start3A_1980 : memref<1000000x32xf32, #tpu.memory_space<hbm>>) target(%dma_start3A_1974 : memref<50x32xf32, #tpu.memory_space<vmem>>) offsets(%dma_start3A_1977 : memref<50xi32, #tpu.memory_space<vmem>>) semaphore(%arg13 : memref<!tpu.dma_semaphore, #tpu.memory_space<semaphore_mem>>)
        %dma_start3A_1981 = arith.constant 9 : i32
        %dma_start3A_1982 = arith.constant 3 : i32
        %dma_start3A_1983 = arith.constant 9 : i32
        %dma_start3A_1984 = arith.constant 0 : i32
        %dma_start3A_1985 = arith.constant 0 : i32
        %dma_start3A_1986 = tpu.memref_slice %arg9[%dma_start3A_1982, %dma_start3A_1983, %dma_start3A_1984, %dma_start3A_1985] : memref<4x16x50x32xf32, #tpu.memory_space<vmem>> -> memref<1x1x50x32xf32, #tpu.memory_space<vmem>>
        %dma_start3A_1987 = tpu.memref_squeeze %dma_start3A_1986 : memref<1x1x50x32xf32, #tpu.memory_space<vmem>> -> memref<50x32xf32, #tpu.memory_space<vmem>>
        %dma_start3A_1988 = arith.constant 0 : i32
        %dma_start3A_1989 = tpu.memref_slice %arg8[%dma_start3A_1981, %dma_start3A_1988] : memref<16x50xi32, #tpu.memory_space<vmem>> -> memref<1x50xi32, #tpu.memory_space<vmem>>
        %dma_start3A_1990 = tpu.memref_squeeze %dma_start3A_1989 : memref<1x50xi32, #tpu.memory_space<vmem>> -> memref<50xi32, #tpu.memory_space<vmem>>
        %dma_start3A_1991 = arith.constant 0 : i32
        %dma_start3A_1992 = arith.constant 0 : i32
        %dma_start3A_1993 = tpu.memref_slice %arg3[%dma_start3A_1991, %dma_start3A_1992] : memref<1000000x32xf32, #tpu.memory_space<hbm>> -> memref<1000000x32xf32, #tpu.memory_space<hbm>>
        tpu.enqueue_indirect_dma source(%dma_start3A_1993 : memref<1000000x32xf32, #tpu.memory_space<hbm>>) target(%dma_start3A_1987 : memref<50x32xf32, #tpu.memory_space<vmem>>) offsets(%dma_start3A_1990 : memref<50xi32, #tpu.memory_space<vmem>>) semaphore(%arg13 : memref<!tpu.dma_semaphore, #tpu.memory_space<semaphore_mem>>)
        %dma_start3A_1994 = arith.constant 10 : i32
        %dma_start3A_1995 = arith.constant 3 : i32
        %dma_start3A_1996 = arith.constant 10 : i32
        %dma_start3A_1997 = arith.constant 0 : i32
        %dma_start3A_1998 = arith.constant 0 : i32
        %dma_start3A_1999 = tpu.memref_slice %arg9[%dma_start3A_1995, %dma_start3A_1996, %dma_start3A_1997, %dma_start3A_1998] : memref<4x16x50x32xf32, #tpu.memory_space<vmem>> -> memref<1x1x50x32xf32, #tpu.memory_space<vmem>>
        %dma_start3A_2000 = tpu.memref_squeeze %dma_start3A_1999 : memref<1x1x50x32xf32, #tpu.memory_space<vmem>> -> memref<50x32xf32, #tpu.memory_space<vmem>>
        %dma_start3A_2001 = arith.constant 0 : i32
        %dma_start3A_2002 = tpu.memref_slice %arg8[%dma_start3A_1994, %dma_start3A_2001] : memref<16x50xi32, #tpu.memory_space<vmem>> -> memref<1x50xi32, #tpu.memory_space<vmem>>
        %dma_start3A_2003 = tpu.memref_squeeze %dma_start3A_2002 : memref<1x50xi32, #tpu.memory_space<vmem>> -> memref<50xi32, #tpu.memory_space<vmem>>
        %dma_start3A_2004 = arith.constant 0 : i32
        %dma_start3A_2005 = arith.constant 0 : i32
        %dma_start3A_2006 = tpu.memref_slice %arg3[%dma_start3A_2004, %dma_start3A_2005] : memref<1000000x32xf32, #tpu.memory_space<hbm>> -> memref<1000000x32xf32, #tpu.memory_space<hbm>>
        tpu.enqueue_indirect_dma source(%dma_start3A_2006 : memref<1000000x32xf32, #tpu.memory_space<hbm>>) target(%dma_start3A_2000 : memref<50x32xf32, #tpu.memory_space<vmem>>) offsets(%dma_start3A_2003 : memref<50xi32, #tpu.memory_space<vmem>>) semaphore(%arg13 : memref<!tpu.dma_semaphore, #tpu.memory_space<semaphore_mem>>)
        %dma_start3A_2007 = arith.constant 11 : i32
        %dma_start3A_2008 = arith.constant 3 : i32
        %dma_start3A_2009 = arith.constant 11 : i32
        %dma_start3A_2010 = arith.constant 0 : i32
        %dma_start3A_2011 = arith.constant 0 : i32
        %dma_start3A_2012 = tpu.memref_slice %arg9[%dma_start3A_2008, %dma_start3A_2009, %dma_start3A_2010, %dma_start3A_2011] : memref<4x16x50x32xf32, #tpu.memory_space<vmem>> -> memref<1x1x50x32xf32, #tpu.memory_space<vmem>>
        %dma_start3A_2013 = tpu.memref_squeeze %dma_start3A_2012 : memref<1x1x50x32xf32, #tpu.memory_space<vmem>> -> memref<50x32xf32, #tpu.memory_space<vmem>>
        %dma_start3A_2014 = arith.constant 0 : i32
        %dma_start3A_2015 = tpu.memref_slice %arg8[%dma_start3A_2007, %dma_start3A_2014] : memref<16x50xi32, #tpu.memory_space<vmem>> -> memref<1x50xi32, #tpu.memory_space<vmem>>
        %dma_start3A_2016 = tpu.memref_squeeze %dma_start3A_2015 : memref<1x50xi32, #tpu.memory_space<vmem>> -> memref<50xi32, #tpu.memory_space<vmem>>
        %dma_start3A_2017 = arith.constant 0 : i32
        %dma_start3A_2018 = arith.constant 0 : i32
        %dma_start3A_2019 = tpu.memref_slice %arg3[%dma_start3A_2017, %dma_start3A_2018] : memref<1000000x32xf32, #tpu.memory_space<hbm>> -> memref<1000000x32xf32, #tpu.memory_space<hbm>>
        tpu.enqueue_indirect_dma source(%dma_start3A_2019 : memref<1000000x32xf32, #tpu.memory_space<hbm>>) target(%dma_start3A_2013 : memref<50x32xf32, #tpu.memory_space<vmem>>) offsets(%dma_start3A_2016 : memref<50xi32, #tpu.memory_space<vmem>>) semaphore(%arg13 : memref<!tpu.dma_semaphore, #tpu.memory_space<semaphore_mem>>)
        %dma_start3A_2020 = arith.constant 12 : i32
        %dma_start3A_2021 = arith.constant 3 : i32
        %dma_start3A_2022 = arith.constant 12 : i32
        %dma_start3A_2023 = arith.constant 0 : i32
        %dma_start3A_2024 = arith.constant 0 : i32
        %dma_start3A_2025 = tpu.memref_slice %arg9[%dma_start3A_2021, %dma_start3A_2022, %dma_start3A_2023, %dma_start3A_2024] : memref<4x16x50x32xf32, #tpu.memory_space<vmem>> -> memref<1x1x50x32xf32, #tpu.memory_space<vmem>>
        %dma_start3A_2026 = tpu.memref_squeeze %dma_start3A_2025 : memref<1x1x50x32xf32, #tpu.memory_space<vmem>> -> memref<50x32xf32, #tpu.memory_space<vmem>>
        %dma_start3A_2027 = arith.constant 0 : i32
        %dma_start3A_2028 = tpu.memref_slice %arg8[%dma_start3A_2020, %dma_start3A_2027] : memref<16x50xi32, #tpu.memory_space<vmem>> -> memref<1x50xi32, #tpu.memory_space<vmem>>
        %dma_start3A_2029 = tpu.memref_squeeze %dma_start3A_2028 : memref<1x50xi32, #tpu.memory_space<vmem>> -> memref<50xi32, #tpu.memory_space<vmem>>
        %dma_start3A_2030 = arith.constant 0 : i32
        %dma_start3A_2031 = arith.constant 0 : i32
        %dma_start3A_2032 = tpu.memref_slice %arg3[%dma_start3A_2030, %dma_start3A_2031] : memref<1000000x32xf32, #tpu.memory_space<hbm>> -> memref<1000000x32xf32, #tpu.memory_space<hbm>>
        tpu.enqueue_indirect_dma source(%dma_start3A_2032 : memref<1000000x32xf32, #tpu.memory_space<hbm>>) target(%dma_start3A_2026 : memref<50x32xf32, #tpu.memory_space<vmem>>) offsets(%dma_start3A_2029 : memref<50xi32, #tpu.memory_space<vmem>>) semaphore(%arg13 : memref<!tpu.dma_semaphore, #tpu.memory_space<semaphore_mem>>)
        %dma_start3A_2033 = arith.constant 13 : i32
        %dma_start3A_2034 = arith.constant 3 : i32
        %dma_start3A_2035 = arith.constant 13 : i32
        %dma_start3A_2036 = arith.constant 0 : i32
        %dma_start3A_2037 = arith.constant 0 : i32
        %dma_start3A_2038 = tpu.memref_slice %arg9[%dma_start3A_2034, %dma_start3A_2035, %dma_start3A_2036, %dma_start3A_2037] : memref<4x16x50x32xf32, #tpu.memory_space<vmem>> -> memref<1x1x50x32xf32, #tpu.memory_space<vmem>>
        %dma_start3A_2039 = tpu.memref_squeeze %dma_start3A_2038 : memref<1x1x50x32xf32, #tpu.memory_space<vmem>> -> memref<50x32xf32, #tpu.memory_space<vmem>>
        %dma_start3A_2040 = arith.constant 0 : i32
        %dma_start3A_2041 = tpu.memref_slice %arg8[%dma_start3A_2033, %dma_start3A_2040] : memref<16x50xi32, #tpu.memory_space<vmem>> -> memref<1x50xi32, #tpu.memory_space<vmem>>
        %dma_start3A_2042 = tpu.memref_squeeze %dma_start3A_2041 : memref<1x50xi32, #tpu.memory_space<vmem>> -> memref<50xi32, #tpu.memory_space<vmem>>
        %dma_start3A_2043 = arith.constant 0 : i32
        %dma_start3A_2044 = arith.constant 0 : i32
        %dma_start3A_2045 = tpu.memref_slice %arg3[%dma_start3A_2043, %dma_start3A_2044] : memref<1000000x32xf32, #tpu.memory_space<hbm>> -> memref<1000000x32xf32, #tpu.memory_space<hbm>>
        tpu.enqueue_indirect_dma source(%dma_start3A_2045 : memref<1000000x32xf32, #tpu.memory_space<hbm>>) target(%dma_start3A_2039 : memref<50x32xf32, #tpu.memory_space<vmem>>) offsets(%dma_start3A_2042 : memref<50xi32, #tpu.memory_space<vmem>>) semaphore(%arg13 : memref<!tpu.dma_semaphore, #tpu.memory_space<semaphore_mem>>)
        %dma_start3A_2046 = arith.constant 14 : i32
        %dma_start3A_2047 = arith.constant 3 : i32
        %dma_start3A_2048 = arith.constant 14 : i32
        %dma_start3A_2049 = arith.constant 0 : i32
        %dma_start3A_2050 = arith.constant 0 : i32
        %dma_start3A_2051 = tpu.memref_slice %arg9[%dma_start3A_2047, %dma_start3A_2048, %dma_start3A_2049, %dma_start3A_2050] : memref<4x16x50x32xf32, #tpu.memory_space<vmem>> -> memref<1x1x50x32xf32, #tpu.memory_space<vmem>>
        %dma_start3A_2052 = tpu.memref_squeeze %dma_start3A_2051 : memref<1x1x50x32xf32, #tpu.memory_space<vmem>> -> memref<50x32xf32, #tpu.memory_space<vmem>>
        %dma_start3A_2053 = arith.constant 0 : i32
        %dma_start3A_2054 = tpu.memref_slice %arg8[%dma_start3A_2046, %dma_start3A_2053] : memref<16x50xi32, #tpu.memory_space<vmem>> -> memref<1x50xi32, #tpu.memory_space<vmem>>
        %dma_start3A_2055 = tpu.memref_squeeze %dma_start3A_2054 : memref<1x50xi32, #tpu.memory_space<vmem>> -> memref<50xi32, #tpu.memory_space<vmem>>
        %dma_start3A_2056 = arith.constant 0 : i32
        %dma_start3A_2057 = arith.constant 0 : i32
        %dma_start3A_2058 = tpu.memref_slice %arg3[%dma_start3A_2056, %dma_start3A_2057] : memref<1000000x32xf32, #tpu.memory_space<hbm>> -> memref<1000000x32xf32, #tpu.memory_space<hbm>>
        tpu.enqueue_indirect_dma source(%dma_start3A_2058 : memref<1000000x32xf32, #tpu.memory_space<hbm>>) target(%dma_start3A_2052 : memref<50x32xf32, #tpu.memory_space<vmem>>) offsets(%dma_start3A_2055 : memref<50xi32, #tpu.memory_space<vmem>>) semaphore(%arg13 : memref<!tpu.dma_semaphore, #tpu.memory_space<semaphore_mem>>)
        %dma_start3A_2059 = arith.constant 15 : i32
        %dma_start3A_2060 = arith.constant 3 : i32
        %dma_start3A_2061 = arith.constant 15 : i32
        %dma_start3A_2062 = arith.constant 0 : i32
        %dma_start3A_2063 = arith.constant 0 : i32
        %dma_start3A_2064 = tpu.memref_slice %arg9[%dma_start3A_2060, %dma_start3A_2061, %dma_start3A_2062, %dma_start3A_2063] : memref<4x16x50x32xf32, #tpu.memory_space<vmem>> -> memref<1x1x50x32xf32, #tpu.memory_space<vmem>>
        %dma_start3A_2065 = tpu.memref_squeeze %dma_start3A_2064 : memref<1x1x50x32xf32, #tpu.memory_space<vmem>> -> memref<50x32xf32, #tpu.memory_space<vmem>>
        %dma_start3A_2066 = arith.constant 0 : i32
        %dma_start3A_2067 = tpu.memref_slice %arg8[%dma_start3A_2059, %dma_start3A_2066] : memref<16x50xi32, #tpu.memory_space<vmem>> -> memref<1x50xi32, #tpu.memory_space<vmem>>
        %dma_start3A_2068 = tpu.memref_squeeze %dma_start3A_2067 : memref<1x50xi32, #tpu.memory_space<vmem>> -> memref<50xi32, #tpu.memory_space<vmem>>
        %dma_start3A_2069 = arith.constant 0 : i32
        %dma_start3A_2070 = arith.constant 0 : i32
        %dma_start3A_2071 = tpu.memref_slice %arg3[%dma_start3A_2069, %dma_start3A_2070] : memref<1000000x32xf32, #tpu.memory_space<hbm>> -> memref<1000000x32xf32, #tpu.memory_space<hbm>>
        tpu.enqueue_indirect_dma source(%dma_start3A_2071 : memref<1000000x32xf32, #tpu.memory_space<hbm>>) target(%dma_start3A_2065 : memref<50x32xf32, #tpu.memory_space<vmem>>) offsets(%dma_start3A_2068 : memref<50xi32, #tpu.memory_space<vmem>>) semaphore(%arg13 : memref<!tpu.dma_semaphore, #tpu.memory_space<semaphore_mem>>)
      } else {
      }
    }
    %scan3A_845 = arith.constant 8 : i32
    return
  }
}

</mosaic_0001>

<sc_bundles>
// kernel: kernel.3.cloned.1.call-start
scs
__scs_entry_jumppad:
0x0: {  	(pc) =	sbr.rel $0x88, $3  }
0x1: {  	(tag) =	ssettag $0x0;
	lr =	simm.s32 $0x1  }
0x2: {  	[smem:$0x3F9F] =	sst lr;
	_ =	strace $0xD0000000  }
0x3: {  	_ = 	snop  }
0x4: {  	_ = 	snop  }
0x5: {  	_ = 	snop  }
0x6: {  	_ = 	snop  }
0x7: {  	_ = 	snop  }
__scs_overlays_trampoline_lowered:
0x8: {  	[smem:$0x3FAE] =	sst s0  }
0x9: {  	[smem:$0x3FAF] =	sst s1  }
0xa: {  	[smem:$0x3FB0] =	sst s2  }
0xb: {  	[smem:$0x3FB1] =	sst s3  }
0xc: {  	[smem:$0x3FB2] =	sst s4  }
0xd: {  	[smem:$0x3FB3] =	sst s5  }
0xe: {  	[smem:$0x3FB4] =	sst s6  }
0xf: {  	[smem:$0x3FB5] =	sst s7  }
0x10: {  	[smem:$0x3FB6] =	sst s8  }
0x11: {  	[smem:$0x3FB7] =	sst s9;
	s0 =	simm.s32 @!p0 $0x0  }
0x12: {  	s1 =	sld [smem:$0x3F9D];
	s0 =	simm.s32 @p0 $0x1  }
0x13: {  	[smem:$0x3FB8] =	sst s0;
	s0 =	simm.s32 @!p1 $0x0  }
0x14: {  	s2 =	sld [smem:$0x3F9C];
	s0 =	simm.s32 @p1 $0x1  }
0x15: {  	[smem:$0x3FB9] =	sst s0;
	s0 =	simm.s32 @!p2 $0x0  }
0x16: {  	s3 =	sld [smem:$0x3FDB];
	s0 =	simm.s32 @p2 $0x1  }
0x17: {  	s4 =	simm.s32 $0x1BF5;
	[smem:$0x3FBB] =	sst s0  }
0x18: {  	s0 =	sld [smem:$0x3F9E];
	_ =	swait.ge [sflag:s4], $0x0  }
0x19: {  	s7 =	sld [smem:$0x3F9F]  }
0x1a: {  	s8 =	sadd.s32 $0xFFFFE003, lr  }
0x1b: {  	s9 =	sadd.s32 $0xFFFFFEF7, lr;
	s5 =	simm.s32 $0xFFFFFFFF;
	p2 =	slt.u32 s8, $0xFFFFF086  }
0x1c: {  	p1 =	slt.u32 s9, $0xF7A;
	s5 =	simm.s32 @!p2 $0x0  }
0x1d: {  	s5 =	simm.s32 @p1 $0x1;
	p0 =	seq.s32 s7, s2  }
0x1e: {  	s7 =	smul.u32 @!p0 $0xF7A, s2;
	p2 =	seq.s32 @!p0 s5, $0x0  }
0x1f: {  	s9 =	smul.u32 $0xF7A, s1;
	s8 =	simm.s32 @!p0 $0x1BF5;
	p2 =	por !p2, p0  }
0x20: {  	[sflag:s8] =	ssyncset.s32 @!p0 $0xFFFFF086;
	s6 =	sadd.s32 @!p0 s3, s7;
	s7 =	simm.s32 @!p0 $0x108  }
0x21: {  	s3 =	sadd.s32 s3, s9;
	s6 =	sadd.s32 @!p0 $0x88, s6;
	s7 =	simm.s32 @p2 $0x1082  }
0x22: {  	[simem:s7], [sflag:s8] =	dma.local @!p0 [hbm:s6], $0xF7A  }
0x23: {  	s9 =	sor.u32 $0xD0000000, s2;
	s6 =	simm.s32 $0x108;
	_ =	swait.ge @!p0 [sflag:s8], $0x0  }
0x24: {  	s3 =	sadd.s32 $0x88, s3;
	s6 =	simm.s32 @!p1 $0x1082;
	[sflag:s4] =	ssyncset.s32 $0xFFFFF086  }
0x25: {  	[simem:s6], [sflag:s4] =	dma.local [hbm:s3], $0xF7A  }
0x26: {  	[smem:$0x3F9F] =	sst s1;
	(tag) =	ssettag s2;
	_ =	strace s9  }
0x27: {  	s1 =	sld [smem:$0x3FAF]  }
0x28: {  	s2 =	sld [smem:$0x3FB0]  }
0x29: {  	s4 =	sld [smem:$0x3FB2]  }
0x2a: {  	p0 =	seq.s32 s5, $0x0;
	s5 =	sld [smem:$0x3FB3]  }
0x2b: {  	s6 =	sld [smem:$0x3FB4]  }
0x2c: {  	s7 =	sld [smem:$0x3FB5]  }
0x2d: {  	s3 =	simm.s32 $0x108;
	s8 =	sld [smem:$0x3FB6]  }
0x2e: {  	s3 =	simm.s32 @!p0 $0x1082;
	s9 =	sld [smem:$0x3FB7]  }
0x2f: {  	lr =	sadd.s32 s0, s3;
	s0 =	sld [smem:$0x3FAE]  }
0x30: {  	s3 =	sld [smem:$0x3FB1]  }
0x31: {  	[smem:$0x3FBA] =	sst s10  }
0x32: {  	s10 =	sld [smem:$0x3FB8];
	_ =	sdelay $0x3  }
0x33: {  	p0 =	seq.s32 s10, $0x1;
	s10 =	sld [smem:$0x3FBA];
	_ =	sdelay $0x3  }
0x34: {  	[smem:$0x3FBA] =	sst s10  }
0x35: {  	s10 =	sld [smem:$0x3FB9];
	_ =	sdelay $0x3  }
0x36: {  	p1 =	seq.s32 s10, $0x1;
	s10 =	sld [smem:$0x3FBA];
	_ =	sdelay $0x3  }
0x37: {  	[smem:$0x3FBA] =	sst s10  }
0x38: {  	s10 =	sld [smem:$0x3FBB]  }
0x39: {  	_ = 	snop;
	(pc) =	sbr.ind lr, $3  }
0x3a: {  	_ = 	snop  }
0x3b: {  	_ = 	snop  }
0x3c: {  	p2 =	seq.s32 s10, $0x1;
	s10 =	sld [smem:$0x3FBA]  }
0x3d: {  	_ =	shalt  }
0x3e: {  	_ =	shalt  }
0x3f: {  	_ =	shalt  }
0x40: {  	_ =	shalt  }
0x41: {  	_ =	shalt  }
0x42: {  	_ =	shalt  }
0x43: {  	_ =	shalt  }
0x44: {  	_ =	shalt  }
0x45: {  	_ =	shalt  }
0x46: {  	_ =	shalt  }
0x47: {  	_ =	shalt  }
0x48: {  	_ =	shalt  }
0x49: {  	_ =	shalt  }
0x4a: {  	_ =	shalt  }
0x4b: {  	_ =	shalt  }
0x4c: {  	_ =	shalt  }
0x4d: {  	_ =	shalt  }
0x4e: {  	_ =	shalt  }
0x4f: {  	_ =	shalt  }
0x50: {  	_ =	shalt  }
0x51: {  	_ =	shalt  }
0x52: {  	_ =	shalt  }
0x53: {  	_ =	shalt  }
0x54: {  	_ =	shalt  }
0x55: {  	_ =	shalt  }
0x56: {  	_ =	shalt  }
0x57: {  	_ =	shalt  }
0x58: {  	_ =	shalt  }
0x59: {  	_ =	shalt  }
0x5a: {  	_ =	shalt  }
0x5b: {  	_ =	shalt  }
0x5c: {  	_ =	shalt  }
0x5d: {  	_ =	shalt  }
0x5e: {  	_ =	shalt  }
0x5f: {  	_ =	shalt  }
0x60: {  	_ =	shalt  }
0x61: {  	_ =	shalt  }
0x62: {  	_ =	shalt  }
0x63: {  	_ =	shalt  }
0x64: {  	_ =	shalt  }
0x65: {  	_ =	shalt  }
0x66: {  	_ =	shalt  }
0x67: {  	_ =	shalt  }
0x68: {  	_ =	shalt  }
0x69: {  	_ =	shalt  }
0x6a: {  	_ =	shalt  }
0x6b: {  	_ =	shalt  }
0x6c: {  	_ =	shalt  }
0x6d: {  	_ =	shalt  }
0x6e: {  	_ =	shalt  }
0x6f: {  	_ =	shalt  }
0x70: {  	_ =	shalt  }
0x71: {  	_ =	shalt  }
0x72: {  	_ =	shalt  }
0x73: {  	_ =	shalt  }
0x74: {  	_ =	shalt  }
0x75: {  	_ =	shalt  }
0x76: {  	_ =	shalt  }
0x77: {  	_ =	shalt  }
0x78: {  	_ =	shalt  }
0x79: {  	_ =	shalt  }
0x7a: {  	_ =	shalt  }
0x7b: {  	_ =	shalt  }
0x7c: {  	_ =	shalt  }
0x7d: {  	_ =	shalt  }
0x7e: {  	_ =	shalt  }
0x7f: {  	_ =	shalt  }
0x80: {  	_ =	shalt  }
0x81: {  	_ =	shalt  }
0x82: {  	_ =	shalt  }
0x83: {  	_ =	shalt  }
0x84: {  	_ =	shalt  }
0x85: {  	_ =	shalt  }
0x86: {  	_ =	shalt  }
0x87: {  	_ =	shalt  }
.Lfunc_end0:
.L_simem_size_0:
called_computation.1_lowered:
.L_overlay_start_0:
0x88: {  	s2 =	sld [smem:$0x3FD9]  }
0x89: {  	s3 =	sld [smem:$0x3FFE];
	_ =	sdelay $0x1  }
0x8a: {  	s1 =	srdreg.scid  }
0x8b: {  	s0 =	sand.u32 $0x1, s1  }
0x8c: {  	s17 =	sshll.u32 s0, $0xA;
	s2 =	sadd.s32 s3, s2  }
0x8d: {  	s2 =	sadd.s32 s2, s17  }
0x8e: {  	[smem:$0x3FC6] =	sst s2  }
0x8f: {  	_ = 	snop  }
0x90: {  	s2 =	sld [smem:$0x3FD0];
	(tm) =	ssettm $0x1  }
0x91: {  	s18 =	sld [smem:$0x3FFB];
	_ =	sdelay $0x3  }
0x92: {  	_ =	strace s18  }
0x93: {  	s3 =	sld [smem:$0x3FFC];
	_ =	sdelay $0x3  }
0x94: {  	_ =	strace s3  }
0x95: {  	s3 =	sld [smem:$0x3FFD];
	_ =	sdelay $0x3  }
0x96: {  	_ =	strace s3  }
0x97: {  	_ =	strace $0x8FFFFFFF  }
0x98: {  	s19 =	sld [smem:$0x3FDB];
	_ =	sdelay $0x1  }
0x99: {  	s4 =	simm.s32 $_scs_section_size  }
0x9a: {  	s5 =	simm.s32 $_size__tile_overlayer_lowered;
	s6 =	simm.s32 $_tile_overlayer_lowered  }
0x9b: {  	s22 =	simm.s32 $0x1BFF;
	s21 =	sshll.u32 s6, $0x1;
	s3 =	sadd.s32 s4, s19  }
0x9c: {  	s7 =	simm.s32 $0x0;
	s20 =	sshll.u32 s5, $0x1;
	s5 =	sadd.s32 s21, s3  }
0x9d: {  	[timem:s7], [sflag:s22] =	dma.local [hbm:s5], s20  }
0x9e: {  	_ =	swait.ge [sflag:s22], s20  }
0x9f: {  	s4 =	ssub.s32 $0x0, s20;
	[sflag:s22] =	ssyncset.done $0x0  }
0xa0: {  	[sflag:s22] =	ssyncadd.s32 s4;
	_ =	sdelay $0x1  }
0xa1: {  	s23 =	simm.s32 $0x1B8B  }
0xa2: {  	_ =	swait.ge [sflag:s23], $0x1  }
0xa3: {  	[sflag:s23] =	ssyncset.done $0x0  }
0xa4: {  	s25 =	simm.s32 $0x1B8E;
	s24 =	sld [smem:$0x3FFE];
	[sflag:s23] =	ssyncadd.s32 $0xFFFFFFFF  }
0xa5: {  	s26 =	simm.s32 $execute0_lowered;
	[smem:$0x3FD2] =	sst s25  }
0xa6: {  	s5 =	sshll.u32 s26, $0x1;
	_ =	strace $0x80000046;
	[dreg:$0x1] =	wrdreg $0xFFFFFFFF  }
0xa7: {  	s28 =	simm.s32 $_size_execute0_lowered;
	s3 =	sadd.s32 s3, s5;
	[dreg:$0x0] =	wrdreg $0x0  }
0xa8: {  	s5 =	sshll.u32 s28, $0x1;
	[dreg:$0x2] =	wrdreg s3  }
0xa9: {  	[dreg:$0x3] =	wrdreg s5  }
0xaa: {  	[dreg:$0x4] =	wrdreg $0xC0  }
0xab: {  	_ =	task [dreg:s7], $0x5FFFF  }
0xac: {  	[dreg:$0x1] =	wrdreg $0xFFFFFFFF  }
0xad: {  	[dreg:$0x0] =	wrdreg $0x60  }
0xae: {  	[dreg:$0x2] =	wrdreg s24  }
0xaf: {  	[dreg:$0x3] =	wrdreg s2  }
0xb0: {  	[dreg:$0x4] =	wrdreg $0x9  }
0xb1: {  	_ =	task.clear_ibuf [dreg:s7], $0x5FFFF;
	_ =	strace $0x90000046  }
0xb2: {  	s29 =	simm.s32 $0x9;
	_ =	strace $0x80000048  }
0xb3: {  	_ =	swait.ge [sflag:s29], $0x1  }
0xb4: {  	[sflag:s29] =	ssyncadd.s32 $0xFFFFFFFF  }
0xb5: {  	_ =	strace $0x90000048  }
0xb6: {  	_ =	sfence  }
0xb7: {  	s30 =	sld [smem:$0x0];
	_ =	sdelay $0x2  }
0xb8: {  	s31 =	sshll.u32 s1, $0xD;
	s1 =	sshrl.u32 s1, $0x2  }
0xb9: {  	s3 =	sand.u32 $0x4000, s31;
	s1 =	sadd.s32 s1, s30  }
0xba: {  	s0 =	sor.u32 s3, s0;
	s1 =	sshll.u32 s1, $0x11  }
0xbb: {  	s0 =	sor.u32 s1, s0  }
0xbc: {  	s0 =	sadd.s32 $0x8F2B, s0  }
0xbd: {  	[sflag:s0] =	ssyncadd.remote.s32 $0x1  }
0xbe: {  	_ =	sfence.sel $0xFFFF  }
0xbf: {  	[dreg:$0x0] =	wrdreg $0xFFFFFFFF;
	(pc) =	sbr.abs _section_cstart, $3  }
0xc0: {  	[dreg:$0x1] =	wrdreg $0xFFFFFFFF  }
0xc1: {  	_ =	task.clear_ibuf [dreg:s7], $0x2FFFF;
	_ =	strace $0x9FFFFFFF  }
0xc2: {  	(tm) =	ssettm $0x7FFFFFFF  }
0xc3: {  	_ =	shalt  }
tec
execute0_lowered:
.L_overlay_start_1:
0x0: {  	(tag) =	ssettag $0x1  }
0x1: {  	s0 =	rddreg [dreg:$0x0]  }
0x2: {  	s1 =	rddreg [dreg:$0x1]  }
0x3: {  	s2 =	srdreg.scid;
	s10 =	stileid.u32  }
0x4: {  	s11 =	simm.s32 $0x9;
	s12 =	simm.s32 $0x32;
	s28 =	simm.s32 $0xD58  }
0x5: {  	s29 =	simm.s32 $0x18B40;
	s30 =	simm.s32 $0xD90;
	s31 =	simm.s32 $0x19180  }
0x6: {  	s14 =	simm.s32 $0x1;
	s15 =	simm.s32 $0x5;
	s16 =	simm.s32 $0x2  }
0x7: {  	s17 =	simm.s32 $0x6;
	s18 =	simm.s32 $0x3;
	s19 =	simm.s32 $0x7  }
0x8: {  	s20 =	simm.s32 $0x4;
	s4 =	sand.u32 $0x1, s2;
	s8 =	smul.u32 $0x1C00, s10  }
0x9: {  	s2 =	simm.s32 $0x0;
	s3 =	sshll.u32 s10, $0xA;
	s23 =	smul.u32 $0x32000, s10  }
0xa: {  	s6 =	sadd.s32 $0xA00, s0;
	s5 =	sshll.u32 s4, $0x9;
	s9 =	smul.u32 $0xE00, s4  }
0xb: {  	[smem:$0x7FF] =	sst s2;
	s7 =	ssub.s32 $0x2, s4;
	s4 =	smul.u32 $0x19000, s4  }
0xc: {  	s3 =	sor.u32 s5, s3;
	_ =	strace $0x80000047;
	s21 =	sshrl.u32 s7, $0x1  }
0xd: {  	s1 =	sadd.s32 s23, s1;
	s23 =	simm.s32 $0xA80;
	s5 =	smul.u32 $0x7, s3  }
0xe: {  	s3 =	sadd.s32 $0xF42E00, s0;
	s0 =	ssub.s32 s7, s21;
	s26 =	sadd.s32 s4, s1  }
0xf: {  	s1 =	simm.s32 $0x197C0;
	s0 =	smax.u32 s0, $0x1;
	[dreg:$0x8] =	wrdreg s26  }
0x10: {  	s26 =	simm.s32 $0xD20;
	s22 =	sadd.s32 s6, s5;
	s6 =	sadd.s32 s8, s6  }
.Ltmp0:
0x11: {  	[dreg:$0x7] =	wrdreg s0;
	s0 =	simm.s32 $0xDC8;
	(pc) =	sbr.rel .LBB2_1-.Ltmp0, $4  }
0x12: {  	s5 =	simm.s32 $0x8;
	s24 =	sadd.s32 $0x70, s22;
	[dreg:$0x3] =	wrdreg s22  }
0x13: {  	s25 =	sadd.s32 $0xE0, s22;
	s7 =	sadd.s32 $0x150, s22;
	[dreg:$0x4] =	wrdreg s24  }
0x14: {  	s9 =	sadd.s32 s9, s6;
	s22 =	simm.s32 $0x18500;
	[dreg:$0x5] =	wrdreg s25  }
0x15: {  	s6 =	simm.s32 $0x0;
	[dreg:$0x6] =	wrdreg s7;
	s24 =	simm.s32 $0x13A00  }
.LBB2_4:
0x16: {  	s6 =	rddreg [dreg:$0x9]  }
0x17: {  	s4 =	rddreg [dreg:$0x7];
	s6 =	sadd.s32 $0x1, s6  }
0x18: {  	p0 =	sne.s32 s6, s4  }
.Ltmp1:
0x19: {  	_ = 	snop;
	(pc) =	sbr.rel @!p0 .LBB2_5-.Ltmp1, $1  }
0x1a: {  	_ =	sdelay $0x3  }
.LBB2_1:
0x1b: {  	[dreg:$0x9] =	wrdreg s6  }
0x1c: {  	s4 =	rddreg [dreg:$0x3]  }
0x1d: {  	[tilespmem:s2], [sflag:$0x9] =	stream.linear.gather [hbm4b:s4+s2], $0x380, $0x38;
	[tilespmem:$0x19E00] =	vst v63  }
0x1e: {  	_ =	swait.ge [sflag:s11], $0x380  }
0x1f: {  	[sflag:s11] =	ssyncset.done $0x0  }
0x20: {  	s13 =	simm.s32 $0xE00;
	[sflag:s11] =	ssyncadd.s32 $0xFFFFFC80  }
0x21: {  	[tilespmem:s13], [sflag:$0x1] =	stream.indirect.gather [hbm4b:s3+s12], $0x20, s2, s12, $0xb8;
	[tilespmem:$0x19E00] =	vst v63  }
0x22: {  	s21 =	simm.s32 $0x38;
	s25 =	simm.s32 $0x1440  }
0x23: {  	[tilespmem:s25], [sflag:$0x1] =	stream.indirect.gather [hbm4b:s3+s12], $0x20, s21, s12, $0xb8;
	[tilespmem:$0x19E00] =	vst v63  }
0x24: {  	s7 =	simm.s32 $0x70;
	s8 =	simm.s32 $0x1A80  }
0x25: {  	[tilespmem:s8], [sflag:$0x1] =	stream.indirect.gather [hbm4b:s3+s12], $0x20, s7, s12, $0xb8;
	[tilespmem:$0x19E00] =	vst v63  }
0x26: {  	s10 =	simm.s32 $0xA8;
	s13 =	simm.s32 $0x20C0  }
0x27: {  	[tilespmem:s13], [sflag:$0x1] =	stream.indirect.gather [hbm4b:s3+s12], $0x20, s10, s12, $0xb8;
	[tilespmem:$0x19E00] =	vst v63  }
0x28: {  	s21 =	simm.s32 $0xE0;
	s25 =	simm.s32 $0x2700  }
0x29: {  	[tilespmem:s25], [sflag:$0x1] =	stream.indirect.gather [hbm4b:s3+s12], $0x20, s21, s12, $0xb8;
	[tilespmem:$0x19E00] =	vst v63  }
0x2a: {  	s7 =	simm.s32 $0x118;
	s8 =	simm.s32 $0x2D40  }
0x2b: {  	[tilespmem:s8], [sflag:$0x1] =	stream.indirect.gather [hbm4b:s3+s12], $0x20, s7, s12, $0xb8;
	[tilespmem:$0x19E00] =	vst v63  }
0x2c: {  	s10 =	simm.s32 $0x150;
	s13 =	simm.s32 $0x3380  }
0x2d: {  	[tilespmem:s13], [sflag:$0x1] =	stream.indirect.gather [hbm4b:s3+s12], $0x20, s10, s12, $0xb8;
	[tilespmem:$0x19E00] =	vst v63  }
0x2e: {  	s21 =	simm.s32 $0x188;
	s25 =	simm.s32 $0x39C0  }
0x2f: {  	[tilespmem:s25], [sflag:$0x1] =	stream.indirect.gather [hbm4b:s3+s12], $0x20, s21, s12, $0xb8;
	[tilespmem:$0x19E00] =	vst v63  }
0x30: {  	s7 =	simm.s32 $0x1C0;
	s8 =	simm.s32 $0x4000  }
0x31: {  	[tilespmem:s8], [sflag:$0x1] =	stream.indirect.gather [hbm4b:s3+s12], $0x20, s7, s12, $0xb8;
	[tilespmem:$0x19E00] =	vst v63  }
0x32: {  	s10 =	simm.s32 $0x1F8;
	s13 =	simm.s32 $0x4640  }
0x33: {  	[tilespmem:s13], [sflag:$0x1] =	stream.indirect.gather [hbm4b:s3+s12], $0x20, s10, s12, $0xb8;
	[tilespmem:$0x19E00] =	vst v63  }
0x34: {  	s21 =	simm.s32 $0x230;
	s25 =	simm.s32 $0x4C80  }
0x35: {  	[tilespmem:s25], [sflag:$0x1] =	stream.indirect.gather [hbm4b:s3+s12], $0x20, s21, s12, $0xb8;
	[tilespmem:$0x19E00] =	vst v63  }
0x36: {  	s7 =	simm.s32 $0x268;
	s8 =	simm.s32 $0x52C0  }
0x37: {  	[tilespmem:s8], [sflag:$0x1] =	stream.indirect.gather [hbm4b:s3+s12], $0x20, s7, s12, $0xb8;
	[tilespmem:$0x19E00] =	vst v63  }
0x38: {  	s10 =	simm.s32 $0x2A0;
	s13 =	simm.s32 $0x5900  }
0x39: {  	[tilespmem:s13], [sflag:$0x1] =	stream.indirect.gather [hbm4b:s3+s12], $0x20, s10, s12, $0xb8;
	[tilespmem:$0x19E00] =	vst v63  }
0x3a: {  	s21 =	simm.s32 $0x2D8;
	s25 =	simm.s32 $0x5F40  }
0x3b: {  	[tilespmem:s25], [sflag:$0x1] =	stream.indirect.gather [hbm4b:s3+s12], $0x20, s21, s12, $0xb8;
	[tilespmem:$0x19E00] =	vst v63  }
0x3c: {  	s6 =	simm.s32 $0x310;
	s7 =	simm.s32 $0x6580  }
0x3d: {  	[tilespmem:s7], [sflag:$0x1] =	stream.indirect.gather [hbm4b:s3+s12], $0x20, s6, s12, $0xb8;
	[tilespmem:$0x19E00] =	vst v63  }
0x3e: {  	s8 =	simm.s32 $0x348;
	s10 =	simm.s32 $0x6BC0  }
0x3f: {  	[tilespmem:s10], [sflag:$0x1] =	stream.indirect.gather [hbm4b:s3+s12], $0x20, s8, s12, $0xb8;
	[tilespmem:$0x19E00] =	vst v63  }
0x40: {  	s13 =	rddreg [dreg:$0x4];
	s21 =	simm.s32 $0x380  }
0x41: {  	[tilespmem:s21], [sflag:$0x9] =	stream.linear.gather [hbm4b:s13+s2], $0x380, $0x38;
	[tilespmem:$0x19E00] =	vst v63  }
0x42: {  	_ =	swait.ge [sflag:s11], $0x380  }
0x43: {  	[sflag:s11] =	ssyncset.done $0x0  }
0x44: {  	s25 =	simm.s32 $0x7200;
	[sflag:s11] =	ssyncadd.s32 $0xFFFFFC80  }
0x45: {  	[tilespmem:s25], [sflag:$0x2] =	stream.indirect.gather [hbm4b:s3+s12], $0x20, s21, s12, $0xb8;
	[tilespmem:$0x19E00] =	vst v63  }
0x46: {  	s7 =	simm.s32 $0x3B8;
	s8 =	simm.s32 $0x7840  }
0x47: {  	[tilespmem:s8], [sflag:$0x2] =	stream.indirect.gather [hbm4b:s3+s12], $0x20, s7, s12, $0xb8;
	[tilespmem:$0x19E00] =	vst v63  }
0x48: {  	s10 =	simm.s32 $0x3F0;
	s13 =	simm.s32 $0x7E80  }
0x49: {  	[tilespmem:s13], [sflag:$0x2] =	stream.indirect.gather [hbm4b:s3+s12], $0x20, s10, s12, $0xb8;
	[tilespmem:$0x19E00] =	vst v63  }
0x4a: {  	s21 =	simm.s32 $0x428;
	s25 =	simm.s32 $0x84C0  }
0x4b: {  	[tilespmem:s25], [sflag:$0x2] =	stream.indirect.gather [hbm4b:s3+s12], $0x20, s21, s12, $0xb8;
	[tilespmem:$0x19E00] =	vst v63  }
0x4c: {  	s7 =	simm.s32 $0x460;
	s8 =	simm.s32 $0x8B00  }
0x4d: {  	[tilespmem:s8], [sflag:$0x2] =	stream.indirect.gather [hbm4b:s3+s12], $0x20, s7, s12, $0xb8;
	[tilespmem:$0x19E00] =	vst v63  }
0x4e: {  	s10 =	simm.s32 $0x498;
	s13 =	simm.s32 $0x9140  }
0x4f: {  	[tilespmem:s13], [sflag:$0x2] =	stream.indirect.gather [hbm4b:s3+s12], $0x20, s10, s12, $0xb8;
	[tilespmem:$0x19E00] =	vst v63  }
0x50: {  	s21 =	simm.s32 $0x4D0;
	s25 =	simm.s32 $0x9780  }
0x51: {  	[tilespmem:s25], [sflag:$0x2] =	stream.indirect.gather [hbm4b:s3+s12], $0x20, s21, s12, $0xb8;
	[tilespmem:$0x19E00] =	vst v63  }
0x52: {  	s7 =	simm.s32 $0x508;
	s8 =	simm.s32 $0x9DC0  }
0x53: {  	[tilespmem:s8], [sflag:$0x2] =	stream.indirect.gather [hbm4b:s3+s12], $0x20, s7, s12, $0xb8;
	[tilespmem:$0x19E00] =	vst v63  }
0x54: {  	s10 =	simm.s32 $0x540;
	s13 =	simm.s32 $0xA400  }
0x55: {  	[tilespmem:s13], [sflag:$0x2] =	stream.indirect.gather [hbm4b:s3+s12], $0x20, s10, s12, $0xb8;
	[tilespmem:$0x19E00] =	vst v63  }
0x56: {  	s21 =	simm.s32 $0x578;
	s25 =	simm.s32 $0xAA40  }
0x57: {  	[tilespmem:s25], [sflag:$0x2] =	stream.indirect.gather [hbm4b:s3+s12], $0x20, s21, s12, $0xb8;
	[tilespmem:$0x19E00] =	vst v63  }
0x58: {  	s7 =	simm.s32 $0x5B0;
	s8 =	simm.s32 $0xB080  }
0x59: {  	[tilespmem:s8], [sflag:$0x2] =	stream.indirect.gather [hbm4b:s3+s12], $0x20, s7, s12, $0xb8;
	[tilespmem:$0x19E00] =	vst v63  }
0x5a: {  	s10 =	simm.s32 $0x5E8;
	s13 =	simm.s32 $0xB6C0  }
0x5b: {  	[tilespmem:s13], [sflag:$0x2] =	stream.indirect.gather [hbm4b:s3+s12], $0x20, s10, s12, $0xb8;
	[tilespmem:$0x19E00] =	vst v63  }
0x5c: {  	s21 =	simm.s32 $0x620;
	s25 =	simm.s32 $0xBD00  }
0x5d: {  	[tilespmem:s25], [sflag:$0x2] =	stream.indirect.gather [hbm4b:s3+s12], $0x20, s21, s12, $0xb8;
	[tilespmem:$0x19E00] =	vst v63  }
0x5e: {  	s7 =	simm.s32 $0x658;
	s8 =	simm.s32 $0xC340  }
0x5f: {  	[tilespmem:s8], [sflag:$0x2] =	stream.indirect.gather [hbm4b:s3+s12], $0x20, s7, s12, $0xb8;
	[tilespmem:$0x19E00] =	vst v63  }
0x60: {  	s10 =	simm.s32 $0x690;
	s13 =	simm.s32 $0xC980  }
0x61: {  	[tilespmem:s13], [sflag:$0x2] =	stream.indirect.gather [hbm4b:s3+s12], $0x20, s10, s12, $0xb8;
	[tilespmem:$0x19E00] =	vst v63  }
0x62: {  	s21 =	simm.s32 $0x6C8;
	s25 =	simm.s32 $0xCFC0  }
0x63: {  	[tilespmem:s25], [sflag:$0x2] =	stream.indirect.gather [hbm4b:s3+s12], $0x20, s21, s12, $0xb8;
	[tilespmem:$0x19E00] =	vst v63  }
0x64: {  	s6 =	rddreg [dreg:$0x5];
	s7 =	simm.s32 $0x700  }
0x65: {  	[tilespmem:s7], [sflag:$0x9] =	stream.linear.gather [hbm4b:s6+s2], $0x380, $0x38;
	[tilespmem:$0x19E00] =	vst v63  }
0x66: {  	_ =	swait.ge [sflag:s11], $0x380  }
0x67: {  	[sflag:s11] =	ssyncset.done $0x0  }
0x68: {  	s8 =	simm.s32 $0xD600;
	[sflag:s11] =	ssyncadd.s32 $0xFFFFFC80  }
0x69: {  	[tilespmem:s8], [sflag:$0x3] =	stream.indirect.gather [hbm4b:s3+s12], $0x20, s7, s12, $0xb8;
	[tilespmem:$0x19E00] =	vst v63  }
0x6a: {  	s10 =	simm.s32 $0x738;
	s13 =	simm.s32 $0xDC40  }
0x6b: {  	[tilespmem:s13], [sflag:$0x3] =	stream.indirect.gather [hbm4b:s3+s12], $0x20, s10, s12, $0xb8;
	[tilespmem:$0x19E00] =	vst v63  }
0x6c: {  	s21 =	simm.s32 $0x770;
	s25 =	simm.s32 $0xE280  }
0x6d: {  	[tilespmem:s25], [sflag:$0x3] =	stream.indirect.gather [hbm4b:s3+s12], $0x20, s21, s12, $0xb8;
	[tilespmem:$0x19E00] =	vst v63  }
0x6e: {  	s7 =	simm.s32 $0x7A8;
	s8 =	simm.s32 $0xE8C0  }
0x6f: {  	[tilespmem:s8], [sflag:$0x3] =	stream.indirect.gather [hbm4b:s3+s12], $0x20, s7, s12, $0xb8;
	[tilespmem:$0x19E00] =	vst v63  }
0x70: {  	s10 =	simm.s32 $0x7E0;
	s13 =	simm.s32 $0xEF00  }
0x71: {  	[tilespmem:s13], [sflag:$0x3] =	stream.indirect.gather [hbm4b:s3+s12], $0x20, s10, s12, $0xb8;
	[tilespmem:$0x19E00] =	vst v63  }
0x72: {  	s21 =	simm.s32 $0x818;
	s25 =	simm.s32 $0xF540  }
0x73: {  	[tilespmem:s25], [sflag:$0x3] =	stream.indirect.gather [hbm4b:s3+s12], $0x20, s21, s12, $0xb8;
	[tilespmem:$0x19E00] =	vst v63  }
0x74: {  	s7 =	simm.s32 $0x850;
	s8 =	simm.s32 $0xFB80  }
0x75: {  	[tilespmem:s8], [sflag:$0x3] =	stream.indirect.gather [hbm4b:s3+s12], $0x20, s7, s12, $0xb8;
	[tilespmem:$0x19E00] =	vst v63  }
0x76: {  	s10 =	simm.s32 $0x888;
	s13 =	simm.s32 $0x101C0  }
0x77: {  	[tilespmem:s13], [sflag:$0x3] =	stream.indirect.gather [hbm4b:s3+s12], $0x20, s10, s12, $0xb8;
	[tilespmem:$0x19E00] =	vst v63  }
0x78: {  	s21 =	simm.s32 $0x8C0;
	s25 =	simm.s32 $0x10800  }
0x79: {  	[tilespmem:s25], [sflag:$0x3] =	stream.indirect.gather [hbm4b:s3+s12], $0x20, s21, s12, $0xb8;
	[tilespmem:$0x19E00] =	vst v63  }
0x7a: {  	s7 =	simm.s32 $0x8F8;
	s8 =	simm.s32 $0x10E40  }
0x7b: {  	[tilespmem:s8], [sflag:$0x3] =	stream.indirect.gather [hbm4b:s3+s12], $0x20, s7, s12, $0xb8;
	[tilespmem:$0x19E00] =	vst v63  }
0x7c: {  	s10 =	simm.s32 $0x930;
	s13 =	simm.s32 $0x11480  }
0x7d: {  	[tilespmem:s13], [sflag:$0x3] =	stream.indirect.gather [hbm4b:s3+s12], $0x20, s10, s12, $0xb8;
	[tilespmem:$0x19E00] =	vst v63  }
0x7e: {  	s21 =	simm.s32 $0x968;
	s25 =	simm.s32 $0x11AC0  }
0x7f: {  	[tilespmem:s25], [sflag:$0x3] =	stream.indirect.gather [hbm4b:s3+s12], $0x20, s21, s12, $0xb8;
	[tilespmem:$0x19E00] =	vst v63  }
0x80: {  	s7 =	simm.s32 $0x9A0;
	s8 =	simm.s32 $0x12100  }
0x81: {  	[tilespmem:s8], [sflag:$0x3] =	stream.indirect.gather [hbm4b:s3+s12], $0x20, s7, s12, $0xb8;
	[tilespmem:$0x19E00] =	vst v63  }
0x82: {  	s10 =	simm.s32 $0x9D8;
	s13 =	simm.s32 $0x12740  }
0x83: {  	[tilespmem:s13], [sflag:$0x3] =	stream.indirect.gather [hbm4b:s3+s12], $0x20, s10, s12, $0xb8;
	[tilespmem:$0x19E00] =	vst v63  }
0x84: {  	s21 =	simm.s32 $0xA10;
	s25 =	simm.s32 $0x12D80  }
0x85: {  	[tilespmem:s25], [sflag:$0x3] =	stream.indirect.gather [hbm4b:s3+s12], $0x20, s21, s12, $0xb8;
	[tilespmem:$0x19E00] =	vst v63  }
0x86: {  	s6 =	simm.s32 $0xA48;
	s7 =	simm.s32 $0x133C0  }
0x87: {  	[tilespmem:s7], [sflag:$0x3] =	stream.indirect.gather [hbm4b:s3+s12], $0x20, s6, s12, $0xb8;
	[tilespmem:$0x19E00] =	vst v63  }
0x88: {  	s8 =	rddreg [dreg:$0x6]  }
0x89: {  	[tilespmem:s23], [sflag:$0x9] =	stream.linear.gather [hbm4b:s8+s2], $0x380, $0x38;
	[tilespmem:$0x19E00] =	vst v63  }
0x8a: {  	_ =	swait.ge [sflag:s11], $0x380  }
0x8b: {  	[sflag:s11] =	ssyncset.done $0x0  }
0x8c: {  	[sflag:s11] =	ssyncadd.s32 $0xFFFFFC80  }
0x8d: {  	[tilespmem:s24], [sflag:$0x4] =	stream.indirect.gather [hbm4b:s3+s12], $0x20, s23, s12, $0xb8;
	[tilespmem:$0x19E00] =	vst v63  }
0x8e: {  	s10 =	simm.s32 $0xAB8;
	s13 =	simm.s32 $0x14040  }
0x8f: {  	[tilespmem:s13], [sflag:$0x4] =	stream.indirect.gather [hbm4b:s3+s12], $0x20, s10, s12, $0xb8;
	[tilespmem:$0x19E00] =	vst v63  }
0x90: {  	s21 =	simm.s32 $0xAF0;
	s25 =	simm.s32 $0x14680  }
0x91: {  	[tilespmem:s25], [sflag:$0x4] =	stream.indirect.gather [hbm4b:s3+s12], $0x20, s21, s12, $0xb8;
	[tilespmem:$0x19E00] =	vst v63  }
0x92: {  	s7 =	simm.s32 $0xB28;
	s8 =	simm.s32 $0x14CC0  }
0x93: {  	[tilespmem:s8], [sflag:$0x4] =	stream.indirect.gather [hbm4b:s3+s12], $0x20, s7, s12, $0xb8;
	[tilespmem:$0x19E00] =	vst v63  }
0x94: {  	s10 =	simm.s32 $0xB60;
	s13 =	simm.s32 $0x15300  }
0x95: {  	[tilespmem:s13], [sflag:$0x4] =	stream.indirect.gather [hbm4b:s3+s12], $0x20, s10, s12, $0xb8;
	[tilespmem:$0x19E00] =	vst v63  }
0x96: {  	s21 =	simm.s32 $0xB98;
	s25 =	simm.s32 $0x15940  }
0x97: {  	[tilespmem:s25], [sflag:$0x4] =	stream.indirect.gather [hbm4b:s3+s12], $0x20, s21, s12, $0xb8;
	[tilespmem:$0x19E00] =	vst v63  }
0x98: {  	s7 =	simm.s32 $0xBD0;
	s8 =	simm.s32 $0x15F80  }
0x99: {  	[tilespmem:s8], [sflag:$0x4] =	stream.indirect.gather [hbm4b:s3+s12], $0x20, s7, s12, $0xb8;
	[tilespmem:$0x19E00] =	vst v63  }
0x9a: {  	s10 =	simm.s32 $0xC08;
	s13 =	simm.s32 $0x165C0  }
0x9b: {  	[tilespmem:s13], [sflag:$0x4] =	stream.indirect.gather [hbm4b:s3+s12], $0x20, s10, s12, $0xb8;
	[tilespmem:$0x19E00] =	vst v63  }
0x9c: {  	s21 =	simm.s32 $0xC40;
	s25 =	simm.s32 $0x16C00  }
0x9d: {  	[tilespmem:s25], [sflag:$0x4] =	stream.indirect.gather [hbm4b:s3+s12], $0x20, s21, s12, $0xb8;
	[tilespmem:$0x19E00] =	vst v63  }
0x9e: {  	s7 =	simm.s32 $0xC78;
	s8 =	simm.s32 $0x17240  }
0x9f: {  	[tilespmem:s8], [sflag:$0x4] =	stream.indirect.gather [hbm4b:s3+s12], $0x20, s7, s12, $0xb8;
	[tilespmem:$0x19E00] =	vst v63  }
0xa0: {  	s10 =	simm.s32 $0xCB0;
	s13 =	simm.s32 $0x17880  }
0xa1: {  	[tilespmem:s13], [sflag:$0x4] =	stream.indirect.gather [hbm4b:s3+s12], $0x20, s10, s12, $0xb8;
	[tilespmem:$0x19E00] =	vst v63  }
0xa2: {  	s21 =	simm.s32 $0xCE8;
	s25 =	simm.s32 $0x17EC0  }
0xa3: {  	[tilespmem:s25], [sflag:$0x4] =	stream.indirect.gather [hbm4b:s3+s12], $0x20, s21, s12, $0xb8;
	[tilespmem:$0x19E00] =	vst v63  }
0xa4: {  	_ = 	snop  }
0xa5: {  	[tilespmem:s22], [sflag:$0x4] =	stream.indirect.gather [hbm4b:s3+s12], $0x20, s26, s12, $0xb8;
	[tilespmem:$0x19E00] =	vst v63  }
0xa6: {  	_ = 	snop  }
0xa7: {  	[tilespmem:s29], [sflag:$0x4] =	stream.indirect.gather [hbm4b:s3+s12], $0x20, s28, s12, $0xb8;
	[tilespmem:$0x19E00] =	vst v63  }
0xa8: {  	_ = 	snop  }
0xa9: {  	[tilespmem:s31], [sflag:$0x4] =	stream.indirect.gather [hbm4b:s3+s12], $0x20, s30, s12, $0xb8;
	[tilespmem:$0x19E00] =	vst v63  }
0xaa: {  	s6 =	rddreg [dreg:$0x8];
	s7 =	simm.s32 $0x0  }
0xab: {  	[tilespmem:s1], [sflag:$0x4] =	stream.indirect.gather [hbm4b:s3+s12], $0x20, s0, s12, $0xb8;
	[tilespmem:$0x19E00] =	vst v63  }
.LBB2_2:
0xac: {  	_ =	swait.ge [sflag:s14], $0x640  }
0xad: {  	[sflag:s14] =	ssyncset.done $0x0  }
0xae: {  	[sflag:s14] =	ssyncadd.s32 $0xFFFFF9C0  }
0xaf: {  	_ =	swait.ge [sflag:s14], $0x640  }
0xb0: {  	[sflag:s14] =	ssyncset.done $0x0  }
0xb1: {  	[sflag:s14] =	ssyncadd.s32 $0xFFFFF9C0  }
0xb2: {  	_ =	swait.ge [sflag:s14], $0x640  }
0xb3: {  	[sflag:s14] =	ssyncset.done $0x0  }
0xb4: {  	[sflag:s14] =	ssyncadd.s32 $0xFFFFF9C0  }
0xb5: {  	_ =	swait.ge [sflag:s14], $0x640  }
0xb6: {  	[sflag:s14] =	ssyncset.done $0x0  }
0xb7: {  	[sflag:s14] =	ssyncadd.s32 $0xFFFFF9C0  }
0xb8: {  	_ =	swait.ge [sflag:s14], $0x640  }
0xb9: {  	[sflag:s14] =	ssyncset.done $0x0  }
0xba: {  	[sflag:s14] =	ssyncadd.s32 $0xFFFFF9C0  }
0xbb: {  	_ =	swait.ge [sflag:s14], $0x640  }
0xbc: {  	[sflag:s14] =	ssyncset.done $0x0  }
0xbd: {  	[sflag:s14] =	ssyncadd.s32 $0xFFFFF9C0  }
0xbe: {  	_ =	swait.ge [sflag:s14], $0x640  }
0xbf: {  	[sflag:s14] =	ssyncset.done $0x0  }
0xc0: {  	[sflag:s14] =	ssyncadd.s32 $0xFFFFF9C0  }
0xc1: {  	_ =	swait.ge [sflag:s14], $0x640  }
0xc2: {  	[sflag:s14] =	ssyncset.done $0x0  }
0xc3: {  	[sflag:s14] =	ssyncadd.s32 $0xFFFFF9C0  }
0xc4: {  	_ =	swait.ge [sflag:s14], $0x640  }
0xc5: {  	[sflag:s14] =	ssyncset.done $0x0  }
0xc6: {  	[sflag:s14] =	ssyncadd.s32 $0xFFFFF9C0  }
0xc7: {  	_ =	swait.ge [sflag:s14], $0x640  }
0xc8: {  	[sflag:s14] =	ssyncset.done $0x0  }
0xc9: {  	[sflag:s14] =	ssyncadd.s32 $0xFFFFF9C0  }
0xca: {  	_ =	swait.ge [sflag:s14], $0x640  }
0xcb: {  	[sflag:s14] =	ssyncset.done $0x0  }
0xcc: {  	[sflag:s14] =	ssyncadd.s32 $0xFFFFF9C0  }
0xcd: {  	_ =	swait.ge [sflag:s14], $0x640  }
0xce: {  	[sflag:s14] =	ssyncset.done $0x0  }
0xcf: {  	[sflag:s14] =	ssyncadd.s32 $0xFFFFF9C0  }
0xd0: {  	_ =	swait.ge [sflag:s14], $0x640  }
0xd1: {  	[sflag:s14] =	ssyncset.done $0x0  }
0xd2: {  	[sflag:s14] =	ssyncadd.s32 $0xFFFFF9C0  }
0xd3: {  	_ =	swait.ge [sflag:s14], $0x640  }
0xd4: {  	[sflag:s14] =	ssyncset.done $0x0  }
0xd5: {  	[sflag:s14] =	ssyncadd.s32 $0xFFFFF9C0  }
0xd6: {  	_ =	swait.ge [sflag:s14], $0x640  }
0xd7: {  	[sflag:s14] =	ssyncset.done $0x0  }
0xd8: {  	[sflag:s14] =	ssyncadd.s32 $0xFFFFF9C0  }
0xd9: {  	_ =	swait.ge [sflag:s14], $0x640  }
0xda: {  	[sflag:s14] =	ssyncset.done $0x0  }
0xdb: {  	s4 =	simm.s32 $0xE00;
	[sflag:s14] =	ssyncadd.s32 $0xFFFFF9C0  }
0xdc: {  	[hbm4b:s6+s2] =	stream.linear.scatter [tilespmem:s4], [sflag:$0x5], $0x6400, $0x38;
	[tilespmem:$0x19E00] =	vst v63  }
0xdd: {  	p0 =	seq.s32 s7, $0xC40;
	_ =	swait.ge [sflag:s15], $0x6400  }
0xde: {  	s10 =	sadd.s32 @!p0 s7, s9;
	s25 =	simm.s32 @!p0 $0x9;
	[sflag:s15] =	ssyncset.done $0x0  }
0xdf: {  	s8 =	sadd.s32 @!p0 $0x1C0, s10;
	s4 =	simm.s32 @!p0 $0x0;
	[sflag:s15] =	ssyncadd.s32 $0xFFFF9C00  }
0xe0: {  	[tilespmem:s4], [sflag:$0x9] =	stream.linear.gather @!p0 [hbm4b:s8+s4], $0x380, $0x38;
	[tilespmem:$0x19E00] =	vst v63  }
0xe1: {  	_ =	swait.ge @!p0 [sflag:s25], $0x380  }
0xe2: {  	[sflag:s25] =	ssyncset.done @!p0 $0x0  }
0xe3: {  	s21 =	simm.s32 @!p0 $0xE00;
	s8 =	simm.s32 @!p0 $0x32;
	[sflag:s25] =	ssyncadd.s32 @!p0 $0xFFFFFC80  }
0xe4: {  	[tilespmem:s21], [sflag:$0x1] =	stream.indirect.gather @!p0 [hbm4b:s3+s8], $0x20, s4, s8, $0xb8;
	[tilespmem:$0x19E00] =	vst v63  }
0xe5: {  	s13 =	simm.s32 @!p0 $0x1440;
	s21 =	simm.s32 @!p0 $0x38  }
0xe6: {  	[tilespmem:s13], [sflag:$0x1] =	stream.indirect.gather @!p0 [hbm4b:s3+s8], $0x20, s21, s8, $0xb8;
	[tilespmem:$0x19E00] =	vst v63  }
0xe7: {  	s13 =	simm.s32 @!p0 $0x70;
	s21 =	simm.s32 @!p0 $0x1A80  }
0xe8: {  	[tilespmem:s21], [sflag:$0x1] =	stream.indirect.gather @!p0 [hbm4b:s3+s8], $0x20, s13, s8, $0xb8;
	[tilespmem:$0x19E00] =	vst v63  }
0xe9: {  	s13 =	simm.s32 @!p0 $0xA8;
	s21 =	simm.s32 @!p0 $0x20C0  }
0xea: {  	[tilespmem:s21], [sflag:$0x1] =	stream.indirect.gather @!p0 [hbm4b:s3+s8], $0x20, s13, s8, $0xb8;
	[tilespmem:$0x19E00] =	vst v63  }
0xeb: {  	s13 =	simm.s32 @!p0 $0xE0;
	s21 =	simm.s32 @!p0 $0x2700  }
0xec: {  	[tilespmem:s21], [sflag:$0x1] =	stream.indirect.gather @!p0 [hbm4b:s3+s8], $0x20, s13, s8, $0xb8;
	[tilespmem:$0x19E00] =	vst v63  }
0xed: {  	s13 =	simm.s32 @!p0 $0x118;
	s21 =	simm.s32 @!p0 $0x2D40  }
0xee: {  	[tilespmem:s21], [sflag:$0x1] =	stream.indirect.gather @!p0 [hbm4b:s3+s8], $0x20, s13, s8, $0xb8;
	[tilespmem:$0x19E00] =	vst v63  }
0xef: {  	s13 =	simm.s32 @!p0 $0x150;
	s21 =	simm.s32 @!p0 $0x3380  }
0xf0: {  	[tilespmem:s21], [sflag:$0x1] =	stream.indirect.gather @!p0 [hbm4b:s3+s8], $0x20, s13, s8, $0xb8;
	[tilespmem:$0x19E00] =	vst v63  }
0xf1: {  	s13 =	simm.s32 @!p0 $0x188;
	s21 =	simm.s32 @!p0 $0x39C0  }
0xf2: {  	[tilespmem:s21], [sflag:$0x1] =	stream.indirect.gather @!p0 [hbm4b:s3+s8], $0x20, s13, s8, $0xb8;
	[tilespmem:$0x19E00] =	vst v63  }
0xf3: {  	s13 =	simm.s32 @!p0 $0x1C0;
	s21 =	simm.s32 @!p0 $0x4000  }
0xf4: {  	[tilespmem:s21], [sflag:$0x1] =	stream.indirect.gather @!p0 [hbm4b:s3+s8], $0x20, s13, s8, $0xb8;
	[tilespmem:$0x19E00] =	vst v63  }
0xf5: {  	s13 =	simm.s32 @!p0 $0x1F8;
	s21 =	simm.s32 @!p0 $0x4640  }
0xf6: {  	[tilespmem:s21], [sflag:$0x1] =	stream.indirect.gather @!p0 [hbm4b:s3+s8], $0x20, s13, s8, $0xb8;
	[tilespmem:$0x19E00] =	vst v63  }
0xf7: {  	s13 =	simm.s32 @!p0 $0x230;
	s21 =	simm.s32 @!p0 $0x4C80  }
0xf8: {  	[tilespmem:s21], [sflag:$0x1] =	stream.indirect.gather @!p0 [hbm4b:s3+s8], $0x20, s13, s8, $0xb8;
	[tilespmem:$0x19E00] =	vst v63  }
0xf9: {  	s13 =	simm.s32 @!p0 $0x268;
	s21 =	simm.s32 @!p0 $0x52C0  }
0xfa: {  	[tilespmem:s21], [sflag:$0x1] =	stream.indirect.gather @!p0 [hbm4b:s3+s8], $0x20, s13, s8, $0xb8;
	[tilespmem:$0x19E00] =	vst v63  }
0xfb: {  	s13 =	simm.s32 @!p0 $0x2A0;
	s21 =	simm.s32 @!p0 $0x5900  }
0xfc: {  	[tilespmem:s21], [sflag:$0x1] =	stream.indirect.gather @!p0 [hbm4b:s3+s8], $0x20, s13, s8, $0xb8;
	[tilespmem:$0x19E00] =	vst v63  }
0xfd: {  	s13 =	simm.s32 @!p0 $0x2D8;
	s21 =	simm.s32 @!p0 $0x5F40  }
0xfe: {  	[tilespmem:s21], [sflag:$0x1] =	stream.indirect.gather @!p0 [hbm4b:s3+s8], $0x20, s13, s8, $0xb8;
	[tilespmem:$0x19E00] =	vst v63  }
0xff: {  	s13 =	simm.s32 @!p0 $0x310;
	s21 =	simm.s32 @!p0 $0x6580  }
0x100: {  	[tilespmem:s21], [sflag:$0x1] =	stream.indirect.gather @!p0 [hbm4b:s3+s8], $0x20, s13, s8, $0xb8;
	[tilespmem:$0x19E00] =	vst v63  }
0x101: {  	s13 =	simm.s32 @!p0 $0x348;
	s21 =	simm.s32 @!p0 $0x6BC0  }
0x102: {  	[tilespmem:s21], [sflag:$0x1] =	stream.indirect.gather @!p0 [hbm4b:s3+s8], $0x20, s13, s8, $0xb8;
	[tilespmem:$0x19E00] =	vst v63  }
0x103: {  	_ =	swait.ge [sflag:s16], $0x640  }
0x104: {  	[sflag:s16] =	ssyncset.done $0x0  }
0x105: {  	[sflag:s16] =	ssyncadd.s32 $0xFFFFF9C0  }
0x106: {  	_ =	swait.ge [sflag:s16], $0x640  }
0x107: {  	[sflag:s16] =	ssyncset.done $0x0  }
0x108: {  	[sflag:s16] =	ssyncadd.s32 $0xFFFFF9C0  }
0x109: {  	_ =	swait.ge [sflag:s16], $0x640  }
0x10a: {  	[sflag:s16] =	ssyncset.done $0x0  }
0x10b: {  	[sflag:s16] =	ssyncadd.s32 $0xFFFFF9C0  }
0x10c: {  	_ =	swait.ge [sflag:s16], $0x640  }
0x10d: {  	[sflag:s16] =	ssyncset.done $0x0  }
0x10e: {  	[sflag:s16] =	ssyncadd.s32 $0xFFFFF9C0  }
0x10f: {  	_ =	swait.ge [sflag:s16], $0x640  }
0x110: {  	[sflag:s16] =	ssyncset.done $0x0  }
0x111: {  	[sflag:s16] =	ssyncadd.s32 $0xFFFFF9C0  }
0x112: {  	_ =	swait.ge [sflag:s16], $0x640  }
0x113: {  	[sflag:s16] =	ssyncset.done $0x0  }
0x114: {  	[sflag:s16] =	ssyncadd.s32 $0xFFFFF9C0  }
0x115: {  	_ =	swait.ge [sflag:s16], $0x640  }
0x116: {  	[sflag:s16] =	ssyncset.done $0x0  }
0x117: {  	[sflag:s16] =	ssyncadd.s32 $0xFFFFF9C0  }
0x118: {  	_ =	swait.ge [sflag:s16], $0x640  }
0x119: {  	[sflag:s16] =	ssyncset.done $0x0  }
0x11a: {  	[sflag:s16] =	ssyncadd.s32 $0xFFFFF9C0  }
0x11b: {  	_ =	swait.ge [sflag:s16], $0x640  }
0x11c: {  	[sflag:s16] =	ssyncset.done $0x0  }
0x11d: {  	[sflag:s16] =	ssyncadd.s32 $0xFFFFF9C0  }
0x11e: {  	_ =	swait.ge [sflag:s16], $0x640  }
0x11f: {  	[sflag:s16] =	ssyncset.done $0x0  }
0x120: {  	[sflag:s16] =	ssyncadd.s32 $0xFFFFF9C0  }
0x121: {  	_ =	swait.ge [sflag:s16], $0x640  }
0x122: {  	[sflag:s16] =	ssyncset.done $0x0  }
0x123: {  	[sflag:s16] =	ssyncadd.s32 $0xFFFFF9C0  }
0x124: {  	_ =	swait.ge [sflag:s16], $0x640  }
0x125: {  	[sflag:s16] =	ssyncset.done $0x0  }
0x126: {  	[sflag:s16] =	ssyncadd.s32 $0xFFFFF9C0  }
0x127: {  	_ =	swait.ge [sflag:s16], $0x640  }
0x128: {  	[sflag:s16] =	ssyncset.done $0x0  }
0x129: {  	[sflag:s16] =	ssyncadd.s32 $0xFFFFF9C0  }
0x12a: {  	_ =	swait.ge [sflag:s16], $0x640  }
0x12b: {  	[sflag:s16] =	ssyncset.done $0x0  }
0x12c: {  	[sflag:s16] =	ssyncadd.s32 $0xFFFFF9C0  }
0x12d: {  	_ =	swait.ge [sflag:s16], $0x640  }
0x12e: {  	[sflag:s16] =	ssyncset.done $0x0  }
0x12f: {  	[sflag:s16] =	ssyncadd.s32 $0xFFFFF9C0  }
0x130: {  	_ =	swait.ge [sflag:s16], $0x640  }
0x131: {  	[sflag:s16] =	ssyncset.done $0x0  }
0x132: {  	s13 =	sadd.s32 $0xC80, s6;
	s21 =	simm.s32 $0x7200;
	[sflag:s16] =	ssyncadd.s32 $0xFFFFF9C0  }
0x133: {  	[hbm4b:s13+s2] =	stream.linear.scatter [tilespmem:s21], [sflag:$0x6], $0x6400, $0x38;
	[tilespmem:$0x19E00] =	vst v63  }
0x134: {  	_ =	swait.ge [sflag:s17], $0x6400  }
0x135: {  	[sflag:s17] =	ssyncset.done $0x0  }
0x136: {  	s13 =	sadd.s32 @!p0 $0x230, s10;
	s21 =	simm.s32 @!p0 $0x380;
	[sflag:s17] =	ssyncadd.s32 $0xFFFF9C00  }
0x137: {  	[tilespmem:s21], [sflag:$0x9] =	stream.linear.gather @!p0 [hbm4b:s13+s4], $0x380, $0x38;
	[tilespmem:$0x19E00] =	vst v63  }
0x138: {  	_ =	swait.ge @!p0 [sflag:s25], $0x380  }
0x139: {  	[sflag:s25] =	ssyncset.done @!p0 $0x0  }
0x13a: {  	s13 =	simm.s32 @!p0 $0x7200;
	[sflag:s25] =	ssyncadd.s32 @!p0 $0xFFFFFC80  }
0x13b: {  	[tilespmem:s13], [sflag:$0x2] =	stream.indirect.gather @!p0 [hbm4b:s3+s8], $0x20, s21, s8, $0xb8;
	[tilespmem:$0x19E00] =	vst v63  }
0x13c: {  	s13 =	simm.s32 @!p0 $0x3B8;
	s21 =	simm.s32 @!p0 $0x7840  }
0x13d: {  	[tilespmem:s21], [sflag:$0x2] =	stream.indirect.gather @!p0 [hbm4b:s3+s8], $0x20, s13, s8, $0xb8;
	[tilespmem:$0x19E00] =	vst v63  }
0x13e: {  	s13 =	simm.s32 @!p0 $0x3F0;
	s21 =	simm.s32 @!p0 $0x7E80  }
0x13f: {  	[tilespmem:s21], [sflag:$0x2] =	stream.indirect.gather @!p0 [hbm4b:s3+s8], $0x20, s13, s8, $0xb8;
	[tilespmem:$0x19E00] =	vst v63  }
0x140: {  	s13 =	simm.s32 @!p0 $0x428;
	s21 =	simm.s32 @!p0 $0x84C0  }
0x141: {  	[tilespmem:s21], [sflag:$0x2] =	stream.indirect.gather @!p0 [hbm4b:s3+s8], $0x20, s13, s8, $0xb8;
	[tilespmem:$0x19E00] =	vst v63  }
0x142: {  	s13 =	simm.s32 @!p0 $0x460;
	s21 =	simm.s32 @!p0 $0x8B00  }
0x143: {  	[tilespmem:s21], [sflag:$0x2] =	stream.indirect.gather @!p0 [hbm4b:s3+s8], $0x20, s13, s8, $0xb8;
	[tilespmem:$0x19E00] =	vst v63  }
0x144: {  	s13 =	simm.s32 @!p0 $0x498;
	s21 =	simm.s32 @!p0 $0x9140  }
0x145: {  	[tilespmem:s21], [sflag:$0x2] =	stream.indirect.gather @!p0 [hbm4b:s3+s8], $0x20, s13, s8, $0xb8;
	[tilespmem:$0x19E00] =	vst v63  }
0x146: {  	s13 =	simm.s32 @!p0 $0x4D0;
	s21 =	simm.s32 @!p0 $0x9780  }
0x147: {  	[tilespmem:s21], [sflag:$0x2] =	stream.indirect.gather @!p0 [hbm4b:s3+s8], $0x20, s13, s8, $0xb8;
	[tilespmem:$0x19E00] =	vst v63  }
0x148: {  	s13 =	simm.s32 @!p0 $0x508;
	s21 =	simm.s32 @!p0 $0x9DC0  }
0x149: {  	[tilespmem:s21], [sflag:$0x2] =	stream.indirect.gather @!p0 [hbm4b:s3+s8], $0x20, s13, s8, $0xb8;
	[tilespmem:$0x19E00] =	vst v63  }
0x14a: {  	s13 =	simm.s32 @!p0 $0x540;
	s21 =	simm.s32 @!p0 $0xA400  }
0x14b: {  	[tilespmem:s21], [sflag:$0x2] =	stream.indirect.gather @!p0 [hbm4b:s3+s8], $0x20, s13, s8, $0xb8;
	[tilespmem:$0x19E00] =	vst v63  }
0x14c: {  	s13 =	simm.s32 @!p0 $0x578;
	s21 =	simm.s32 @!p0 $0xAA40  }
0x14d: {  	[tilespmem:s21], [sflag:$0x2] =	stream.indirect.gather @!p0 [hbm4b:s3+s8], $0x20, s13, s8, $0xb8;
	[tilespmem:$0x19E00] =	vst v63  }
0x14e: {  	s13 =	simm.s32 @!p0 $0x5B0;
	s21 =	simm.s32 @!p0 $0xB080  }
0x14f: {  	[tilespmem:s21], [sflag:$0x2] =	stream.indirect.gather @!p0 [hbm4b:s3+s8], $0x20, s13, s8, $0xb8;
	[tilespmem:$0x19E00] =	vst v63  }
0x150: {  	s13 =	simm.s32 @!p0 $0x5E8;
	s21 =	simm.s32 @!p0 $0xB6C0  }
0x151: {  	[tilespmem:s21], [sflag:$0x2] =	stream.indirect.gather @!p0 [hbm4b:s3+s8], $0x20, s13, s8, $0xb8;
	[tilespmem:$0x19E00] =	vst v63  }
0x152: {  	s13 =	simm.s32 @!p0 $0x620;
	s21 =	simm.s32 @!p0 $0xBD00  }
0x153: {  	[tilespmem:s21], [sflag:$0x2] =	stream.indirect.gather @!p0 [hbm4b:s3+s8], $0x20, s13, s8, $0xb8;
	[tilespmem:$0x19E00] =	vst v63  }
0x154: {  	s13 =	simm.s32 @!p0 $0x658;
	s21 =	simm.s32 @!p0 $0xC340  }
0x155: {  	[tilespmem:s21], [sflag:$0x2] =	stream.indirect.gather @!p0 [hbm4b:s3+s8], $0x20, s13, s8, $0xb8;
	[tilespmem:$0x19E00] =	vst v63  }
0x156: {  	s13 =	simm.s32 @!p0 $0x690;
	s21 =	simm.s32 @!p0 $0xC980  }
0x157: {  	[tilespmem:s21], [sflag:$0x2] =	stream.indirect.gather @!p0 [hbm4b:s3+s8], $0x20, s13, s8, $0xb8;
	[tilespmem:$0x19E00] =	vst v63  }
0x158: {  	s13 =	simm.s32 @!p0 $0x6C8;
	s21 =	simm.s32 @!p0 $0xCFC0  }
0x159: {  	[tilespmem:s21], [sflag:$0x2] =	stream.indirect.gather @!p0 [hbm4b:s3+s8], $0x20, s13, s8, $0xb8;
	[tilespmem:$0x19E00] =	vst v63  }
0x15a: {  	_ =	swait.ge [sflag:s18], $0x640  }
0x15b: {  	[sflag:s18] =	ssyncset.done $0x0  }
0x15c: {  	[sflag:s18] =	ssyncadd.s32 $0xFFFFF9C0  }
0x15d: {  	_ =	swait.ge [sflag:s18], $0x640  }
0x15e: {  	[sflag:s18] =	ssyncset.done $0x0  }
0x15f: {  	[sflag:s18] =	ssyncadd.s32 $0xFFFFF9C0  }
0x160: {  	_ =	swait.ge [sflag:s18], $0x640  }
0x161: {  	[sflag:s18] =	ssyncset.done $0x0  }
0x162: {  	[sflag:s18] =	ssyncadd.s32 $0xFFFFF9C0  }
0x163: {  	_ =	swait.ge [sflag:s18], $0x640  }
0x164: {  	[sflag:s18] =	ssyncset.done $0x0  }
0x165: {  	[sflag:s18] =	ssyncadd.s32 $0xFFFFF9C0  }
0x166: {  	_ =	swait.ge [sflag:s18], $0x640  }
0x167: {  	[sflag:s18] =	ssyncset.done $0x0  }
0x168: {  	[sflag:s18] =	ssyncadd.s32 $0xFFFFF9C0  }
0x169: {  	_ =	swait.ge [sflag:s18], $0x640  }
0x16a: {  	[sflag:s18] =	ssyncset.done $0x0  }
0x16b: {  	[sflag:s18] =	ssyncadd.s32 $0xFFFFF9C0  }
0x16c: {  	_ =	swait.ge [sflag:s18], $0x640  }
0x16d: {  	[sflag:s18] =	ssyncset.done $0x0  }
0x16e: {  	[sflag:s18] =	ssyncadd.s32 $0xFFFFF9C0  }
0x16f: {  	_ =	swait.ge [sflag:s18], $0x640  }
0x170: {  	[sflag:s18] =	ssyncset.done $0x0  }
0x171: {  	[sflag:s18] =	ssyncadd.s32 $0xFFFFF9C0  }
0x172: {  	_ =	swait.ge [sflag:s18], $0x640  }
0x173: {  	[sflag:s18] =	ssyncset.done $0x0  }
0x174: {  	[sflag:s18] =	ssyncadd.s32 $0xFFFFF9C0  }
0x175: {  	_ =	swait.ge [sflag:s18], $0x640  }
0x176: {  	[sflag:s18] =	ssyncset.done $0x0  }
0x177: {  	[sflag:s18] =	ssyncadd.s32 $0xFFFFF9C0  }
0x178: {  	_ =	swait.ge [sflag:s18], $0x640  }
0x179: {  	[sflag:s18] =	ssyncset.done $0x0  }
0x17a: {  	[sflag:s18] =	ssyncadd.s32 $0xFFFFF9C0  }
0x17b: {  	_ =	swait.ge [sflag:s18], $0x640  }
0x17c: {  	[sflag:s18] =	ssyncset.done $0x0  }
0x17d: {  	[sflag:s18] =	ssyncadd.s32 $0xFFFFF9C0  }
0x17e: {  	_ =	swait.ge [sflag:s18], $0x640  }
0x17f: {  	[sflag:s18] =	ssyncset.done $0x0  }
0x180: {  	[sflag:s18] =	ssyncadd.s32 $0xFFFFF9C0  }
0x181: {  	_ =	swait.ge [sflag:s18], $0x640  }
0x182: {  	[sflag:s18] =	ssyncset.done $0x0  }
0x183: {  	[sflag:s18] =	ssyncadd.s32 $0xFFFFF9C0  }
0x184: {  	_ =	swait.ge [sflag:s18], $0x640  }
0x185: {  	[sflag:s18] =	ssyncset.done $0x0  }
0x186: {  	[sflag:s18] =	ssyncadd.s32 $0xFFFFF9C0  }
0x187: {  	_ =	swait.ge [sflag:s18], $0x640  }
0x188: {  	[sflag:s18] =	ssyncset.done $0x0  }
0x189: {  	s13 =	sadd.s32 $0x1900, s6;
	s21 =	simm.s32 $0xD600;
	[sflag:s18] =	ssyncadd.s32 $0xFFFFF9C0  }
0x18a: {  	[hbm4b:s13+s2] =	stream.linear.scatter [tilespmem:s21], [sflag:$0x7], $0x6400, $0x38;
	[tilespmem:$0x19E00] =	vst v63  }
0x18b: {  	_ =	swait.ge [sflag:s19], $0x6400  }
0x18c: {  	[sflag:s19] =	ssyncset.done $0x0  }
0x18d: {  	s10 =	sadd.s32 @!p0 $0x2A0, s10;
	s13 =	simm.s32 @!p0 $0x700;
	[sflag:s19] =	ssyncadd.s32 $0xFFFF9C00  }
0x18e: {  	[tilespmem:s13], [sflag:$0x9] =	stream.linear.gather @!p0 [hbm4b:s10+s4], $0x380, $0x38;
	[tilespmem:$0x19E00] =	vst v63  }
0x18f: {  	_ =	swait.ge @!p0 [sflag:s25], $0x380  }
0x190: {  	[sflag:s25] =	ssyncset.done @!p0 $0x0  }
0x191: {  	s4 =	simm.s32 @!p0 $0xD600;
	[sflag:s25] =	ssyncadd.s32 @!p0 $0xFFFFFC80  }
0x192: {  	[tilespmem:s4], [sflag:$0x3] =	stream.indirect.gather @!p0 [hbm4b:s3+s8], $0x20, s13, s8, $0xb8;
	[tilespmem:$0x19E00] =	vst v63  }
0x193: {  	s10 =	simm.s32 @!p0 $0xDC40;
	s4 =	simm.s32 @!p0 $0x738  }
0x194: {  	[tilespmem:s10], [sflag:$0x3] =	stream.indirect.gather @!p0 [hbm4b:s3+s8], $0x20, s4, s8, $0xb8;
	[tilespmem:$0x19E00] =	vst v63  }
0x195: {  	s4 =	simm.s32 @!p0 $0x770;
	s10 =	simm.s32 @!p0 $0xE280  }
0x196: {  	[tilespmem:s10], [sflag:$0x3] =	stream.indirect.gather @!p0 [hbm4b:s3+s8], $0x20, s4, s8, $0xb8;
	[tilespmem:$0x19E00] =	vst v63  }
0x197: {  	s4 =	simm.s32 @!p0 $0x7A8;
	s10 =	simm.s32 @!p0 $0xE8C0  }
0x198: {  	[tilespmem:s10], [sflag:$0x3] =	stream.indirect.gather @!p0 [hbm4b:s3+s8], $0x20, s4, s8, $0xb8;
	[tilespmem:$0x19E00] =	vst v63  }
0x199: {  	s4 =	simm.s32 @!p0 $0x7E0;
	s10 =	simm.s32 @!p0 $0xEF00  }
0x19a: {  	[tilespmem:s10], [sflag:$0x3] =	stream.indirect.gather @!p0 [hbm4b:s3+s8], $0x20, s4, s8, $0xb8;
	[tilespmem:$0x19E00] =	vst v63  }
0x19b: {  	s4 =	simm.s32 @!p0 $0x818;
	s10 =	simm.s32 @!p0 $0xF540  }
0x19c: {  	[tilespmem:s10], [sflag:$0x3] =	stream.indirect.gather @!p0 [hbm4b:s3+s8], $0x20, s4, s8, $0xb8;
	[tilespmem:$0x19E00] =	vst v63  }
0x19d: {  	s4 =	simm.s32 @!p0 $0x850;
	s10 =	simm.s32 @!p0 $0xFB80  }
0x19e: {  	[tilespmem:s10], [sflag:$0x3] =	stream.indirect.gather @!p0 [hbm4b:s3+s8], $0x20, s4, s8, $0xb8;
	[tilespmem:$0x19E00] =	vst v63  }
0x19f: {  	s4 =	simm.s32 @!p0 $0x888;
	s10 =	simm.s32 @!p0 $0x101C0  }
0x1a0: {  	[tilespmem:s10], [sflag:$0x3] =	stream.indirect.gather @!p0 [hbm4b:s3+s8], $0x20, s4, s8, $0xb8;
	[tilespmem:$0x19E00] =	vst v63  }
0x1a1: {  	s4 =	simm.s32 @!p0 $0x8C0;
	s10 =	simm.s32 @!p0 $0x10800  }
0x1a2: {  	[tilespmem:s10], [sflag:$0x3] =	stream.indirect.gather @!p0 [hbm4b:s3+s8], $0x20, s4, s8, $0xb8;
	[tilespmem:$0x19E00] =	vst v63  }
0x1a3: {  	s4 =	simm.s32 @!p0 $0x8F8;
	s10 =	simm.s32 @!p0 $0x10E40  }
0x1a4: {  	[tilespmem:s10], [sflag:$0x3] =	stream.indirect.gather @!p0 [hbm4b:s3+s8], $0x20, s4, s8, $0xb8;
	[tilespmem:$0x19E00] =	vst v63  }
0x1a5: {  	s4 =	simm.s32 @!p0 $0x930;
	s10 =	simm.s32 @!p0 $0x11480  }
0x1a6: {  	[tilespmem:s10], [sflag:$0x3] =	stream.indirect.gather @!p0 [hbm4b:s3+s8], $0x20, s4, s8, $0xb8;
	[tilespmem:$0x19E00] =	vst v63  }
0x1a7: {  	s4 =	simm.s32 @!p0 $0x968;
	s10 =	simm.s32 @!p0 $0x11AC0  }
0x1a8: {  	[tilespmem:s10], [sflag:$0x3] =	stream.indirect.gather @!p0 [hbm4b:s3+s8], $0x20, s4, s8, $0xb8;
	[tilespmem:$0x19E00] =	vst v63  }
0x1a9: {  	s4 =	simm.s32 @!p0 $0x9A0;
	s10 =	simm.s32 @!p0 $0x12100  }
0x1aa: {  	[tilespmem:s10], [sflag:$0x3] =	stream.indirect.gather @!p0 [hbm4b:s3+s8], $0x20, s4, s8, $0xb8;
	[tilespmem:$0x19E00] =	vst v63  }
0x1ab: {  	s4 =	simm.s32 @!p0 $0x9D8;
	s10 =	simm.s32 @!p0 $0x12740  }
0x1ac: {  	[tilespmem:s10], [sflag:$0x3] =	stream.indirect.gather @!p0 [hbm4b:s3+s8], $0x20, s4, s8, $0xb8;
	[tilespmem:$0x19E00] =	vst v63  }
0x1ad: {  	s4 =	simm.s32 @!p0 $0xA10;
	s10 =	simm.s32 @!p0 $0x12D80  }
0x1ae: {  	[tilespmem:s10], [sflag:$0x3] =	stream.indirect.gather @!p0 [hbm4b:s3+s8], $0x20, s4, s8, $0xb8;
	[tilespmem:$0x19E00] =	vst v63  }
0x1af: {  	s4 =	simm.s32 @!p0 $0xA48;
	s10 =	simm.s32 @!p0 $0x133C0  }
0x1b0: {  	[tilespmem:s10], [sflag:$0x3] =	stream.indirect.gather @!p0 [hbm4b:s3+s8], $0x20, s4, s8, $0xb8;
	[tilespmem:$0x19E00] =	vst v63  }
0x1b1: {  	_ =	swait.ge [sflag:s20], $0x640  }
0x1b2: {  	[sflag:s20] =	ssyncset.done $0x0  }
0x1b3: {  	[sflag:s20] =	ssyncadd.s32 $0xFFFFF9C0  }
0x1b4: {  	_ =	swait.ge [sflag:s20], $0x640  }
0x1b5: {  	[sflag:s20] =	ssyncset.done $0x0  }
0x1b6: {  	[sflag:s20] =	ssyncadd.s32 $0xFFFFF9C0  }
0x1b7: {  	_ =	swait.ge [sflag:s20], $0x640  }
0x1b8: {  	[sflag:s20] =	ssyncset.done $0x0  }
0x1b9: {  	[sflag:s20] =	ssyncadd.s32 $0xFFFFF9C0  }
0x1ba: {  	_ =	swait.ge [sflag:s20], $0x640  }
0x1bb: {  	[sflag:s20] =	ssyncset.done $0x0  }
0x1bc: {  	[sflag:s20] =	ssyncadd.s32 $0xFFFFF9C0  }
0x1bd: {  	_ =	swait.ge [sflag:s20], $0x640  }
0x1be: {  	[sflag:s20] =	ssyncset.done $0x0  }
0x1bf: {  	[sflag:s20] =	ssyncadd.s32 $0xFFFFF9C0  }
0x1c0: {  	_ =	swait.ge [sflag:s20], $0x640  }
0x1c1: {  	[sflag:s20] =	ssyncset.done $0x0  }
0x1c2: {  	[sflag:s20] =	ssyncadd.s32 $0xFFFFF9C0  }
0x1c3: {  	_ =	swait.ge [sflag:s20], $0x640  }
0x1c4: {  	[sflag:s20] =	ssyncset.done $0x0  }
0x1c5: {  	[sflag:s20] =	ssyncadd.s32 $0xFFFFF9C0  }
0x1c6: {  	_ =	swait.ge [sflag:s20], $0x640  }
0x1c7: {  	[sflag:s20] =	ssyncset.done $0x0  }
0x1c8: {  	[sflag:s20] =	ssyncadd.s32 $0xFFFFF9C0  }
0x1c9: {  	_ =	swait.ge [sflag:s20], $0x640  }
0x1ca: {  	[sflag:s20] =	ssyncset.done $0x0  }
0x1cb: {  	[sflag:s20] =	ssyncadd.s32 $0xFFFFF9C0  }
0x1cc: {  	_ =	swait.ge [sflag:s20], $0x640  }
0x1cd: {  	[sflag:s20] =	ssyncset.done $0x0  }
0x1ce: {  	[sflag:s20] =	ssyncadd.s32 $0xFFFFF9C0  }
0x1cf: {  	_ =	swait.ge [sflag:s20], $0x640  }
0x1d0: {  	[sflag:s20] =	ssyncset.done $0x0  }
0x1d1: {  	[sflag:s20] =	ssyncadd.s32 $0xFFFFF9C0  }
0x1d2: {  	_ =	swait.ge [sflag:s20], $0x640  }
0x1d3: {  	[sflag:s20] =	ssyncset.done $0x0  }
0x1d4: {  	[sflag:s20] =	ssyncadd.s32 $0xFFFFF9C0  }
0x1d5: {  	_ =	swait.ge [sflag:s20], $0x640  }
0x1d6: {  	[sflag:s20] =	ssyncset.done $0x0  }
0x1d7: {  	[sflag:s20] =	ssyncadd.s32 $0xFFFFF9C0  }
0x1d8: {  	_ =	swait.ge [sflag:s20], $0x640  }
0x1d9: {  	[sflag:s20] =	ssyncset.done $0x0  }
0x1da: {  	[sflag:s20] =	ssyncadd.s32 $0xFFFFF9C0  }
0x1db: {  	_ =	swait.ge [sflag:s20], $0x640  }
0x1dc: {  	[sflag:s20] =	ssyncset.done $0x0  }
0x1dd: {  	[sflag:s20] =	ssyncadd.s32 $0xFFFFF9C0  }
0x1de: {  	_ =	swait.ge [sflag:s20], $0x640  }
0x1df: {  	[sflag:s20] =	ssyncset.done $0x0  }
.Ltmp2:
0x1e0: {  	s25 =	sadd.s32 $0x2580, s6;
	[sflag:s20] =	ssyncadd.s32 $0xFFFFF9C0;
	(pc) =	sbr.rel @p0 .LBB2_4-.Ltmp2, $4  }
0x1e1: {  	[hbm4b:s25+s2] =	stream.linear.scatter [tilespmem:s24], [sflag:$0x8], $0x6400, $0x38;
	[tilespmem:$0x19E00] =	vst v63  }
0x1e2: {  	_ =	swait.ge [sflag:s5], $0x6400  }
0x1e3: {  	[sflag:s5] =	ssyncset.done $0x0  }
0x1e4: {  	[sflag:s5] =	ssyncadd.s32 $0xFFFF9C00  }
0x1e5: {  	s4 =	sadd.s32 s7, s9  }
0x1e6: {  	s4 =	sadd.s32 $0x310, s4  }
0x1e7: {  	[tilespmem:s23], [sflag:$0x9] =	stream.linear.gather [hbm4b:s4+s2], $0x380, $0x38;
	[tilespmem:$0x19E00] =	vst v63  }
0x1e8: {  	_ =	swait.ge [sflag:s11], $0x380  }
0x1e9: {  	[sflag:s11] =	ssyncset.done $0x0  }
0x1ea: {  	[sflag:s11] =	ssyncadd.s32 $0xFFFFFC80  }
0x1eb: {  	[tilespmem:s24], [sflag:$0x4] =	stream.indirect.gather [hbm4b:s3+s12], $0x20, s23, s12, $0xb8;
	[tilespmem:$0x19E00] =	vst v63  }
0x1ec: {  	s25 =	simm.s32 $0xAB8;
	s8 =	simm.s32 $0x14040  }
0x1ed: {  	[tilespmem:s8], [sflag:$0x4] =	stream.indirect.gather [hbm4b:s3+s12], $0x20, s25, s12, $0xb8;
	[tilespmem:$0x19E00] =	vst v63  }
0x1ee: {  	s10 =	simm.s32 $0xAF0;
	s13 =	simm.s32 $0x14680  }
0x1ef: {  	[tilespmem:s13], [sflag:$0x4] =	stream.indirect.gather [hbm4b:s3+s12], $0x20, s10, s12, $0xb8;
	[tilespmem:$0x19E00] =	vst v63  }
0x1f0: {  	s21 =	simm.s32 $0xB28;
	s25 =	simm.s32 $0x14CC0  }
0x1f1: {  	[tilespmem:s25], [sflag:$0x4] =	stream.indirect.gather [hbm4b:s3+s12], $0x20, s21, s12, $0xb8;
	[tilespmem:$0x19E00] =	vst v63  }
0x1f2: {  	s10 =	simm.s32 $0xB60;
	s13 =	simm.s32 $0x15300  }
0x1f3: {  	[tilespmem:s13], [sflag:$0x4] =	stream.indirect.gather [hbm4b:s3+s12], $0x20, s10, s12, $0xb8;
	[tilespmem:$0x19E00] =	vst v63  }
0x1f4: {  	s21 =	simm.s32 $0xB98;
	s25 =	simm.s32 $0x15940  }
0x1f5: {  	[tilespmem:s25], [sflag:$0x4] =	stream.indirect.gather [hbm4b:s3+s12], $0x20, s21, s12, $0xb8;
	[tilespmem:$0x19E00] =	vst v63  }
0x1f6: {  	s10 =	simm.s32 $0xBD0;
	s13 =	simm.s32 $0x15F80  }
0x1f7: {  	[tilespmem:s13], [sflag:$0x4] =	stream.indirect.gather [hbm4b:s3+s12], $0x20, s10, s12, $0xb8;
	[tilespmem:$0x19E00] =	vst v63  }
0x1f8: {  	s21 =	simm.s32 $0xC08;
	s25 =	simm.s32 $0x165C0  }
0x1f9: {  	[tilespmem:s25], [sflag:$0x4] =	stream.indirect.gather [hbm4b:s3+s12], $0x20, s21, s12, $0xb8;
	[tilespmem:$0x19E00] =	vst v63  }
0x1fa: {  	s10 =	simm.s32 $0xC40;
	s13 =	simm.s32 $0x16C00  }
0x1fb: {  	[tilespmem:s13], [sflag:$0x4] =	stream.indirect.gather [hbm4b:s3+s12], $0x20, s10, s12, $0xb8;
	[tilespmem:$0x19E00] =	vst v63  }
0x1fc: {  	s21 =	simm.s32 $0xC78;
	s25 =	simm.s32 $0x17240  }
0x1fd: {  	[tilespmem:s25], [sflag:$0x4] =	stream.indirect.gather [hbm4b:s3+s12], $0x20, s21, s12, $0xb8;
	[tilespmem:$0x19E00] =	vst v63  }
0x1fe: {  	s10 =	simm.s32 $0xCB0;
	s13 =	simm.s32 $0x17880  }
0x1ff: {  	[tilespmem:s13], [sflag:$0x4] =	stream.indirect.gather [hbm4b:s3+s12], $0x20, s10, s12, $0xb8;
	[tilespmem:$0x19E00] =	vst v63  }
0x200: {  	s21 =	simm.s32 $0xCE8;
	s25 =	simm.s32 $0x17EC0  }
0x201: {  	[tilespmem:s25], [sflag:$0x4] =	stream.indirect.gather [hbm4b:s3+s12], $0x20, s21, s12, $0xb8;
	[tilespmem:$0x19E00] =	vst v63  }
0x202: {  	_ = 	snop  }
0x203: {  	[tilespmem:s22], [sflag:$0x4] =	stream.indirect.gather [hbm4b:s3+s12], $0x20, s26, s12, $0xb8;
	[tilespmem:$0x19E00] =	vst v63  }
0x204: {  	_ = 	snop  }
0x205: {  	[tilespmem:s29], [sflag:$0x4] =	stream.indirect.gather [hbm4b:s3+s12], $0x20, s28, s12, $0xb8;
	[tilespmem:$0x19E00] =	vst v63  }
.Ltmp3:
0x206: {  	_ = 	snop;
	(pc) =	sbr.rel .LBB2_2-.Ltmp3, $4  }
0x207: {  	_ = 	snop  }
0x208: {  	[tilespmem:s31], [sflag:$0x4] =	stream.indirect.gather [hbm4b:s3+s12], $0x20, s30, s12, $0xb8;
	[tilespmem:$0x19E00] =	vst v63  }
0x209: {  	s7 =	sadd.s32 $0x1C0, s7;
	s6 =	sadd.s32 $0x3200, s6  }
0x20a: {  	[tilespmem:s1], [sflag:$0x4] =	stream.indirect.gather [hbm4b:s3+s12], $0x20, s0, s12, $0xb8;
	[tilespmem:$0x19E00] =	vst v63  }
.LBB2_5:
0x20b: {  	_ =	sfence.sel $0x180000  }
0x20c: {  	[bflag:$0x0] =	sbarrier.arrive $0xFFFF  }
0x20d: {  	_ =	strace $0x90000047  }
0x20e: {  	s0 =	stileid.u32;
	[bflag:$0x2] =	sbarrier.arrive $0xFFFF  }
0x20f: {  	p0 =	sne.s32 s0, $0x0;
	s0 =	rddreg [dreg:$0x2]  }
0x210: {  	s0 =	sadd.s32 @!p0 $0x100000, s0  }
0x211: {  	[sflag:s0] =	ssyncadd.tile.s32 @!p0 $0x1;
	_ =	shalt  }
.Lfunc_end2:
_tile_overlayer_lowered:
.L_overlay_start_2:
0x212: {  	(tag) =	ssettag $0x2  }
0x213: {  	s0 =	rddreg [dreg:$0x0];
	s2 =	stileid.u32  }
0x214: {  	s1 =	rddreg [dreg:$0x1];
	p0 =	sne.s32 s2, $0x0  }
0x215: {  	s3 =	rddreg [dreg:$0x2];
	[bflag:$0x3] =	sbarrier.arrive $0xFFFF;
	s2 =	simm.s32 @!p0 $0x1C09  }
0x216: {  	[timem:s3], [sflag:s2] =	dma.local @!p0 [hbm:s0], s1  }
0x217: {  	s0 =	simm.s32 @!p0 $0x9  }
0x218: {  	_ =	swait.ge @!p0 [sflag:s0], s1  }
0x219: {  	s1 =	ssub.s32 @!p0 $0x0, s1;
	[sflag:s0] =	ssyncset.done @!p0 $0x0  }
0x21a: {  	[sflag:s0] =	ssyncadd.s32 @!p0 s1  }
0x21b: {  	[bflag:$0x3] =	sbarrier.arrive $0xFFFF  }
0x21c: {  	_ =	shalt  }

// kernel: sparse-core-data-format-call.cloned.1.call-start
scs
called_computation_lowered:
.L_overlay_start_0:
0x0: {  	s2 =	sld [smem:$0x3FD9]  }
0x1: {  	s3 =	sld [smem:$0x3FFE];
	_ =	sdelay $0x1  }
0x2: {  	s1 =	srdreg.scid  }
0x3: {  	s0 =	sand.u32 $0x1, s1  }
0x4: {  	s18 =	sshll.u32 s0, $0xA;
	s2 =	sadd.s32 s3, s2  }
0x5: {  	s2 =	sadd.s32 s2, s18  }
0x6: {  	[smem:$0x3FC6] =	sst s2  }
0x7: {  	_ = 	snop  }
0x8: {  	s2 =	sld [smem:$0x3FD0];
	(tm) =	ssettm $0x1  }
0x9: {  	s19 =	sld [smem:$0x3FFB];
	_ =	sdelay $0x3  }
0xa: {  	_ =	strace s19  }
0xb: {  	s3 =	sld [smem:$0x3FFC];
	_ =	sdelay $0x3  }
0xc: {  	_ =	strace s3  }
0xd: {  	s3 =	sld [smem:$0x3FFD];
	_ =	sdelay $0x3  }
0xe: {  	_ =	strace s3  }
0xf: {  	_ =	strace $0x8FFFFFFF  }
0x10: {  	s20 =	sld [smem:$0x3FDB];
	_ =	sdelay $0x1  }
0x11: {  	s4 =	simm.s32 $_scs_section_size  }
0x12: {  	s5 =	simm.s32 $_size__tile_overlayer_lowered;
	s6 =	simm.s32 $_tile_overlayer_lowered  }
0x13: {  	s23 =	simm.s32 $0x1BFF;
	s22 =	sshll.u32 s6, $0x1;
	s3 =	sadd.s32 s4, s20  }
0x14: {  	s7 =	simm.s32 $0x0;
	s21 =	sshll.u32 s5, $0x1;
	s5 =	sadd.s32 s22, s3  }
0x15: {  	[timem:s7], [sflag:s23] =	dma.local [hbm:s5], s21  }
0x16: {  	_ =	swait.ge [sflag:s23], s21  }
0x17: {  	s4 =	ssub.s32 $0x0, s21;
	[sflag:s23] =	ssyncset.done $0x0  }
0x18: {  	[sflag:s23] =	ssyncadd.s32 s4;
	_ =	sdelay $0x1  }
0x19: {  	s24 =	simm.s32 $0x1B8B  }
0x1a: {  	_ =	swait.ge [sflag:s24], $0x1  }
0x1b: {  	[sflag:s24] =	ssyncset.done $0x0  }
0x1c: {  	s26 =	simm.s32 $0x1B8E;
	s25 =	sld [smem:$0x3FFE];
	[sflag:s24] =	ssyncadd.s32 $0xFFFFFFFF  }
0x1d: {  	s27 =	simm.s32 $execute0_lowered;
	[smem:$0x3FD2] =	sst s26  }
0x1e: {  	s5 =	sshll.u32 s27, $0x1;
	_ =	strace $0x80000049;
	[dreg:$0x1] =	wrdreg $0xFFFFFFFF  }
0x1f: {  	s28 =	simm.s32 $_size_execute0_lowered;
	s3 =	sadd.s32 s3, s5;
	[dreg:$0x0] =	wrdreg $0x0  }
0x20: {  	s5 =	sshll.u32 s28, $0x1;
	[dreg:$0x2] =	wrdreg s3  }
0x21: {  	[dreg:$0x3] =	wrdreg s5  }
0x22: {  	[dreg:$0x4] =	wrdreg $0xC0  }
0x23: {  	_ =	task [dreg:s7], $0x5FFFF  }
0x24: {  	[dreg:$0x1] =	wrdreg $0xFFFFFFFF  }
0x25: {  	[dreg:$0x0] =	wrdreg $0x60  }
0x26: {  	[dreg:$0x2] =	wrdreg s25  }
0x27: {  	[dreg:$0x3] =	wrdreg s2  }
0x28: {  	[dreg:$0x4] =	wrdreg $0x9  }
0x29: {  	_ =	task.clear_ibuf [dreg:s7], $0x5FFFF;
	_ =	strace $0x90000049  }
0x2a: {  	s29 =	simm.s32 $0x9;
	_ =	strace $0x8000004B  }
0x2b: {  	_ =	swait.ge [sflag:s29], $0x1  }
0x2c: {  	[sflag:s29] =	ssyncadd.s32 $0xFFFFFFFF  }
0x2d: {  	_ =	strace $0x9000004B  }
0x2e: {  	_ =	sfence  }
0x2f: {  	s30 =	sld [smem:$0x0];
	_ =	sdelay $0x2  }
0x30: {  	s31 =	sshll.u32 s1, $0xD;
	s1 =	sshrl.u32 s1, $0x2  }
0x31: {  	s3 =	sand.u32 $0x4000, s31;
	s1 =	sadd.s32 s1, s30  }
0x32: {  	s0 =	sor.u32 s3, s0;
	s1 =	sshll.u32 s1, $0x11  }
0x33: {  	s0 =	sor.u32 s1, s0  }
0x34: {  	s0 =	sadd.s32 $0x8F2B, s0  }
0x35: {  	[sflag:s0] =	ssyncadd.remote.s32 $0x1  }
0x36: {  	_ =	sfence.sel $0xFFFF  }
0x37: {  	[dreg:$0x0] =	wrdreg $0xFFFFFFFF;
	(pc) =	sbr.abs _section_cstart, $3  }
0x38: {  	[dreg:$0x1] =	wrdreg $0xFFFFFFFF  }
0x39: {  	_ =	task.clear_ibuf [dreg:s7], $0x2FFFF;
	_ =	strace $0x9FFFFFFF  }
0x3a: {  	(tm) =	ssettm $0x7FFFFFFF  }
0x3b: {  	_ =	shalt  }
tec
execute0_lowered:
.L_overlay_start_1:
0x0: {  	(tag) =	ssettag $0x1  }
0x1: {  	s0 =	srdreg.scid  }
0x2: {  	s1 =	sshll.u32 s0, $0x4  }
0x3: {  	s0 =	stileid.u32;
	s1 =	sand.u32 $0x10, s1  }
0x4: {  	s1 =	sor.u32 s0, s1  }
0x5: {  	s6 =	rddreg [dreg:$0x0];
	s4 =	simm.s32 $0x1;
	s2 =	sshll.u32 s1, $0x7  }
0x6: {  	s7 =	simm.s32 $0x2;
	s12 =	simm.s32 $0x0;
	s1 =	ssub.s32 $0x4000, s2  }
0x7: {  	s8 =	simm.s32 $0x20000;
	s13 =	simm.s32 $0x0;
	s3 =	sand.u32 $0xF80, s1  }
0x8: {  	s9 =	simm.s32 $0x0;
	s5 =	sshrl.u32 s1, $0xC;
	p0 =	sne.s32 s3, $0x0  }
.Ltmp0:
0x9: {  	s1 =	rddreg [dreg:$0x2];
	s4 =	simm.s32 @!p0 $0x0;
	(pc) =	sbr.rel .LBB1_1-.Ltmp0, $4  }
0xa: {  	s11 =	simm.s32 $0x0;
	s3 =	rddreg [dreg:$0x1];
	s5 =	sadd.s32 s4, s5  }
0xb: {  	_ =	strace $0x8000004A;
	s4 =	simm.s32 $0x1;
	s5 =	smul.u32 $0x32, s5  }
0xc: {  	s6 =	sadd.s32 $0xA00, s6;
	s10 =	smov.u32 s2;
	[sflag:s4] =	ssyncpa.u1 $0x0  }
0xd: {  	p0 =	por $0x0, $0x0;
	[sflag:s7] =	ssyncpa.u1 $0x0;
	s7 =	sor.u32 $0x1, s5  }
.LBB1_4:
0xe: {  	s16 =	sshll.u32 s13, $0x3;
	s17 =	sand.u32 $0x78, s13  }
0xf: {  	s30 =	sand.u32 $0xF800, s13;
	s12 =	sshll.u32 s12, $0x10;
	s16 =	sand.u32 $0x3C00, s16  }
0x10: {  	s31 =	sand.u32 $0x7, s13;
	s16 =	sor.u32 s17, s16;
	s17 =	sadd.s32 s3, s30  }
0x11: {  	s13 =	sshll.u32 s31, $0x12;
	s16 =	sshrl.u32 s16, $0x3;
	s12 =	sadd.s32 s12, s17  }
0x12: {  	[tilespmem:s15+$0x0 ss:$0x81] =	vst.msk $0xffff, v0;
	s13 =	sor.u32 $0x400, s13;
	s12 =	sadd.s32 s16, s12  }
0x13: {  	[hbm4b:s12+s13] =	stream.strided.scatter [tilespmem:s14], [sflag:$0x2], $0x1000, s8, s13, $0x20;
	[tilespmem:$0x4040] =	vst v63  }
.LBB1_5:
0x14: {  	s14 =	sadd.s32 $0x1, s9  }
0x15: {  	s12 =	sadd.s32 $0x1000, s10;
	s16 =	smov.u32 s10;
	p2 =	sgt.s32 s14, $0x31  }
0x16: {  	s16 =	smov.u32 @p2 s12  }
0x17: {  	s14 =	simm.s32 @p2 $0x0;
	p2 =	sgt.s32 s16, $0x3FFF  }
0x18: {  	s16 =	smov.u32 @p2 s2;
	p2 =	sne.s32 s11, s7  }
.Ltmp1:
0x19: {  	p1 =	slt.u32 s11, $0x2;
	(pc) =	sbr.rel @!p2 .LBB1_6-.Ltmp1, $4  }
0x1a: {  	s15 =	simm.s32 @!p1 $0x2  }
0x1b: {  	s13 =	smov.u32 s10;
	p0 =	por !p0, !p0;
	_ =	swait.ge @!p1 [sflag:s15], $0x1000  }
0x1c: {  	s12 =	smov.u32 s9;
	[sflag:s15] =	ssyncset.done @!p1 $0x0;
	s9 =	smov.u32 s14  }
0x1d: {  	s11 =	sadd.s32 $0x1, s11;
	[sflag:s15] =	ssyncadd.s32 @!p1 $0xFFFFF000;
	s10 =	smov.u32 s16  }
.LBB1_1:
0x1e: {  	p1 =	sge.u32 s11, s5  }
0x1f: {  	s14 =	sand.u32 @!p1 $0x1FFFFFF, s9  }
0x20: {  	s15 =	smulhi.u32 @!p1 $0x4924925, s14;
	_ =	sdelay $0x1  }
0x21: {  	s15 =	smul.u32 @!p1 $0x38, s15  }
0x22: {  	s16 =	sxor.u32 @!p1 $0xFFFFFFFF, s11;
	s17 =	smul.u32 @!p1 $0x380, s10  }
0x23: {  	s31 =	sadd.s32 $0xFFFFFFFF, s11;
	s16 =	sshll.u32 @!p1 s16, $0xC;
	s14 =	ssub.s32 @!p1 s14, s15  }
0x24: {  	s15 =	sand.u32 @!p1 $0x1000, s16;
	s16 =	sadd.s32 @!p1 s6, s17;
	s14 =	sshll.u32 @!p1 s14, $0x4  }
0x25: {  	s17 =	simm.s32 @!p1 $0x1C00;
	s14 =	sadd.s32 @!p1 s14, s16;
	s16 =	simm.s32 @!p1 $0x20  }
0x26: {  	[tilespmem:s15], [sflag:$0x1] =	stream.strided.gather @!p1 [hbm4b:s14+s16], $0x1000, s17, s16, $0x38;
	[tilespmem:$0x4040] =	vst v63  }
0x27: {  	p1 =	sge.u32 s31, s5  }
.Ltmp2:
0x28: {  	_ = 	snop;
	(pc) =	sbr.rel @p1 .LBB1_5-.Ltmp2, $1  }
0x29: {  	_ =	sdelay $0x3  }
0x2a: {  	s14 =	simm.s32 $0x1  }
0x2b: {  	_ =	swait.ge [sflag:s4], $0x1000;
	s14 =	simm.s32 @!p0 $0x0  }
0x2c: {  	[sflag:s4] =	ssyncset.done $0x0;
	s15 =	sshll.u32 s14, $0xC  }
0x2d: {  	[sflag:s4] =	ssyncadd.s32 $0xFFFFF000;
	s18 =	sor.u32 $0x10, s15  }
0x2e: {  	s14 =	smul.u32 $0x4080, s14;
	v1 =	vld [tilespmem:s18+$0x0]  }
0x2f: {  	s30 =	sand.u32 $0x1, s11;
	v0 =	vld [tilespmem:s18+$0xFFFFFFF0]  }
0x30: {  	s15 =	smul.u32 $0x4080, s30;
	s14 =	sshrl.u32 s14, $0x2  }
0x31: {  	s16 =	sor.u32 $0x2000, s14  }
0x32: {  	s31 =	sshrl.u32 s15, $0x2;
	s15 =	sadd.s32 $0x0, s16  }
0x33: {  	s17 =	simm.s32 $0x4;
	s18 =	sadd.s32 $0x20, s18;
	s14 =	sor.u32 $0x2000, s31;
	[tilespmem:s15+$0x810 ss:$0x81] =	vst.msk $0xffff, v1  }
.LBB1_3:
0x34: {  	v1 =	vld [tilespmem:s18+$0x0];
	p1 =	sne.s32 s17, $0x1FC;
	[tilespmem:s15+$0x0 ss:$0x81] =	vst.msk $0xffff, v0;
	s15 =	smov.u32 s17;
	s17 =	sadd.s32 $0x4, s17  }
.Ltmp3:
0x35: {  	v0 =	vld [tilespmem:s18+$0xFFFFFFF0];
	(pc) =	sbr.rel @p1 .LBB1_3-.Ltmp3, $4  }
0x36: {  	_ = 	snop  }
0x37: {  	s15 =	sshra.s32 s15, $0x2  }
0x38: {  	s15 =	sadd.s32 s15, s16  }
0x39: {  	s18 =	sadd.s32 $0x20, s18;
	[tilespmem:s15+$0x810 ss:$0x81] =	vst.msk $0xffff, v1  }
.Ltmp4:
0x3a: {  	_ = 	snop;
	(pc) =	sbr.rel .LBB1_4-.Ltmp4, $1  }
0x3b: {  	_ =	sdelay $0x3  }
.LBB1_6:
0x3c: {  	_ =	sfence.sel $0x180000  }
0x3d: {  	s2 =	simm.s32 $0x1;
	[bflag:$0x0] =	sbarrier.arrive $0xFFFF  }
0x3e: {  	s31 =	simm.s32 $0x2;
	[sflag:s2] =	ssyncpa.u1 $0x1  }
0x3f: {  	[sflag:s31] =	ssyncpa.u1 $0x1  }
0x40: {  	p0 =	sne.s32 s0, $0x0;
	_ =	strace $0x9000004A  }
0x41: {  	s0 =	sadd.s32 @!p0 $0x100000, s1;
	[bflag:$0x2] =	sbarrier.arrive $0xFFFF  }
0x42: {  	[sflag:s0] =	ssyncadd.tile.s32 @!p0 $0x1;
	_ =	shalt  }
.Lfunc_end1:
_tile_overlayer_lowered:
.L_overlay_start_2:
0x43: {  	(tag) =	ssettag $0x2  }
0x44: {  	s0 =	rddreg [dreg:$0x0];
	s2 =	stileid.u32  }
0x45: {  	s1 =	rddreg [dreg:$0x1];
	p0 =	sne.s32 s2, $0x0  }
0x46: {  	s3 =	rddreg [dreg:$0x2];
	[bflag:$0x3] =	sbarrier.arrive $0xFFFF;
	s2 =	simm.s32 @!p0 $0x1C01  }
0x47: {  	[timem:s3], [sflag:s2] =	dma.local @!p0 [hbm:s0], s1  }
0x48: {  	s0 =	simm.s32 @!p0 $0x1  }
0x49: {  	_ =	swait.ge @!p0 [sflag:s0], s1  }
0x4a: {  	s1 =	ssub.s32 @!p0 $0x0, s1;
	[sflag:s0] =	ssyncset.done @!p0 $0x0  }
0x4b: {  	[sflag:s0] =	ssyncadd.s32 @!p0 s1  }
0x4c: {  	[bflag:$0x3] =	sbarrier.arrive $0xFFFF  }
0x4d: {  	_ =	shalt  }

</sc_bundles>
